<compile_context>
chip_gen: v7x
topology: tpu7x:2x2x1
jax: 0.10.2.dev20260603
libtpu: 0.0.44.dev20260713+nightly
codegen_flags: <defaults>
</compile_context>

<pallas_src>
import functools

import jax
import jax.numpy as jnp
from jax import lax
from jax.experimental import pallas as pl
from jax.experimental.pallas import tpu as pltpu
from jax.experimental.pallas import tpu_sc as plsc

N = 76
F = 4
B = 16384
NC, NS, L = 2, 16, 16
NW = NC * NS

B_SC = 4096
B_TC = B - B_SC
PER_W = B_SC // NW
G = PER_W // L
TC_BLK = 2048

W1_OFF = 0
W2_OFF = 4
B2_OFF = 20
B3_OFF = 24
W3_OFF = 32
W_TOT = 336


def _body(x_hbm, w_hbm, out_hbm, xv, wv, w3x, outv):
    cid = lax.axis_index("c")
    sid = lax.axis_index("s")
    wid = sid * NC + cid
    base = wid * PER_W

    pltpu.sync_copy(x_hbm.at[pl.ds(base * N, PER_W * N)], xv)
    pltpu.sync_copy(w_hbm, wv)

    iota = lax.iota(jnp.int32, 16)

    v0 = wv[pl.ds(0, 16)]
    v1 = wv[pl.ds(16, 16)]

    def splat(v, j):
        return jnp.full((16,), v[j], jnp.float32)

    def w2s(f, k):
        j = W2_OFF + 4 * f + k
        return splat(v0, j) if j < 16 else splat(v1, j - 16)

    w1p = [jnp.maximum(splat(v0, f), 0.0) for f in range(F)]
    w1m = [jnp.minimum(splat(v0, f), 0.0) for f in range(F)]
    up = [(w1p[0] * w2s(0, k) + w1p[1] * w2s(1, k)
           + w1p[2] * w2s(2, k) + w1p[3] * w2s(3, k)) * 0.25 for k in range(F)]
    um = [(w1m[0] * w2s(0, k) + w1m[1] * w2s(1, k)
           + w1m[2] * w2s(2, k) + w1m[3] * w2s(3, k)) * 0.25 for k in range(F)]
    b3v = splat(v1, B3_OFF - 16)

    for i16 in range(N * F // 16):
        vw = wv[pl.ds(W3_OFF + 16 * i16, 16)]
        for j in range(16):
            w3x[pl.ds((16 * i16 + j) * 16, 16)] = splat(vw, j)

    zero = jnp.zeros((16,), jnp.float32)

    LOG2E = 1.4426950408889634
    RND = 12582912.0
    C = (1.0, 0.6931471805599453, 0.2402265069591007, 0.05550410866482158,
         0.009618129107628477, 0.0013333558146428443, 0.00015403530393381606)

    def sigmoid(z):
        t = jnp.minimum(jnp.maximum(-z * LOG2E, -126.0), 126.0)
        m = t + RND
        n_f = m - RND
        f = t - n_f
        n_i = plsc.bitcast(m, jnp.int32) - 1262485504
        pow2n = plsc.bitcast((n_i + 127) << 23, jnp.float32)
        p = C[6]
        for c in (C[5], C[4], C[3], C[2], C[1], C[0]):
            p = p * f + c
        e = pow2n * p
        d = 1.0 + e
        r = 1.0 / d
        return r * (2.0 - d * r)

    iotaN = iota * N

    @plsc.parallel_loop(0, G)
    def group(g):
        idx0 = iotaN + g * (L * N)

        def xload(n):
            return plsc.load_gather(xv, [idx0 + n])

        x74 = xload(74)
        x75 = xload(75)
        a75 = x74 + x75
        s75 = a75 >= 0.0
        t75 = [a75 * jnp.where(s75, up[k], um[k]) for k in range(F)]

        def nodestep(n, c):
            idxv, xp, t0, t1, t2, t3, a0, a1, a2, a3 = c
            xn = plsc.load_gather(xv, [idxv])
            a = xp + xn
            s = a >= 0.0
            u0 = a * jnp.where(s, up[0], um[0])
            u1 = a * jnp.where(s, up[1], um[1])
            u2 = a * jnp.where(s, up[2], um[2])
            u3 = a * jnp.where(s, up[3], um[3])
            h0 = jnp.maximum(t0 + u0, 0.0)
            h1 = jnp.maximum(t1 + u1, 0.0)
            h2 = jnp.maximum(t2 + u2, 0.0)
            h3 = jnp.maximum(t3 + u3, 0.0)
            m = n * (F * 16)
            a0 = a0 + h0 * w3x[pl.ds(m, 16)]
            a1 = a1 + h1 * w3x[pl.ds(m + 16, 16)]
            a2 = a2 + h2 * w3x[pl.ds(m + 32, 16)]
            a3 = a3 + h3 * w3x[pl.ds(m + 48, 16)]
            return (idxv + 1, xn, u0, u1, u2, u3, a0, a1, a2, a3)

        c = lax.fori_loop(0, N, nodestep,
                          (idx0, x75, *t75, zero, zero, zero, zero), unroll=4)
        acc = (c[6] + c[7]) + (c[8] + c[9])
        outv[pl.ds(g * 16, 16)] = sigmoid(acc + b3v)

    pltpu.sync_copy(outv, out_hbm.at[pl.ds(base, PER_W)])


def _sc_call(xf, wcat):
    f = pl.kernel(
        _body,
        out_type=jax.ShapeDtypeStruct((B_SC,), jnp.float32),
        mesh=plsc.VectorSubcoreMesh(core_axis_name="c", subcore_axis_name="s"),
        scratch_types=[
            pltpu.VMEM((PER_W * N,), jnp.float32),
            pltpu.VMEM((W_TOT,), jnp.float32),
            pltpu.VMEM((N * F * 16,), jnp.float32),
            pltpu.VMEM((PER_W,), jnp.float32),
        ],
        compiler_params=pltpu.CompilerParams(needs_layout_passes=False),
    )
    return f(xf, wcat)


def _tc_body(x_ref, w1_ref, w2_ref, w3t_ref, b3_ref, o_ref):
    x = x_ref[...]
    i2 = lax.broadcasted_iota(jnp.int32, (N, N), 0)
    j2 = lax.broadcasted_iota(jnp.int32, (N, N), 1)
    Mc = jnp.where((i2 == j2) | (lax.rem(i2 + 1, N) == j2), 1.0, 0.0)
    a = jnp.dot(x, Mc, preferred_element_type=jnp.float32)
    up = jnp.maximum(w1_ref[...], 0.0) @ w2_ref[...] * 0.25
    um = jnp.minimum(w1_ref[...], 0.0) @ w2_ref[...] * 0.25
    p = jnp.maximum(a, 0.0)
    m = a - p
    P = jnp.dot(p, Mc, preferred_element_type=jnp.float32)
    Q = jnp.dot(m, Mc, preferred_element_type=jnp.float32)
    g = None
    for k in range(F):
        hk = jnp.maximum(up[0, k] * P + um[0, k] * Q, 0.0)
        c = hk * w3t_ref[k, :][None, :]
        g = c if g is None else g + c
    ones = jnp.ones((N, 1), jnp.float32)
    z = jnp.dot(g, ones, preferred_element_type=jnp.float32) + b3_ref[0, 0]
    o_ref[...] = jax.nn.sigmoid(z)


def _tc_call(x2d, W1, W2, w3t, b3r):
    return pl.pallas_call(
        _tc_body,
        grid=(B_TC // TC_BLK,),
        in_specs=[
            pl.BlockSpec((TC_BLK, N), lambda i: (i, 0)),
            pl.BlockSpec((1, F), lambda i: (0, 0)),
            pl.BlockSpec((F, F), lambda i: (0, 0)),
            pl.BlockSpec((F, N), lambda i: (0, 0)),
            pl.BlockSpec((1, 1), lambda i: (0, 0)),
        ],
        out_specs=pl.BlockSpec((TC_BLK, 1), lambda i: (i, 0)),
        out_shape=jax.ShapeDtypeStruct((B_TC, 1), jnp.float32),
    )(x2d, W1, W2, w3t, b3r)


def kernel(x, edge_index, W1, b1, W2, b2, W3, b3):
    del edge_index, b1
    wcat = jnp.concatenate([
        W1.reshape(F),
        W2.reshape(F * F),
        b2.reshape(F),
        b3.reshape(1),
        jnp.zeros((7,), jnp.float32),
        W3.reshape(N * F),
    ])
    x2d = x.reshape(B, N)
    xf_sc = x2d[B_TC:].reshape(B_SC * N)
    out_sc = _sc_call(xf_sc, wcat)
    w3t = W3.reshape(N, F).T
    out_tc = _tc_call(x2d, W1, W2, w3t, b3.reshape(1, 1))
    return jnp.concatenate([out_tc.reshape(B_TC), out_sc]).reshape(B, 1)

# --- scband reference (transcript-rebuilt; emitter-appended) ---
"""Pipeline reference for scband-classifier-34918084117103 (READ-ONLY COPY).

The authoritative reference and input builder live on the scoring server;
editing this copy changes nothing except your own understanding.
"""

import jax, jax.numpy as jnp
import numpy as np

N_NODES = 76
BATCH = 16384


def setup_inputs(seed: int = 0) -> dict:
    key = jax.random.key(seed)
    k1, k2, k3, k4 = jax.random.split(key, 4)
    x = jax.random.normal(k1, (BATCH, N_NODES, 1), dtype=jnp.float32)
    src = np.arange(N_NODES, dtype=np.int32)
    dst = (np.arange(N_NODES, dtype=np.int32) + 1) % N_NODES
    edge_index = jnp.asarray(np.stack([src, dst], axis=0), dtype=jnp.int32)
    W1 = jax.random.normal(k2, (1, 4), dtype=jnp.float32) * 0.5
    b1 = jnp.zeros((4,), dtype=jnp.float32)
    W2 = jax.random.normal(k3, (4, 4), dtype=jnp.float32) * 0.5
    b2 = jnp.zeros((4,), dtype=jnp.float32)
    W3 = jax.random.normal(k4, (N_NODES * 4, 1), dtype=jnp.float32) * 0.05
    b3 = jnp.zeros((1,), dtype=jnp.float32)
    return {"x": x, "edge_index": edge_index, "W1": W1, "b1": b1, "W2": W2, "b2": b2, "W3": W3, "b3": b3}


def _gcn_conv(x, edge_index, W, b):
    # GCNConv: x' = D^-1/2 (A + I) D^-1/2 X W + b
    num_nodes = x.shape[1]
    loop = jnp.arange(num_nodes, dtype=edge_index.dtype)
    src = jnp.concatenate([edge_index[0], loop])
    dst = jnp.concatenate([edge_index[1], loop])
    deg = jnp.zeros((num_nodes,), dtype=x.dtype).at[dst].add(1.0)
    deg_inv_sqrt = jnp.where(deg > 0, jax.lax.rsqrt(jnp.maximum(deg, 1e-12)), 0.0)
    norm = deg_inv_sqrt[src] * deg_inv_sqrt[dst]
    xw = x @ W  # [B, N, F_out]
    msgs = jnp.take(xw, src, axis=1) * norm[None, :, None]
    out = jnp.zeros((x.shape[0], num_nodes, W.shape[1]), dtype=x.dtype).at[:, dst, :].add(msgs)
    return out + b


def reference(x, edge_index, W1, b1, W2, b2, W3, b3):
    h = jax.nn.relu(_gcn_conv(x, edge_index, W1, b1))
    h = jax.nn.relu(_gcn_conv(h, edge_index, W2, b2))
    h = h.reshape(h.shape[0], -1)  # Flatten -> [B, 76*4]
    logits = h @ W3 + b3
    return jax.nn.sigmoid(logits)

if __name__ == "__main__":
    import jax
    _d = setup_inputs()
    print(jax.jit(kernel)(*tuple(_d.values())))

</pallas_src>

<mosaic_0001>
#map = affine_map<(d0, d1) -> (0)>
module attributes {stable_mosaic.version = 14 : i64} {
  func.func @_body(%arg0: i32, %arg1: i32, %arg2: memref<311296xf32, #tpu.memory_space<hbm>>, %arg3: memref<336xf32, #tpu.memory_space<hbm>>, %arg4: memref<4096xf32, #tpu.memory_space<hbm>>, %arg5: memref<9728xf32, #tpu.memory_space<vmem>>, %arg6: memref<336xf32, #tpu.memory_space<vmem>>, %arg7: memref<4864xf32, #tpu.memory_space<vmem>>, %arg8: memref<128xf32, #tpu.memory_space<vmem>>) attributes {dimension_semantics = [#tpu.dimension_semantics<core_parallel>, #tpu.dimension_semantics<subcore_parallel>], iteration_bounds = array<i64: 2, 16>, scalar_prefetch = 0 : i64, scratch_operands = 4 : i64, tpu.core_type = #tpu.core_type<sc_vector_subcore>, window_params = [{transform_indices = #map}, {transform_indices = #map}, {transform_indices = #map}]} {
    %mul3A = arith.constant 2 : i32
    %mul3A_0 = arith.muli %arg1, %mul3A : i32
    %add3A = arith.addi %mul3A_0, %arg0 : i32
    %mul3A_1 = arith.constant 128 : i32
    %mul3A_2 = arith.muli %add3A, %mul3A_1 : i32
    %mul3A_3 = arith.constant 76 : i32
    %mul3A_4 = arith.muli %mul3A_2, %mul3A_3 : i32
    "tpu.region"() ({
      %run_scoped3A = tpu.sem_alloc : memref<!tpu.dma_semaphore, #tpu.memory_space<semaphore_mem>>
      %dma_start3A = tpu.memref_slice %arg2[%mul3A_4] : memref<311296xf32, #tpu.memory_space<hbm>> -> memref<9728xf32, #tpu.memory_space<hbm>>
      %dma_start3A_1794 = tpu.memref_slice %arg2[%mul3A_4] : memref<311296xf32, #tpu.memory_space<hbm>> -> memref<9728xf32, #tpu.memory_space<hbm>>
      tpu.enqueue_dma source(%dma_start3A_1794 : memref<9728xf32, #tpu.memory_space<hbm>>) target(%arg5 : memref<9728xf32, #tpu.memory_space<vmem>>) target_semaphore(%run_scoped3A : memref<!tpu.dma_semaphore, #tpu.memory_space<semaphore_mem>>)
      %dma_wait3A = tpu.memref_slice %arg2[%mul3A_4] : memref<311296xf32, #tpu.memory_space<hbm>> -> memref<9728xf32, #tpu.memory_space<hbm>>
      %dma_wait3A_1795 = tpu.memref_slice %arg2[%mul3A_4] : memref<311296xf32, #tpu.memory_space<hbm>> -> memref<9728xf32, #tpu.memory_space<hbm>>
      tpu.wait_dma2 semaphore(%run_scoped3A : memref<!tpu.dma_semaphore, #tpu.memory_space<semaphore_mem>>) src(%dma_wait3A_1795 : memref<9728xf32, #tpu.memory_space<hbm>>) dst(%arg5 : memref<9728xf32, #tpu.memory_space<vmem>>)
      tpu.yield
    }) : () -> ()
    "tpu.region"() ({
      %run_scoped3A = tpu.sem_alloc : memref<!tpu.dma_semaphore, #tpu.memory_space<semaphore_mem>>
      tpu.enqueue_dma source(%arg3 : memref<336xf32, #tpu.memory_space<hbm>>) target(%arg6 : memref<336xf32, #tpu.memory_space<vmem>>) target_semaphore(%run_scoped3A : memref<!tpu.dma_semaphore, #tpu.memory_space<semaphore_mem>>)
      tpu.wait_dma2 semaphore(%run_scoped3A : memref<!tpu.dma_semaphore, #tpu.memory_space<semaphore_mem>>) src(%arg3 : memref<336xf32, #tpu.memory_space<hbm>>) dst(%arg6 : memref<336xf32, #tpu.memory_space<vmem>>)
      tpu.yield
    }) : () -> ()
    %iota3A = tpu.iota {dimensions = array<i32: 0>} : vector<16xi32>
    %get3A = arith.constant 0 : index
    %get3A_5 = tpu.vector_load %arg6[%get3A] {strides = array<i32>} : memref<336xf32, #tpu.memory_space<vmem>>, vector<16xf32>,
    %get3A_6 = arith.constant 16 : index
    %get3A_7 = tpu.vector_load %arg6[%get3A_6] {strides = array<i32>} : memref<336xf32, #tpu.memory_space<vmem>>, vector<16xf32>,
    %slice3A = vector.extract_strided_slice %get3A_5 {offsets = [0], sizes = [1], strides = [1]} : vector<16xf32> to vector<1xf32>
    %squeeze3A = vector.extract %slice3A[0] : f32 from vector<1xf32>
    %broadcast_in_dim3A = vector.broadcast %squeeze3A : f32 to vector<16xf32>
    %max3A = arith.constant 0.000000e+00 : f32
    %max3A_8 = vector.broadcast %max3A : f32 to vector<16xf32>
    %max3A_9 = arith.maximumf %broadcast_in_dim3A, %max3A_8 : vector<16xf32>
    %slice3A_10 = vector.extract_strided_slice %get3A_5 {offsets = [1], sizes = [1], strides = [1]} : vector<16xf32> to vector<1xf32>
    %squeeze3A_11 = vector.extract %slice3A_10[0] : f32 from vector<1xf32>
    %broadcast_in_dim3A_12 = vector.broadcast %squeeze3A_11 : f32 to vector<16xf32>
    %max3A_13 = arith.constant 0.000000e+00 : f32
    %max3A_14 = vector.broadcast %max3A_13 : f32 to vector<16xf32>
    %max3A_15 = arith.maximumf %broadcast_in_dim3A_12, %max3A_14 : vector<16xf32>
    %slice3A_16 = vector.extract_strided_slice %get3A_5 {offsets = [2], sizes = [1], strides = [1]} : vector<16xf32> to vector<1xf32>
    %squeeze3A_17 = vector.extract %slice3A_16[0] : f32 from vector<1xf32>
    %broadcast_in_dim3A_18 = vector.broadcast %squeeze3A_17 : f32 to vector<16xf32>
    %max3A_19 = arith.constant 0.000000e+00 : f32
    %max3A_20 = vector.broadcast %max3A_19 : f32 to vector<16xf32>
    %max3A_21 = arith.maximumf %broadcast_in_dim3A_18, %max3A_20 : vector<16xf32>
    %slice3A_22 = vector.extract_strided_slice %get3A_5 {offsets = [3], sizes = [1], strides = [1]} : vector<16xf32> to vector<1xf32>
    %squeeze3A_23 = vector.extract %slice3A_22[0] : f32 from vector<1xf32>
    %broadcast_in_dim3A_24 = vector.broadcast %squeeze3A_23 : f32 to vector<16xf32>
    %max3A_25 = arith.constant 0.000000e+00 : f32
    %max3A_26 = vector.broadcast %max3A_25 : f32 to vector<16xf32>
    %max3A_27 = arith.maximumf %broadcast_in_dim3A_24, %max3A_26 : vector<16xf32>
    %slice3A_28 = vector.extract_strided_slice %get3A_5 {offsets = [0], sizes = [1], strides = [1]} : vector<16xf32> to vector<1xf32>
    %squeeze3A_29 = vector.extract %slice3A_28[0] : f32 from vector<1xf32>
    %broadcast_in_dim3A_30 = vector.broadcast %squeeze3A_29 : f32 to vector<16xf32>
    %min3A = arith.constant 0.000000e+00 : f32
    %min3A_31 = vector.broadcast %min3A : f32 to vector<16xf32>
    %min3A_32 = arith.minimumf %broadcast_in_dim3A_30, %min3A_31 : vector<16xf32>
    %slice3A_33 = vector.extract_strided_slice %get3A_5 {offsets = [1], sizes = [1], strides = [1]} : vector<16xf32> to vector<1xf32>
    %squeeze3A_34 = vector.extract %slice3A_33[0] : f32 from vector<1xf32>
    %broadcast_in_dim3A_35 = vector.broadcast %squeeze3A_34 : f32 to vector<16xf32>
    %min3A_36 = arith.constant 0.000000e+00 : f32
    %min3A_37 = vector.broadcast %min3A_36 : f32 to vector<16xf32>
    %min3A_38 = arith.minimumf %broadcast_in_dim3A_35, %min3A_37 : vector<16xf32>
    %slice3A_39 = vector.extract_strided_slice %get3A_5 {offsets = [2], sizes = [1], strides = [1]} : vector<16xf32> to vector<1xf32>
    %squeeze3A_40 = vector.extract %slice3A_39[0] : f32 from vector<1xf32>
    %broadcast_in_dim3A_41 = vector.broadcast %squeeze3A_40 : f32 to vector<16xf32>
    %min3A_42 = arith.constant 0.000000e+00 : f32
    %min3A_43 = vector.broadcast %min3A_42 : f32 to vector<16xf32>
    %min3A_44 = arith.minimumf %broadcast_in_dim3A_41, %min3A_43 : vector<16xf32>
    %slice3A_45 = vector.extract_strided_slice %get3A_5 {offsets = [3], sizes = [1], strides = [1]} : vector<16xf32> to vector<1xf32>
    %squeeze3A_46 = vector.extract %slice3A_45[0] : f32 from vector<1xf32>
    %broadcast_in_dim3A_47 = vector.broadcast %squeeze3A_46 : f32 to vector<16xf32>
    %min3A_48 = arith.constant 0.000000e+00 : f32
    %min3A_49 = vector.broadcast %min3A_48 : f32 to vector<16xf32>
    %min3A_50 = arith.minimumf %broadcast_in_dim3A_47, %min3A_49 : vector<16xf32>
    %slice3A_51 = vector.extract_strided_slice %get3A_5 {offsets = [4], sizes = [1], strides = [1]} : vector<16xf32> to vector<1xf32>
    %squeeze3A_52 = vector.extract %slice3A_51[0] : f32 from vector<1xf32>
    %broadcast_in_dim3A_53 = vector.broadcast %squeeze3A_52 : f32 to vector<16xf32>
    %mul3A_54 = arith.mulf %max3A_9, %broadcast_in_dim3A_53 : vector<16xf32>
    %slice3A_55 = vector.extract_strided_slice %get3A_5 {offsets = [8], sizes = [1], strides = [1]} : vector<16xf32> to vector<1xf32>
    %squeeze3A_56 = vector.extract %slice3A_55[0] : f32 from vector<1xf32>
    %broadcast_in_dim3A_57 = vector.broadcast %squeeze3A_56 : f32 to vector<16xf32>
    %mul3A_58 = arith.mulf %max3A_15, %broadcast_in_dim3A_57 : vector<16xf32>
    %add3A_59 = arith.addf %mul3A_54, %mul3A_58 : vector<16xf32>
    %slice3A_60 = vector.extract_strided_slice %get3A_5 {offsets = [12], sizes = [1], strides = [1]} : vector<16xf32> to vector<1xf32>
    %squeeze3A_61 = vector.extract %slice3A_60[0] : f32 from vector<1xf32>
    %broadcast_in_dim3A_62 = vector.broadcast %squeeze3A_61 : f32 to vector<16xf32>
    %mul3A_63 = arith.mulf %max3A_21, %broadcast_in_dim3A_62 : vector<16xf32>
    %add3A_64 = arith.addf %add3A_59, %mul3A_63 : vector<16xf32>
    %slice3A_65 = vector.extract_strided_slice %get3A_7 {offsets = [0], sizes = [1], strides = [1]} : vector<16xf32> to vector<1xf32>
    %squeeze3A_66 = vector.extract %slice3A_65[0] : f32 from vector<1xf32>
    %broadcast_in_dim3A_67 = vector.broadcast %squeeze3A_66 : f32 to vector<16xf32>
    %mul3A_68 = arith.mulf %max3A_27, %broadcast_in_dim3A_67 : vector<16xf32>
    %add3A_69 = arith.addf %add3A_64, %mul3A_68 : vector<16xf32>
    %mul3A_70 = arith.constant 2.500000e-01 : f32
    %mul3A_71 = vector.broadcast %mul3A_70 : f32 to vector<16xf32>
    %mul3A_72 = arith.mulf %add3A_69, %mul3A_71 : vector<16xf32>
    %slice3A_73 = vector.extract_strided_slice %get3A_5 {offsets = [5], sizes = [1], strides = [1]} : vector<16xf32> to vector<1xf32>
    %squeeze3A_74 = vector.extract %slice3A_73[0] : f32 from vector<1xf32>
    %broadcast_in_dim3A_75 = vector.broadcast %squeeze3A_74 : f32 to vector<16xf32>
    %mul3A_76 = arith.mulf %max3A_9, %broadcast_in_dim3A_75 : vector<16xf32>
    %slice3A_77 = vector.extract_strided_slice %get3A_5 {offsets = [9], sizes = [1], strides = [1]} : vector<16xf32> to vector<1xf32>
    %squeeze3A_78 = vector.extract %slice3A_77[0] : f32 from vector<1xf32>
    %broadcast_in_dim3A_79 = vector.broadcast %squeeze3A_78 : f32 to vector<16xf32>
    %mul3A_80 = arith.mulf %max3A_15, %broadcast_in_dim3A_79 : vector<16xf32>
    %add3A_81 = arith.addf %mul3A_76, %mul3A_80 : vector<16xf32>
    %slice3A_82 = vector.extract_strided_slice %get3A_5 {offsets = [13], sizes = [1], strides = [1]} : vector<16xf32> to vector<1xf32>
    %squeeze3A_83 = vector.extract %slice3A_82[0] : f32 from vector<1xf32>
    %broadcast_in_dim3A_84 = vector.broadcast %squeeze3A_83 : f32 to vector<16xf32>
    %mul3A_85 = arith.mulf %max3A_21, %broadcast_in_dim3A_84 : vector<16xf32>
    %add3A_86 = arith.addf %add3A_81, %mul3A_85 : vector<16xf32>
    %slice3A_87 = vector.extract_strided_slice %get3A_7 {offsets = [1], sizes = [1], strides = [1]} : vector<16xf32> to vector<1xf32>
    %squeeze3A_88 = vector.extract %slice3A_87[0] : f32 from vector<1xf32>
    %broadcast_in_dim3A_89 = vector.broadcast %squeeze3A_88 : f32 to vector<16xf32>
    %mul3A_90 = arith.mulf %max3A_27, %broadcast_in_dim3A_89 : vector<16xf32>
    %add3A_91 = arith.addf %add3A_86, %mul3A_90 : vector<16xf32>
    %mul3A_92 = arith.constant 2.500000e-01 : f32
    %mul3A_93 = vector.broadcast %mul3A_92 : f32 to vector<16xf32>
    %mul3A_94 = arith.mulf %add3A_91, %mul3A_93 : vector<16xf32>
    %slice3A_95 = vector.extract_strided_slice %get3A_5 {offsets = [6], sizes = [1], strides = [1]} : vector<16xf32> to vector<1xf32>
    %squeeze3A_96 = vector.extract %slice3A_95[0] : f32 from vector<1xf32>
    %broadcast_in_dim3A_97 = vector.broadcast %squeeze3A_96 : f32 to vector<16xf32>
    %mul3A_98 = arith.mulf %max3A_9, %broadcast_in_dim3A_97 : vector<16xf32>
    %slice3A_99 = vector.extract_strided_slice %get3A_5 {offsets = [10], sizes = [1], strides = [1]} : vector<16xf32> to vector<1xf32>
    %squeeze3A_100 = vector.extract %slice3A_99[0] : f32 from vector<1xf32>
    %broadcast_in_dim3A_101 = vector.broadcast %squeeze3A_100 : f32 to vector<16xf32>
    %mul3A_102 = arith.mulf %max3A_15, %broadcast_in_dim3A_101 : vector<16xf32>
    %add3A_103 = arith.addf %mul3A_98, %mul3A_102 : vector<16xf32>
    %slice3A_104 = vector.extract_strided_slice %get3A_5 {offsets = [14], sizes = [1], strides = [1]} : vector<16xf32> to vector<1xf32>
    %squeeze3A_105 = vector.extract %slice3A_104[0] : f32 from vector<1xf32>
    %broadcast_in_dim3A_106 = vector.broadcast %squeeze3A_105 : f32 to vector<16xf32>
    %mul3A_107 = arith.mulf %max3A_21, %broadcast_in_dim3A_106 : vector<16xf32>
    %add3A_108 = arith.addf %add3A_103, %mul3A_107 : vector<16xf32>
    %slice3A_109 = vector.extract_strided_slice %get3A_7 {offsets = [2], sizes = [1], strides = [1]} : vector<16xf32> to vector<1xf32>
    %squeeze3A_110 = vector.extract %slice3A_109[0] : f32 from vector<1xf32>
    %broadcast_in_dim3A_111 = vector.broadcast %squeeze3A_110 : f32 to vector<16xf32>
    %mul3A_112 = arith.mulf %max3A_27, %broadcast_in_dim3A_111 : vector<16xf32>
    %add3A_113 = arith.addf %add3A_108, %mul3A_112 : vector<16xf32>
    %mul3A_114 = arith.constant 2.500000e-01 : f32
    %mul3A_115 = vector.broadcast %mul3A_114 : f32 to vector<16xf32>
    %mul3A_116 = arith.mulf %add3A_113, %mul3A_115 : vector<16xf32>
    %slice3A_117 = vector.extract_strided_slice %get3A_5 {offsets = [7], sizes = [1], strides = [1]} : vector<16xf32> to vector<1xf32>
    %squeeze3A_118 = vector.extract %slice3A_117[0] : f32 from vector<1xf32>
    %broadcast_in_dim3A_119 = vector.broadcast %squeeze3A_118 : f32 to vector<16xf32>
    %mul3A_120 = arith.mulf %max3A_9, %broadcast_in_dim3A_119 : vector<16xf32>
    %slice3A_121 = vector.extract_strided_slice %get3A_5 {offsets = [11], sizes = [1], strides = [1]} : vector<16xf32> to vector<1xf32>
    %squeeze3A_122 = vector.extract %slice3A_121[0] : f32 from vector<1xf32>
    %broadcast_in_dim3A_123 = vector.broadcast %squeeze3A_122 : f32 to vector<16xf32>
    %mul3A_124 = arith.mulf %max3A_15, %broadcast_in_dim3A_123 : vector<16xf32>
    %add3A_125 = arith.addf %mul3A_120, %mul3A_124 : vector<16xf32>
    %slice3A_126 = vector.extract_strided_slice %get3A_5 {offsets = [15], sizes = [1], strides = [1]} : vector<16xf32> to vector<1xf32>
    %squeeze3A_127 = vector.extract %slice3A_126[0] : f32 from vector<1xf32>
    %broadcast_in_dim3A_128 = vector.broadcast %squeeze3A_127 : f32 to vector<16xf32>
    %mul3A_129 = arith.mulf %max3A_21, %broadcast_in_dim3A_128 : vector<16xf32>
    %add3A_130 = arith.addf %add3A_125, %mul3A_129 : vector<16xf32>
    %slice3A_131 = vector.extract_strided_slice %get3A_7 {offsets = [3], sizes = [1], strides = [1]} : vector<16xf32> to vector<1xf32>
    %squeeze3A_132 = vector.extract %slice3A_131[0] : f32 from vector<1xf32>
    %broadcast_in_dim3A_133 = vector.broadcast %squeeze3A_132 : f32 to vector<16xf32>
    %mul3A_134 = arith.mulf %max3A_27, %broadcast_in_dim3A_133 : vector<16xf32>
    %add3A_135 = arith.addf %add3A_130, %mul3A_134 : vector<16xf32>
    %mul3A_136 = arith.constant 2.500000e-01 : f32
    %mul3A_137 = vector.broadcast %mul3A_136 : f32 to vector<16xf32>
    %mul3A_138 = arith.mulf %add3A_135, %mul3A_137 : vector<16xf32>
    %slice3A_139 = vector.extract_strided_slice %get3A_5 {offsets = [4], sizes = [1], strides = [1]} : vector<16xf32> to vector<1xf32>
    %squeeze3A_140 = vector.extract %slice3A_139[0] : f32 from vector<1xf32>
    %broadcast_in_dim3A_141 = vector.broadcast %squeeze3A_140 : f32 to vector<16xf32>
    %mul3A_142 = arith.mulf %min3A_32, %broadcast_in_dim3A_141 : vector<16xf32>
    %slice3A_143 = vector.extract_strided_slice %get3A_5 {offsets = [8], sizes = [1], strides = [1]} : vector<16xf32> to vector<1xf32>
    %squeeze3A_144 = vector.extract %slice3A_143[0] : f32 from vector<1xf32>
    %broadcast_in_dim3A_145 = vector.broadcast %squeeze3A_144 : f32 to vector<16xf32>
    %mul3A_146 = arith.mulf %min3A_38, %broadcast_in_dim3A_145 : vector<16xf32>
    %add3A_147 = arith.addf %mul3A_142, %mul3A_146 : vector<16xf32>
    %slice3A_148 = vector.extract_strided_slice %get3A_5 {offsets = [12], sizes = [1], strides = [1]} : vector<16xf32> to vector<1xf32>
    %squeeze3A_149 = vector.extract %slice3A_148[0] : f32 from vector<1xf32>
    %broadcast_in_dim3A_150 = vector.broadcast %squeeze3A_149 : f32 to vector<16xf32>
    %mul3A_151 = arith.mulf %min3A_44, %broadcast_in_dim3A_150 : vector<16xf32>
    %add3A_152 = arith.addf %add3A_147, %mul3A_151 : vector<16xf32>
    %slice3A_153 = vector.extract_strided_slice %get3A_7 {offsets = [0], sizes = [1], strides = [1]} : vector<16xf32> to vector<1xf32>
    %squeeze3A_154 = vector.extract %slice3A_153[0] : f32 from vector<1xf32>
    %broadcast_in_dim3A_155 = vector.broadcast %squeeze3A_154 : f32 to vector<16xf32>
    %mul3A_156 = arith.mulf %min3A_50, %broadcast_in_dim3A_155 : vector<16xf32>
    %add3A_157 = arith.addf %add3A_152, %mul3A_156 : vector<16xf32>
    %mul3A_158 = arith.constant 2.500000e-01 : f32
    %mul3A_159 = vector.broadcast %mul3A_158 : f32 to vector<16xf32>
    %mul3A_160 = arith.mulf %add3A_157, %mul3A_159 : vector<16xf32>
    %slice3A_161 = vector.extract_strided_slice %get3A_5 {offsets = [5], sizes = [1], strides = [1]} : vector<16xf32> to vector<1xf32>
    %squeeze3A_162 = vector.extract %slice3A_161[0] : f32 from vector<1xf32>
    %broadcast_in_dim3A_163 = vector.broadcast %squeeze3A_162 : f32 to vector<16xf32>
    %mul3A_164 = arith.mulf %min3A_32, %broadcast_in_dim3A_163 : vector<16xf32>
    %slice3A_165 = vector.extract_strided_slice %get3A_5 {offsets = [9], sizes = [1], strides = [1]} : vector<16xf32> to vector<1xf32>
    %squeeze3A_166 = vector.extract %slice3A_165[0] : f32 from vector<1xf32>
    %broadcast_in_dim3A_167 = vector.broadcast %squeeze3A_166 : f32 to vector<16xf32>
    %mul3A_168 = arith.mulf %min3A_38, %broadcast_in_dim3A_167 : vector<16xf32>
    %add3A_169 = arith.addf %mul3A_164, %mul3A_168 : vector<16xf32>
    %slice3A_170 = vector.extract_strided_slice %get3A_5 {offsets = [13], sizes = [1], strides = [1]} : vector<16xf32> to vector<1xf32>
    %squeeze3A_171 = vector.extract %slice3A_170[0] : f32 from vector<1xf32>
    %broadcast_in_dim3A_172 = vector.broadcast %squeeze3A_171 : f32 to vector<16xf32>
    %mul3A_173 = arith.mulf %min3A_44, %broadcast_in_dim3A_172 : vector<16xf32>
    %add3A_174 = arith.addf %add3A_169, %mul3A_173 : vector<16xf32>
    %slice3A_175 = vector.extract_strided_slice %get3A_7 {offsets = [1], sizes = [1], strides = [1]} : vector<16xf32> to vector<1xf32>
    %squeeze3A_176 = vector.extract %slice3A_175[0] : f32 from vector<1xf32>
    %broadcast_in_dim3A_177 = vector.broadcast %squeeze3A_176 : f32 to vector<16xf32>
    %mul3A_178 = arith.mulf %min3A_50, %broadcast_in_dim3A_177 : vector<16xf32>
    %add3A_179 = arith.addf %add3A_174, %mul3A_178 : vector<16xf32>
    %mul3A_180 = arith.constant 2.500000e-01 : f32
    %mul3A_181 = vector.broadcast %mul3A_180 : f32 to vector<16xf32>
    %mul3A_182 = arith.mulf %add3A_179, %mul3A_181 : vector<16xf32>
    %slice3A_183 = vector.extract_strided_slice %get3A_5 {offsets = [6], sizes = [1], strides = [1]} : vector<16xf32> to vector<1xf32>
    %squeeze3A_184 = vector.extract %slice3A_183[0] : f32 from vector<1xf32>
    %broadcast_in_dim3A_185 = vector.broadcast %squeeze3A_184 : f32 to vector<16xf32>
    %mul3A_186 = arith.mulf %min3A_32, %broadcast_in_dim3A_185 : vector<16xf32>
    %slice3A_187 = vector.extract_strided_slice %get3A_5 {offsets = [10], sizes = [1], strides = [1]} : vector<16xf32> to vector<1xf32>
    %squeeze3A_188 = vector.extract %slice3A_187[0] : f32 from vector<1xf32>
    %broadcast_in_dim3A_189 = vector.broadcast %squeeze3A_188 : f32 to vector<16xf32>
    %mul3A_190 = arith.mulf %min3A_38, %broadcast_in_dim3A_189 : vector<16xf32>
    %add3A_191 = arith.addf %mul3A_186, %mul3A_190 : vector<16xf32>
    %slice3A_192 = vector.extract_strided_slice %get3A_5 {offsets = [14], sizes = [1], strides = [1]} : vector<16xf32> to vector<1xf32>
    %squeeze3A_193 = vector.extract %slice3A_192[0] : f32 from vector<1xf32>
    %broadcast_in_dim3A_194 = vector.broadcast %squeeze3A_193 : f32 to vector<16xf32>
    %mul3A_195 = arith.mulf %min3A_44, %broadcast_in_dim3A_194 : vector<16xf32>
    %add3A_196 = arith.addf %add3A_191, %mul3A_195 : vector<16xf32>
    %slice3A_197 = vector.extract_strided_slice %get3A_7 {offsets = [2], sizes = [1], strides = [1]} : vector<16xf32> to vector<1xf32>
    %squeeze3A_198 = vector.extract %slice3A_197[0] : f32 from vector<1xf32>
    %broadcast_in_dim3A_199 = vector.broadcast %squeeze3A_198 : f32 to vector<16xf32>
    %mul3A_200 = arith.mulf %min3A_50, %broadcast_in_dim3A_199 : vector<16xf32>
    %add3A_201 = arith.addf %add3A_196, %mul3A_200 : vector<16xf32>
    %mul3A_202 = arith.constant 2.500000e-01 : f32
    %mul3A_203 = vector.broadcast %mul3A_202 : f32 to vector<16xf32>
    %mul3A_204 = arith.mulf %add3A_201, %mul3A_203 : vector<16xf32>
    %slice3A_205 = vector.extract_strided_slice %get3A_5 {offsets = [7], sizes = [1], strides = [1]} : vector<16xf32> to vector<1xf32>
    %squeeze3A_206 = vector.extract %slice3A_205[0] : f32 from vector<1xf32>
    %broadcast_in_dim3A_207 = vector.broadcast %squeeze3A_206 : f32 to vector<16xf32>
    %mul3A_208 = arith.mulf %min3A_32, %broadcast_in_dim3A_207 : vector<16xf32>
    %slice3A_209 = vector.extract_strided_slice %get3A_5 {offsets = [11], sizes = [1], strides = [1]} : vector<16xf32> to vector<1xf32>
    %squeeze3A_210 = vector.extract %slice3A_209[0] : f32 from vector<1xf32>
    %broadcast_in_dim3A_211 = vector.broadcast %squeeze3A_210 : f32 to vector<16xf32>
    %mul3A_212 = arith.mulf %min3A_38, %broadcast_in_dim3A_211 : vector<16xf32>
    %add3A_213 = arith.addf %mul3A_208, %mul3A_212 : vector<16xf32>
    %slice3A_214 = vector.extract_strided_slice %get3A_5 {offsets = [15], sizes = [1], strides = [1]} : vector<16xf32> to vector<1xf32>
    %squeeze3A_215 = vector.extract %slice3A_214[0] : f32 from vector<1xf32>
    %broadcast_in_dim3A_216 = vector.broadcast %squeeze3A_215 : f32 to vector<16xf32>
    %mul3A_217 = arith.mulf %min3A_44, %broadcast_in_dim3A_216 : vector<16xf32>
    %add3A_218 = arith.addf %add3A_213, %mul3A_217 : vector<16xf32>
    %slice3A_219 = vector.extract_strided_slice %get3A_7 {offsets = [3], sizes = [1], strides = [1]} : vector<16xf32> to vector<1xf32>
    %squeeze3A_220 = vector.extract %slice3A_219[0] : f32 from vector<1xf32>
    %broadcast_in_dim3A_221 = vector.broadcast %squeeze3A_220 : f32 to vector<16xf32>
    %mul3A_222 = arith.mulf %min3A_50, %broadcast_in_dim3A_221 : vector<16xf32>
    %add3A_223 = arith.addf %add3A_218, %mul3A_222 : vector<16xf32>
    %mul3A_224 = arith.constant 2.500000e-01 : f32
    %mul3A_225 = vector.broadcast %mul3A_224 : f32 to vector<16xf32>
    %mul3A_226 = arith.mulf %add3A_223, %mul3A_225 : vector<16xf32>
    %slice3A_227 = vector.extract_strided_slice %get3A_7 {offsets = [8], sizes = [1], strides = [1]} : vector<16xf32> to vector<1xf32>
    %squeeze3A_228 = vector.extract %slice3A_227[0] : f32 from vector<1xf32>
    %broadcast_in_dim3A_229 = vector.broadcast %squeeze3A_228 : f32 to vector<16xf32>
    %get3A_230 = arith.constant 32 : index
    %get3A_231 = tpu.vector_load %arg6[%get3A_230] {strides = array<i32>} : memref<336xf32, #tpu.memory_space<vmem>>, vector<16xf32>,
    %slice3A_232 = vector.extract_strided_slice %get3A_231 {offsets = [0], sizes = [1], strides = [1]} : vector<16xf32> to vector<1xf32>
    %squeeze3A_233 = vector.extract %slice3A_232[0] : f32 from vector<1xf32>
    %broadcast_in_dim3A_234 = vector.broadcast %squeeze3A_233 : f32 to vector<16xf32>
    %swap3A = arith.constant 0 : index
    %swap3A_235 = tpu.vector_load %arg7[%swap3A] {strides = array<i32>} : memref<4864xf32, #tpu.memory_space<vmem>>, vector<16xf32>,
    tpu.vector_store %arg7[%swap3A], %broadcast_in_dim3A_234 {strides = array<i32>} : memref<4864xf32, #tpu.memory_space<vmem>>, vector<16xf32>,
    %slice3A_236 = vector.extract_strided_slice %get3A_231 {offsets = [1], sizes = [1], strides = [1]} : vector<16xf32> to vector<1xf32>
    %squeeze3A_237 = vector.extract %slice3A_236[0] : f32 from vector<1xf32>
    %broadcast_in_dim3A_238 = vector.broadcast %squeeze3A_237 : f32 to vector<16xf32>
    %swap3A_239 = arith.constant 16 : index
    %swap3A_240 = tpu.vector_load %arg7[%swap3A_239] {strides = array<i32>} : memref<4864xf32, #tpu.memory_space<vmem>>, vector<16xf32>,
    tpu.vector_store %arg7[%swap3A_239], %broadcast_in_dim3A_238 {strides = array<i32>} : memref<4864xf32, #tpu.memory_space<vmem>>, vector<16xf32>,
    %slice3A_241 = vector.extract_strided_slice %get3A_231 {offsets = [2], sizes = [1], strides = [1]} : vector<16xf32> to vector<1xf32>
    %squeeze3A_242 = vector.extract %slice3A_241[0] : f32 from vector<1xf32>
    %broadcast_in_dim3A_243 = vector.broadcast %squeeze3A_242 : f32 to vector<16xf32>
    %swap3A_244 = arith.constant 32 : index
    %swap3A_245 = tpu.vector_load %arg7[%swap3A_244] {strides = array<i32>} : memref<4864xf32, #tpu.memory_space<vmem>>, vector<16xf32>,
    tpu.vector_store %arg7[%swap3A_244], %broadcast_in_dim3A_243 {strides = array<i32>} : memref<4864xf32, #tpu.memory_space<vmem>>, vector<16xf32>,
    %slice3A_246 = vector.extract_strided_slice %get3A_231 {offsets = [3], sizes = [1], strides = [1]} : vector<16xf32> to vector<1xf32>
    %squeeze3A_247 = vector.extract %slice3A_246[0] : f32 from vector<1xf32>
    %broadcast_in_dim3A_248 = vector.broadcast %squeeze3A_247 : f32 to vector<16xf32>
    %swap3A_249 = arith.constant 48 : index
    %swap3A_250 = tpu.vector_load %arg7[%swap3A_249] {strides = array<i32>} : memref<4864xf32, #tpu.memory_space<vmem>>, vector<16xf32>,
    tpu.vector_store %arg7[%swap3A_249], %broadcast_in_dim3A_248 {strides = array<i32>} : memref<4864xf32, #tpu.memory_space<vmem>>, vector<16xf32>,
    %slice3A_251 = vector.extract_strided_slice %get3A_231 {offsets = [4], sizes = [1], strides = [1]} : vector<16xf32> to vector<1xf32>
    %squeeze3A_252 = vector.extract %slice3A_251[0] : f32 from vector<1xf32>
    %broadcast_in_dim3A_253 = vector.broadcast %squeeze3A_252 : f32 to vector<16xf32>
    %swap3A_254 = arith.constant 64 : index
    %swap3A_255 = tpu.vector_load %arg7[%swap3A_254] {strides = array<i32>} : memref<4864xf32, #tpu.memory_space<vmem>>, vector<16xf32>,
    tpu.vector_store %arg7[%swap3A_254], %broadcast_in_dim3A_253 {strides = array<i32>} : memref<4864xf32, #tpu.memory_space<vmem>>, vector<16xf32>,
    %slice3A_256 = vector.extract_strided_slice %get3A_231 {offsets = [5], sizes = [1], strides = [1]} : vector<16xf32> to vector<1xf32>
    %squeeze3A_257 = vector.extract %slice3A_256[0] : f32 from vector<1xf32>
    %broadcast_in_dim3A_258 = vector.broadcast %squeeze3A_257 : f32 to vector<16xf32>
    %swap3A_259 = arith.constant 80 : index
    %swap3A_260 = tpu.vector_load %arg7[%swap3A_259] {strides = array<i32>} : memref<4864xf32, #tpu.memory_space<vmem>>, vector<16xf32>,
    tpu.vector_store %arg7[%swap3A_259], %broadcast_in_dim3A_258 {strides = array<i32>} : memref<4864xf32, #tpu.memory_space<vmem>>, vector<16xf32>,
    %slice3A_261 = vector.extract_strided_slice %get3A_231 {offsets = [6], sizes = [1], strides = [1]} : vector<16xf32> to vector<1xf32>
    %squeeze3A_262 = vector.extract %slice3A_261[0] : f32 from vector<1xf32>
    %broadcast_in_dim3A_263 = vector.broadcast %squeeze3A_262 : f32 to vector<16xf32>
    %swap3A_264 = arith.constant 96 : index
    %swap3A_265 = tpu.vector_load %arg7[%swap3A_264] {strides = array<i32>} : memref<4864xf32, #tpu.memory_space<vmem>>, vector<16xf32>,
    tpu.vector_store %arg7[%swap3A_264], %broadcast_in_dim3A_263 {strides = array<i32>} : memref<4864xf32, #tpu.memory_space<vmem>>, vector<16xf32>,
    %slice3A_266 = vector.extract_strided_slice %get3A_231 {offsets = [7], sizes = [1], strides = [1]} : vector<16xf32> to vector<1xf32>
    %squeeze3A_267 = vector.extract %slice3A_266[0] : f32 from vector<1xf32>
    %broadcast_in_dim3A_268 = vector.broadcast %squeeze3A_267 : f32 to vector<16xf32>
    %swap3A_269 = arith.constant 112 : index
    %swap3A_270 = tpu.vector_load %arg7[%swap3A_269] {strides = array<i32>} : memref<4864xf32, #tpu.memory_space<vmem>>, vector<16xf32>,
    tpu.vector_store %arg7[%swap3A_269], %broadcast_in_dim3A_268 {strides = array<i32>} : memref<4864xf32, #tpu.memory_space<vmem>>, vector<16xf32>,
    %slice3A_271 = vector.extract_strided_slice %get3A_231 {offsets = [8], sizes = [1], strides = [1]} : vector<16xf32> to vector<1xf32>
    %squeeze3A_272 = vector.extract %slice3A_271[0] : f32 from vector<1xf32>
    %broadcast_in_dim3A_273 = vector.broadcast %squeeze3A_272 : f32 to vector<16xf32>
    %swap3A_274 = arith.constant 128 : index
    %swap3A_275 = tpu.vector_load %arg7[%swap3A_274] {strides = array<i32>} : memref<4864xf32, #tpu.memory_space<vmem>>, vector<16xf32>,
    tpu.vector_store %arg7[%swap3A_274], %broadcast_in_dim3A_273 {strides = array<i32>} : memref<4864xf32, #tpu.memory_space<vmem>>, vector<16xf32>,
    %slice3A_276 = vector.extract_strided_slice %get3A_231 {offsets = [9], sizes = [1], strides = [1]} : vector<16xf32> to vector<1xf32>
    %squeeze3A_277 = vector.extract %slice3A_276[0] : f32 from vector<1xf32>
    %broadcast_in_dim3A_278 = vector.broadcast %squeeze3A_277 : f32 to vector<16xf32>
    %swap3A_279 = arith.constant 144 : index
    %swap3A_280 = tpu.vector_load %arg7[%swap3A_279] {strides = array<i32>} : memref<4864xf32, #tpu.memory_space<vmem>>, vector<16xf32>,
    tpu.vector_store %arg7[%swap3A_279], %broadcast_in_dim3A_278 {strides = array<i32>} : memref<4864xf32, #tpu.memory_space<vmem>>, vector<16xf32>,
    %slice3A_281 = vector.extract_strided_slice %get3A_231 {offsets = [10], sizes = [1], strides = [1]} : vector<16xf32> to vector<1xf32>
    %squeeze3A_282 = vector.extract %slice3A_281[0] : f32 from vector<1xf32>
    %broadcast_in_dim3A_283 = vector.broadcast %squeeze3A_282 : f32 to vector<16xf32>
    %swap3A_284 = arith.constant 160 : index
    %swap3A_285 = tpu.vector_load %arg7[%swap3A_284] {strides = array<i32>} : memref<4864xf32, #tpu.memory_space<vmem>>, vector<16xf32>,
    tpu.vector_store %arg7[%swap3A_284], %broadcast_in_dim3A_283 {strides = array<i32>} : memref<4864xf32, #tpu.memory_space<vmem>>, vector<16xf32>,
    %slice3A_286 = vector.extract_strided_slice %get3A_231 {offsets = [11], sizes = [1], strides = [1]} : vector<16xf32> to vector<1xf32>
    %squeeze3A_287 = vector.extract %slice3A_286[0] : f32 from vector<1xf32>
    %broadcast_in_dim3A_288 = vector.broadcast %squeeze3A_287 : f32 to vector<16xf32>
    %swap3A_289 = arith.constant 176 : index
    %swap3A_290 = tpu.vector_load %arg7[%swap3A_289] {strides = array<i32>} : memref<4864xf32, #tpu.memory_space<vmem>>, vector<16xf32>,
    tpu.vector_store %arg7[%swap3A_289], %broadcast_in_dim3A_288 {strides = array<i32>} : memref<4864xf32, #tpu.memory_space<vmem>>, vector<16xf32>,
    %slice3A_291 = vector.extract_strided_slice %get3A_231 {offsets = [12], sizes = [1], strides = [1]} : vector<16xf32> to vector<1xf32>
    %squeeze3A_292 = vector.extract %slice3A_291[0] : f32 from vector<1xf32>
    %broadcast_in_dim3A_293 = vector.broadcast %squeeze3A_292 : f32 to vector<16xf32>
    %swap3A_294 = arith.constant 192 : index
    %swap3A_295 = tpu.vector_load %arg7[%swap3A_294] {strides = array<i32>} : memref<4864xf32, #tpu.memory_space<vmem>>, vector<16xf32>,
    tpu.vector_store %arg7[%swap3A_294], %broadcast_in_dim3A_293 {strides = array<i32>} : memref<4864xf32, #tpu.memory_space<vmem>>, vector<16xf32>,
    %slice3A_296 = vector.extract_strided_slice %get3A_231 {offsets = [13], sizes = [1], strides = [1]} : vector<16xf32> to vector<1xf32>
    %squeeze3A_297 = vector.extract %slice3A_296[0] : f32 from vector<1xf32>
    %broadcast_in_dim3A_298 = vector.broadcast %squeeze3A_297 : f32 to vector<16xf32>
    %swap3A_299 = arith.constant 208 : index
    %swap3A_300 = tpu.vector_load %arg7[%swap3A_299] {strides = array<i32>} : memref<4864xf32, #tpu.memory_space<vmem>>, vector<16xf32>,
    tpu.vector_store %arg7[%swap3A_299], %broadcast_in_dim3A_298 {strides = array<i32>} : memref<4864xf32, #tpu.memory_space<vmem>>, vector<16xf32>,
    %slice3A_301 = vector.extract_strided_slice %get3A_231 {offsets = [14], sizes = [1], strides = [1]} : vector<16xf32> to vector<1xf32>
    %squeeze3A_302 = vector.extract %slice3A_301[0] : f32 from vector<1xf32>
    %broadcast_in_dim3A_303 = vector.broadcast %squeeze3A_302 : f32 to vector<16xf32>
    %swap3A_304 = arith.constant 224 : index
    %swap3A_305 = tpu.vector_load %arg7[%swap3A_304] {strides = array<i32>} : memref<4864xf32, #tpu.memory_space<vmem>>, vector<16xf32>,
    tpu.vector_store %arg7[%swap3A_304], %broadcast_in_dim3A_303 {strides = array<i32>} : memref<4864xf32, #tpu.memory_space<vmem>>, vector<16xf32>,
    %slice3A_306 = vector.extract_strided_slice %get3A_231 {offsets = [15], sizes = [1], strides = [1]} : vector<16xf32> to vector<1xf32>
    %squeeze3A_307 = vector.extract %slice3A_306[0] : f32 from vector<1xf32>
    %broadcast_in_dim3A_308 = vector.broadcast %squeeze3A_307 : f32 to vector<16xf32>
    %swap3A_309 = arith.constant 240 : index
    %swap3A_310 = tpu.vector_load %arg7[%swap3A_309] {strides = array<i32>} : memref<4864xf32, #tpu.memory_space<vmem>>, vector<16xf32>,
    tpu.vector_store %arg7[%swap3A_309], %broadcast_in_dim3A_308 {strides = array<i32>} : memref<4864xf32, #tpu.memory_space<vmem>>, vector<16xf32>,
    %get3A_311 = arith.constant 48 : index
    %get3A_312 = tpu.vector_load %arg6[%get3A_311] {strides = array<i32>} : memref<336xf32, #tpu.memory_space<vmem>>, vector<16xf32>,
    %slice3A_313 = vector.extract_strided_slice %get3A_312 {offsets = [0], sizes = [1], strides = [1]} : vector<16xf32> to vector<1xf32>
    %squeeze3A_314 = vector.extract %slice3A_313[0] : f32 from vector<1xf32>
    %broadcast_in_dim3A_315 = vector.broadcast %squeeze3A_314 : f32 to vector<16xf32>
    %swap3A_316 = arith.constant 256 : index
    %swap3A_317 = tpu.vector_load %arg7[%swap3A_316] {strides = array<i32>} : memref<4864xf32, #tpu.memory_space<vmem>>, vector<16xf32>,
    tpu.vector_store %arg7[%swap3A_316], %broadcast_in_dim3A_315 {strides = array<i32>} : memref<4864xf32, #tpu.memory_space<vmem>>, vector<16xf32>,
    %slice3A_318 = vector.extract_strided_slice %get3A_312 {offsets = [1], sizes = [1], strides = [1]} : vector<16xf32> to vector<1xf32>
    %squeeze3A_319 = vector.extract %slice3A_318[0] : f32 from vector<1xf32>
    %broadcast_in_dim3A_320 = vector.broadcast %squeeze3A_319 : f32 to vector<16xf32>
    %swap3A_321 = arith.constant 272 : index
    %swap3A_322 = tpu.vector_load %arg7[%swap3A_321] {strides = array<i32>} : memref<4864xf32, #tpu.memory_space<vmem>>, vector<16xf32>,
    tpu.vector_store %arg7[%swap3A_321], %broadcast_in_dim3A_320 {strides = array<i32>} : memref<4864xf32, #tpu.memory_space<vmem>>, vector<16xf32>,
    %slice3A_323 = vector.extract_strided_slice %get3A_312 {offsets = [2], sizes = [1], strides = [1]} : vector<16xf32> to vector<1xf32>
    %squeeze3A_324 = vector.extract %slice3A_323[0] : f32 from vector<1xf32>
    %broadcast_in_dim3A_325 = vector.broadcast %squeeze3A_324 : f32 to vector<16xf32>
    %swap3A_326 = arith.constant 288 : index
    %swap3A_327 = tpu.vector_load %arg7[%swap3A_326] {strides = array<i32>} : memref<4864xf32, #tpu.memory_space<vmem>>, vector<16xf32>,
    tpu.vector_store %arg7[%swap3A_326], %broadcast_in_dim3A_325 {strides = array<i32>} : memref<4864xf32, #tpu.memory_space<vmem>>, vector<16xf32>,
    %slice3A_328 = vector.extract_strided_slice %get3A_312 {offsets = [3], sizes = [1], strides = [1]} : vector<16xf32> to vector<1xf32>
    %squeeze3A_329 = vector.extract %slice3A_328[0] : f32 from vector<1xf32>
    %broadcast_in_dim3A_330 = vector.broadcast %squeeze3A_329 : f32 to vector<16xf32>
    %swap3A_331 = arith.constant 304 : index
    %swap3A_332 = tpu.vector_load %arg7[%swap3A_331] {strides = array<i32>} : memref<4864xf32, #tpu.memory_space<vmem>>, vector<16xf32>,
    tpu.vector_store %arg7[%swap3A_331], %broadcast_in_dim3A_330 {strides = array<i32>} : memref<4864xf32, #tpu.memory_space<vmem>>, vector<16xf32>,
    %slice3A_333 = vector.extract_strided_slice %get3A_312 {offsets = [4], sizes = [1], strides = [1]} : vector<16xf32> to vector<1xf32>
    %squeeze3A_334 = vector.extract %slice3A_333[0] : f32 from vector<1xf32>
    %broadcast_in_dim3A_335 = vector.broadcast %squeeze3A_334 : f32 to vector<16xf32>
    %swap3A_336 = arith.constant 320 : index
    %swap3A_337 = tpu.vector_load %arg7[%swap3A_336] {strides = array<i32>} : memref<4864xf32, #tpu.memory_space<vmem>>, vector<16xf32>,
    tpu.vector_store %arg7[%swap3A_336], %broadcast_in_dim3A_335 {strides = array<i32>} : memref<4864xf32, #tpu.memory_space<vmem>>, vector<16xf32>,
    %slice3A_338 = vector.extract_strided_slice %get3A_312 {offsets = [5], sizes = [1], strides = [1]} : vector<16xf32> to vector<1xf32>
    %squeeze3A_339 = vector.extract %slice3A_338[0] : f32 from vector<1xf32>
    %broadcast_in_dim3A_340 = vector.broadcast %squeeze3A_339 : f32 to vector<16xf32>
    %swap3A_341 = arith.constant 336 : index
    %swap3A_342 = tpu.vector_load %arg7[%swap3A_341] {strides = array<i32>} : memref<4864xf32, #tpu.memory_space<vmem>>, vector<16xf32>,
    tpu.vector_store %arg7[%swap3A_341], %broadcast_in_dim3A_340 {strides = array<i32>} : memref<4864xf32, #tpu.memory_space<vmem>>, vector<16xf32>,
    %slice3A_343 = vector.extract_strided_slice %get3A_312 {offsets = [6], sizes = [1], strides = [1]} : vector<16xf32> to vector<1xf32>
    %squeeze3A_344 = vector.extract %slice3A_343[0] : f32 from vector<1xf32>
    %broadcast_in_dim3A_345 = vector.broadcast %squeeze3A_344 : f32 to vector<16xf32>
    %swap3A_346 = arith.constant 352 : index
    %swap3A_347 = tpu.vector_load %arg7[%swap3A_346] {strides = array<i32>} : memref<4864xf32, #tpu.memory_space<vmem>>, vector<16xf32>,
    tpu.vector_store %arg7[%swap3A_346], %broadcast_in_dim3A_345 {strides = array<i32>} : memref<4864xf32, #tpu.memory_space<vmem>>, vector<16xf32>,
    %slice3A_348 = vector.extract_strided_slice %get3A_312 {offsets = [7], sizes = [1], strides = [1]} : vector<16xf32> to vector<1xf32>
    %squeeze3A_349 = vector.extract %slice3A_348[0] : f32 from vector<1xf32>
    %broadcast_in_dim3A_350 = vector.broadcast %squeeze3A_349 : f32 to vector<16xf32>
    %swap3A_351 = arith.constant 368 : index
    %swap3A_352 = tpu.vector_load %arg7[%swap3A_351] {strides = array<i32>} : memref<4864xf32, #tpu.memory_space<vmem>>, vector<16xf32>,
    tpu.vector_store %arg7[%swap3A_351], %broadcast_in_dim3A_350 {strides = array<i32>} : memref<4864xf32, #tpu.memory_space<vmem>>, vector<16xf32>,
    %slice3A_353 = vector.extract_strided_slice %get3A_312 {offsets = [8], sizes = [1], strides = [1]} : vector<16xf32> to vector<1xf32>
    %squeeze3A_354 = vector.extract %slice3A_353[0] : f32 from vector<1xf32>
    %broadcast_in_dim3A_355 = vector.broadcast %squeeze3A_354 : f32 to vector<16xf32>
    %swap3A_356 = arith.constant 384 : index
    %swap3A_357 = tpu.vector_load %arg7[%swap3A_356] {strides = array<i32>} : memref<4864xf32, #tpu.memory_space<vmem>>, vector<16xf32>,
    tpu.vector_store %arg7[%swap3A_356], %broadcast_in_dim3A_355 {strides = array<i32>} : memref<4864xf32, #tpu.memory_space<vmem>>, vector<16xf32>,
    %slice3A_358 = vector.extract_strided_slice %get3A_312 {offsets = [9], sizes = [1], strides = [1]} : vector<16xf32> to vector<1xf32>
    %squeeze3A_359 = vector.extract %slice3A_358[0] : f32 from vector<1xf32>
    %broadcast_in_dim3A_360 = vector.broadcast %squeeze3A_359 : f32 to vector<16xf32>
    %swap3A_361 = arith.constant 400 : index
    %swap3A_362 = tpu.vector_load %arg7[%swap3A_361] {strides = array<i32>} : memref<4864xf32, #tpu.memory_space<vmem>>, vector<16xf32>,
    tpu.vector_store %arg7[%swap3A_361], %broadcast_in_dim3A_360 {strides = array<i32>} : memref<4864xf32, #tpu.memory_space<vmem>>, vector<16xf32>,
    %slice3A_363 = vector.extract_strided_slice %get3A_312 {offsets = [10], sizes = [1], strides = [1]} : vector<16xf32> to vector<1xf32>
    %squeeze3A_364 = vector.extract %slice3A_363[0] : f32 from vector<1xf32>
    %broadcast_in_dim3A_365 = vector.broadcast %squeeze3A_364 : f32 to vector<16xf32>
    %swap3A_366 = arith.constant 416 : index
    %swap3A_367 = tpu.vector_load %arg7[%swap3A_366] {strides = array<i32>} : memref<4864xf32, #tpu.memory_space<vmem>>, vector<16xf32>,
    tpu.vector_store %arg7[%swap3A_366], %broadcast_in_dim3A_365 {strides = array<i32>} : memref<4864xf32, #tpu.memory_space<vmem>>, vector<16xf32>,
    %slice3A_368 = vector.extract_strided_slice %get3A_312 {offsets = [11], sizes = [1], strides = [1]} : vector<16xf32> to vector<1xf32>
    %squeeze3A_369 = vector.extract %slice3A_368[0] : f32 from vector<1xf32>
    %broadcast_in_dim3A_370 = vector.broadcast %squeeze3A_369 : f32 to vector<16xf32>
    %swap3A_371 = arith.constant 432 : index
    %swap3A_372 = tpu.vector_load %arg7[%swap3A_371] {strides = array<i32>} : memref<4864xf32, #tpu.memory_space<vmem>>, vector<16xf32>,
    tpu.vector_store %arg7[%swap3A_371], %broadcast_in_dim3A_370 {strides = array<i32>} : memref<4864xf32, #tpu.memory_space<vmem>>, vector<16xf32>,
    %slice3A_373 = vector.extract_strided_slice %get3A_312 {offsets = [12], sizes = [1], strides = [1]} : vector<16xf32> to vector<1xf32>
    %squeeze3A_374 = vector.extract %slice3A_373[0] : f32 from vector<1xf32>
    %broadcast_in_dim3A_375 = vector.broadcast %squeeze3A_374 : f32 to vector<16xf32>
    %swap3A_376 = arith.constant 448 : index
    %swap3A_377 = tpu.vector_load %arg7[%swap3A_376] {strides = array<i32>} : memref<4864xf32, #tpu.memory_space<vmem>>, vector<16xf32>,
    tpu.vector_store %arg7[%swap3A_376], %broadcast_in_dim3A_375 {strides = array<i32>} : memref<4864xf32, #tpu.memory_space<vmem>>, vector<16xf32>,
    %slice3A_378 = vector.extract_strided_slice %get3A_312 {offsets = [13], sizes = [1], strides = [1]} : vector<16xf32> to vector<1xf32>
    %squeeze3A_379 = vector.extract %slice3A_378[0] : f32 from vector<1xf32>
    %broadcast_in_dim3A_380 = vector.broadcast %squeeze3A_379 : f32 to vector<16xf32>
    %swap3A_381 = arith.constant 464 : index
    %swap3A_382 = tpu.vector_load %arg7[%swap3A_381] {strides = array<i32>} : memref<4864xf32, #tpu.memory_space<vmem>>, vector<16xf32>,
    tpu.vector_store %arg7[%swap3A_381], %broadcast_in_dim3A_380 {strides = array<i32>} : memref<4864xf32, #tpu.memory_space<vmem>>, vector<16xf32>,
    %slice3A_383 = vector.extract_strided_slice %get3A_312 {offsets = [14], sizes = [1], strides = [1]} : vector<16xf32> to vector<1xf32>
    %squeeze3A_384 = vector.extract %slice3A_383[0] : f32 from vector<1xf32>
    %broadcast_in_dim3A_385 = vector.broadcast %squeeze3A_384 : f32 to vector<16xf32>
    %swap3A_386 = arith.constant 480 : index
    %swap3A_387 = tpu.vector_load %arg7[%swap3A_386] {strides = array<i32>} : memref<4864xf32, #tpu.memory_space<vmem>>, vector<16xf32>,
    tpu.vector_store %arg7[%swap3A_386], %broadcast_in_dim3A_385 {strides = array<i32>} : memref<4864xf32, #tpu.memory_space<vmem>>, vector<16xf32>,
    %slice3A_388 = vector.extract_strided_slice %get3A_312 {offsets = [15], sizes = [1], strides = [1]} : vector<16xf32> to vector<1xf32>
    %squeeze3A_389 = vector.extract %slice3A_388[0] : f32 from vector<1xf32>
    %broadcast_in_dim3A_390 = vector.broadcast %squeeze3A_389 : f32 to vector<16xf32>
    %swap3A_391 = arith.constant 496 : index
    %swap3A_392 = tpu.vector_load %arg7[%swap3A_391] {strides = array<i32>} : memref<4864xf32, #tpu.memory_space<vmem>>, vector<16xf32>,
    tpu.vector_store %arg7[%swap3A_391], %broadcast_in_dim3A_390 {strides = array<i32>} : memref<4864xf32, #tpu.memory_space<vmem>>, vector<16xf32>,
    %get3A_393 = arith.constant 64 : index
    %get3A_394 = tpu.vector_load %arg6[%get3A_393] {strides = array<i32>} : memref<336xf32, #tpu.memory_space<vmem>>, vector<16xf32>,
    %slice3A_395 = vector.extract_strided_slice %get3A_394 {offsets = [0], sizes = [1], strides = [1]} : vector<16xf32> to vector<1xf32>
    %squeeze3A_396 = vector.extract %slice3A_395[0] : f32 from vector<1xf32>
    %broadcast_in_dim3A_397 = vector.broadcast %squeeze3A_396 : f32 to vector<16xf32>
    %swap3A_398 = arith.constant 512 : index
    %swap3A_399 = tpu.vector_load %arg7[%swap3A_398] {strides = array<i32>} : memref<4864xf32, #tpu.memory_space<vmem>>, vector<16xf32>,
    tpu.vector_store %arg7[%swap3A_398], %broadcast_in_dim3A_397 {strides = array<i32>} : memref<4864xf32, #tpu.memory_space<vmem>>, vector<16xf32>,
    %slice3A_400 = vector.extract_strided_slice %get3A_394 {offsets = [1], sizes = [1], strides = [1]} : vector<16xf32> to vector<1xf32>
    %squeeze3A_401 = vector.extract %slice3A_400[0] : f32 from vector<1xf32>
    %broadcast_in_dim3A_402 = vector.broadcast %squeeze3A_401 : f32 to vector<16xf32>
    %swap3A_403 = arith.constant 528 : index
    %swap3A_404 = tpu.vector_load %arg7[%swap3A_403] {strides = array<i32>} : memref<4864xf32, #tpu.memory_space<vmem>>, vector<16xf32>,
    tpu.vector_store %arg7[%swap3A_403], %broadcast_in_dim3A_402 {strides = array<i32>} : memref<4864xf32, #tpu.memory_space<vmem>>, vector<16xf32>,
    %slice3A_405 = vector.extract_strided_slice %get3A_394 {offsets = [2], sizes = [1], strides = [1]} : vector<16xf32> to vector<1xf32>
    %squeeze3A_406 = vector.extract %slice3A_405[0] : f32 from vector<1xf32>
    %broadcast_in_dim3A_407 = vector.broadcast %squeeze3A_406 : f32 to vector<16xf32>
    %swap3A_408 = arith.constant 544 : index
    %swap3A_409 = tpu.vector_load %arg7[%swap3A_408] {strides = array<i32>} : memref<4864xf32, #tpu.memory_space<vmem>>, vector<16xf32>,
    tpu.vector_store %arg7[%swap3A_408], %broadcast_in_dim3A_407 {strides = array<i32>} : memref<4864xf32, #tpu.memory_space<vmem>>, vector<16xf32>,
    %slice3A_410 = vector.extract_strided_slice %get3A_394 {offsets = [3], sizes = [1], strides = [1]} : vector<16xf32> to vector<1xf32>
    %squeeze3A_411 = vector.extract %slice3A_410[0] : f32 from vector<1xf32>
    %broadcast_in_dim3A_412 = vector.broadcast %squeeze3A_411 : f32 to vector<16xf32>
    %swap3A_413 = arith.constant 560 : index
    %swap3A_414 = tpu.vector_load %arg7[%swap3A_413] {strides = array<i32>} : memref<4864xf32, #tpu.memory_space<vmem>>, vector<16xf32>,
    tpu.vector_store %arg7[%swap3A_413], %broadcast_in_dim3A_412 {strides = array<i32>} : memref<4864xf32, #tpu.memory_space<vmem>>, vector<16xf32>,
    %slice3A_415 = vector.extract_strided_slice %get3A_394 {offsets = [4], sizes = [1], strides = [1]} : vector<16xf32> to vector<1xf32>
    %squeeze3A_416 = vector.extract %slice3A_415[0] : f32 from vector<1xf32>
    %broadcast_in_dim3A_417 = vector.broadcast %squeeze3A_416 : f32 to vector<16xf32>
    %swap3A_418 = arith.constant 576 : index
    %swap3A_419 = tpu.vector_load %arg7[%swap3A_418] {strides = array<i32>} : memref<4864xf32, #tpu.memory_space<vmem>>, vector<16xf32>,
    tpu.vector_store %arg7[%swap3A_418], %broadcast_in_dim3A_417 {strides = array<i32>} : memref<4864xf32, #tpu.memory_space<vmem>>, vector<16xf32>,
    %slice3A_420 = vector.extract_strided_slice %get3A_394 {offsets = [5], sizes = [1], strides = [1]} : vector<16xf32> to vector<1xf32>
    %squeeze3A_421 = vector.extract %slice3A_420[0] : f32 from vector<1xf32>
    %broadcast_in_dim3A_422 = vector.broadcast %squeeze3A_421 : f32 to vector<16xf32>
    %swap3A_423 = arith.constant 592 : index
    %swap3A_424 = tpu.vector_load %arg7[%swap3A_423] {strides = array<i32>} : memref<4864xf32, #tpu.memory_space<vmem>>, vector<16xf32>,
    tpu.vector_store %arg7[%swap3A_423], %broadcast_in_dim3A_422 {strides = array<i32>} : memref<4864xf32, #tpu.memory_space<vmem>>, vector<16xf32>,
    %slice3A_425 = vector.extract_strided_slice %get3A_394 {offsets = [6], sizes = [1], strides = [1]} : vector<16xf32> to vector<1xf32>
    %squeeze3A_426 = vector.extract %slice3A_425[0] : f32 from vector<1xf32>
    %broadcast_in_dim3A_427 = vector.broadcast %squeeze3A_426 : f32 to vector<16xf32>
    %swap3A_428 = arith.constant 608 : index
    %swap3A_429 = tpu.vector_load %arg7[%swap3A_428] {strides = array<i32>} : memref<4864xf32, #tpu.memory_space<vmem>>, vector<16xf32>,
    tpu.vector_store %arg7[%swap3A_428], %broadcast_in_dim3A_427 {strides = array<i32>} : memref<4864xf32, #tpu.memory_space<vmem>>, vector<16xf32>,
    %slice3A_430 = vector.extract_strided_slice %get3A_394 {offsets = [7], sizes = [1], strides = [1]} : vector<16xf32> to vector<1xf32>
    %squeeze3A_431 = vector.extract %slice3A_430[0] : f32 from vector<1xf32>
    %broadcast_in_dim3A_432 = vector.broadcast %squeeze3A_431 : f32 to vector<16xf32>
    %swap3A_433 = arith.constant 624 : index
    %swap3A_434 = tpu.vector_load %arg7[%swap3A_433] {strides = array<i32>} : memref<4864xf32, #tpu.memory_space<vmem>>, vector<16xf32>,
    tpu.vector_store %arg7[%swap3A_433], %broadcast_in_dim3A_432 {strides = array<i32>} : memref<4864xf32, #tpu.memory_space<vmem>>, vector<16xf32>,
    %slice3A_435 = vector.extract_strided_slice %get3A_394 {offsets = [8], sizes = [1], strides = [1]} : vector<16xf32> to vector<1xf32>
    %squeeze3A_436 = vector.extract %slice3A_435[0] : f32 from vector<1xf32>
    %broadcast_in_dim3A_437 = vector.broadcast %squeeze3A_436 : f32 to vector<16xf32>
    %swap3A_438 = arith.constant 640 : index
    %swap3A_439 = tpu.vector_load %arg7[%swap3A_438] {strides = array<i32>} : memref<4864xf32, #tpu.memory_space<vmem>>, vector<16xf32>,
    tpu.vector_store %arg7[%swap3A_438], %broadcast_in_dim3A_437 {strides = array<i32>} : memref<4864xf32, #tpu.memory_space<vmem>>, vector<16xf32>,
    %slice3A_440 = vector.extract_strided_slice %get3A_394 {offsets = [9], sizes = [1], strides = [1]} : vector<16xf32> to vector<1xf32>
    %squeeze3A_441 = vector.extract %slice3A_440[0] : f32 from vector<1xf32>
    %broadcast_in_dim3A_442 = vector.broadcast %squeeze3A_441 : f32 to vector<16xf32>
    %swap3A_443 = arith.constant 656 : index
    %swap3A_444 = tpu.vector_load %arg7[%swap3A_443] {strides = array<i32>} : memref<4864xf32, #tpu.memory_space<vmem>>, vector<16xf32>,
    tpu.vector_store %arg7[%swap3A_443], %broadcast_in_dim3A_442 {strides = array<i32>} : memref<4864xf32, #tpu.memory_space<vmem>>, vector<16xf32>,
    %slice3A_445 = vector.extract_strided_slice %get3A_394 {offsets = [10], sizes = [1], strides = [1]} : vector<16xf32> to vector<1xf32>
    %squeeze3A_446 = vector.extract %slice3A_445[0] : f32 from vector<1xf32>
    %broadcast_in_dim3A_447 = vector.broadcast %squeeze3A_446 : f32 to vector<16xf32>
    %swap3A_448 = arith.constant 672 : index
    %swap3A_449 = tpu.vector_load %arg7[%swap3A_448] {strides = array<i32>} : memref<4864xf32, #tpu.memory_space<vmem>>, vector<16xf32>,
    tpu.vector_store %arg7[%swap3A_448], %broadcast_in_dim3A_447 {strides = array<i32>} : memref<4864xf32, #tpu.memory_space<vmem>>, vector<16xf32>,
    %slice3A_450 = vector.extract_strided_slice %get3A_394 {offsets = [11], sizes = [1], strides = [1]} : vector<16xf32> to vector<1xf32>
    %squeeze3A_451 = vector.extract %slice3A_450[0] : f32 from vector<1xf32>
    %broadcast_in_dim3A_452 = vector.broadcast %squeeze3A_451 : f32 to vector<16xf32>
    %swap3A_453 = arith.constant 688 : index
    %swap3A_454 = tpu.vector_load %arg7[%swap3A_453] {strides = array<i32>} : memref<4864xf32, #tpu.memory_space<vmem>>, vector<16xf32>,
    tpu.vector_store %arg7[%swap3A_453], %broadcast_in_dim3A_452 {strides = array<i32>} : memref<4864xf32, #tpu.memory_space<vmem>>, vector<16xf32>,
    %slice3A_455 = vector.extract_strided_slice %get3A_394 {offsets = [12], sizes = [1], strides = [1]} : vector<16xf32> to vector<1xf32>
    %squeeze3A_456 = vector.extract %slice3A_455[0] : f32 from vector<1xf32>
    %broadcast_in_dim3A_457 = vector.broadcast %squeeze3A_456 : f32 to vector<16xf32>
    %swap3A_458 = arith.constant 704 : index
    %swap3A_459 = tpu.vector_load %arg7[%swap3A_458] {strides = array<i32>} : memref<4864xf32, #tpu.memory_space<vmem>>, vector<16xf32>,
    tpu.vector_store %arg7[%swap3A_458], %broadcast_in_dim3A_457 {strides = array<i32>} : memref<4864xf32, #tpu.memory_space<vmem>>, vector<16xf32>,
    %slice3A_460 = vector.extract_strided_slice %get3A_394 {offsets = [13], sizes = [1], strides = [1]} : vector<16xf32> to vector<1xf32>
    %squeeze3A_461 = vector.extract %slice3A_460[0] : f32 from vector<1xf32>
    %broadcast_in_dim3A_462 = vector.broadcast %squeeze3A_461 : f32 to vector<16xf32>
    %swap3A_463 = arith.constant 720 : index
    %swap3A_464 = tpu.vector_load %arg7[%swap3A_463] {strides = array<i32>} : memref<4864xf32, #tpu.memory_space<vmem>>, vector<16xf32>,
    tpu.vector_store %arg7[%swap3A_463], %broadcast_in_dim3A_462 {strides = array<i32>} : memref<4864xf32, #tpu.memory_space<vmem>>, vector<16xf32>,
    %slice3A_465 = vector.extract_strided_slice %get3A_394 {offsets = [14], sizes = [1], strides = [1]} : vector<16xf32> to vector<1xf32>
    %squeeze3A_466 = vector.extract %slice3A_465[0] : f32 from vector<1xf32>
    %broadcast_in_dim3A_467 = vector.broadcast %squeeze3A_466 : f32 to vector<16xf32>
    %swap3A_468 = arith.constant 736 : index
    %swap3A_469 = tpu.vector_load %arg7[%swap3A_468] {strides = array<i32>} : memref<4864xf32, #tpu.memory_space<vmem>>, vector<16xf32>,
    tpu.vector_store %arg7[%swap3A_468], %broadcast_in_dim3A_467 {strides = array<i32>} : memref<4864xf32, #tpu.memory_space<vmem>>, vector<16xf32>,
    %slice3A_470 = vector.extract_strided_slice %get3A_394 {offsets = [15], sizes = [1], strides = [1]} : vector<16xf32> to vector<1xf32>
    %squeeze3A_471 = vector.extract %slice3A_470[0] : f32 from vector<1xf32>
    %broadcast_in_dim3A_472 = vector.broadcast %squeeze3A_471 : f32 to vector<16xf32>
    %swap3A_473 = arith.constant 752 : index
    %swap3A_474 = tpu.vector_load %arg7[%swap3A_473] {strides = array<i32>} : memref<4864xf32, #tpu.memory_space<vmem>>, vector<16xf32>,
    tpu.vector_store %arg7[%swap3A_473], %broadcast_in_dim3A_472 {strides = array<i32>} : memref<4864xf32, #tpu.memory_space<vmem>>, vector<16xf32>,
    %get3A_475 = arith.constant 80 : index
    %get3A_476 = tpu.vector_load %arg6[%get3A_475] {strides = array<i32>} : memref<336xf32, #tpu.memory_space<vmem>>, vector<16xf32>,
    %slice3A_477 = vector.extract_strided_slice %get3A_476 {offsets = [0], sizes = [1], strides = [1]} : vector<16xf32> to vector<1xf32>
    %squeeze3A_478 = vector.extract %slice3A_477[0] : f32 from vector<1xf32>
    %broadcast_in_dim3A_479 = vector.broadcast %squeeze3A_478 : f32 to vector<16xf32>
    %swap3A_480 = arith.constant 768 : index
    %swap3A_481 = tpu.vector_load %arg7[%swap3A_480] {strides = array<i32>} : memref<4864xf32, #tpu.memory_space<vmem>>, vector<16xf32>,
    tpu.vector_store %arg7[%swap3A_480], %broadcast_in_dim3A_479 {strides = array<i32>} : memref<4864xf32, #tpu.memory_space<vmem>>, vector<16xf32>,
    %slice3A_482 = vector.extract_strided_slice %get3A_476 {offsets = [1], sizes = [1], strides = [1]} : vector<16xf32> to vector<1xf32>
    %squeeze3A_483 = vector.extract %slice3A_482[0] : f32 from vector<1xf32>
    %broadcast_in_dim3A_484 = vector.broadcast %squeeze3A_483 : f32 to vector<16xf32>
    %swap3A_485 = arith.constant 784 : index
    %swap3A_486 = tpu.vector_load %arg7[%swap3A_485] {strides = array<i32>} : memref<4864xf32, #tpu.memory_space<vmem>>, vector<16xf32>,
    tpu.vector_store %arg7[%swap3A_485], %broadcast_in_dim3A_484 {strides = array<i32>} : memref<4864xf32, #tpu.memory_space<vmem>>, vector<16xf32>,
    %slice3A_487 = vector.extract_strided_slice %get3A_476 {offsets = [2], sizes = [1], strides = [1]} : vector<16xf32> to vector<1xf32>
    %squeeze3A_488 = vector.extract %slice3A_487[0] : f32 from vector<1xf32>
    %broadcast_in_dim3A_489 = vector.broadcast %squeeze3A_488 : f32 to vector<16xf32>
    %swap3A_490 = arith.constant 800 : index
    %swap3A_491 = tpu.vector_load %arg7[%swap3A_490] {strides = array<i32>} : memref<4864xf32, #tpu.memory_space<vmem>>, vector<16xf32>,
    tpu.vector_store %arg7[%swap3A_490], %broadcast_in_dim3A_489 {strides = array<i32>} : memref<4864xf32, #tpu.memory_space<vmem>>, vector<16xf32>,
    %slice3A_492 = vector.extract_strided_slice %get3A_476 {offsets = [3], sizes = [1], strides = [1]} : vector<16xf32> to vector<1xf32>
    %squeeze3A_493 = vector.extract %slice3A_492[0] : f32 from vector<1xf32>
    %broadcast_in_dim3A_494 = vector.broadcast %squeeze3A_493 : f32 to vector<16xf32>
    %swap3A_495 = arith.constant 816 : index
    %swap3A_496 = tpu.vector_load %arg7[%swap3A_495] {strides = array<i32>} : memref<4864xf32, #tpu.memory_space<vmem>>, vector<16xf32>,
    tpu.vector_store %arg7[%swap3A_495], %broadcast_in_dim3A_494 {strides = array<i32>} : memref<4864xf32, #tpu.memory_space<vmem>>, vector<16xf32>,
    %slice3A_497 = vector.extract_strided_slice %get3A_476 {offsets = [4], sizes = [1], strides = [1]} : vector<16xf32> to vector<1xf32>
    %squeeze3A_498 = vector.extract %slice3A_497[0] : f32 from vector<1xf32>
    %broadcast_in_dim3A_499 = vector.broadcast %squeeze3A_498 : f32 to vector<16xf32>
    %swap3A_500 = arith.constant 832 : index
    %swap3A_501 = tpu.vector_load %arg7[%swap3A_500] {strides = array<i32>} : memref<4864xf32, #tpu.memory_space<vmem>>, vector<16xf32>,
    tpu.vector_store %arg7[%swap3A_500], %broadcast_in_dim3A_499 {strides = array<i32>} : memref<4864xf32, #tpu.memory_space<vmem>>, vector<16xf32>,
    %slice3A_502 = vector.extract_strided_slice %get3A_476 {offsets = [5], sizes = [1], strides = [1]} : vector<16xf32> to vector<1xf32>
    %squeeze3A_503 = vector.extract %slice3A_502[0] : f32 from vector<1xf32>
    %broadcast_in_dim3A_504 = vector.broadcast %squeeze3A_503 : f32 to vector<16xf32>
    %swap3A_505 = arith.constant 848 : index
    %swap3A_506 = tpu.vector_load %arg7[%swap3A_505] {strides = array<i32>} : memref<4864xf32, #tpu.memory_space<vmem>>, vector<16xf32>,
    tpu.vector_store %arg7[%swap3A_505], %broadcast_in_dim3A_504 {strides = array<i32>} : memref<4864xf32, #tpu.memory_space<vmem>>, vector<16xf32>,
    %slice3A_507 = vector.extract_strided_slice %get3A_476 {offsets = [6], sizes = [1], strides = [1]} : vector<16xf32> to vector<1xf32>
    %squeeze3A_508 = vector.extract %slice3A_507[0] : f32 from vector<1xf32>
    %broadcast_in_dim3A_509 = vector.broadcast %squeeze3A_508 : f32 to vector<16xf32>
    %swap3A_510 = arith.constant 864 : index
    %swap3A_511 = tpu.vector_load %arg7[%swap3A_510] {strides = array<i32>} : memref<4864xf32, #tpu.memory_space<vmem>>, vector<16xf32>,
    tpu.vector_store %arg7[%swap3A_510], %broadcast_in_dim3A_509 {strides = array<i32>} : memref<4864xf32, #tpu.memory_space<vmem>>, vector<16xf32>,
    %slice3A_512 = vector.extract_strided_slice %get3A_476 {offsets = [7], sizes = [1], strides = [1]} : vector<16xf32> to vector<1xf32>
    %squeeze3A_513 = vector.extract %slice3A_512[0] : f32 from vector<1xf32>
    %broadcast_in_dim3A_514 = vector.broadcast %squeeze3A_513 : f32 to vector<16xf32>
    %swap3A_515 = arith.constant 880 : index
    %swap3A_516 = tpu.vector_load %arg7[%swap3A_515] {strides = array<i32>} : memref<4864xf32, #tpu.memory_space<vmem>>, vector<16xf32>,
    tpu.vector_store %arg7[%swap3A_515], %broadcast_in_dim3A_514 {strides = array<i32>} : memref<4864xf32, #tpu.memory_space<vmem>>, vector<16xf32>,
    %slice3A_517 = vector.extract_strided_slice %get3A_476 {offsets = [8], sizes = [1], strides = [1]} : vector<16xf32> to vector<1xf32>
    %squeeze3A_518 = vector.extract %slice3A_517[0] : f32 from vector<1xf32>
    %broadcast_in_dim3A_519 = vector.broadcast %squeeze3A_518 : f32 to vector<16xf32>
    %swap3A_520 = arith.constant 896 : index
    %swap3A_521 = tpu.vector_load %arg7[%swap3A_520] {strides = array<i32>} : memref<4864xf32, #tpu.memory_space<vmem>>, vector<16xf32>,
    tpu.vector_store %arg7[%swap3A_520], %broadcast_in_dim3A_519 {strides = array<i32>} : memref<4864xf32, #tpu.memory_space<vmem>>, vector<16xf32>,
    %slice3A_522 = vector.extract_strided_slice %get3A_476 {offsets = [9], sizes = [1], strides = [1]} : vector<16xf32> to vector<1xf32>
    %squeeze3A_523 = vector.extract %slice3A_522[0] : f32 from vector<1xf32>
    %broadcast_in_dim3A_524 = vector.broadcast %squeeze3A_523 : f32 to vector<16xf32>
    %swap3A_525 = arith.constant 912 : index
    %swap3A_526 = tpu.vector_load %arg7[%swap3A_525] {strides = array<i32>} : memref<4864xf32, #tpu.memory_space<vmem>>, vector<16xf32>,
    tpu.vector_store %arg7[%swap3A_525], %broadcast_in_dim3A_524 {strides = array<i32>} : memref<4864xf32, #tpu.memory_space<vmem>>, vector<16xf32>,
    %slice3A_527 = vector.extract_strided_slice %get3A_476 {offsets = [10], sizes = [1], strides = [1]} : vector<16xf32> to vector<1xf32>
    %squeeze3A_528 = vector.extract %slice3A_527[0] : f32 from vector<1xf32>
    %broadcast_in_dim3A_529 = vector.broadcast %squeeze3A_528 : f32 to vector<16xf32>
    %swap3A_530 = arith.constant 928 : index
    %swap3A_531 = tpu.vector_load %arg7[%swap3A_530] {strides = array<i32>} : memref<4864xf32, #tpu.memory_space<vmem>>, vector<16xf32>,
    tpu.vector_store %arg7[%swap3A_530], %broadcast_in_dim3A_529 {strides = array<i32>} : memref<4864xf32, #tpu.memory_space<vmem>>, vector<16xf32>,
    %slice3A_532 = vector.extract_strided_slice %get3A_476 {offsets = [11], sizes = [1], strides = [1]} : vector<16xf32> to vector<1xf32>
    %squeeze3A_533 = vector.extract %slice3A_532[0] : f32 from vector<1xf32>
    %broadcast_in_dim3A_534 = vector.broadcast %squeeze3A_533 : f32 to vector<16xf32>
    %swap3A_535 = arith.constant 944 : index
    %swap3A_536 = tpu.vector_load %arg7[%swap3A_535] {strides = array<i32>} : memref<4864xf32, #tpu.memory_space<vmem>>, vector<16xf32>,
    tpu.vector_store %arg7[%swap3A_535], %broadcast_in_dim3A_534 {strides = array<i32>} : memref<4864xf32, #tpu.memory_space<vmem>>, vector<16xf32>,
    %slice3A_537 = vector.extract_strided_slice %get3A_476 {offsets = [12], sizes = [1], strides = [1]} : vector<16xf32> to vector<1xf32>
    %squeeze3A_538 = vector.extract %slice3A_537[0] : f32 from vector<1xf32>
    %broadcast_in_dim3A_539 = vector.broadcast %squeeze3A_538 : f32 to vector<16xf32>
    %swap3A_540 = arith.constant 960 : index
    %swap3A_541 = tpu.vector_load %arg7[%swap3A_540] {strides = array<i32>} : memref<4864xf32, #tpu.memory_space<vmem>>, vector<16xf32>,
    tpu.vector_store %arg7[%swap3A_540], %broadcast_in_dim3A_539 {strides = array<i32>} : memref<4864xf32, #tpu.memory_space<vmem>>, vector<16xf32>,
    %slice3A_542 = vector.extract_strided_slice %get3A_476 {offsets = [13], sizes = [1], strides = [1]} : vector<16xf32> to vector<1xf32>
    %squeeze3A_543 = vector.extract %slice3A_542[0] : f32 from vector<1xf32>
    %broadcast_in_dim3A_544 = vector.broadcast %squeeze3A_543 : f32 to vector<16xf32>
    %swap3A_545 = arith.constant 976 : index
    %swap3A_546 = tpu.vector_load %arg7[%swap3A_545] {strides = array<i32>} : memref<4864xf32, #tpu.memory_space<vmem>>, vector<16xf32>,
    tpu.vector_store %arg7[%swap3A_545], %broadcast_in_dim3A_544 {strides = array<i32>} : memref<4864xf32, #tpu.memory_space<vmem>>, vector<16xf32>,
    %slice3A_547 = vector.extract_strided_slice %get3A_476 {offsets = [14], sizes = [1], strides = [1]} : vector<16xf32> to vector<1xf32>
    %squeeze3A_548 = vector.extract %slice3A_547[0] : f32 from vector<1xf32>
    %broadcast_in_dim3A_549 = vector.broadcast %squeeze3A_548 : f32 to vector<16xf32>
    %swap3A_550 = arith.constant 992 : index
    %swap3A_551 = tpu.vector_load %arg7[%swap3A_550] {strides = array<i32>} : memref<4864xf32, #tpu.memory_space<vmem>>, vector<16xf32>,
    tpu.vector_store %arg7[%swap3A_550], %broadcast_in_dim3A_549 {strides = array<i32>} : memref<4864xf32, #tpu.memory_space<vmem>>, vector<16xf32>,
    %slice3A_552 = vector.extract_strided_slice %get3A_476 {offsets = [15], sizes = [1], strides = [1]} : vector<16xf32> to vector<1xf32>
    %squeeze3A_553 = vector.extract %slice3A_552[0] : f32 from vector<1xf32>
    %broadcast_in_dim3A_554 = vector.broadcast %squeeze3A_553 : f32 to vector<16xf32>
    %swap3A_555 = arith.constant 1008 : index
    %swap3A_556 = tpu.vector_load %arg7[%swap3A_555] {strides = array<i32>} : memref<4864xf32, #tpu.memory_space<vmem>>, vector<16xf32>,
    tpu.vector_store %arg7[%swap3A_555], %broadcast_in_dim3A_554 {strides = array<i32>} : memref<4864xf32, #tpu.memory_space<vmem>>, vector<16xf32>,
    %get3A_557 = arith.constant 96 : index
    %get3A_558 = tpu.vector_load %arg6[%get3A_557] {strides = array<i32>} : memref<336xf32, #tpu.memory_space<vmem>>, vector<16xf32>,
    %slice3A_559 = vector.extract_strided_slice %get3A_558 {offsets = [0], sizes = [1], strides = [1]} : vector<16xf32> to vector<1xf32>
    %squeeze3A_560 = vector.extract %slice3A_559[0] : f32 from vector<1xf32>
    %broadcast_in_dim3A_561 = vector.broadcast %squeeze3A_560 : f32 to vector<16xf32>
    %swap3A_562 = arith.constant 1024 : index
    %swap3A_563 = tpu.vector_load %arg7[%swap3A_562] {strides = array<i32>} : memref<4864xf32, #tpu.memory_space<vmem>>, vector<16xf32>,
    tpu.vector_store %arg7[%swap3A_562], %broadcast_in_dim3A_561 {strides = array<i32>} : memref<4864xf32, #tpu.memory_space<vmem>>, vector<16xf32>,
    %slice3A_564 = vector.extract_strided_slice %get3A_558 {offsets = [1], sizes = [1], strides = [1]} : vector<16xf32> to vector<1xf32>
    %squeeze3A_565 = vector.extract %slice3A_564[0] : f32 from vector<1xf32>
    %broadcast_in_dim3A_566 = vector.broadcast %squeeze3A_565 : f32 to vector<16xf32>
    %swap3A_567 = arith.constant 1040 : index
    %swap3A_568 = tpu.vector_load %arg7[%swap3A_567] {strides = array<i32>} : memref<4864xf32, #tpu.memory_space<vmem>>, vector<16xf32>,
    tpu.vector_store %arg7[%swap3A_567], %broadcast_in_dim3A_566 {strides = array<i32>} : memref<4864xf32, #tpu.memory_space<vmem>>, vector<16xf32>,
    %slice3A_569 = vector.extract_strided_slice %get3A_558 {offsets = [2], sizes = [1], strides = [1]} : vector<16xf32> to vector<1xf32>
    %squeeze3A_570 = vector.extract %slice3A_569[0] : f32 from vector<1xf32>
    %broadcast_in_dim3A_571 = vector.broadcast %squeeze3A_570 : f32 to vector<16xf32>
    %swap3A_572 = arith.constant 1056 : index
    %swap3A_573 = tpu.vector_load %arg7[%swap3A_572] {strides = array<i32>} : memref<4864xf32, #tpu.memory_space<vmem>>, vector<16xf32>,
    tpu.vector_store %arg7[%swap3A_572], %broadcast_in_dim3A_571 {strides = array<i32>} : memref<4864xf32, #tpu.memory_space<vmem>>, vector<16xf32>,
    %slice3A_574 = vector.extract_strided_slice %get3A_558 {offsets = [3], sizes = [1], strides = [1]} : vector<16xf32> to vector<1xf32>
    %squeeze3A_575 = vector.extract %slice3A_574[0] : f32 from vector<1xf32>
    %broadcast_in_dim3A_576 = vector.broadcast %squeeze3A_575 : f32 to vector<16xf32>
    %swap3A_577 = arith.constant 1072 : index
    %swap3A_578 = tpu.vector_load %arg7[%swap3A_577] {strides = array<i32>} : memref<4864xf32, #tpu.memory_space<vmem>>, vector<16xf32>,
    tpu.vector_store %arg7[%swap3A_577], %broadcast_in_dim3A_576 {strides = array<i32>} : memref<4864xf32, #tpu.memory_space<vmem>>, vector<16xf32>,
    %slice3A_579 = vector.extract_strided_slice %get3A_558 {offsets = [4], sizes = [1], strides = [1]} : vector<16xf32> to vector<1xf32>
    %squeeze3A_580 = vector.extract %slice3A_579[0] : f32 from vector<1xf32>
    %broadcast_in_dim3A_581 = vector.broadcast %squeeze3A_580 : f32 to vector<16xf32>
    %swap3A_582 = arith.constant 1088 : index
    %swap3A_583 = tpu.vector_load %arg7[%swap3A_582] {strides = array<i32>} : memref<4864xf32, #tpu.memory_space<vmem>>, vector<16xf32>,
    tpu.vector_store %arg7[%swap3A_582], %broadcast_in_dim3A_581 {strides = array<i32>} : memref<4864xf32, #tpu.memory_space<vmem>>, vector<16xf32>,
    %slice3A_584 = vector.extract_strided_slice %get3A_558 {offsets = [5], sizes = [1], strides = [1]} : vector<16xf32> to vector<1xf32>
    %squeeze3A_585 = vector.extract %slice3A_584[0] : f32 from vector<1xf32>
    %broadcast_in_dim3A_586 = vector.broadcast %squeeze3A_585 : f32 to vector<16xf32>
    %swap3A_587 = arith.constant 1104 : index
    %swap3A_588 = tpu.vector_load %arg7[%swap3A_587] {strides = array<i32>} : memref<4864xf32, #tpu.memory_space<vmem>>, vector<16xf32>,
    tpu.vector_store %arg7[%swap3A_587], %broadcast_in_dim3A_586 {strides = array<i32>} : memref<4864xf32, #tpu.memory_space<vmem>>, vector<16xf32>,
    %slice3A_589 = vector.extract_strided_slice %get3A_558 {offsets = [6], sizes = [1], strides = [1]} : vector<16xf32> to vector<1xf32>
    %squeeze3A_590 = vector.extract %slice3A_589[0] : f32 from vector<1xf32>
    %broadcast_in_dim3A_591 = vector.broadcast %squeeze3A_590 : f32 to vector<16xf32>
    %swap3A_592 = arith.constant 1120 : index
    %swap3A_593 = tpu.vector_load %arg7[%swap3A_592] {strides = array<i32>} : memref<4864xf32, #tpu.memory_space<vmem>>, vector<16xf32>,
    tpu.vector_store %arg7[%swap3A_592], %broadcast_in_dim3A_591 {strides = array<i32>} : memref<4864xf32, #tpu.memory_space<vmem>>, vector<16xf32>,
    %slice3A_594 = vector.extract_strided_slice %get3A_558 {offsets = [7], sizes = [1], strides = [1]} : vector<16xf32> to vector<1xf32>
    %squeeze3A_595 = vector.extract %slice3A_594[0] : f32 from vector<1xf32>
    %broadcast_in_dim3A_596 = vector.broadcast %squeeze3A_595 : f32 to vector<16xf32>
    %swap3A_597 = arith.constant 1136 : index
    %swap3A_598 = tpu.vector_load %arg7[%swap3A_597] {strides = array<i32>} : memref<4864xf32, #tpu.memory_space<vmem>>, vector<16xf32>,
    tpu.vector_store %arg7[%swap3A_597], %broadcast_in_dim3A_596 {strides = array<i32>} : memref<4864xf32, #tpu.memory_space<vmem>>, vector<16xf32>,
    %slice3A_599 = vector.extract_strided_slice %get3A_558 {offsets = [8], sizes = [1], strides = [1]} : vector<16xf32> to vector<1xf32>
    %squeeze3A_600 = vector.extract %slice3A_599[0] : f32 from vector<1xf32>
    %broadcast_in_dim3A_601 = vector.broadcast %squeeze3A_600 : f32 to vector<16xf32>
    %swap3A_602 = arith.constant 1152 : index
    %swap3A_603 = tpu.vector_load %arg7[%swap3A_602] {strides = array<i32>} : memref<4864xf32, #tpu.memory_space<vmem>>, vector<16xf32>,
    tpu.vector_store %arg7[%swap3A_602], %broadcast_in_dim3A_601 {strides = array<i32>} : memref<4864xf32, #tpu.memory_space<vmem>>, vector<16xf32>,
    %slice3A_604 = vector.extract_strided_slice %get3A_558 {offsets = [9], sizes = [1], strides = [1]} : vector<16xf32> to vector<1xf32>
    %squeeze3A_605 = vector.extract %slice3A_604[0] : f32 from vector<1xf32>
    %broadcast_in_dim3A_606 = vector.broadcast %squeeze3A_605 : f32 to vector<16xf32>
    %swap3A_607 = arith.constant 1168 : index
    %swap3A_608 = tpu.vector_load %arg7[%swap3A_607] {strides = array<i32>} : memref<4864xf32, #tpu.memory_space<vmem>>, vector<16xf32>,
    tpu.vector_store %arg7[%swap3A_607], %broadcast_in_dim3A_606 {strides = array<i32>} : memref<4864xf32, #tpu.memory_space<vmem>>, vector<16xf32>,
    %slice3A_609 = vector.extract_strided_slice %get3A_558 {offsets = [10], sizes = [1], strides = [1]} : vector<16xf32> to vector<1xf32>
    %squeeze3A_610 = vector.extract %slice3A_609[0] : f32 from vector<1xf32>
    %broadcast_in_dim3A_611 = vector.broadcast %squeeze3A_610 : f32 to vector<16xf32>
    %swap3A_612 = arith.constant 1184 : index
    %swap3A_613 = tpu.vector_load %arg7[%swap3A_612] {strides = array<i32>} : memref<4864xf32, #tpu.memory_space<vmem>>, vector<16xf32>,
    tpu.vector_store %arg7[%swap3A_612], %broadcast_in_dim3A_611 {strides = array<i32>} : memref<4864xf32, #tpu.memory_space<vmem>>, vector<16xf32>,
    %slice3A_614 = vector.extract_strided_slice %get3A_558 {offsets = [11], sizes = [1], strides = [1]} : vector<16xf32> to vector<1xf32>
    %squeeze3A_615 = vector.extract %slice3A_614[0] : f32 from vector<1xf32>
    %broadcast_in_dim3A_616 = vector.broadcast %squeeze3A_615 : f32 to vector<16xf32>
    %swap3A_617 = arith.constant 1200 : index
    %swap3A_618 = tpu.vector_load %arg7[%swap3A_617] {strides = array<i32>} : memref<4864xf32, #tpu.memory_space<vmem>>, vector<16xf32>,
    tpu.vector_store %arg7[%swap3A_617], %broadcast_in_dim3A_616 {strides = array<i32>} : memref<4864xf32, #tpu.memory_space<vmem>>, vector<16xf32>,
    %slice3A_619 = vector.extract_strided_slice %get3A_558 {offsets = [12], sizes = [1], strides = [1]} : vector<16xf32> to vector<1xf32>
    %squeeze3A_620 = vector.extract %slice3A_619[0] : f32 from vector<1xf32>
    %broadcast_in_dim3A_621 = vector.broadcast %squeeze3A_620 : f32 to vector<16xf32>
    %swap3A_622 = arith.constant 1216 : index
    %swap3A_623 = tpu.vector_load %arg7[%swap3A_622] {strides = array<i32>} : memref<4864xf32, #tpu.memory_space<vmem>>, vector<16xf32>,
    tpu.vector_store %arg7[%swap3A_622], %broadcast_in_dim3A_621 {strides = array<i32>} : memref<4864xf32, #tpu.memory_space<vmem>>, vector<16xf32>,
    %slice3A_624 = vector.extract_strided_slice %get3A_558 {offsets = [13], sizes = [1], strides = [1]} : vector<16xf32> to vector<1xf32>
    %squeeze3A_625 = vector.extract %slice3A_624[0] : f32 from vector<1xf32>
    %broadcast_in_dim3A_626 = vector.broadcast %squeeze3A_625 : f32 to vector<16xf32>
    %swap3A_627 = arith.constant 1232 : index
    %swap3A_628 = tpu.vector_load %arg7[%swap3A_627] {strides = array<i32>} : memref<4864xf32, #tpu.memory_space<vmem>>, vector<16xf32>,
    tpu.vector_store %arg7[%swap3A_627], %broadcast_in_dim3A_626 {strides = array<i32>} : memref<4864xf32, #tpu.memory_space<vmem>>, vector<16xf32>,
    %slice3A_629 = vector.extract_strided_slice %get3A_558 {offsets = [14], sizes = [1], strides = [1]} : vector<16xf32> to vector<1xf32>
    %squeeze3A_630 = vector.extract %slice3A_629[0] : f32 from vector<1xf32>
    %broadcast_in_dim3A_631 = vector.broadcast %squeeze3A_630 : f32 to vector<16xf32>
    %swap3A_632 = arith.constant 1248 : index
    %swap3A_633 = tpu.vector_load %arg7[%swap3A_632] {strides = array<i32>} : memref<4864xf32, #tpu.memory_space<vmem>>, vector<16xf32>,
    tpu.vector_store %arg7[%swap3A_632], %broadcast_in_dim3A_631 {strides = array<i32>} : memref<4864xf32, #tpu.memory_space<vmem>>, vector<16xf32>,
    %slice3A_634 = vector.extract_strided_slice %get3A_558 {offsets = [15], sizes = [1], strides = [1]} : vector<16xf32> to vector<1xf32>
    %squeeze3A_635 = vector.extract %slice3A_634[0] : f32 from vector<1xf32>
    %broadcast_in_dim3A_636 = vector.broadcast %squeeze3A_635 : f32 to vector<16xf32>
    %swap3A_637 = arith.constant 1264 : index
    %swap3A_638 = tpu.vector_load %arg7[%swap3A_637] {strides = array<i32>} : memref<4864xf32, #tpu.memory_space<vmem>>, vector<16xf32>,
    tpu.vector_store %arg7[%swap3A_637], %broadcast_in_dim3A_636 {strides = array<i32>} : memref<4864xf32, #tpu.memory_space<vmem>>, vector<16xf32>,
    %get3A_639 = arith.constant 112 : index
    %get3A_640 = tpu.vector_load %arg6[%get3A_639] {strides = array<i32>} : memref<336xf32, #tpu.memory_space<vmem>>, vector<16xf32>,
    %slice3A_641 = vector.extract_strided_slice %get3A_640 {offsets = [0], sizes = [1], strides = [1]} : vector<16xf32> to vector<1xf32>
    %squeeze3A_642 = vector.extract %slice3A_641[0] : f32 from vector<1xf32>
    %broadcast_in_dim3A_643 = vector.broadcast %squeeze3A_642 : f32 to vector<16xf32>
    %swap3A_644 = arith.constant 1280 : index
    %swap3A_645 = tpu.vector_load %arg7[%swap3A_644] {strides = array<i32>} : memref<4864xf32, #tpu.memory_space<vmem>>, vector<16xf32>,
    tpu.vector_store %arg7[%swap3A_644], %broadcast_in_dim3A_643 {strides = array<i32>} : memref<4864xf32, #tpu.memory_space<vmem>>, vector<16xf32>,
    %slice3A_646 = vector.extract_strided_slice %get3A_640 {offsets = [1], sizes = [1], strides = [1]} : vector<16xf32> to vector<1xf32>
    %squeeze3A_647 = vector.extract %slice3A_646[0] : f32 from vector<1xf32>
    %broadcast_in_dim3A_648 = vector.broadcast %squeeze3A_647 : f32 to vector<16xf32>
    %swap3A_649 = arith.constant 1296 : index
    %swap3A_650 = tpu.vector_load %arg7[%swap3A_649] {strides = array<i32>} : memref<4864xf32, #tpu.memory_space<vmem>>, vector<16xf32>,
    tpu.vector_store %arg7[%swap3A_649], %broadcast_in_dim3A_648 {strides = array<i32>} : memref<4864xf32, #tpu.memory_space<vmem>>, vector<16xf32>,
    %slice3A_651 = vector.extract_strided_slice %get3A_640 {offsets = [2], sizes = [1], strides = [1]} : vector<16xf32> to vector<1xf32>
    %squeeze3A_652 = vector.extract %slice3A_651[0] : f32 from vector<1xf32>
    %broadcast_in_dim3A_653 = vector.broadcast %squeeze3A_652 : f32 to vector<16xf32>
    %swap3A_654 = arith.constant 1312 : index
    %swap3A_655 = tpu.vector_load %arg7[%swap3A_654] {strides = array<i32>} : memref<4864xf32, #tpu.memory_space<vmem>>, vector<16xf32>,
    tpu.vector_store %arg7[%swap3A_654], %broadcast_in_dim3A_653 {strides = array<i32>} : memref<4864xf32, #tpu.memory_space<vmem>>, vector<16xf32>,
    %slice3A_656 = vector.extract_strided_slice %get3A_640 {offsets = [3], sizes = [1], strides = [1]} : vector<16xf32> to vector<1xf32>
    %squeeze3A_657 = vector.extract %slice3A_656[0] : f32 from vector<1xf32>
    %broadcast_in_dim3A_658 = vector.broadcast %squeeze3A_657 : f32 to vector<16xf32>
    %swap3A_659 = arith.constant 1328 : index
    %swap3A_660 = tpu.vector_load %arg7[%swap3A_659] {strides = array<i32>} : memref<4864xf32, #tpu.memory_space<vmem>>, vector<16xf32>,
    tpu.vector_store %arg7[%swap3A_659], %broadcast_in_dim3A_658 {strides = array<i32>} : memref<4864xf32, #tpu.memory_space<vmem>>, vector<16xf32>,
    %slice3A_661 = vector.extract_strided_slice %get3A_640 {offsets = [4], sizes = [1], strides = [1]} : vector<16xf32> to vector<1xf32>
    %squeeze3A_662 = vector.extract %slice3A_661[0] : f32 from vector<1xf32>
    %broadcast_in_dim3A_663 = vector.broadcast %squeeze3A_662 : f32 to vector<16xf32>
    %swap3A_664 = arith.constant 1344 : index
    %swap3A_665 = tpu.vector_load %arg7[%swap3A_664] {strides = array<i32>} : memref<4864xf32, #tpu.memory_space<vmem>>, vector<16xf32>,
    tpu.vector_store %arg7[%swap3A_664], %broadcast_in_dim3A_663 {strides = array<i32>} : memref<4864xf32, #tpu.memory_space<vmem>>, vector<16xf32>,
    %slice3A_666 = vector.extract_strided_slice %get3A_640 {offsets = [5], sizes = [1], strides = [1]} : vector<16xf32> to vector<1xf32>
    %squeeze3A_667 = vector.extract %slice3A_666[0] : f32 from vector<1xf32>
    %broadcast_in_dim3A_668 = vector.broadcast %squeeze3A_667 : f32 to vector<16xf32>
    %swap3A_669 = arith.constant 1360 : index
    %swap3A_670 = tpu.vector_load %arg7[%swap3A_669] {strides = array<i32>} : memref<4864xf32, #tpu.memory_space<vmem>>, vector<16xf32>,
    tpu.vector_store %arg7[%swap3A_669], %broadcast_in_dim3A_668 {strides = array<i32>} : memref<4864xf32, #tpu.memory_space<vmem>>, vector<16xf32>,
    %slice3A_671 = vector.extract_strided_slice %get3A_640 {offsets = [6], sizes = [1], strides = [1]} : vector<16xf32> to vector<1xf32>
    %squeeze3A_672 = vector.extract %slice3A_671[0] : f32 from vector<1xf32>
    %broadcast_in_dim3A_673 = vector.broadcast %squeeze3A_672 : f32 to vector<16xf32>
    %swap3A_674 = arith.constant 1376 : index
    %swap3A_675 = tpu.vector_load %arg7[%swap3A_674] {strides = array<i32>} : memref<4864xf32, #tpu.memory_space<vmem>>, vector<16xf32>,
    tpu.vector_store %arg7[%swap3A_674], %broadcast_in_dim3A_673 {strides = array<i32>} : memref<4864xf32, #tpu.memory_space<vmem>>, vector<16xf32>,
    %slice3A_676 = vector.extract_strided_slice %get3A_640 {offsets = [7], sizes = [1], strides = [1]} : vector<16xf32> to vector<1xf32>
    %squeeze3A_677 = vector.extract %slice3A_676[0] : f32 from vector<1xf32>
    %broadcast_in_dim3A_678 = vector.broadcast %squeeze3A_677 : f32 to vector<16xf32>
    %swap3A_679 = arith.constant 1392 : index
    %swap3A_680 = tpu.vector_load %arg7[%swap3A_679] {strides = array<i32>} : memref<4864xf32, #tpu.memory_space<vmem>>, vector<16xf32>,
    tpu.vector_store %arg7[%swap3A_679], %broadcast_in_dim3A_678 {strides = array<i32>} : memref<4864xf32, #tpu.memory_space<vmem>>, vector<16xf32>,
    %slice3A_681 = vector.extract_strided_slice %get3A_640 {offsets = [8], sizes = [1], strides = [1]} : vector<16xf32> to vector<1xf32>
    %squeeze3A_682 = vector.extract %slice3A_681[0] : f32 from vector<1xf32>
    %broadcast_in_dim3A_683 = vector.broadcast %squeeze3A_682 : f32 to vector<16xf32>
    %swap3A_684 = arith.constant 1408 : index
    %swap3A_685 = tpu.vector_load %arg7[%swap3A_684] {strides = array<i32>} : memref<4864xf32, #tpu.memory_space<vmem>>, vector<16xf32>,
    tpu.vector_store %arg7[%swap3A_684], %broadcast_in_dim3A_683 {strides = array<i32>} : memref<4864xf32, #tpu.memory_space<vmem>>, vector<16xf32>,
    %slice3A_686 = vector.extract_strided_slice %get3A_640 {offsets = [9], sizes = [1], strides = [1]} : vector<16xf32> to vector<1xf32>
    %squeeze3A_687 = vector.extract %slice3A_686[0] : f32 from vector<1xf32>
    %broadcast_in_dim3A_688 = vector.broadcast %squeeze3A_687 : f32 to vector<16xf32>
    %swap3A_689 = arith.constant 1424 : index
    %swap3A_690 = tpu.vector_load %arg7[%swap3A_689] {strides = array<i32>} : memref<4864xf32, #tpu.memory_space<vmem>>, vector<16xf32>,
    tpu.vector_store %arg7[%swap3A_689], %broadcast_in_dim3A_688 {strides = array<i32>} : memref<4864xf32, #tpu.memory_space<vmem>>, vector<16xf32>,
    %slice3A_691 = vector.extract_strided_slice %get3A_640 {offsets = [10], sizes = [1], strides = [1]} : vector<16xf32> to vector<1xf32>
    %squeeze3A_692 = vector.extract %slice3A_691[0] : f32 from vector<1xf32>
    %broadcast_in_dim3A_693 = vector.broadcast %squeeze3A_692 : f32 to vector<16xf32>
    %swap3A_694 = arith.constant 1440 : index
    %swap3A_695 = tpu.vector_load %arg7[%swap3A_694] {strides = array<i32>} : memref<4864xf32, #tpu.memory_space<vmem>>, vector<16xf32>,
    tpu.vector_store %arg7[%swap3A_694], %broadcast_in_dim3A_693 {strides = array<i32>} : memref<4864xf32, #tpu.memory_space<vmem>>, vector<16xf32>,
    %slice3A_696 = vector.extract_strided_slice %get3A_640 {offsets = [11], sizes = [1], strides = [1]} : vector<16xf32> to vector<1xf32>
    %squeeze3A_697 = vector.extract %slice3A_696[0] : f32 from vector<1xf32>
    %broadcast_in_dim3A_698 = vector.broadcast %squeeze3A_697 : f32 to vector<16xf32>
    %swap3A_699 = arith.constant 1456 : index
    %swap3A_700 = tpu.vector_load %arg7[%swap3A_699] {strides = array<i32>} : memref<4864xf32, #tpu.memory_space<vmem>>, vector<16xf32>,
    tpu.vector_store %arg7[%swap3A_699], %broadcast_in_dim3A_698 {strides = array<i32>} : memref<4864xf32, #tpu.memory_space<vmem>>, vector<16xf32>,
    %slice3A_701 = vector.extract_strided_slice %get3A_640 {offsets = [12], sizes = [1], strides = [1]} : vector<16xf32> to vector<1xf32>
    %squeeze3A_702 = vector.extract %slice3A_701[0] : f32 from vector<1xf32>
    %broadcast_in_dim3A_703 = vector.broadcast %squeeze3A_702 : f32 to vector<16xf32>
    %swap3A_704 = arith.constant 1472 : index
    %swap3A_705 = tpu.vector_load %arg7[%swap3A_704] {strides = array<i32>} : memref<4864xf32, #tpu.memory_space<vmem>>, vector<16xf32>,
    tpu.vector_store %arg7[%swap3A_704], %broadcast_in_dim3A_703 {strides = array<i32>} : memref<4864xf32, #tpu.memory_space<vmem>>, vector<16xf32>,
    %slice3A_706 = vector.extract_strided_slice %get3A_640 {offsets = [13], sizes = [1], strides = [1]} : vector<16xf32> to vector<1xf32>
    %squeeze3A_707 = vector.extract %slice3A_706[0] : f32 from vector<1xf32>
    %broadcast_in_dim3A_708 = vector.broadcast %squeeze3A_707 : f32 to vector<16xf32>
    %swap3A_709 = arith.constant 1488 : index
    %swap3A_710 = tpu.vector_load %arg7[%swap3A_709] {strides = array<i32>} : memref<4864xf32, #tpu.memory_space<vmem>>, vector<16xf32>,
    tpu.vector_store %arg7[%swap3A_709], %broadcast_in_dim3A_708 {strides = array<i32>} : memref<4864xf32, #tpu.memory_space<vmem>>, vector<16xf32>,
    %slice3A_711 = vector.extract_strided_slice %get3A_640 {offsets = [14], sizes = [1], strides = [1]} : vector<16xf32> to vector<1xf32>
    %squeeze3A_712 = vector.extract %slice3A_711[0] : f32 from vector<1xf32>
    %broadcast_in_dim3A_713 = vector.broadcast %squeeze3A_712 : f32 to vector<16xf32>
    %swap3A_714 = arith.constant 1504 : index
    %swap3A_715 = tpu.vector_load %arg7[%swap3A_714] {strides = array<i32>} : memref<4864xf32, #tpu.memory_space<vmem>>, vector<16xf32>,
    tpu.vector_store %arg7[%swap3A_714], %broadcast_in_dim3A_713 {strides = array<i32>} : memref<4864xf32, #tpu.memory_space<vmem>>, vector<16xf32>,
    %slice3A_716 = vector.extract_strided_slice %get3A_640 {offsets = [15], sizes = [1], strides = [1]} : vector<16xf32> to vector<1xf32>
    %squeeze3A_717 = vector.extract %slice3A_716[0] : f32 from vector<1xf32>
    %broadcast_in_dim3A_718 = vector.broadcast %squeeze3A_717 : f32 to vector<16xf32>
    %swap3A_719 = arith.constant 1520 : index
    %swap3A_720 = tpu.vector_load %arg7[%swap3A_719] {strides = array<i32>} : memref<4864xf32, #tpu.memory_space<vmem>>, vector<16xf32>,
    tpu.vector_store %arg7[%swap3A_719], %broadcast_in_dim3A_718 {strides = array<i32>} : memref<4864xf32, #tpu.memory_space<vmem>>, vector<16xf32>,
    %get3A_721 = arith.constant 128 : index
    %get3A_722 = tpu.vector_load %arg6[%get3A_721] {strides = array<i32>} : memref<336xf32, #tpu.memory_space<vmem>>, vector<16xf32>,
    %slice3A_723 = vector.extract_strided_slice %get3A_722 {offsets = [0], sizes = [1], strides = [1]} : vector<16xf32> to vector<1xf32>
    %squeeze3A_724 = vector.extract %slice3A_723[0] : f32 from vector<1xf32>
    %broadcast_in_dim3A_725 = vector.broadcast %squeeze3A_724 : f32 to vector<16xf32>
    %swap3A_726 = arith.constant 1536 : index
    %swap3A_727 = tpu.vector_load %arg7[%swap3A_726] {strides = array<i32>} : memref<4864xf32, #tpu.memory_space<vmem>>, vector<16xf32>,
    tpu.vector_store %arg7[%swap3A_726], %broadcast_in_dim3A_725 {strides = array<i32>} : memref<4864xf32, #tpu.memory_space<vmem>>, vector<16xf32>,
    %slice3A_728 = vector.extract_strided_slice %get3A_722 {offsets = [1], sizes = [1], strides = [1]} : vector<16xf32> to vector<1xf32>
    %squeeze3A_729 = vector.extract %slice3A_728[0] : f32 from vector<1xf32>
    %broadcast_in_dim3A_730 = vector.broadcast %squeeze3A_729 : f32 to vector<16xf32>
    %swap3A_731 = arith.constant 1552 : index
    %swap3A_732 = tpu.vector_load %arg7[%swap3A_731] {strides = array<i32>} : memref<4864xf32, #tpu.memory_space<vmem>>, vector<16xf32>,
    tpu.vector_store %arg7[%swap3A_731], %broadcast_in_dim3A_730 {strides = array<i32>} : memref<4864xf32, #tpu.memory_space<vmem>>, vector<16xf32>,
    %slice3A_733 = vector.extract_strided_slice %get3A_722 {offsets = [2], sizes = [1], strides = [1]} : vector<16xf32> to vector<1xf32>
    %squeeze3A_734 = vector.extract %slice3A_733[0] : f32 from vector<1xf32>
    %broadcast_in_dim3A_735 = vector.broadcast %squeeze3A_734 : f32 to vector<16xf32>
    %swap3A_736 = arith.constant 1568 : index
    %swap3A_737 = tpu.vector_load %arg7[%swap3A_736] {strides = array<i32>} : memref<4864xf32, #tpu.memory_space<vmem>>, vector<16xf32>,
    tpu.vector_store %arg7[%swap3A_736], %broadcast_in_dim3A_735 {strides = array<i32>} : memref<4864xf32, #tpu.memory_space<vmem>>, vector<16xf32>,
    %slice3A_738 = vector.extract_strided_slice %get3A_722 {offsets = [3], sizes = [1], strides = [1]} : vector<16xf32> to vector<1xf32>
    %squeeze3A_739 = vector.extract %slice3A_738[0] : f32 from vector<1xf32>
    %broadcast_in_dim3A_740 = vector.broadcast %squeeze3A_739 : f32 to vector<16xf32>
    %swap3A_741 = arith.constant 1584 : index
    %swap3A_742 = tpu.vector_load %arg7[%swap3A_741] {strides = array<i32>} : memref<4864xf32, #tpu.memory_space<vmem>>, vector<16xf32>,
    tpu.vector_store %arg7[%swap3A_741], %broadcast_in_dim3A_740 {strides = array<i32>} : memref<4864xf32, #tpu.memory_space<vmem>>, vector<16xf32>,
    %slice3A_743 = vector.extract_strided_slice %get3A_722 {offsets = [4], sizes = [1], strides = [1]} : vector<16xf32> to vector<1xf32>
    %squeeze3A_744 = vector.extract %slice3A_743[0] : f32 from vector<1xf32>
    %broadcast_in_dim3A_745 = vector.broadcast %squeeze3A_744 : f32 to vector<16xf32>
    %swap3A_746 = arith.constant 1600 : index
    %swap3A_747 = tpu.vector_load %arg7[%swap3A_746] {strides = array<i32>} : memref<4864xf32, #tpu.memory_space<vmem>>, vector<16xf32>,
    tpu.vector_store %arg7[%swap3A_746], %broadcast_in_dim3A_745 {strides = array<i32>} : memref<4864xf32, #tpu.memory_space<vmem>>, vector<16xf32>,
    %slice3A_748 = vector.extract_strided_slice %get3A_722 {offsets = [5], sizes = [1], strides = [1]} : vector<16xf32> to vector<1xf32>
    %squeeze3A_749 = vector.extract %slice3A_748[0] : f32 from vector<1xf32>
    %broadcast_in_dim3A_750 = vector.broadcast %squeeze3A_749 : f32 to vector<16xf32>
    %swap3A_751 = arith.constant 1616 : index
    %swap3A_752 = tpu.vector_load %arg7[%swap3A_751] {strides = array<i32>} : memref<4864xf32, #tpu.memory_space<vmem>>, vector<16xf32>,
    tpu.vector_store %arg7[%swap3A_751], %broadcast_in_dim3A_750 {strides = array<i32>} : memref<4864xf32, #tpu.memory_space<vmem>>, vector<16xf32>,
    %slice3A_753 = vector.extract_strided_slice %get3A_722 {offsets = [6], sizes = [1], strides = [1]} : vector<16xf32> to vector<1xf32>
    %squeeze3A_754 = vector.extract %slice3A_753[0] : f32 from vector<1xf32>
    %broadcast_in_dim3A_755 = vector.broadcast %squeeze3A_754 : f32 to vector<16xf32>
    %swap3A_756 = arith.constant 1632 : index
    %swap3A_757 = tpu.vector_load %arg7[%swap3A_756] {strides = array<i32>} : memref<4864xf32, #tpu.memory_space<vmem>>, vector<16xf32>,
    tpu.vector_store %arg7[%swap3A_756], %broadcast_in_dim3A_755 {strides = array<i32>} : memref<4864xf32, #tpu.memory_space<vmem>>, vector<16xf32>,
    %slice3A_758 = vector.extract_strided_slice %get3A_722 {offsets = [7], sizes = [1], strides = [1]} : vector<16xf32> to vector<1xf32>
    %squeeze3A_759 = vector.extract %slice3A_758[0] : f32 from vector<1xf32>
    %broadcast_in_dim3A_760 = vector.broadcast %squeeze3A_759 : f32 to vector<16xf32>
    %swap3A_761 = arith.constant 1648 : index
    %swap3A_762 = tpu.vector_load %arg7[%swap3A_761] {strides = array<i32>} : memref<4864xf32, #tpu.memory_space<vmem>>, vector<16xf32>,
    tpu.vector_store %arg7[%swap3A_761], %broadcast_in_dim3A_760 {strides = array<i32>} : memref<4864xf32, #tpu.memory_space<vmem>>, vector<16xf32>,
    %slice3A_763 = vector.extract_strided_slice %get3A_722 {offsets = [8], sizes = [1], strides = [1]} : vector<16xf32> to vector<1xf32>
    %squeeze3A_764 = vector.extract %slice3A_763[0] : f32 from vector<1xf32>
    %broadcast_in_dim3A_765 = vector.broadcast %squeeze3A_764 : f32 to vector<16xf32>
    %swap3A_766 = arith.constant 1664 : index
    %swap3A_767 = tpu.vector_load %arg7[%swap3A_766] {strides = array<i32>} : memref<4864xf32, #tpu.memory_space<vmem>>, vector<16xf32>,
    tpu.vector_store %arg7[%swap3A_766], %broadcast_in_dim3A_765 {strides = array<i32>} : memref<4864xf32, #tpu.memory_space<vmem>>, vector<16xf32>,
    %slice3A_768 = vector.extract_strided_slice %get3A_722 {offsets = [9], sizes = [1], strides = [1]} : vector<16xf32> to vector<1xf32>
    %squeeze3A_769 = vector.extract %slice3A_768[0] : f32 from vector<1xf32>
    %broadcast_in_dim3A_770 = vector.broadcast %squeeze3A_769 : f32 to vector<16xf32>
    %swap3A_771 = arith.constant 1680 : index
    %swap3A_772 = tpu.vector_load %arg7[%swap3A_771] {strides = array<i32>} : memref<4864xf32, #tpu.memory_space<vmem>>, vector<16xf32>,
    tpu.vector_store %arg7[%swap3A_771], %broadcast_in_dim3A_770 {strides = array<i32>} : memref<4864xf32, #tpu.memory_space<vmem>>, vector<16xf32>,
    %slice3A_773 = vector.extract_strided_slice %get3A_722 {offsets = [10], sizes = [1], strides = [1]} : vector<16xf32> to vector<1xf32>
    %squeeze3A_774 = vector.extract %slice3A_773[0] : f32 from vector<1xf32>
    %broadcast_in_dim3A_775 = vector.broadcast %squeeze3A_774 : f32 to vector<16xf32>
    %swap3A_776 = arith.constant 1696 : index
    %swap3A_777 = tpu.vector_load %arg7[%swap3A_776] {strides = array<i32>} : memref<4864xf32, #tpu.memory_space<vmem>>, vector<16xf32>,
    tpu.vector_store %arg7[%swap3A_776], %broadcast_in_dim3A_775 {strides = array<i32>} : memref<4864xf32, #tpu.memory_space<vmem>>, vector<16xf32>,
    %slice3A_778 = vector.extract_strided_slice %get3A_722 {offsets = [11], sizes = [1], strides = [1]} : vector<16xf32> to vector<1xf32>
    %squeeze3A_779 = vector.extract %slice3A_778[0] : f32 from vector<1xf32>
    %broadcast_in_dim3A_780 = vector.broadcast %squeeze3A_779 : f32 to vector<16xf32>
    %swap3A_781 = arith.constant 1712 : index
    %swap3A_782 = tpu.vector_load %arg7[%swap3A_781] {strides = array<i32>} : memref<4864xf32, #tpu.memory_space<vmem>>, vector<16xf32>,
    tpu.vector_store %arg7[%swap3A_781], %broadcast_in_dim3A_780 {strides = array<i32>} : memref<4864xf32, #tpu.memory_space<vmem>>, vector<16xf32>,
    %slice3A_783 = vector.extract_strided_slice %get3A_722 {offsets = [12], sizes = [1], strides = [1]} : vector<16xf32> to vector<1xf32>
    %squeeze3A_784 = vector.extract %slice3A_783[0] : f32 from vector<1xf32>
    %broadcast_in_dim3A_785 = vector.broadcast %squeeze3A_784 : f32 to vector<16xf32>
    %swap3A_786 = arith.constant 1728 : index
    %swap3A_787 = tpu.vector_load %arg7[%swap3A_786] {strides = array<i32>} : memref<4864xf32, #tpu.memory_space<vmem>>, vector<16xf32>,
    tpu.vector_store %arg7[%swap3A_786], %broadcast_in_dim3A_785 {strides = array<i32>} : memref<4864xf32, #tpu.memory_space<vmem>>, vector<16xf32>,
    %slice3A_788 = vector.extract_strided_slice %get3A_722 {offsets = [13], sizes = [1], strides = [1]} : vector<16xf32> to vector<1xf32>
    %squeeze3A_789 = vector.extract %slice3A_788[0] : f32 from vector<1xf32>
    %broadcast_in_dim3A_790 = vector.broadcast %squeeze3A_789 : f32 to vector<16xf32>
    %swap3A_791 = arith.constant 1744 : index
    %swap3A_792 = tpu.vector_load %arg7[%swap3A_791] {strides = array<i32>} : memref<4864xf32, #tpu.memory_space<vmem>>, vector<16xf32>,
    tpu.vector_store %arg7[%swap3A_791], %broadcast_in_dim3A_790 {strides = array<i32>} : memref<4864xf32, #tpu.memory_space<vmem>>, vector<16xf32>,
    %slice3A_793 = vector.extract_strided_slice %get3A_722 {offsets = [14], sizes = [1], strides = [1]} : vector<16xf32> to vector<1xf32>
    %squeeze3A_794 = vector.extract %slice3A_793[0] : f32 from vector<1xf32>
    %broadcast_in_dim3A_795 = vector.broadcast %squeeze3A_794 : f32 to vector<16xf32>
    %swap3A_796 = arith.constant 1760 : index
    %swap3A_797 = tpu.vector_load %arg7[%swap3A_796] {strides = array<i32>} : memref<4864xf32, #tpu.memory_space<vmem>>, vector<16xf32>,
    tpu.vector_store %arg7[%swap3A_796], %broadcast_in_dim3A_795 {strides = array<i32>} : memref<4864xf32, #tpu.memory_space<vmem>>, vector<16xf32>,
    %slice3A_798 = vector.extract_strided_slice %get3A_722 {offsets = [15], sizes = [1], strides = [1]} : vector<16xf32> to vector<1xf32>
    %squeeze3A_799 = vector.extract %slice3A_798[0] : f32 from vector<1xf32>
    %broadcast_in_dim3A_800 = vector.broadcast %squeeze3A_799 : f32 to vector<16xf32>
    %swap3A_801 = arith.constant 1776 : index
    %swap3A_802 = tpu.vector_load %arg7[%swap3A_801] {strides = array<i32>} : memref<4864xf32, #tpu.memory_space<vmem>>, vector<16xf32>,
    tpu.vector_store %arg7[%swap3A_801], %broadcast_in_dim3A_800 {strides = array<i32>} : memref<4864xf32, #tpu.memory_space<vmem>>, vector<16xf32>,
    %get3A_803 = arith.constant 144 : index
    %get3A_804 = tpu.vector_load %arg6[%get3A_803] {strides = array<i32>} : memref<336xf32, #tpu.memory_space<vmem>>, vector<16xf32>,
    %slice3A_805 = vector.extract_strided_slice %get3A_804 {offsets = [0], sizes = [1], strides = [1]} : vector<16xf32> to vector<1xf32>
    %squeeze3A_806 = vector.extract %slice3A_805[0] : f32 from vector<1xf32>
    %broadcast_in_dim3A_807 = vector.broadcast %squeeze3A_806 : f32 to vector<16xf32>
    %swap3A_808 = arith.constant 1792 : index
    %swap3A_809 = tpu.vector_load %arg7[%swap3A_808] {strides = array<i32>} : memref<4864xf32, #tpu.memory_space<vmem>>, vector<16xf32>,
    tpu.vector_store %arg7[%swap3A_808], %broadcast_in_dim3A_807 {strides = array<i32>} : memref<4864xf32, #tpu.memory_space<vmem>>, vector<16xf32>,
    %slice3A_810 = vector.extract_strided_slice %get3A_804 {offsets = [1], sizes = [1], strides = [1]} : vector<16xf32> to vector<1xf32>
    %squeeze3A_811 = vector.extract %slice3A_810[0] : f32 from vector<1xf32>
    %broadcast_in_dim3A_812 = vector.broadcast %squeeze3A_811 : f32 to vector<16xf32>
    %swap3A_813 = arith.constant 1808 : index
    %swap3A_814 = tpu.vector_load %arg7[%swap3A_813] {strides = array<i32>} : memref<4864xf32, #tpu.memory_space<vmem>>, vector<16xf32>,
    tpu.vector_store %arg7[%swap3A_813], %broadcast_in_dim3A_812 {strides = array<i32>} : memref<4864xf32, #tpu.memory_space<vmem>>, vector<16xf32>,
    %slice3A_815 = vector.extract_strided_slice %get3A_804 {offsets = [2], sizes = [1], strides = [1]} : vector<16xf32> to vector<1xf32>
    %squeeze3A_816 = vector.extract %slice3A_815[0] : f32 from vector<1xf32>
    %broadcast_in_dim3A_817 = vector.broadcast %squeeze3A_816 : f32 to vector<16xf32>
    %swap3A_818 = arith.constant 1824 : index
    %swap3A_819 = tpu.vector_load %arg7[%swap3A_818] {strides = array<i32>} : memref<4864xf32, #tpu.memory_space<vmem>>, vector<16xf32>,
    tpu.vector_store %arg7[%swap3A_818], %broadcast_in_dim3A_817 {strides = array<i32>} : memref<4864xf32, #tpu.memory_space<vmem>>, vector<16xf32>,
    %slice3A_820 = vector.extract_strided_slice %get3A_804 {offsets = [3], sizes = [1], strides = [1]} : vector<16xf32> to vector<1xf32>
    %squeeze3A_821 = vector.extract %slice3A_820[0] : f32 from vector<1xf32>
    %broadcast_in_dim3A_822 = vector.broadcast %squeeze3A_821 : f32 to vector<16xf32>
    %swap3A_823 = arith.constant 1840 : index
    %swap3A_824 = tpu.vector_load %arg7[%swap3A_823] {strides = array<i32>} : memref<4864xf32, #tpu.memory_space<vmem>>, vector<16xf32>,
    tpu.vector_store %arg7[%swap3A_823], %broadcast_in_dim3A_822 {strides = array<i32>} : memref<4864xf32, #tpu.memory_space<vmem>>, vector<16xf32>,
    %slice3A_825 = vector.extract_strided_slice %get3A_804 {offsets = [4], sizes = [1], strides = [1]} : vector<16xf32> to vector<1xf32>
    %squeeze3A_826 = vector.extract %slice3A_825[0] : f32 from vector<1xf32>
    %broadcast_in_dim3A_827 = vector.broadcast %squeeze3A_826 : f32 to vector<16xf32>
    %swap3A_828 = arith.constant 1856 : index
    %swap3A_829 = tpu.vector_load %arg7[%swap3A_828] {strides = array<i32>} : memref<4864xf32, #tpu.memory_space<vmem>>, vector<16xf32>,
    tpu.vector_store %arg7[%swap3A_828], %broadcast_in_dim3A_827 {strides = array<i32>} : memref<4864xf32, #tpu.memory_space<vmem>>, vector<16xf32>,
    %slice3A_830 = vector.extract_strided_slice %get3A_804 {offsets = [5], sizes = [1], strides = [1]} : vector<16xf32> to vector<1xf32>
    %squeeze3A_831 = vector.extract %slice3A_830[0] : f32 from vector<1xf32>
    %broadcast_in_dim3A_832 = vector.broadcast %squeeze3A_831 : f32 to vector<16xf32>
    %swap3A_833 = arith.constant 1872 : index
    %swap3A_834 = tpu.vector_load %arg7[%swap3A_833] {strides = array<i32>} : memref<4864xf32, #tpu.memory_space<vmem>>, vector<16xf32>,
    tpu.vector_store %arg7[%swap3A_833], %broadcast_in_dim3A_832 {strides = array<i32>} : memref<4864xf32, #tpu.memory_space<vmem>>, vector<16xf32>,
    %slice3A_835 = vector.extract_strided_slice %get3A_804 {offsets = [6], sizes = [1], strides = [1]} : vector<16xf32> to vector<1xf32>
    %squeeze3A_836 = vector.extract %slice3A_835[0] : f32 from vector<1xf32>
    %broadcast_in_dim3A_837 = vector.broadcast %squeeze3A_836 : f32 to vector<16xf32>
    %swap3A_838 = arith.constant 1888 : index
    %swap3A_839 = tpu.vector_load %arg7[%swap3A_838] {strides = array<i32>} : memref<4864xf32, #tpu.memory_space<vmem>>, vector<16xf32>,
    tpu.vector_store %arg7[%swap3A_838], %broadcast_in_dim3A_837 {strides = array<i32>} : memref<4864xf32, #tpu.memory_space<vmem>>, vector<16xf32>,
    %slice3A_840 = vector.extract_strided_slice %get3A_804 {offsets = [7], sizes = [1], strides = [1]} : vector<16xf32> to vector<1xf32>
    %squeeze3A_841 = vector.extract %slice3A_840[0] : f32 from vector<1xf32>
    %broadcast_in_dim3A_842 = vector.broadcast %squeeze3A_841 : f32 to vector<16xf32>
    %swap3A_843 = arith.constant 1904 : index
    %swap3A_844 = tpu.vector_load %arg7[%swap3A_843] {strides = array<i32>} : memref<4864xf32, #tpu.memory_space<vmem>>, vector<16xf32>,
    tpu.vector_store %arg7[%swap3A_843], %broadcast_in_dim3A_842 {strides = array<i32>} : memref<4864xf32, #tpu.memory_space<vmem>>, vector<16xf32>,
    %slice3A_845 = vector.extract_strided_slice %get3A_804 {offsets = [8], sizes = [1], strides = [1]} : vector<16xf32> to vector<1xf32>
    %squeeze3A_846 = vector.extract %slice3A_845[0] : f32 from vector<1xf32>
    %broadcast_in_dim3A_847 = vector.broadcast %squeeze3A_846 : f32 to vector<16xf32>
    %swap3A_848 = arith.constant 1920 : index
    %swap3A_849 = tpu.vector_load %arg7[%swap3A_848] {strides = array<i32>} : memref<4864xf32, #tpu.memory_space<vmem>>, vector<16xf32>,
    tpu.vector_store %arg7[%swap3A_848], %broadcast_in_dim3A_847 {strides = array<i32>} : memref<4864xf32, #tpu.memory_space<vmem>>, vector<16xf32>,
    %slice3A_850 = vector.extract_strided_slice %get3A_804 {offsets = [9], sizes = [1], strides = [1]} : vector<16xf32> to vector<1xf32>
    %squeeze3A_851 = vector.extract %slice3A_850[0] : f32 from vector<1xf32>
    %broadcast_in_dim3A_852 = vector.broadcast %squeeze3A_851 : f32 to vector<16xf32>
    %swap3A_853 = arith.constant 1936 : index
    %swap3A_854 = tpu.vector_load %arg7[%swap3A_853] {strides = array<i32>} : memref<4864xf32, #tpu.memory_space<vmem>>, vector<16xf32>,
    tpu.vector_store %arg7[%swap3A_853], %broadcast_in_dim3A_852 {strides = array<i32>} : memref<4864xf32, #tpu.memory_space<vmem>>, vector<16xf32>,
    %slice3A_855 = vector.extract_strided_slice %get3A_804 {offsets = [10], sizes = [1], strides = [1]} : vector<16xf32> to vector<1xf32>
    %squeeze3A_856 = vector.extract %slice3A_855[0] : f32 from vector<1xf32>
    %broadcast_in_dim3A_857 = vector.broadcast %squeeze3A_856 : f32 to vector<16xf32>
    %swap3A_858 = arith.constant 1952 : index
    %swap3A_859 = tpu.vector_load %arg7[%swap3A_858] {strides = array<i32>} : memref<4864xf32, #tpu.memory_space<vmem>>, vector<16xf32>,
    tpu.vector_store %arg7[%swap3A_858], %broadcast_in_dim3A_857 {strides = array<i32>} : memref<4864xf32, #tpu.memory_space<vmem>>, vector<16xf32>,
    %slice3A_860 = vector.extract_strided_slice %get3A_804 {offsets = [11], sizes = [1], strides = [1]} : vector<16xf32> to vector<1xf32>
    %squeeze3A_861 = vector.extract %slice3A_860[0] : f32 from vector<1xf32>
    %broadcast_in_dim3A_862 = vector.broadcast %squeeze3A_861 : f32 to vector<16xf32>
    %swap3A_863 = arith.constant 1968 : index
    %swap3A_864 = tpu.vector_load %arg7[%swap3A_863] {strides = array<i32>} : memref<4864xf32, #tpu.memory_space<vmem>>, vector<16xf32>,
    tpu.vector_store %arg7[%swap3A_863], %broadcast_in_dim3A_862 {strides = array<i32>} : memref<4864xf32, #tpu.memory_space<vmem>>, vector<16xf32>,
    %slice3A_865 = vector.extract_strided_slice %get3A_804 {offsets = [12], sizes = [1], strides = [1]} : vector<16xf32> to vector<1xf32>
    %squeeze3A_866 = vector.extract %slice3A_865[0] : f32 from vector<1xf32>
    %broadcast_in_dim3A_867 = vector.broadcast %squeeze3A_866 : f32 to vector<16xf32>
    %swap3A_868 = arith.constant 1984 : index
    %swap3A_869 = tpu.vector_load %arg7[%swap3A_868] {strides = array<i32>} : memref<4864xf32, #tpu.memory_space<vmem>>, vector<16xf32>,
    tpu.vector_store %arg7[%swap3A_868], %broadcast_in_dim3A_867 {strides = array<i32>} : memref<4864xf32, #tpu.memory_space<vmem>>, vector<16xf32>,
    %slice3A_870 = vector.extract_strided_slice %get3A_804 {offsets = [13], sizes = [1], strides = [1]} : vector<16xf32> to vector<1xf32>
    %squeeze3A_871 = vector.extract %slice3A_870[0] : f32 from vector<1xf32>
    %broadcast_in_dim3A_872 = vector.broadcast %squeeze3A_871 : f32 to vector<16xf32>
    %swap3A_873 = arith.constant 2000 : index
    %swap3A_874 = tpu.vector_load %arg7[%swap3A_873] {strides = array<i32>} : memref<4864xf32, #tpu.memory_space<vmem>>, vector<16xf32>,
    tpu.vector_store %arg7[%swap3A_873], %broadcast_in_dim3A_872 {strides = array<i32>} : memref<4864xf32, #tpu.memory_space<vmem>>, vector<16xf32>,
    %slice3A_875 = vector.extract_strided_slice %get3A_804 {offsets = [14], sizes = [1], strides = [1]} : vector<16xf32> to vector<1xf32>
    %squeeze3A_876 = vector.extract %slice3A_875[0] : f32 from vector<1xf32>
    %broadcast_in_dim3A_877 = vector.broadcast %squeeze3A_876 : f32 to vector<16xf32>
    %swap3A_878 = arith.constant 2016 : index
    %swap3A_879 = tpu.vector_load %arg7[%swap3A_878] {strides = array<i32>} : memref<4864xf32, #tpu.memory_space<vmem>>, vector<16xf32>,
    tpu.vector_store %arg7[%swap3A_878], %broadcast_in_dim3A_877 {strides = array<i32>} : memref<4864xf32, #tpu.memory_space<vmem>>, vector<16xf32>,
    %slice3A_880 = vector.extract_strided_slice %get3A_804 {offsets = [15], sizes = [1], strides = [1]} : vector<16xf32> to vector<1xf32>
    %squeeze3A_881 = vector.extract %slice3A_880[0] : f32 from vector<1xf32>
    %broadcast_in_dim3A_882 = vector.broadcast %squeeze3A_881 : f32 to vector<16xf32>
    %swap3A_883 = arith.constant 2032 : index
    %swap3A_884 = tpu.vector_load %arg7[%swap3A_883] {strides = array<i32>} : memref<4864xf32, #tpu.memory_space<vmem>>, vector<16xf32>,
    tpu.vector_store %arg7[%swap3A_883], %broadcast_in_dim3A_882 {strides = array<i32>} : memref<4864xf32, #tpu.memory_space<vmem>>, vector<16xf32>,
    %get3A_885 = arith.constant 160 : index
    %get3A_886 = tpu.vector_load %arg6[%get3A_885] {strides = array<i32>} : memref<336xf32, #tpu.memory_space<vmem>>, vector<16xf32>,
    %slice3A_887 = vector.extract_strided_slice %get3A_886 {offsets = [0], sizes = [1], strides = [1]} : vector<16xf32> to vector<1xf32>
    %squeeze3A_888 = vector.extract %slice3A_887[0] : f32 from vector<1xf32>
    %broadcast_in_dim3A_889 = vector.broadcast %squeeze3A_888 : f32 to vector<16xf32>
    %swap3A_890 = arith.constant 2048 : index
    %swap3A_891 = tpu.vector_load %arg7[%swap3A_890] {strides = array<i32>} : memref<4864xf32, #tpu.memory_space<vmem>>, vector<16xf32>,
    tpu.vector_store %arg7[%swap3A_890], %broadcast_in_dim3A_889 {strides = array<i32>} : memref<4864xf32, #tpu.memory_space<vmem>>, vector<16xf32>,
    %slice3A_892 = vector.extract_strided_slice %get3A_886 {offsets = [1], sizes = [1], strides = [1]} : vector<16xf32> to vector<1xf32>
    %squeeze3A_893 = vector.extract %slice3A_892[0] : f32 from vector<1xf32>
    %broadcast_in_dim3A_894 = vector.broadcast %squeeze3A_893 : f32 to vector<16xf32>
    %swap3A_895 = arith.constant 2064 : index
    %swap3A_896 = tpu.vector_load %arg7[%swap3A_895] {strides = array<i32>} : memref<4864xf32, #tpu.memory_space<vmem>>, vector<16xf32>,
    tpu.vector_store %arg7[%swap3A_895], %broadcast_in_dim3A_894 {strides = array<i32>} : memref<4864xf32, #tpu.memory_space<vmem>>, vector<16xf32>,
    %slice3A_897 = vector.extract_strided_slice %get3A_886 {offsets = [2], sizes = [1], strides = [1]} : vector<16xf32> to vector<1xf32>
    %squeeze3A_898 = vector.extract %slice3A_897[0] : f32 from vector<1xf32>
    %broadcast_in_dim3A_899 = vector.broadcast %squeeze3A_898 : f32 to vector<16xf32>
    %swap3A_900 = arith.constant 2080 : index
    %swap3A_901 = tpu.vector_load %arg7[%swap3A_900] {strides = array<i32>} : memref<4864xf32, #tpu.memory_space<vmem>>, vector<16xf32>,
    tpu.vector_store %arg7[%swap3A_900], %broadcast_in_dim3A_899 {strides = array<i32>} : memref<4864xf32, #tpu.memory_space<vmem>>, vector<16xf32>,
    %slice3A_902 = vector.extract_strided_slice %get3A_886 {offsets = [3], sizes = [1], strides = [1]} : vector<16xf32> to vector<1xf32>
    %squeeze3A_903 = vector.extract %slice3A_902[0] : f32 from vector<1xf32>
    %broadcast_in_dim3A_904 = vector.broadcast %squeeze3A_903 : f32 to vector<16xf32>
    %swap3A_905 = arith.constant 2096 : index
    %swap3A_906 = tpu.vector_load %arg7[%swap3A_905] {strides = array<i32>} : memref<4864xf32, #tpu.memory_space<vmem>>, vector<16xf32>,
    tpu.vector_store %arg7[%swap3A_905], %broadcast_in_dim3A_904 {strides = array<i32>} : memref<4864xf32, #tpu.memory_space<vmem>>, vector<16xf32>,
    %slice3A_907 = vector.extract_strided_slice %get3A_886 {offsets = [4], sizes = [1], strides = [1]} : vector<16xf32> to vector<1xf32>
    %squeeze3A_908 = vector.extract %slice3A_907[0] : f32 from vector<1xf32>
    %broadcast_in_dim3A_909 = vector.broadcast %squeeze3A_908 : f32 to vector<16xf32>
    %swap3A_910 = arith.constant 2112 : index
    %swap3A_911 = tpu.vector_load %arg7[%swap3A_910] {strides = array<i32>} : memref<4864xf32, #tpu.memory_space<vmem>>, vector<16xf32>,
    tpu.vector_store %arg7[%swap3A_910], %broadcast_in_dim3A_909 {strides = array<i32>} : memref<4864xf32, #tpu.memory_space<vmem>>, vector<16xf32>,
    %slice3A_912 = vector.extract_strided_slice %get3A_886 {offsets = [5], sizes = [1], strides = [1]} : vector<16xf32> to vector<1xf32>
    %squeeze3A_913 = vector.extract %slice3A_912[0] : f32 from vector<1xf32>
    %broadcast_in_dim3A_914 = vector.broadcast %squeeze3A_913 : f32 to vector<16xf32>
    %swap3A_915 = arith.constant 2128 : index
    %swap3A_916 = tpu.vector_load %arg7[%swap3A_915] {strides = array<i32>} : memref<4864xf32, #tpu.memory_space<vmem>>, vector<16xf32>,
    tpu.vector_store %arg7[%swap3A_915], %broadcast_in_dim3A_914 {strides = array<i32>} : memref<4864xf32, #tpu.memory_space<vmem>>, vector<16xf32>,
    %slice3A_917 = vector.extract_strided_slice %get3A_886 {offsets = [6], sizes = [1], strides = [1]} : vector<16xf32> to vector<1xf32>
    %squeeze3A_918 = vector.extract %slice3A_917[0] : f32 from vector<1xf32>
    %broadcast_in_dim3A_919 = vector.broadcast %squeeze3A_918 : f32 to vector<16xf32>
    %swap3A_920 = arith.constant 2144 : index
    %swap3A_921 = tpu.vector_load %arg7[%swap3A_920] {strides = array<i32>} : memref<4864xf32, #tpu.memory_space<vmem>>, vector<16xf32>,
    tpu.vector_store %arg7[%swap3A_920], %broadcast_in_dim3A_919 {strides = array<i32>} : memref<4864xf32, #tpu.memory_space<vmem>>, vector<16xf32>,
    %slice3A_922 = vector.extract_strided_slice %get3A_886 {offsets = [7], sizes = [1], strides = [1]} : vector<16xf32> to vector<1xf32>
    %squeeze3A_923 = vector.extract %slice3A_922[0] : f32 from vector<1xf32>
    %broadcast_in_dim3A_924 = vector.broadcast %squeeze3A_923 : f32 to vector<16xf32>
    %swap3A_925 = arith.constant 2160 : index
    %swap3A_926 = tpu.vector_load %arg7[%swap3A_925] {strides = array<i32>} : memref<4864xf32, #tpu.memory_space<vmem>>, vector<16xf32>,
    tpu.vector_store %arg7[%swap3A_925], %broadcast_in_dim3A_924 {strides = array<i32>} : memref<4864xf32, #tpu.memory_space<vmem>>, vector<16xf32>,
    %slice3A_927 = vector.extract_strided_slice %get3A_886 {offsets = [8], sizes = [1], strides = [1]} : vector<16xf32> to vector<1xf32>
    %squeeze3A_928 = vector.extract %slice3A_927[0] : f32 from vector<1xf32>
    %broadcast_in_dim3A_929 = vector.broadcast %squeeze3A_928 : f32 to vector<16xf32>
    %swap3A_930 = arith.constant 2176 : index
    %swap3A_931 = tpu.vector_load %arg7[%swap3A_930] {strides = array<i32>} : memref<4864xf32, #tpu.memory_space<vmem>>, vector<16xf32>,
    tpu.vector_store %arg7[%swap3A_930], %broadcast_in_dim3A_929 {strides = array<i32>} : memref<4864xf32, #tpu.memory_space<vmem>>, vector<16xf32>,
    %slice3A_932 = vector.extract_strided_slice %get3A_886 {offsets = [9], sizes = [1], strides = [1]} : vector<16xf32> to vector<1xf32>
    %squeeze3A_933 = vector.extract %slice3A_932[0] : f32 from vector<1xf32>
    %broadcast_in_dim3A_934 = vector.broadcast %squeeze3A_933 : f32 to vector<16xf32>
    %swap3A_935 = arith.constant 2192 : index
    %swap3A_936 = tpu.vector_load %arg7[%swap3A_935] {strides = array<i32>} : memref<4864xf32, #tpu.memory_space<vmem>>, vector<16xf32>,
    tpu.vector_store %arg7[%swap3A_935], %broadcast_in_dim3A_934 {strides = array<i32>} : memref<4864xf32, #tpu.memory_space<vmem>>, vector<16xf32>,
    %slice3A_937 = vector.extract_strided_slice %get3A_886 {offsets = [10], sizes = [1], strides = [1]} : vector<16xf32> to vector<1xf32>
    %squeeze3A_938 = vector.extract %slice3A_937[0] : f32 from vector<1xf32>
    %broadcast_in_dim3A_939 = vector.broadcast %squeeze3A_938 : f32 to vector<16xf32>
    %swap3A_940 = arith.constant 2208 : index
    %swap3A_941 = tpu.vector_load %arg7[%swap3A_940] {strides = array<i32>} : memref<4864xf32, #tpu.memory_space<vmem>>, vector<16xf32>,
    tpu.vector_store %arg7[%swap3A_940], %broadcast_in_dim3A_939 {strides = array<i32>} : memref<4864xf32, #tpu.memory_space<vmem>>, vector<16xf32>,
    %slice3A_942 = vector.extract_strided_slice %get3A_886 {offsets = [11], sizes = [1], strides = [1]} : vector<16xf32> to vector<1xf32>
    %squeeze3A_943 = vector.extract %slice3A_942[0] : f32 from vector<1xf32>
    %broadcast_in_dim3A_944 = vector.broadcast %squeeze3A_943 : f32 to vector<16xf32>
    %swap3A_945 = arith.constant 2224 : index
    %swap3A_946 = tpu.vector_load %arg7[%swap3A_945] {strides = array<i32>} : memref<4864xf32, #tpu.memory_space<vmem>>, vector<16xf32>,
    tpu.vector_store %arg7[%swap3A_945], %broadcast_in_dim3A_944 {strides = array<i32>} : memref<4864xf32, #tpu.memory_space<vmem>>, vector<16xf32>,
    %slice3A_947 = vector.extract_strided_slice %get3A_886 {offsets = [12], sizes = [1], strides = [1]} : vector<16xf32> to vector<1xf32>
    %squeeze3A_948 = vector.extract %slice3A_947[0] : f32 from vector<1xf32>
    %broadcast_in_dim3A_949 = vector.broadcast %squeeze3A_948 : f32 to vector<16xf32>
    %swap3A_950 = arith.constant 2240 : index
    %swap3A_951 = tpu.vector_load %arg7[%swap3A_950] {strides = array<i32>} : memref<4864xf32, #tpu.memory_space<vmem>>, vector<16xf32>,
    tpu.vector_store %arg7[%swap3A_950], %broadcast_in_dim3A_949 {strides = array<i32>} : memref<4864xf32, #tpu.memory_space<vmem>>, vector<16xf32>,
    %slice3A_952 = vector.extract_strided_slice %get3A_886 {offsets = [13], sizes = [1], strides = [1]} : vector<16xf32> to vector<1xf32>
    %squeeze3A_953 = vector.extract %slice3A_952[0] : f32 from vector<1xf32>
    %broadcast_in_dim3A_954 = vector.broadcast %squeeze3A_953 : f32 to vector<16xf32>
    %swap3A_955 = arith.constant 2256 : index
    %swap3A_956 = tpu.vector_load %arg7[%swap3A_955] {strides = array<i32>} : memref<4864xf32, #tpu.memory_space<vmem>>, vector<16xf32>,
    tpu.vector_store %arg7[%swap3A_955], %broadcast_in_dim3A_954 {strides = array<i32>} : memref<4864xf32, #tpu.memory_space<vmem>>, vector<16xf32>,
    %slice3A_957 = vector.extract_strided_slice %get3A_886 {offsets = [14], sizes = [1], strides = [1]} : vector<16xf32> to vector<1xf32>
    %squeeze3A_958 = vector.extract %slice3A_957[0] : f32 from vector<1xf32>
    %broadcast_in_dim3A_959 = vector.broadcast %squeeze3A_958 : f32 to vector<16xf32>
    %swap3A_960 = arith.constant 2272 : index
    %swap3A_961 = tpu.vector_load %arg7[%swap3A_960] {strides = array<i32>} : memref<4864xf32, #tpu.memory_space<vmem>>, vector<16xf32>,
    tpu.vector_store %arg7[%swap3A_960], %broadcast_in_dim3A_959 {strides = array<i32>} : memref<4864xf32, #tpu.memory_space<vmem>>, vector<16xf32>,
    %slice3A_962 = vector.extract_strided_slice %get3A_886 {offsets = [15], sizes = [1], strides = [1]} : vector<16xf32> to vector<1xf32>
    %squeeze3A_963 = vector.extract %slice3A_962[0] : f32 from vector<1xf32>
    %broadcast_in_dim3A_964 = vector.broadcast %squeeze3A_963 : f32 to vector<16xf32>
    %swap3A_965 = arith.constant 2288 : index
    %swap3A_966 = tpu.vector_load %arg7[%swap3A_965] {strides = array<i32>} : memref<4864xf32, #tpu.memory_space<vmem>>, vector<16xf32>,
    tpu.vector_store %arg7[%swap3A_965], %broadcast_in_dim3A_964 {strides = array<i32>} : memref<4864xf32, #tpu.memory_space<vmem>>, vector<16xf32>,
    %get3A_967 = arith.constant 176 : index
    %get3A_968 = tpu.vector_load %arg6[%get3A_967] {strides = array<i32>} : memref<336xf32, #tpu.memory_space<vmem>>, vector<16xf32>,
    %slice3A_969 = vector.extract_strided_slice %get3A_968 {offsets = [0], sizes = [1], strides = [1]} : vector<16xf32> to vector<1xf32>
    %squeeze3A_970 = vector.extract %slice3A_969[0] : f32 from vector<1xf32>
    %broadcast_in_dim3A_971 = vector.broadcast %squeeze3A_970 : f32 to vector<16xf32>
    %swap3A_972 = arith.constant 2304 : index
    %swap3A_973 = tpu.vector_load %arg7[%swap3A_972] {strides = array<i32>} : memref<4864xf32, #tpu.memory_space<vmem>>, vector<16xf32>,
    tpu.vector_store %arg7[%swap3A_972], %broadcast_in_dim3A_971 {strides = array<i32>} : memref<4864xf32, #tpu.memory_space<vmem>>, vector<16xf32>,
    %slice3A_974 = vector.extract_strided_slice %get3A_968 {offsets = [1], sizes = [1], strides = [1]} : vector<16xf32> to vector<1xf32>
    %squeeze3A_975 = vector.extract %slice3A_974[0] : f32 from vector<1xf32>
    %broadcast_in_dim3A_976 = vector.broadcast %squeeze3A_975 : f32 to vector<16xf32>
    %swap3A_977 = arith.constant 2320 : index
    %swap3A_978 = tpu.vector_load %arg7[%swap3A_977] {strides = array<i32>} : memref<4864xf32, #tpu.memory_space<vmem>>, vector<16xf32>,
    tpu.vector_store %arg7[%swap3A_977], %broadcast_in_dim3A_976 {strides = array<i32>} : memref<4864xf32, #tpu.memory_space<vmem>>, vector<16xf32>,
    %slice3A_979 = vector.extract_strided_slice %get3A_968 {offsets = [2], sizes = [1], strides = [1]} : vector<16xf32> to vector<1xf32>
    %squeeze3A_980 = vector.extract %slice3A_979[0] : f32 from vector<1xf32>
    %broadcast_in_dim3A_981 = vector.broadcast %squeeze3A_980 : f32 to vector<16xf32>
    %swap3A_982 = arith.constant 2336 : index
    %swap3A_983 = tpu.vector_load %arg7[%swap3A_982] {strides = array<i32>} : memref<4864xf32, #tpu.memory_space<vmem>>, vector<16xf32>,
    tpu.vector_store %arg7[%swap3A_982], %broadcast_in_dim3A_981 {strides = array<i32>} : memref<4864xf32, #tpu.memory_space<vmem>>, vector<16xf32>,
    %slice3A_984 = vector.extract_strided_slice %get3A_968 {offsets = [3], sizes = [1], strides = [1]} : vector<16xf32> to vector<1xf32>
    %squeeze3A_985 = vector.extract %slice3A_984[0] : f32 from vector<1xf32>
    %broadcast_in_dim3A_986 = vector.broadcast %squeeze3A_985 : f32 to vector<16xf32>
    %swap3A_987 = arith.constant 2352 : index
    %swap3A_988 = tpu.vector_load %arg7[%swap3A_987] {strides = array<i32>} : memref<4864xf32, #tpu.memory_space<vmem>>, vector<16xf32>,
    tpu.vector_store %arg7[%swap3A_987], %broadcast_in_dim3A_986 {strides = array<i32>} : memref<4864xf32, #tpu.memory_space<vmem>>, vector<16xf32>,
    %slice3A_989 = vector.extract_strided_slice %get3A_968 {offsets = [4], sizes = [1], strides = [1]} : vector<16xf32> to vector<1xf32>
    %squeeze3A_990 = vector.extract %slice3A_989[0] : f32 from vector<1xf32>
    %broadcast_in_dim3A_991 = vector.broadcast %squeeze3A_990 : f32 to vector<16xf32>
    %swap3A_992 = arith.constant 2368 : index
    %swap3A_993 = tpu.vector_load %arg7[%swap3A_992] {strides = array<i32>} : memref<4864xf32, #tpu.memory_space<vmem>>, vector<16xf32>,
    tpu.vector_store %arg7[%swap3A_992], %broadcast_in_dim3A_991 {strides = array<i32>} : memref<4864xf32, #tpu.memory_space<vmem>>, vector<16xf32>,
    %slice3A_994 = vector.extract_strided_slice %get3A_968 {offsets = [5], sizes = [1], strides = [1]} : vector<16xf32> to vector<1xf32>
    %squeeze3A_995 = vector.extract %slice3A_994[0] : f32 from vector<1xf32>
    %broadcast_in_dim3A_996 = vector.broadcast %squeeze3A_995 : f32 to vector<16xf32>
    %swap3A_997 = arith.constant 2384 : index
    %swap3A_998 = tpu.vector_load %arg7[%swap3A_997] {strides = array<i32>} : memref<4864xf32, #tpu.memory_space<vmem>>, vector<16xf32>,
    tpu.vector_store %arg7[%swap3A_997], %broadcast_in_dim3A_996 {strides = array<i32>} : memref<4864xf32, #tpu.memory_space<vmem>>, vector<16xf32>,
    %slice3A_999 = vector.extract_strided_slice %get3A_968 {offsets = [6], sizes = [1], strides = [1]} : vector<16xf32> to vector<1xf32>
    %squeeze3A_1000 = vector.extract %slice3A_999[0] : f32 from vector<1xf32>
    %broadcast_in_dim3A_1001 = vector.broadcast %squeeze3A_1000 : f32 to vector<16xf32>
    %swap3A_1002 = arith.constant 2400 : index
    %swap3A_1003 = tpu.vector_load %arg7[%swap3A_1002] {strides = array<i32>} : memref<4864xf32, #tpu.memory_space<vmem>>, vector<16xf32>,
    tpu.vector_store %arg7[%swap3A_1002], %broadcast_in_dim3A_1001 {strides = array<i32>} : memref<4864xf32, #tpu.memory_space<vmem>>, vector<16xf32>,
    %slice3A_1004 = vector.extract_strided_slice %get3A_968 {offsets = [7], sizes = [1], strides = [1]} : vector<16xf32> to vector<1xf32>
    %squeeze3A_1005 = vector.extract %slice3A_1004[0] : f32 from vector<1xf32>
    %broadcast_in_dim3A_1006 = vector.broadcast %squeeze3A_1005 : f32 to vector<16xf32>
    %swap3A_1007 = arith.constant 2416 : index
    %swap3A_1008 = tpu.vector_load %arg7[%swap3A_1007] {strides = array<i32>} : memref<4864xf32, #tpu.memory_space<vmem>>, vector<16xf32>,
    tpu.vector_store %arg7[%swap3A_1007], %broadcast_in_dim3A_1006 {strides = array<i32>} : memref<4864xf32, #tpu.memory_space<vmem>>, vector<16xf32>,
    %slice3A_1009 = vector.extract_strided_slice %get3A_968 {offsets = [8], sizes = [1], strides = [1]} : vector<16xf32> to vector<1xf32>
    %squeeze3A_1010 = vector.extract %slice3A_1009[0] : f32 from vector<1xf32>
    %broadcast_in_dim3A_1011 = vector.broadcast %squeeze3A_1010 : f32 to vector<16xf32>
    %swap3A_1012 = arith.constant 2432 : index
    %swap3A_1013 = tpu.vector_load %arg7[%swap3A_1012] {strides = array<i32>} : memref<4864xf32, #tpu.memory_space<vmem>>, vector<16xf32>,
    tpu.vector_store %arg7[%swap3A_1012], %broadcast_in_dim3A_1011 {strides = array<i32>} : memref<4864xf32, #tpu.memory_space<vmem>>, vector<16xf32>,
    %slice3A_1014 = vector.extract_strided_slice %get3A_968 {offsets = [9], sizes = [1], strides = [1]} : vector<16xf32> to vector<1xf32>
    %squeeze3A_1015 = vector.extract %slice3A_1014[0] : f32 from vector<1xf32>
    %broadcast_in_dim3A_1016 = vector.broadcast %squeeze3A_1015 : f32 to vector<16xf32>
    %swap3A_1017 = arith.constant 2448 : index
    %swap3A_1018 = tpu.vector_load %arg7[%swap3A_1017] {strides = array<i32>} : memref<4864xf32, #tpu.memory_space<vmem>>, vector<16xf32>,
    tpu.vector_store %arg7[%swap3A_1017], %broadcast_in_dim3A_1016 {strides = array<i32>} : memref<4864xf32, #tpu.memory_space<vmem>>, vector<16xf32>,
    %slice3A_1019 = vector.extract_strided_slice %get3A_968 {offsets = [10], sizes = [1], strides = [1]} : vector<16xf32> to vector<1xf32>
    %squeeze3A_1020 = vector.extract %slice3A_1019[0] : f32 from vector<1xf32>
    %broadcast_in_dim3A_1021 = vector.broadcast %squeeze3A_1020 : f32 to vector<16xf32>
    %swap3A_1022 = arith.constant 2464 : index
    %swap3A_1023 = tpu.vector_load %arg7[%swap3A_1022] {strides = array<i32>} : memref<4864xf32, #tpu.memory_space<vmem>>, vector<16xf32>,
    tpu.vector_store %arg7[%swap3A_1022], %broadcast_in_dim3A_1021 {strides = array<i32>} : memref<4864xf32, #tpu.memory_space<vmem>>, vector<16xf32>,
    %slice3A_1024 = vector.extract_strided_slice %get3A_968 {offsets = [11], sizes = [1], strides = [1]} : vector<16xf32> to vector<1xf32>
    %squeeze3A_1025 = vector.extract %slice3A_1024[0] : f32 from vector<1xf32>
    %broadcast_in_dim3A_1026 = vector.broadcast %squeeze3A_1025 : f32 to vector<16xf32>
    %swap3A_1027 = arith.constant 2480 : index
    %swap3A_1028 = tpu.vector_load %arg7[%swap3A_1027] {strides = array<i32>} : memref<4864xf32, #tpu.memory_space<vmem>>, vector<16xf32>,
    tpu.vector_store %arg7[%swap3A_1027], %broadcast_in_dim3A_1026 {strides = array<i32>} : memref<4864xf32, #tpu.memory_space<vmem>>, vector<16xf32>,
    %slice3A_1029 = vector.extract_strided_slice %get3A_968 {offsets = [12], sizes = [1], strides = [1]} : vector<16xf32> to vector<1xf32>
    %squeeze3A_1030 = vector.extract %slice3A_1029[0] : f32 from vector<1xf32>
    %broadcast_in_dim3A_1031 = vector.broadcast %squeeze3A_1030 : f32 to vector<16xf32>
    %swap3A_1032 = arith.constant 2496 : index
    %swap3A_1033 = tpu.vector_load %arg7[%swap3A_1032] {strides = array<i32>} : memref<4864xf32, #tpu.memory_space<vmem>>, vector<16xf32>,
    tpu.vector_store %arg7[%swap3A_1032], %broadcast_in_dim3A_1031 {strides = array<i32>} : memref<4864xf32, #tpu.memory_space<vmem>>, vector<16xf32>,
    %slice3A_1034 = vector.extract_strided_slice %get3A_968 {offsets = [13], sizes = [1], strides = [1]} : vector<16xf32> to vector<1xf32>
    %squeeze3A_1035 = vector.extract %slice3A_1034[0] : f32 from vector<1xf32>
    %broadcast_in_dim3A_1036 = vector.broadcast %squeeze3A_1035 : f32 to vector<16xf32>
    %swap3A_1037 = arith.constant 2512 : index
    %swap3A_1038 = tpu.vector_load %arg7[%swap3A_1037] {strides = array<i32>} : memref<4864xf32, #tpu.memory_space<vmem>>, vector<16xf32>,
    tpu.vector_store %arg7[%swap3A_1037], %broadcast_in_dim3A_1036 {strides = array<i32>} : memref<4864xf32, #tpu.memory_space<vmem>>, vector<16xf32>,
    %slice3A_1039 = vector.extract_strided_slice %get3A_968 {offsets = [14], sizes = [1], strides = [1]} : vector<16xf32> to vector<1xf32>
    %squeeze3A_1040 = vector.extract %slice3A_1039[0] : f32 from vector<1xf32>
    %broadcast_in_dim3A_1041 = vector.broadcast %squeeze3A_1040 : f32 to vector<16xf32>
    %swap3A_1042 = arith.constant 2528 : index
    %swap3A_1043 = tpu.vector_load %arg7[%swap3A_1042] {strides = array<i32>} : memref<4864xf32, #tpu.memory_space<vmem>>, vector<16xf32>,
    tpu.vector_store %arg7[%swap3A_1042], %broadcast_in_dim3A_1041 {strides = array<i32>} : memref<4864xf32, #tpu.memory_space<vmem>>, vector<16xf32>,
    %slice3A_1044 = vector.extract_strided_slice %get3A_968 {offsets = [15], sizes = [1], strides = [1]} : vector<16xf32> to vector<1xf32>
    %squeeze3A_1045 = vector.extract %slice3A_1044[0] : f32 from vector<1xf32>
    %broadcast_in_dim3A_1046 = vector.broadcast %squeeze3A_1045 : f32 to vector<16xf32>
    %swap3A_1047 = arith.constant 2544 : index
    %swap3A_1048 = tpu.vector_load %arg7[%swap3A_1047] {strides = array<i32>} : memref<4864xf32, #tpu.memory_space<vmem>>, vector<16xf32>,
    tpu.vector_store %arg7[%swap3A_1047], %broadcast_in_dim3A_1046 {strides = array<i32>} : memref<4864xf32, #tpu.memory_space<vmem>>, vector<16xf32>,
    %get3A_1049 = arith.constant 192 : index
    %get3A_1050 = tpu.vector_load %arg6[%get3A_1049] {strides = array<i32>} : memref<336xf32, #tpu.memory_space<vmem>>, vector<16xf32>,
    %slice3A_1051 = vector.extract_strided_slice %get3A_1050 {offsets = [0], sizes = [1], strides = [1]} : vector<16xf32> to vector<1xf32>
    %squeeze3A_1052 = vector.extract %slice3A_1051[0] : f32 from vector<1xf32>
    %broadcast_in_dim3A_1053 = vector.broadcast %squeeze3A_1052 : f32 to vector<16xf32>
    %swap3A_1054 = arith.constant 2560 : index
    %swap3A_1055 = tpu.vector_load %arg7[%swap3A_1054] {strides = array<i32>} : memref<4864xf32, #tpu.memory_space<vmem>>, vector<16xf32>,
    tpu.vector_store %arg7[%swap3A_1054], %broadcast_in_dim3A_1053 {strides = array<i32>} : memref<4864xf32, #tpu.memory_space<vmem>>, vector<16xf32>,
    %slice3A_1056 = vector.extract_strided_slice %get3A_1050 {offsets = [1], sizes = [1], strides = [1]} : vector<16xf32> to vector<1xf32>
    %squeeze3A_1057 = vector.extract %slice3A_1056[0] : f32 from vector<1xf32>
    %broadcast_in_dim3A_1058 = vector.broadcast %squeeze3A_1057 : f32 to vector<16xf32>
    %swap3A_1059 = arith.constant 2576 : index
    %swap3A_1060 = tpu.vector_load %arg7[%swap3A_1059] {strides = array<i32>} : memref<4864xf32, #tpu.memory_space<vmem>>, vector<16xf32>,
    tpu.vector_store %arg7[%swap3A_1059], %broadcast_in_dim3A_1058 {strides = array<i32>} : memref<4864xf32, #tpu.memory_space<vmem>>, vector<16xf32>,
    %slice3A_1061 = vector.extract_strided_slice %get3A_1050 {offsets = [2], sizes = [1], strides = [1]} : vector<16xf32> to vector<1xf32>
    %squeeze3A_1062 = vector.extract %slice3A_1061[0] : f32 from vector<1xf32>
    %broadcast_in_dim3A_1063 = vector.broadcast %squeeze3A_1062 : f32 to vector<16xf32>
    %swap3A_1064 = arith.constant 2592 : index
    %swap3A_1065 = tpu.vector_load %arg7[%swap3A_1064] {strides = array<i32>} : memref<4864xf32, #tpu.memory_space<vmem>>, vector<16xf32>,
    tpu.vector_store %arg7[%swap3A_1064], %broadcast_in_dim3A_1063 {strides = array<i32>} : memref<4864xf32, #tpu.memory_space<vmem>>, vector<16xf32>,
    %slice3A_1066 = vector.extract_strided_slice %get3A_1050 {offsets = [3], sizes = [1], strides = [1]} : vector<16xf32> to vector<1xf32>
    %squeeze3A_1067 = vector.extract %slice3A_1066[0] : f32 from vector<1xf32>
    %broadcast_in_dim3A_1068 = vector.broadcast %squeeze3A_1067 : f32 to vector<16xf32>
    %swap3A_1069 = arith.constant 2608 : index
    %swap3A_1070 = tpu.vector_load %arg7[%swap3A_1069] {strides = array<i32>} : memref<4864xf32, #tpu.memory_space<vmem>>, vector<16xf32>,
    tpu.vector_store %arg7[%swap3A_1069], %broadcast_in_dim3A_1068 {strides = array<i32>} : memref<4864xf32, #tpu.memory_space<vmem>>, vector<16xf32>,
    %slice3A_1071 = vector.extract_strided_slice %get3A_1050 {offsets = [4], sizes = [1], strides = [1]} : vector<16xf32> to vector<1xf32>
    %squeeze3A_1072 = vector.extract %slice3A_1071[0] : f32 from vector<1xf32>
    %broadcast_in_dim3A_1073 = vector.broadcast %squeeze3A_1072 : f32 to vector<16xf32>
    %swap3A_1074 = arith.constant 2624 : index
    %swap3A_1075 = tpu.vector_load %arg7[%swap3A_1074] {strides = array<i32>} : memref<4864xf32, #tpu.memory_space<vmem>>, vector<16xf32>,
    tpu.vector_store %arg7[%swap3A_1074], %broadcast_in_dim3A_1073 {strides = array<i32>} : memref<4864xf32, #tpu.memory_space<vmem>>, vector<16xf32>,
    %slice3A_1076 = vector.extract_strided_slice %get3A_1050 {offsets = [5], sizes = [1], strides = [1]} : vector<16xf32> to vector<1xf32>
    %squeeze3A_1077 = vector.extract %slice3A_1076[0] : f32 from vector<1xf32>
    %broadcast_in_dim3A_1078 = vector.broadcast %squeeze3A_1077 : f32 to vector<16xf32>
    %swap3A_1079 = arith.constant 2640 : index
    %swap3A_1080 = tpu.vector_load %arg7[%swap3A_1079] {strides = array<i32>} : memref<4864xf32, #tpu.memory_space<vmem>>, vector<16xf32>,
    tpu.vector_store %arg7[%swap3A_1079], %broadcast_in_dim3A_1078 {strides = array<i32>} : memref<4864xf32, #tpu.memory_space<vmem>>, vector<16xf32>,
    %slice3A_1081 = vector.extract_strided_slice %get3A_1050 {offsets = [6], sizes = [1], strides = [1]} : vector<16xf32> to vector<1xf32>
    %squeeze3A_1082 = vector.extract %slice3A_1081[0] : f32 from vector<1xf32>
    %broadcast_in_dim3A_1083 = vector.broadcast %squeeze3A_1082 : f32 to vector<16xf32>
    %swap3A_1084 = arith.constant 2656 : index
    %swap3A_1085 = tpu.vector_load %arg7[%swap3A_1084] {strides = array<i32>} : memref<4864xf32, #tpu.memory_space<vmem>>, vector<16xf32>,
    tpu.vector_store %arg7[%swap3A_1084], %broadcast_in_dim3A_1083 {strides = array<i32>} : memref<4864xf32, #tpu.memory_space<vmem>>, vector<16xf32>,
    %slice3A_1086 = vector.extract_strided_slice %get3A_1050 {offsets = [7], sizes = [1], strides = [1]} : vector<16xf32> to vector<1xf32>
    %squeeze3A_1087 = vector.extract %slice3A_1086[0] : f32 from vector<1xf32>
    %broadcast_in_dim3A_1088 = vector.broadcast %squeeze3A_1087 : f32 to vector<16xf32>
    %swap3A_1089 = arith.constant 2672 : index
    %swap3A_1090 = tpu.vector_load %arg7[%swap3A_1089] {strides = array<i32>} : memref<4864xf32, #tpu.memory_space<vmem>>, vector<16xf32>,
    tpu.vector_store %arg7[%swap3A_1089], %broadcast_in_dim3A_1088 {strides = array<i32>} : memref<4864xf32, #tpu.memory_space<vmem>>, vector<16xf32>,
    %slice3A_1091 = vector.extract_strided_slice %get3A_1050 {offsets = [8], sizes = [1], strides = [1]} : vector<16xf32> to vector<1xf32>
    %squeeze3A_1092 = vector.extract %slice3A_1091[0] : f32 from vector<1xf32>
    %broadcast_in_dim3A_1093 = vector.broadcast %squeeze3A_1092 : f32 to vector<16xf32>
    %swap3A_1094 = arith.constant 2688 : index
    %swap3A_1095 = tpu.vector_load %arg7[%swap3A_1094] {strides = array<i32>} : memref<4864xf32, #tpu.memory_space<vmem>>, vector<16xf32>,
    tpu.vector_store %arg7[%swap3A_1094], %broadcast_in_dim3A_1093 {strides = array<i32>} : memref<4864xf32, #tpu.memory_space<vmem>>, vector<16xf32>,
    %slice3A_1096 = vector.extract_strided_slice %get3A_1050 {offsets = [9], sizes = [1], strides = [1]} : vector<16xf32> to vector<1xf32>
    %squeeze3A_1097 = vector.extract %slice3A_1096[0] : f32 from vector<1xf32>
    %broadcast_in_dim3A_1098 = vector.broadcast %squeeze3A_1097 : f32 to vector<16xf32>
    %swap3A_1099 = arith.constant 2704 : index
    %swap3A_1100 = tpu.vector_load %arg7[%swap3A_1099] {strides = array<i32>} : memref<4864xf32, #tpu.memory_space<vmem>>, vector<16xf32>,
    tpu.vector_store %arg7[%swap3A_1099], %broadcast_in_dim3A_1098 {strides = array<i32>} : memref<4864xf32, #tpu.memory_space<vmem>>, vector<16xf32>,
    %slice3A_1101 = vector.extract_strided_slice %get3A_1050 {offsets = [10], sizes = [1], strides = [1]} : vector<16xf32> to vector<1xf32>
    %squeeze3A_1102 = vector.extract %slice3A_1101[0] : f32 from vector<1xf32>
    %broadcast_in_dim3A_1103 = vector.broadcast %squeeze3A_1102 : f32 to vector<16xf32>
    %swap3A_1104 = arith.constant 2720 : index
    %swap3A_1105 = tpu.vector_load %arg7[%swap3A_1104] {strides = array<i32>} : memref<4864xf32, #tpu.memory_space<vmem>>, vector<16xf32>,
    tpu.vector_store %arg7[%swap3A_1104], %broadcast_in_dim3A_1103 {strides = array<i32>} : memref<4864xf32, #tpu.memory_space<vmem>>, vector<16xf32>,
    %slice3A_1106 = vector.extract_strided_slice %get3A_1050 {offsets = [11], sizes = [1], strides = [1]} : vector<16xf32> to vector<1xf32>
    %squeeze3A_1107 = vector.extract %slice3A_1106[0] : f32 from vector<1xf32>
    %broadcast_in_dim3A_1108 = vector.broadcast %squeeze3A_1107 : f32 to vector<16xf32>
    %swap3A_1109 = arith.constant 2736 : index
    %swap3A_1110 = tpu.vector_load %arg7[%swap3A_1109] {strides = array<i32>} : memref<4864xf32, #tpu.memory_space<vmem>>, vector<16xf32>,
    tpu.vector_store %arg7[%swap3A_1109], %broadcast_in_dim3A_1108 {strides = array<i32>} : memref<4864xf32, #tpu.memory_space<vmem>>, vector<16xf32>,
    %slice3A_1111 = vector.extract_strided_slice %get3A_1050 {offsets = [12], sizes = [1], strides = [1]} : vector<16xf32> to vector<1xf32>
    %squeeze3A_1112 = vector.extract %slice3A_1111[0] : f32 from vector<1xf32>
    %broadcast_in_dim3A_1113 = vector.broadcast %squeeze3A_1112 : f32 to vector<16xf32>
    %swap3A_1114 = arith.constant 2752 : index
    %swap3A_1115 = tpu.vector_load %arg7[%swap3A_1114] {strides = array<i32>} : memref<4864xf32, #tpu.memory_space<vmem>>, vector<16xf32>,
    tpu.vector_store %arg7[%swap3A_1114], %broadcast_in_dim3A_1113 {strides = array<i32>} : memref<4864xf32, #tpu.memory_space<vmem>>, vector<16xf32>,
    %slice3A_1116 = vector.extract_strided_slice %get3A_1050 {offsets = [13], sizes = [1], strides = [1]} : vector<16xf32> to vector<1xf32>
    %squeeze3A_1117 = vector.extract %slice3A_1116[0] : f32 from vector<1xf32>
    %broadcast_in_dim3A_1118 = vector.broadcast %squeeze3A_1117 : f32 to vector<16xf32>
    %swap3A_1119 = arith.constant 2768 : index
    %swap3A_1120 = tpu.vector_load %arg7[%swap3A_1119] {strides = array<i32>} : memref<4864xf32, #tpu.memory_space<vmem>>, vector<16xf32>,
    tpu.vector_store %arg7[%swap3A_1119], %broadcast_in_dim3A_1118 {strides = array<i32>} : memref<4864xf32, #tpu.memory_space<vmem>>, vector<16xf32>,
    %slice3A_1121 = vector.extract_strided_slice %get3A_1050 {offsets = [14], sizes = [1], strides = [1]} : vector<16xf32> to vector<1xf32>
    %squeeze3A_1122 = vector.extract %slice3A_1121[0] : f32 from vector<1xf32>
    %broadcast_in_dim3A_1123 = vector.broadcast %squeeze3A_1122 : f32 to vector<16xf32>
    %swap3A_1124 = arith.constant 2784 : index
    %swap3A_1125 = tpu.vector_load %arg7[%swap3A_1124] {strides = array<i32>} : memref<4864xf32, #tpu.memory_space<vmem>>, vector<16xf32>,
    tpu.vector_store %arg7[%swap3A_1124], %broadcast_in_dim3A_1123 {strides = array<i32>} : memref<4864xf32, #tpu.memory_space<vmem>>, vector<16xf32>,
    %slice3A_1126 = vector.extract_strided_slice %get3A_1050 {offsets = [15], sizes = [1], strides = [1]} : vector<16xf32> to vector<1xf32>
    %squeeze3A_1127 = vector.extract %slice3A_1126[0] : f32 from vector<1xf32>
    %broadcast_in_dim3A_1128 = vector.broadcast %squeeze3A_1127 : f32 to vector<16xf32>
    %swap3A_1129 = arith.constant 2800 : index
    %swap3A_1130 = tpu.vector_load %arg7[%swap3A_1129] {strides = array<i32>} : memref<4864xf32, #tpu.memory_space<vmem>>, vector<16xf32>,
    tpu.vector_store %arg7[%swap3A_1129], %broadcast_in_dim3A_1128 {strides = array<i32>} : memref<4864xf32, #tpu.memory_space<vmem>>, vector<16xf32>,
    %get3A_1131 = arith.constant 208 : index
    %get3A_1132 = tpu.vector_load %arg6[%get3A_1131] {strides = array<i32>} : memref<336xf32, #tpu.memory_space<vmem>>, vector<16xf32>,
    %slice3A_1133 = vector.extract_strided_slice %get3A_1132 {offsets = [0], sizes = [1], strides = [1]} : vector<16xf32> to vector<1xf32>
    %squeeze3A_1134 = vector.extract %slice3A_1133[0] : f32 from vector<1xf32>
    %broadcast_in_dim3A_1135 = vector.broadcast %squeeze3A_1134 : f32 to vector<16xf32>
    %swap3A_1136 = arith.constant 2816 : index
    %swap3A_1137 = tpu.vector_load %arg7[%swap3A_1136] {strides = array<i32>} : memref<4864xf32, #tpu.memory_space<vmem>>, vector<16xf32>,
    tpu.vector_store %arg7[%swap3A_1136], %broadcast_in_dim3A_1135 {strides = array<i32>} : memref<4864xf32, #tpu.memory_space<vmem>>, vector<16xf32>,
    %slice3A_1138 = vector.extract_strided_slice %get3A_1132 {offsets = [1], sizes = [1], strides = [1]} : vector<16xf32> to vector<1xf32>
    %squeeze3A_1139 = vector.extract %slice3A_1138[0] : f32 from vector<1xf32>
    %broadcast_in_dim3A_1140 = vector.broadcast %squeeze3A_1139 : f32 to vector<16xf32>
    %swap3A_1141 = arith.constant 2832 : index
    %swap3A_1142 = tpu.vector_load %arg7[%swap3A_1141] {strides = array<i32>} : memref<4864xf32, #tpu.memory_space<vmem>>, vector<16xf32>,
    tpu.vector_store %arg7[%swap3A_1141], %broadcast_in_dim3A_1140 {strides = array<i32>} : memref<4864xf32, #tpu.memory_space<vmem>>, vector<16xf32>,
    %slice3A_1143 = vector.extract_strided_slice %get3A_1132 {offsets = [2], sizes = [1], strides = [1]} : vector<16xf32> to vector<1xf32>
    %squeeze3A_1144 = vector.extract %slice3A_1143[0] : f32 from vector<1xf32>
    %broadcast_in_dim3A_1145 = vector.broadcast %squeeze3A_1144 : f32 to vector<16xf32>
    %swap3A_1146 = arith.constant 2848 : index
    %swap3A_1147 = tpu.vector_load %arg7[%swap3A_1146] {strides = array<i32>} : memref<4864xf32, #tpu.memory_space<vmem>>, vector<16xf32>,
    tpu.vector_store %arg7[%swap3A_1146], %broadcast_in_dim3A_1145 {strides = array<i32>} : memref<4864xf32, #tpu.memory_space<vmem>>, vector<16xf32>,
    %slice3A_1148 = vector.extract_strided_slice %get3A_1132 {offsets = [3], sizes = [1], strides = [1]} : vector<16xf32> to vector<1xf32>
    %squeeze3A_1149 = vector.extract %slice3A_1148[0] : f32 from vector<1xf32>
    %broadcast_in_dim3A_1150 = vector.broadcast %squeeze3A_1149 : f32 to vector<16xf32>
    %swap3A_1151 = arith.constant 2864 : index
    %swap3A_1152 = tpu.vector_load %arg7[%swap3A_1151] {strides = array<i32>} : memref<4864xf32, #tpu.memory_space<vmem>>, vector<16xf32>,
    tpu.vector_store %arg7[%swap3A_1151], %broadcast_in_dim3A_1150 {strides = array<i32>} : memref<4864xf32, #tpu.memory_space<vmem>>, vector<16xf32>,
    %slice3A_1153 = vector.extract_strided_slice %get3A_1132 {offsets = [4], sizes = [1], strides = [1]} : vector<16xf32> to vector<1xf32>
    %squeeze3A_1154 = vector.extract %slice3A_1153[0] : f32 from vector<1xf32>
    %broadcast_in_dim3A_1155 = vector.broadcast %squeeze3A_1154 : f32 to vector<16xf32>
    %swap3A_1156 = arith.constant 2880 : index
    %swap3A_1157 = tpu.vector_load %arg7[%swap3A_1156] {strides = array<i32>} : memref<4864xf32, #tpu.memory_space<vmem>>, vector<16xf32>,
    tpu.vector_store %arg7[%swap3A_1156], %broadcast_in_dim3A_1155 {strides = array<i32>} : memref<4864xf32, #tpu.memory_space<vmem>>, vector<16xf32>,
    %slice3A_1158 = vector.extract_strided_slice %get3A_1132 {offsets = [5], sizes = [1], strides = [1]} : vector<16xf32> to vector<1xf32>
    %squeeze3A_1159 = vector.extract %slice3A_1158[0] : f32 from vector<1xf32>
    %broadcast_in_dim3A_1160 = vector.broadcast %squeeze3A_1159 : f32 to vector<16xf32>
    %swap3A_1161 = arith.constant 2896 : index
    %swap3A_1162 = tpu.vector_load %arg7[%swap3A_1161] {strides = array<i32>} : memref<4864xf32, #tpu.memory_space<vmem>>, vector<16xf32>,
    tpu.vector_store %arg7[%swap3A_1161], %broadcast_in_dim3A_1160 {strides = array<i32>} : memref<4864xf32, #tpu.memory_space<vmem>>, vector<16xf32>,
    %slice3A_1163 = vector.extract_strided_slice %get3A_1132 {offsets = [6], sizes = [1], strides = [1]} : vector<16xf32> to vector<1xf32>
    %squeeze3A_1164 = vector.extract %slice3A_1163[0] : f32 from vector<1xf32>
    %broadcast_in_dim3A_1165 = vector.broadcast %squeeze3A_1164 : f32 to vector<16xf32>
    %swap3A_1166 = arith.constant 2912 : index
    %swap3A_1167 = tpu.vector_load %arg7[%swap3A_1166] {strides = array<i32>} : memref<4864xf32, #tpu.memory_space<vmem>>, vector<16xf32>,
    tpu.vector_store %arg7[%swap3A_1166], %broadcast_in_dim3A_1165 {strides = array<i32>} : memref<4864xf32, #tpu.memory_space<vmem>>, vector<16xf32>,
    %slice3A_1168 = vector.extract_strided_slice %get3A_1132 {offsets = [7], sizes = [1], strides = [1]} : vector<16xf32> to vector<1xf32>
    %squeeze3A_1169 = vector.extract %slice3A_1168[0] : f32 from vector<1xf32>
    %broadcast_in_dim3A_1170 = vector.broadcast %squeeze3A_1169 : f32 to vector<16xf32>
    %swap3A_1171 = arith.constant 2928 : index
    %swap3A_1172 = tpu.vector_load %arg7[%swap3A_1171] {strides = array<i32>} : memref<4864xf32, #tpu.memory_space<vmem>>, vector<16xf32>,
    tpu.vector_store %arg7[%swap3A_1171], %broadcast_in_dim3A_1170 {strides = array<i32>} : memref<4864xf32, #tpu.memory_space<vmem>>, vector<16xf32>,
    %slice3A_1173 = vector.extract_strided_slice %get3A_1132 {offsets = [8], sizes = [1], strides = [1]} : vector<16xf32> to vector<1xf32>
    %squeeze3A_1174 = vector.extract %slice3A_1173[0] : f32 from vector<1xf32>
    %broadcast_in_dim3A_1175 = vector.broadcast %squeeze3A_1174 : f32 to vector<16xf32>
    %swap3A_1176 = arith.constant 2944 : index
    %swap3A_1177 = tpu.vector_load %arg7[%swap3A_1176] {strides = array<i32>} : memref<4864xf32, #tpu.memory_space<vmem>>, vector<16xf32>,
    tpu.vector_store %arg7[%swap3A_1176], %broadcast_in_dim3A_1175 {strides = array<i32>} : memref<4864xf32, #tpu.memory_space<vmem>>, vector<16xf32>,
    %slice3A_1178 = vector.extract_strided_slice %get3A_1132 {offsets = [9], sizes = [1], strides = [1]} : vector<16xf32> to vector<1xf32>
    %squeeze3A_1179 = vector.extract %slice3A_1178[0] : f32 from vector<1xf32>
    %broadcast_in_dim3A_1180 = vector.broadcast %squeeze3A_1179 : f32 to vector<16xf32>
    %swap3A_1181 = arith.constant 2960 : index
    %swap3A_1182 = tpu.vector_load %arg7[%swap3A_1181] {strides = array<i32>} : memref<4864xf32, #tpu.memory_space<vmem>>, vector<16xf32>,
    tpu.vector_store %arg7[%swap3A_1181], %broadcast_in_dim3A_1180 {strides = array<i32>} : memref<4864xf32, #tpu.memory_space<vmem>>, vector<16xf32>,
    %slice3A_1183 = vector.extract_strided_slice %get3A_1132 {offsets = [10], sizes = [1], strides = [1]} : vector<16xf32> to vector<1xf32>
    %squeeze3A_1184 = vector.extract %slice3A_1183[0] : f32 from vector<1xf32>
    %broadcast_in_dim3A_1185 = vector.broadcast %squeeze3A_1184 : f32 to vector<16xf32>
    %swap3A_1186 = arith.constant 2976 : index
    %swap3A_1187 = tpu.vector_load %arg7[%swap3A_1186] {strides = array<i32>} : memref<4864xf32, #tpu.memory_space<vmem>>, vector<16xf32>,
    tpu.vector_store %arg7[%swap3A_1186], %broadcast_in_dim3A_1185 {strides = array<i32>} : memref<4864xf32, #tpu.memory_space<vmem>>, vector<16xf32>,
    %slice3A_1188 = vector.extract_strided_slice %get3A_1132 {offsets = [11], sizes = [1], strides = [1]} : vector<16xf32> to vector<1xf32>
    %squeeze3A_1189 = vector.extract %slice3A_1188[0] : f32 from vector<1xf32>
    %broadcast_in_dim3A_1190 = vector.broadcast %squeeze3A_1189 : f32 to vector<16xf32>
    %swap3A_1191 = arith.constant 2992 : index
    %swap3A_1192 = tpu.vector_load %arg7[%swap3A_1191] {strides = array<i32>} : memref<4864xf32, #tpu.memory_space<vmem>>, vector<16xf32>,
    tpu.vector_store %arg7[%swap3A_1191], %broadcast_in_dim3A_1190 {strides = array<i32>} : memref<4864xf32, #tpu.memory_space<vmem>>, vector<16xf32>,
    %slice3A_1193 = vector.extract_strided_slice %get3A_1132 {offsets = [12], sizes = [1], strides = [1]} : vector<16xf32> to vector<1xf32>
    %squeeze3A_1194 = vector.extract %slice3A_1193[0] : f32 from vector<1xf32>
    %broadcast_in_dim3A_1195 = vector.broadcast %squeeze3A_1194 : f32 to vector<16xf32>
    %swap3A_1196 = arith.constant 3008 : index
    %swap3A_1197 = tpu.vector_load %arg7[%swap3A_1196] {strides = array<i32>} : memref<4864xf32, #tpu.memory_space<vmem>>, vector<16xf32>,
    tpu.vector_store %arg7[%swap3A_1196], %broadcast_in_dim3A_1195 {strides = array<i32>} : memref<4864xf32, #tpu.memory_space<vmem>>, vector<16xf32>,
    %slice3A_1198 = vector.extract_strided_slice %get3A_1132 {offsets = [13], sizes = [1], strides = [1]} : vector<16xf32> to vector<1xf32>
    %squeeze3A_1199 = vector.extract %slice3A_1198[0] : f32 from vector<1xf32>
    %broadcast_in_dim3A_1200 = vector.broadcast %squeeze3A_1199 : f32 to vector<16xf32>
    %swap3A_1201 = arith.constant 3024 : index
    %swap3A_1202 = tpu.vector_load %arg7[%swap3A_1201] {strides = array<i32>} : memref<4864xf32, #tpu.memory_space<vmem>>, vector<16xf32>,
    tpu.vector_store %arg7[%swap3A_1201], %broadcast_in_dim3A_1200 {strides = array<i32>} : memref<4864xf32, #tpu.memory_space<vmem>>, vector<16xf32>,
    %slice3A_1203 = vector.extract_strided_slice %get3A_1132 {offsets = [14], sizes = [1], strides = [1]} : vector<16xf32> to vector<1xf32>
    %squeeze3A_1204 = vector.extract %slice3A_1203[0] : f32 from vector<1xf32>
    %broadcast_in_dim3A_1205 = vector.broadcast %squeeze3A_1204 : f32 to vector<16xf32>
    %swap3A_1206 = arith.constant 3040 : index
    %swap3A_1207 = tpu.vector_load %arg7[%swap3A_1206] {strides = array<i32>} : memref<4864xf32, #tpu.memory_space<vmem>>, vector<16xf32>,
    tpu.vector_store %arg7[%swap3A_1206], %broadcast_in_dim3A_1205 {strides = array<i32>} : memref<4864xf32, #tpu.memory_space<vmem>>, vector<16xf32>,
    %slice3A_1208 = vector.extract_strided_slice %get3A_1132 {offsets = [15], sizes = [1], strides = [1]} : vector<16xf32> to vector<1xf32>
    %squeeze3A_1209 = vector.extract %slice3A_1208[0] : f32 from vector<1xf32>
    %broadcast_in_dim3A_1210 = vector.broadcast %squeeze3A_1209 : f32 to vector<16xf32>
    %swap3A_1211 = arith.constant 3056 : index
    %swap3A_1212 = tpu.vector_load %arg7[%swap3A_1211] {strides = array<i32>} : memref<4864xf32, #tpu.memory_space<vmem>>, vector<16xf32>,
    tpu.vector_store %arg7[%swap3A_1211], %broadcast_in_dim3A_1210 {strides = array<i32>} : memref<4864xf32, #tpu.memory_space<vmem>>, vector<16xf32>,
    %get3A_1213 = arith.constant 224 : index
    %get3A_1214 = tpu.vector_load %arg6[%get3A_1213] {strides = array<i32>} : memref<336xf32, #tpu.memory_space<vmem>>, vector<16xf32>,
    %slice3A_1215 = vector.extract_strided_slice %get3A_1214 {offsets = [0], sizes = [1], strides = [1]} : vector<16xf32> to vector<1xf32>
    %squeeze3A_1216 = vector.extract %slice3A_1215[0] : f32 from vector<1xf32>
    %broadcast_in_dim3A_1217 = vector.broadcast %squeeze3A_1216 : f32 to vector<16xf32>
    %swap3A_1218 = arith.constant 3072 : index
    %swap3A_1219 = tpu.vector_load %arg7[%swap3A_1218] {strides = array<i32>} : memref<4864xf32, #tpu.memory_space<vmem>>, vector<16xf32>,
    tpu.vector_store %arg7[%swap3A_1218], %broadcast_in_dim3A_1217 {strides = array<i32>} : memref<4864xf32, #tpu.memory_space<vmem>>, vector<16xf32>,
    %slice3A_1220 = vector.extract_strided_slice %get3A_1214 {offsets = [1], sizes = [1], strides = [1]} : vector<16xf32> to vector<1xf32>
    %squeeze3A_1221 = vector.extract %slice3A_1220[0] : f32 from vector<1xf32>
    %broadcast_in_dim3A_1222 = vector.broadcast %squeeze3A_1221 : f32 to vector<16xf32>
    %swap3A_1223 = arith.constant 3088 : index
    %swap3A_1224 = tpu.vector_load %arg7[%swap3A_1223] {strides = array<i32>} : memref<4864xf32, #tpu.memory_space<vmem>>, vector<16xf32>,
    tpu.vector_store %arg7[%swap3A_1223], %broadcast_in_dim3A_1222 {strides = array<i32>} : memref<4864xf32, #tpu.memory_space<vmem>>, vector<16xf32>,
    %slice3A_1225 = vector.extract_strided_slice %get3A_1214 {offsets = [2], sizes = [1], strides = [1]} : vector<16xf32> to vector<1xf32>
    %squeeze3A_1226 = vector.extract %slice3A_1225[0] : f32 from vector<1xf32>
    %broadcast_in_dim3A_1227 = vector.broadcast %squeeze3A_1226 : f32 to vector<16xf32>
    %swap3A_1228 = arith.constant 3104 : index
    %swap3A_1229 = tpu.vector_load %arg7[%swap3A_1228] {strides = array<i32>} : memref<4864xf32, #tpu.memory_space<vmem>>, vector<16xf32>,
    tpu.vector_store %arg7[%swap3A_1228], %broadcast_in_dim3A_1227 {strides = array<i32>} : memref<4864xf32, #tpu.memory_space<vmem>>, vector<16xf32>,
    %slice3A_1230 = vector.extract_strided_slice %get3A_1214 {offsets = [3], sizes = [1], strides = [1]} : vector<16xf32> to vector<1xf32>
    %squeeze3A_1231 = vector.extract %slice3A_1230[0] : f32 from vector<1xf32>
    %broadcast_in_dim3A_1232 = vector.broadcast %squeeze3A_1231 : f32 to vector<16xf32>
    %swap3A_1233 = arith.constant 3120 : index
    %swap3A_1234 = tpu.vector_load %arg7[%swap3A_1233] {strides = array<i32>} : memref<4864xf32, #tpu.memory_space<vmem>>, vector<16xf32>,
    tpu.vector_store %arg7[%swap3A_1233], %broadcast_in_dim3A_1232 {strides = array<i32>} : memref<4864xf32, #tpu.memory_space<vmem>>, vector<16xf32>,
    %slice3A_1235 = vector.extract_strided_slice %get3A_1214 {offsets = [4], sizes = [1], strides = [1]} : vector<16xf32> to vector<1xf32>
    %squeeze3A_1236 = vector.extract %slice3A_1235[0] : f32 from vector<1xf32>
    %broadcast_in_dim3A_1237 = vector.broadcast %squeeze3A_1236 : f32 to vector<16xf32>
    %swap3A_1238 = arith.constant 3136 : index
    %swap3A_1239 = tpu.vector_load %arg7[%swap3A_1238] {strides = array<i32>} : memref<4864xf32, #tpu.memory_space<vmem>>, vector<16xf32>,
    tpu.vector_store %arg7[%swap3A_1238], %broadcast_in_dim3A_1237 {strides = array<i32>} : memref<4864xf32, #tpu.memory_space<vmem>>, vector<16xf32>,
    %slice3A_1240 = vector.extract_strided_slice %get3A_1214 {offsets = [5], sizes = [1], strides = [1]} : vector<16xf32> to vector<1xf32>
    %squeeze3A_1241 = vector.extract %slice3A_1240[0] : f32 from vector<1xf32>
    %broadcast_in_dim3A_1242 = vector.broadcast %squeeze3A_1241 : f32 to vector<16xf32>
    %swap3A_1243 = arith.constant 3152 : index
    %swap3A_1244 = tpu.vector_load %arg7[%swap3A_1243] {strides = array<i32>} : memref<4864xf32, #tpu.memory_space<vmem>>, vector<16xf32>,
    tpu.vector_store %arg7[%swap3A_1243], %broadcast_in_dim3A_1242 {strides = array<i32>} : memref<4864xf32, #tpu.memory_space<vmem>>, vector<16xf32>,
    %slice3A_1245 = vector.extract_strided_slice %get3A_1214 {offsets = [6], sizes = [1], strides = [1]} : vector<16xf32> to vector<1xf32>
    %squeeze3A_1246 = vector.extract %slice3A_1245[0] : f32 from vector<1xf32>
    %broadcast_in_dim3A_1247 = vector.broadcast %squeeze3A_1246 : f32 to vector<16xf32>
    %swap3A_1248 = arith.constant 3168 : index
    %swap3A_1249 = tpu.vector_load %arg7[%swap3A_1248] {strides = array<i32>} : memref<4864xf32, #tpu.memory_space<vmem>>, vector<16xf32>,
    tpu.vector_store %arg7[%swap3A_1248], %broadcast_in_dim3A_1247 {strides = array<i32>} : memref<4864xf32, #tpu.memory_space<vmem>>, vector<16xf32>,
    %slice3A_1250 = vector.extract_strided_slice %get3A_1214 {offsets = [7], sizes = [1], strides = [1]} : vector<16xf32> to vector<1xf32>
    %squeeze3A_1251 = vector.extract %slice3A_1250[0] : f32 from vector<1xf32>
    %broadcast_in_dim3A_1252 = vector.broadcast %squeeze3A_1251 : f32 to vector<16xf32>
    %swap3A_1253 = arith.constant 3184 : index
    %swap3A_1254 = tpu.vector_load %arg7[%swap3A_1253] {strides = array<i32>} : memref<4864xf32, #tpu.memory_space<vmem>>, vector<16xf32>,
    tpu.vector_store %arg7[%swap3A_1253], %broadcast_in_dim3A_1252 {strides = array<i32>} : memref<4864xf32, #tpu.memory_space<vmem>>, vector<16xf32>,
    %slice3A_1255 = vector.extract_strided_slice %get3A_1214 {offsets = [8], sizes = [1], strides = [1]} : vector<16xf32> to vector<1xf32>
    %squeeze3A_1256 = vector.extract %slice3A_1255[0] : f32 from vector<1xf32>
    %broadcast_in_dim3A_1257 = vector.broadcast %squeeze3A_1256 : f32 to vector<16xf32>
    %swap3A_1258 = arith.constant 3200 : index
    %swap3A_1259 = tpu.vector_load %arg7[%swap3A_1258] {strides = array<i32>} : memref<4864xf32, #tpu.memory_space<vmem>>, vector<16xf32>,
    tpu.vector_store %arg7[%swap3A_1258], %broadcast_in_dim3A_1257 {strides = array<i32>} : memref<4864xf32, #tpu.memory_space<vmem>>, vector<16xf32>,
    %slice3A_1260 = vector.extract_strided_slice %get3A_1214 {offsets = [9], sizes = [1], strides = [1]} : vector<16xf32> to vector<1xf32>
    %squeeze3A_1261 = vector.extract %slice3A_1260[0] : f32 from vector<1xf32>
    %broadcast_in_dim3A_1262 = vector.broadcast %squeeze3A_1261 : f32 to vector<16xf32>
    %swap3A_1263 = arith.constant 3216 : index
    %swap3A_1264 = tpu.vector_load %arg7[%swap3A_1263] {strides = array<i32>} : memref<4864xf32, #tpu.memory_space<vmem>>, vector<16xf32>,
    tpu.vector_store %arg7[%swap3A_1263], %broadcast_in_dim3A_1262 {strides = array<i32>} : memref<4864xf32, #tpu.memory_space<vmem>>, vector<16xf32>,
    %slice3A_1265 = vector.extract_strided_slice %get3A_1214 {offsets = [10], sizes = [1], strides = [1]} : vector<16xf32> to vector<1xf32>
    %squeeze3A_1266 = vector.extract %slice3A_1265[0] : f32 from vector<1xf32>
    %broadcast_in_dim3A_1267 = vector.broadcast %squeeze3A_1266 : f32 to vector<16xf32>
    %swap3A_1268 = arith.constant 3232 : index
    %swap3A_1269 = tpu.vector_load %arg7[%swap3A_1268] {strides = array<i32>} : memref<4864xf32, #tpu.memory_space<vmem>>, vector<16xf32>,
    tpu.vector_store %arg7[%swap3A_1268], %broadcast_in_dim3A_1267 {strides = array<i32>} : memref<4864xf32, #tpu.memory_space<vmem>>, vector<16xf32>,
    %slice3A_1270 = vector.extract_strided_slice %get3A_1214 {offsets = [11], sizes = [1], strides = [1]} : vector<16xf32> to vector<1xf32>
    %squeeze3A_1271 = vector.extract %slice3A_1270[0] : f32 from vector<1xf32>
    %broadcast_in_dim3A_1272 = vector.broadcast %squeeze3A_1271 : f32 to vector<16xf32>
    %swap3A_1273 = arith.constant 3248 : index
    %swap3A_1274 = tpu.vector_load %arg7[%swap3A_1273] {strides = array<i32>} : memref<4864xf32, #tpu.memory_space<vmem>>, vector<16xf32>,
    tpu.vector_store %arg7[%swap3A_1273], %broadcast_in_dim3A_1272 {strides = array<i32>} : memref<4864xf32, #tpu.memory_space<vmem>>, vector<16xf32>,
    %slice3A_1275 = vector.extract_strided_slice %get3A_1214 {offsets = [12], sizes = [1], strides = [1]} : vector<16xf32> to vector<1xf32>
    %squeeze3A_1276 = vector.extract %slice3A_1275[0] : f32 from vector<1xf32>
    %broadcast_in_dim3A_1277 = vector.broadcast %squeeze3A_1276 : f32 to vector<16xf32>
    %swap3A_1278 = arith.constant 3264 : index
    %swap3A_1279 = tpu.vector_load %arg7[%swap3A_1278] {strides = array<i32>} : memref<4864xf32, #tpu.memory_space<vmem>>, vector<16xf32>,
    tpu.vector_store %arg7[%swap3A_1278], %broadcast_in_dim3A_1277 {strides = array<i32>} : memref<4864xf32, #tpu.memory_space<vmem>>, vector<16xf32>,
    %slice3A_1280 = vector.extract_strided_slice %get3A_1214 {offsets = [13], sizes = [1], strides = [1]} : vector<16xf32> to vector<1xf32>
    %squeeze3A_1281 = vector.extract %slice3A_1280[0] : f32 from vector<1xf32>
    %broadcast_in_dim3A_1282 = vector.broadcast %squeeze3A_1281 : f32 to vector<16xf32>
    %swap3A_1283 = arith.constant 3280 : index
    %swap3A_1284 = tpu.vector_load %arg7[%swap3A_1283] {strides = array<i32>} : memref<4864xf32, #tpu.memory_space<vmem>>, vector<16xf32>,
    tpu.vector_store %arg7[%swap3A_1283], %broadcast_in_dim3A_1282 {strides = array<i32>} : memref<4864xf32, #tpu.memory_space<vmem>>, vector<16xf32>,
    %slice3A_1285 = vector.extract_strided_slice %get3A_1214 {offsets = [14], sizes = [1], strides = [1]} : vector<16xf32> to vector<1xf32>
    %squeeze3A_1286 = vector.extract %slice3A_1285[0] : f32 from vector<1xf32>
    %broadcast_in_dim3A_1287 = vector.broadcast %squeeze3A_1286 : f32 to vector<16xf32>
    %swap3A_1288 = arith.constant 3296 : index
    %swap3A_1289 = tpu.vector_load %arg7[%swap3A_1288] {strides = array<i32>} : memref<4864xf32, #tpu.memory_space<vmem>>, vector<16xf32>,
    tpu.vector_store %arg7[%swap3A_1288], %broadcast_in_dim3A_1287 {strides = array<i32>} : memref<4864xf32, #tpu.memory_space<vmem>>, vector<16xf32>,
    %slice3A_1290 = vector.extract_strided_slice %get3A_1214 {offsets = [15], sizes = [1], strides = [1]} : vector<16xf32> to vector<1xf32>
    %squeeze3A_1291 = vector.extract %slice3A_1290[0] : f32 from vector<1xf32>
    %broadcast_in_dim3A_1292 = vector.broadcast %squeeze3A_1291 : f32 to vector<16xf32>
    %swap3A_1293 = arith.constant 3312 : index
    %swap3A_1294 = tpu.vector_load %arg7[%swap3A_1293] {strides = array<i32>} : memref<4864xf32, #tpu.memory_space<vmem>>, vector<16xf32>,
    tpu.vector_store %arg7[%swap3A_1293], %broadcast_in_dim3A_1292 {strides = array<i32>} : memref<4864xf32, #tpu.memory_space<vmem>>, vector<16xf32>,
    %get3A_1295 = arith.constant 240 : index
    %get3A_1296 = tpu.vector_load %arg6[%get3A_1295] {strides = array<i32>} : memref<336xf32, #tpu.memory_space<vmem>>, vector<16xf32>,
    %slice3A_1297 = vector.extract_strided_slice %get3A_1296 {offsets = [0], sizes = [1], strides = [1]} : vector<16xf32> to vector<1xf32>
    %squeeze3A_1298 = vector.extract %slice3A_1297[0] : f32 from vector<1xf32>
    %broadcast_in_dim3A_1299 = vector.broadcast %squeeze3A_1298 : f32 to vector<16xf32>
    %swap3A_1300 = arith.constant 3328 : index
    %swap3A_1301 = tpu.vector_load %arg7[%swap3A_1300] {strides = array<i32>} : memref<4864xf32, #tpu.memory_space<vmem>>, vector<16xf32>,
    tpu.vector_store %arg7[%swap3A_1300], %broadcast_in_dim3A_1299 {strides = array<i32>} : memref<4864xf32, #tpu.memory_space<vmem>>, vector<16xf32>,
    %slice3A_1302 = vector.extract_strided_slice %get3A_1296 {offsets = [1], sizes = [1], strides = [1]} : vector<16xf32> to vector<1xf32>
    %squeeze3A_1303 = vector.extract %slice3A_1302[0] : f32 from vector<1xf32>
    %broadcast_in_dim3A_1304 = vector.broadcast %squeeze3A_1303 : f32 to vector<16xf32>
    %swap3A_1305 = arith.constant 3344 : index
    %swap3A_1306 = tpu.vector_load %arg7[%swap3A_1305] {strides = array<i32>} : memref<4864xf32, #tpu.memory_space<vmem>>, vector<16xf32>,
    tpu.vector_store %arg7[%swap3A_1305], %broadcast_in_dim3A_1304 {strides = array<i32>} : memref<4864xf32, #tpu.memory_space<vmem>>, vector<16xf32>,
    %slice3A_1307 = vector.extract_strided_slice %get3A_1296 {offsets = [2], sizes = [1], strides = [1]} : vector<16xf32> to vector<1xf32>
    %squeeze3A_1308 = vector.extract %slice3A_1307[0] : f32 from vector<1xf32>
    %broadcast_in_dim3A_1309 = vector.broadcast %squeeze3A_1308 : f32 to vector<16xf32>
    %swap3A_1310 = arith.constant 3360 : index
    %swap3A_1311 = tpu.vector_load %arg7[%swap3A_1310] {strides = array<i32>} : memref<4864xf32, #tpu.memory_space<vmem>>, vector<16xf32>,
    tpu.vector_store %arg7[%swap3A_1310], %broadcast_in_dim3A_1309 {strides = array<i32>} : memref<4864xf32, #tpu.memory_space<vmem>>, vector<16xf32>,
    %slice3A_1312 = vector.extract_strided_slice %get3A_1296 {offsets = [3], sizes = [1], strides = [1]} : vector<16xf32> to vector<1xf32>
    %squeeze3A_1313 = vector.extract %slice3A_1312[0] : f32 from vector<1xf32>
    %broadcast_in_dim3A_1314 = vector.broadcast %squeeze3A_1313 : f32 to vector<16xf32>
    %swap3A_1315 = arith.constant 3376 : index
    %swap3A_1316 = tpu.vector_load %arg7[%swap3A_1315] {strides = array<i32>} : memref<4864xf32, #tpu.memory_space<vmem>>, vector<16xf32>,
    tpu.vector_store %arg7[%swap3A_1315], %broadcast_in_dim3A_1314 {strides = array<i32>} : memref<4864xf32, #tpu.memory_space<vmem>>, vector<16xf32>,
    %slice3A_1317 = vector.extract_strided_slice %get3A_1296 {offsets = [4], sizes = [1], strides = [1]} : vector<16xf32> to vector<1xf32>
    %squeeze3A_1318 = vector.extract %slice3A_1317[0] : f32 from vector<1xf32>
    %broadcast_in_dim3A_1319 = vector.broadcast %squeeze3A_1318 : f32 to vector<16xf32>
    %swap3A_1320 = arith.constant 3392 : index
    %swap3A_1321 = tpu.vector_load %arg7[%swap3A_1320] {strides = array<i32>} : memref<4864xf32, #tpu.memory_space<vmem>>, vector<16xf32>,
    tpu.vector_store %arg7[%swap3A_1320], %broadcast_in_dim3A_1319 {strides = array<i32>} : memref<4864xf32, #tpu.memory_space<vmem>>, vector<16xf32>,
    %slice3A_1322 = vector.extract_strided_slice %get3A_1296 {offsets = [5], sizes = [1], strides = [1]} : vector<16xf32> to vector<1xf32>
    %squeeze3A_1323 = vector.extract %slice3A_1322[0] : f32 from vector<1xf32>
    %broadcast_in_dim3A_1324 = vector.broadcast %squeeze3A_1323 : f32 to vector<16xf32>
    %swap3A_1325 = arith.constant 3408 : index
    %swap3A_1326 = tpu.vector_load %arg7[%swap3A_1325] {strides = array<i32>} : memref<4864xf32, #tpu.memory_space<vmem>>, vector<16xf32>,
    tpu.vector_store %arg7[%swap3A_1325], %broadcast_in_dim3A_1324 {strides = array<i32>} : memref<4864xf32, #tpu.memory_space<vmem>>, vector<16xf32>,
    %slice3A_1327 = vector.extract_strided_slice %get3A_1296 {offsets = [6], sizes = [1], strides = [1]} : vector<16xf32> to vector<1xf32>
    %squeeze3A_1328 = vector.extract %slice3A_1327[0] : f32 from vector<1xf32>
    %broadcast_in_dim3A_1329 = vector.broadcast %squeeze3A_1328 : f32 to vector<16xf32>
    %swap3A_1330 = arith.constant 3424 : index
    %swap3A_1331 = tpu.vector_load %arg7[%swap3A_1330] {strides = array<i32>} : memref<4864xf32, #tpu.memory_space<vmem>>, vector<16xf32>,
    tpu.vector_store %arg7[%swap3A_1330], %broadcast_in_dim3A_1329 {strides = array<i32>} : memref<4864xf32, #tpu.memory_space<vmem>>, vector<16xf32>,
    %slice3A_1332 = vector.extract_strided_slice %get3A_1296 {offsets = [7], sizes = [1], strides = [1]} : vector<16xf32> to vector<1xf32>
    %squeeze3A_1333 = vector.extract %slice3A_1332[0] : f32 from vector<1xf32>
    %broadcast_in_dim3A_1334 = vector.broadcast %squeeze3A_1333 : f32 to vector<16xf32>
    %swap3A_1335 = arith.constant 3440 : index
    %swap3A_1336 = tpu.vector_load %arg7[%swap3A_1335] {strides = array<i32>} : memref<4864xf32, #tpu.memory_space<vmem>>, vector<16xf32>,
    tpu.vector_store %arg7[%swap3A_1335], %broadcast_in_dim3A_1334 {strides = array<i32>} : memref<4864xf32, #tpu.memory_space<vmem>>, vector<16xf32>,
    %slice3A_1337 = vector.extract_strided_slice %get3A_1296 {offsets = [8], sizes = [1], strides = [1]} : vector<16xf32> to vector<1xf32>
    %squeeze3A_1338 = vector.extract %slice3A_1337[0] : f32 from vector<1xf32>
    %broadcast_in_dim3A_1339 = vector.broadcast %squeeze3A_1338 : f32 to vector<16xf32>
    %swap3A_1340 = arith.constant 3456 : index
    %swap3A_1341 = tpu.vector_load %arg7[%swap3A_1340] {strides = array<i32>} : memref<4864xf32, #tpu.memory_space<vmem>>, vector<16xf32>,
    tpu.vector_store %arg7[%swap3A_1340], %broadcast_in_dim3A_1339 {strides = array<i32>} : memref<4864xf32, #tpu.memory_space<vmem>>, vector<16xf32>,
    %slice3A_1342 = vector.extract_strided_slice %get3A_1296 {offsets = [9], sizes = [1], strides = [1]} : vector<16xf32> to vector<1xf32>
    %squeeze3A_1343 = vector.extract %slice3A_1342[0] : f32 from vector<1xf32>
    %broadcast_in_dim3A_1344 = vector.broadcast %squeeze3A_1343 : f32 to vector<16xf32>
    %swap3A_1345 = arith.constant 3472 : index
    %swap3A_1346 = tpu.vector_load %arg7[%swap3A_1345] {strides = array<i32>} : memref<4864xf32, #tpu.memory_space<vmem>>, vector<16xf32>,
    tpu.vector_store %arg7[%swap3A_1345], %broadcast_in_dim3A_1344 {strides = array<i32>} : memref<4864xf32, #tpu.memory_space<vmem>>, vector<16xf32>,
    %slice3A_1347 = vector.extract_strided_slice %get3A_1296 {offsets = [10], sizes = [1], strides = [1]} : vector<16xf32> to vector<1xf32>
    %squeeze3A_1348 = vector.extract %slice3A_1347[0] : f32 from vector<1xf32>
    %broadcast_in_dim3A_1349 = vector.broadcast %squeeze3A_1348 : f32 to vector<16xf32>
    %swap3A_1350 = arith.constant 3488 : index
    %swap3A_1351 = tpu.vector_load %arg7[%swap3A_1350] {strides = array<i32>} : memref<4864xf32, #tpu.memory_space<vmem>>, vector<16xf32>,
    tpu.vector_store %arg7[%swap3A_1350], %broadcast_in_dim3A_1349 {strides = array<i32>} : memref<4864xf32, #tpu.memory_space<vmem>>, vector<16xf32>,
    %slice3A_1352 = vector.extract_strided_slice %get3A_1296 {offsets = [11], sizes = [1], strides = [1]} : vector<16xf32> to vector<1xf32>
    %squeeze3A_1353 = vector.extract %slice3A_1352[0] : f32 from vector<1xf32>
    %broadcast_in_dim3A_1354 = vector.broadcast %squeeze3A_1353 : f32 to vector<16xf32>
    %swap3A_1355 = arith.constant 3504 : index
    %swap3A_1356 = tpu.vector_load %arg7[%swap3A_1355] {strides = array<i32>} : memref<4864xf32, #tpu.memory_space<vmem>>, vector<16xf32>,
    tpu.vector_store %arg7[%swap3A_1355], %broadcast_in_dim3A_1354 {strides = array<i32>} : memref<4864xf32, #tpu.memory_space<vmem>>, vector<16xf32>,
    %slice3A_1357 = vector.extract_strided_slice %get3A_1296 {offsets = [12], sizes = [1], strides = [1]} : vector<16xf32> to vector<1xf32>
    %squeeze3A_1358 = vector.extract %slice3A_1357[0] : f32 from vector<1xf32>
    %broadcast_in_dim3A_1359 = vector.broadcast %squeeze3A_1358 : f32 to vector<16xf32>
    %swap3A_1360 = arith.constant 3520 : index
    %swap3A_1361 = tpu.vector_load %arg7[%swap3A_1360] {strides = array<i32>} : memref<4864xf32, #tpu.memory_space<vmem>>, vector<16xf32>,
    tpu.vector_store %arg7[%swap3A_1360], %broadcast_in_dim3A_1359 {strides = array<i32>} : memref<4864xf32, #tpu.memory_space<vmem>>, vector<16xf32>,
    %slice3A_1362 = vector.extract_strided_slice %get3A_1296 {offsets = [13], sizes = [1], strides = [1]} : vector<16xf32> to vector<1xf32>
    %squeeze3A_1363 = vector.extract %slice3A_1362[0] : f32 from vector<1xf32>
    %broadcast_in_dim3A_1364 = vector.broadcast %squeeze3A_1363 : f32 to vector<16xf32>
    %swap3A_1365 = arith.constant 3536 : index
    %swap3A_1366 = tpu.vector_load %arg7[%swap3A_1365] {strides = array<i32>} : memref<4864xf32, #tpu.memory_space<vmem>>, vector<16xf32>,
    tpu.vector_store %arg7[%swap3A_1365], %broadcast_in_dim3A_1364 {strides = array<i32>} : memref<4864xf32, #tpu.memory_space<vmem>>, vector<16xf32>,
    %slice3A_1367 = vector.extract_strided_slice %get3A_1296 {offsets = [14], sizes = [1], strides = [1]} : vector<16xf32> to vector<1xf32>
    %squeeze3A_1368 = vector.extract %slice3A_1367[0] : f32 from vector<1xf32>
    %broadcast_in_dim3A_1369 = vector.broadcast %squeeze3A_1368 : f32 to vector<16xf32>
    %swap3A_1370 = arith.constant 3552 : index
    %swap3A_1371 = tpu.vector_load %arg7[%swap3A_1370] {strides = array<i32>} : memref<4864xf32, #tpu.memory_space<vmem>>, vector<16xf32>,
    tpu.vector_store %arg7[%swap3A_1370], %broadcast_in_dim3A_1369 {strides = array<i32>} : memref<4864xf32, #tpu.memory_space<vmem>>, vector<16xf32>,
    %slice3A_1372 = vector.extract_strided_slice %get3A_1296 {offsets = [15], sizes = [1], strides = [1]} : vector<16xf32> to vector<1xf32>
    %squeeze3A_1373 = vector.extract %slice3A_1372[0] : f32 from vector<1xf32>
    %broadcast_in_dim3A_1374 = vector.broadcast %squeeze3A_1373 : f32 to vector<16xf32>
    %swap3A_1375 = arith.constant 3568 : index
    %swap3A_1376 = tpu.vector_load %arg7[%swap3A_1375] {strides = array<i32>} : memref<4864xf32, #tpu.memory_space<vmem>>, vector<16xf32>,
    tpu.vector_store %arg7[%swap3A_1375], %broadcast_in_dim3A_1374 {strides = array<i32>} : memref<4864xf32, #tpu.memory_space<vmem>>, vector<16xf32>,
    %get3A_1377 = arith.constant 256 : index
    %get3A_1378 = tpu.vector_load %arg6[%get3A_1377] {strides = array<i32>} : memref<336xf32, #tpu.memory_space<vmem>>, vector<16xf32>,
    %slice3A_1379 = vector.extract_strided_slice %get3A_1378 {offsets = [0], sizes = [1], strides = [1]} : vector<16xf32> to vector<1xf32>
    %squeeze3A_1380 = vector.extract %slice3A_1379[0] : f32 from vector<1xf32>
    %broadcast_in_dim3A_1381 = vector.broadcast %squeeze3A_1380 : f32 to vector<16xf32>
    %swap3A_1382 = arith.constant 3584 : index
    %swap3A_1383 = tpu.vector_load %arg7[%swap3A_1382] {strides = array<i32>} : memref<4864xf32, #tpu.memory_space<vmem>>, vector<16xf32>,
    tpu.vector_store %arg7[%swap3A_1382], %broadcast_in_dim3A_1381 {strides = array<i32>} : memref<4864xf32, #tpu.memory_space<vmem>>, vector<16xf32>,
    %slice3A_1384 = vector.extract_strided_slice %get3A_1378 {offsets = [1], sizes = [1], strides = [1]} : vector<16xf32> to vector<1xf32>
    %squeeze3A_1385 = vector.extract %slice3A_1384[0] : f32 from vector<1xf32>
    %broadcast_in_dim3A_1386 = vector.broadcast %squeeze3A_1385 : f32 to vector<16xf32>
    %swap3A_1387 = arith.constant 3600 : index
    %swap3A_1388 = tpu.vector_load %arg7[%swap3A_1387] {strides = array<i32>} : memref<4864xf32, #tpu.memory_space<vmem>>, vector<16xf32>,
    tpu.vector_store %arg7[%swap3A_1387], %broadcast_in_dim3A_1386 {strides = array<i32>} : memref<4864xf32, #tpu.memory_space<vmem>>, vector<16xf32>,
    %slice3A_1389 = vector.extract_strided_slice %get3A_1378 {offsets = [2], sizes = [1], strides = [1]} : vector<16xf32> to vector<1xf32>
    %squeeze3A_1390 = vector.extract %slice3A_1389[0] : f32 from vector<1xf32>
    %broadcast_in_dim3A_1391 = vector.broadcast %squeeze3A_1390 : f32 to vector<16xf32>
    %swap3A_1392 = arith.constant 3616 : index
    %swap3A_1393 = tpu.vector_load %arg7[%swap3A_1392] {strides = array<i32>} : memref<4864xf32, #tpu.memory_space<vmem>>, vector<16xf32>,
    tpu.vector_store %arg7[%swap3A_1392], %broadcast_in_dim3A_1391 {strides = array<i32>} : memref<4864xf32, #tpu.memory_space<vmem>>, vector<16xf32>,
    %slice3A_1394 = vector.extract_strided_slice %get3A_1378 {offsets = [3], sizes = [1], strides = [1]} : vector<16xf32> to vector<1xf32>
    %squeeze3A_1395 = vector.extract %slice3A_1394[0] : f32 from vector<1xf32>
    %broadcast_in_dim3A_1396 = vector.broadcast %squeeze3A_1395 : f32 to vector<16xf32>
    %swap3A_1397 = arith.constant 3632 : index
    %swap3A_1398 = tpu.vector_load %arg7[%swap3A_1397] {strides = array<i32>} : memref<4864xf32, #tpu.memory_space<vmem>>, vector<16xf32>,
    tpu.vector_store %arg7[%swap3A_1397], %broadcast_in_dim3A_1396 {strides = array<i32>} : memref<4864xf32, #tpu.memory_space<vmem>>, vector<16xf32>,
    %slice3A_1399 = vector.extract_strided_slice %get3A_1378 {offsets = [4], sizes = [1], strides = [1]} : vector<16xf32> to vector<1xf32>
    %squeeze3A_1400 = vector.extract %slice3A_1399[0] : f32 from vector<1xf32>
    %broadcast_in_dim3A_1401 = vector.broadcast %squeeze3A_1400 : f32 to vector<16xf32>
    %swap3A_1402 = arith.constant 3648 : index
    %swap3A_1403 = tpu.vector_load %arg7[%swap3A_1402] {strides = array<i32>} : memref<4864xf32, #tpu.memory_space<vmem>>, vector<16xf32>,
    tpu.vector_store %arg7[%swap3A_1402], %broadcast_in_dim3A_1401 {strides = array<i32>} : memref<4864xf32, #tpu.memory_space<vmem>>, vector<16xf32>,
    %slice3A_1404 = vector.extract_strided_slice %get3A_1378 {offsets = [5], sizes = [1], strides = [1]} : vector<16xf32> to vector<1xf32>
    %squeeze3A_1405 = vector.extract %slice3A_1404[0] : f32 from vector<1xf32>
    %broadcast_in_dim3A_1406 = vector.broadcast %squeeze3A_1405 : f32 to vector<16xf32>
    %swap3A_1407 = arith.constant 3664 : index
    %swap3A_1408 = tpu.vector_load %arg7[%swap3A_1407] {strides = array<i32>} : memref<4864xf32, #tpu.memory_space<vmem>>, vector<16xf32>,
    tpu.vector_store %arg7[%swap3A_1407], %broadcast_in_dim3A_1406 {strides = array<i32>} : memref<4864xf32, #tpu.memory_space<vmem>>, vector<16xf32>,
    %slice3A_1409 = vector.extract_strided_slice %get3A_1378 {offsets = [6], sizes = [1], strides = [1]} : vector<16xf32> to vector<1xf32>
    %squeeze3A_1410 = vector.extract %slice3A_1409[0] : f32 from vector<1xf32>
    %broadcast_in_dim3A_1411 = vector.broadcast %squeeze3A_1410 : f32 to vector<16xf32>
    %swap3A_1412 = arith.constant 3680 : index
    %swap3A_1413 = tpu.vector_load %arg7[%swap3A_1412] {strides = array<i32>} : memref<4864xf32, #tpu.memory_space<vmem>>, vector<16xf32>,
    tpu.vector_store %arg7[%swap3A_1412], %broadcast_in_dim3A_1411 {strides = array<i32>} : memref<4864xf32, #tpu.memory_space<vmem>>, vector<16xf32>,
    %slice3A_1414 = vector.extract_strided_slice %get3A_1378 {offsets = [7], sizes = [1], strides = [1]} : vector<16xf32> to vector<1xf32>
    %squeeze3A_1415 = vector.extract %slice3A_1414[0] : f32 from vector<1xf32>
    %broadcast_in_dim3A_1416 = vector.broadcast %squeeze3A_1415 : f32 to vector<16xf32>
    %swap3A_1417 = arith.constant 3696 : index
    %swap3A_1418 = tpu.vector_load %arg7[%swap3A_1417] {strides = array<i32>} : memref<4864xf32, #tpu.memory_space<vmem>>, vector<16xf32>,
    tpu.vector_store %arg7[%swap3A_1417], %broadcast_in_dim3A_1416 {strides = array<i32>} : memref<4864xf32, #tpu.memory_space<vmem>>, vector<16xf32>,
    %slice3A_1419 = vector.extract_strided_slice %get3A_1378 {offsets = [8], sizes = [1], strides = [1]} : vector<16xf32> to vector<1xf32>
    %squeeze3A_1420 = vector.extract %slice3A_1419[0] : f32 from vector<1xf32>
    %broadcast_in_dim3A_1421 = vector.broadcast %squeeze3A_1420 : f32 to vector<16xf32>
    %swap3A_1422 = arith.constant 3712 : index
    %swap3A_1423 = tpu.vector_load %arg7[%swap3A_1422] {strides = array<i32>} : memref<4864xf32, #tpu.memory_space<vmem>>, vector<16xf32>,
    tpu.vector_store %arg7[%swap3A_1422], %broadcast_in_dim3A_1421 {strides = array<i32>} : memref<4864xf32, #tpu.memory_space<vmem>>, vector<16xf32>,
    %slice3A_1424 = vector.extract_strided_slice %get3A_1378 {offsets = [9], sizes = [1], strides = [1]} : vector<16xf32> to vector<1xf32>
    %squeeze3A_1425 = vector.extract %slice3A_1424[0] : f32 from vector<1xf32>
    %broadcast_in_dim3A_1426 = vector.broadcast %squeeze3A_1425 : f32 to vector<16xf32>
    %swap3A_1427 = arith.constant 3728 : index
    %swap3A_1428 = tpu.vector_load %arg7[%swap3A_1427] {strides = array<i32>} : memref<4864xf32, #tpu.memory_space<vmem>>, vector<16xf32>,
    tpu.vector_store %arg7[%swap3A_1427], %broadcast_in_dim3A_1426 {strides = array<i32>} : memref<4864xf32, #tpu.memory_space<vmem>>, vector<16xf32>,
    %slice3A_1429 = vector.extract_strided_slice %get3A_1378 {offsets = [10], sizes = [1], strides = [1]} : vector<16xf32> to vector<1xf32>
    %squeeze3A_1430 = vector.extract %slice3A_1429[0] : f32 from vector<1xf32>
    %broadcast_in_dim3A_1431 = vector.broadcast %squeeze3A_1430 : f32 to vector<16xf32>
    %swap3A_1432 = arith.constant 3744 : index
    %swap3A_1433 = tpu.vector_load %arg7[%swap3A_1432] {strides = array<i32>} : memref<4864xf32, #tpu.memory_space<vmem>>, vector<16xf32>,
    tpu.vector_store %arg7[%swap3A_1432], %broadcast_in_dim3A_1431 {strides = array<i32>} : memref<4864xf32, #tpu.memory_space<vmem>>, vector<16xf32>,
    %slice3A_1434 = vector.extract_strided_slice %get3A_1378 {offsets = [11], sizes = [1], strides = [1]} : vector<16xf32> to vector<1xf32>
    %squeeze3A_1435 = vector.extract %slice3A_1434[0] : f32 from vector<1xf32>
    %broadcast_in_dim3A_1436 = vector.broadcast %squeeze3A_1435 : f32 to vector<16xf32>
    %swap3A_1437 = arith.constant 3760 : index
    %swap3A_1438 = tpu.vector_load %arg7[%swap3A_1437] {strides = array<i32>} : memref<4864xf32, #tpu.memory_space<vmem>>, vector<16xf32>,
    tpu.vector_store %arg7[%swap3A_1437], %broadcast_in_dim3A_1436 {strides = array<i32>} : memref<4864xf32, #tpu.memory_space<vmem>>, vector<16xf32>,
    %slice3A_1439 = vector.extract_strided_slice %get3A_1378 {offsets = [12], sizes = [1], strides = [1]} : vector<16xf32> to vector<1xf32>
    %squeeze3A_1440 = vector.extract %slice3A_1439[0] : f32 from vector<1xf32>
    %broadcast_in_dim3A_1441 = vector.broadcast %squeeze3A_1440 : f32 to vector<16xf32>
    %swap3A_1442 = arith.constant 3776 : index
    %swap3A_1443 = tpu.vector_load %arg7[%swap3A_1442] {strides = array<i32>} : memref<4864xf32, #tpu.memory_space<vmem>>, vector<16xf32>,
    tpu.vector_store %arg7[%swap3A_1442], %broadcast_in_dim3A_1441 {strides = array<i32>} : memref<4864xf32, #tpu.memory_space<vmem>>, vector<16xf32>,
    %slice3A_1444 = vector.extract_strided_slice %get3A_1378 {offsets = [13], sizes = [1], strides = [1]} : vector<16xf32> to vector<1xf32>
    %squeeze3A_1445 = vector.extract %slice3A_1444[0] : f32 from vector<1xf32>
    %broadcast_in_dim3A_1446 = vector.broadcast %squeeze3A_1445 : f32 to vector<16xf32>
    %swap3A_1447 = arith.constant 3792 : index
    %swap3A_1448 = tpu.vector_load %arg7[%swap3A_1447] {strides = array<i32>} : memref<4864xf32, #tpu.memory_space<vmem>>, vector<16xf32>,
    tpu.vector_store %arg7[%swap3A_1447], %broadcast_in_dim3A_1446 {strides = array<i32>} : memref<4864xf32, #tpu.memory_space<vmem>>, vector<16xf32>,
    %slice3A_1449 = vector.extract_strided_slice %get3A_1378 {offsets = [14], sizes = [1], strides = [1]} : vector<16xf32> to vector<1xf32>
    %squeeze3A_1450 = vector.extract %slice3A_1449[0] : f32 from vector<1xf32>
    %broadcast_in_dim3A_1451 = vector.broadcast %squeeze3A_1450 : f32 to vector<16xf32>
    %swap3A_1452 = arith.constant 3808 : index
    %swap3A_1453 = tpu.vector_load %arg7[%swap3A_1452] {strides = array<i32>} : memref<4864xf32, #tpu.memory_space<vmem>>, vector<16xf32>,
    tpu.vector_store %arg7[%swap3A_1452], %broadcast_in_dim3A_1451 {strides = array<i32>} : memref<4864xf32, #tpu.memory_space<vmem>>, vector<16xf32>,
    %slice3A_1454 = vector.extract_strided_slice %get3A_1378 {offsets = [15], sizes = [1], strides = [1]} : vector<16xf32> to vector<1xf32>
    %squeeze3A_1455 = vector.extract %slice3A_1454[0] : f32 from vector<1xf32>
    %broadcast_in_dim3A_1456 = vector.broadcast %squeeze3A_1455 : f32 to vector<16xf32>
    %swap3A_1457 = arith.constant 3824 : index
    %swap3A_1458 = tpu.vector_load %arg7[%swap3A_1457] {strides = array<i32>} : memref<4864xf32, #tpu.memory_space<vmem>>, vector<16xf32>,
    tpu.vector_store %arg7[%swap3A_1457], %broadcast_in_dim3A_1456 {strides = array<i32>} : memref<4864xf32, #tpu.memory_space<vmem>>, vector<16xf32>,
    %get3A_1459 = arith.constant 272 : index
    %get3A_1460 = tpu.vector_load %arg6[%get3A_1459] {strides = array<i32>} : memref<336xf32, #tpu.memory_space<vmem>>, vector<16xf32>,
    %slice3A_1461 = vector.extract_strided_slice %get3A_1460 {offsets = [0], sizes = [1], strides = [1]} : vector<16xf32> to vector<1xf32>
    %squeeze3A_1462 = vector.extract %slice3A_1461[0] : f32 from vector<1xf32>
    %broadcast_in_dim3A_1463 = vector.broadcast %squeeze3A_1462 : f32 to vector<16xf32>
    %swap3A_1464 = arith.constant 3840 : index
    %swap3A_1465 = tpu.vector_load %arg7[%swap3A_1464] {strides = array<i32>} : memref<4864xf32, #tpu.memory_space<vmem>>, vector<16xf32>,
    tpu.vector_store %arg7[%swap3A_1464], %broadcast_in_dim3A_1463 {strides = array<i32>} : memref<4864xf32, #tpu.memory_space<vmem>>, vector<16xf32>,
    %slice3A_1466 = vector.extract_strided_slice %get3A_1460 {offsets = [1], sizes = [1], strides = [1]} : vector<16xf32> to vector<1xf32>
    %squeeze3A_1467 = vector.extract %slice3A_1466[0] : f32 from vector<1xf32>
    %broadcast_in_dim3A_1468 = vector.broadcast %squeeze3A_1467 : f32 to vector<16xf32>
    %swap3A_1469 = arith.constant 3856 : index
    %swap3A_1470 = tpu.vector_load %arg7[%swap3A_1469] {strides = array<i32>} : memref<4864xf32, #tpu.memory_space<vmem>>, vector<16xf32>,
    tpu.vector_store %arg7[%swap3A_1469], %broadcast_in_dim3A_1468 {strides = array<i32>} : memref<4864xf32, #tpu.memory_space<vmem>>, vector<16xf32>,
    %slice3A_1471 = vector.extract_strided_slice %get3A_1460 {offsets = [2], sizes = [1], strides = [1]} : vector<16xf32> to vector<1xf32>
    %squeeze3A_1472 = vector.extract %slice3A_1471[0] : f32 from vector<1xf32>
    %broadcast_in_dim3A_1473 = vector.broadcast %squeeze3A_1472 : f32 to vector<16xf32>
    %swap3A_1474 = arith.constant 3872 : index
    %swap3A_1475 = tpu.vector_load %arg7[%swap3A_1474] {strides = array<i32>} : memref<4864xf32, #tpu.memory_space<vmem>>, vector<16xf32>,
    tpu.vector_store %arg7[%swap3A_1474], %broadcast_in_dim3A_1473 {strides = array<i32>} : memref<4864xf32, #tpu.memory_space<vmem>>, vector<16xf32>,
    %slice3A_1476 = vector.extract_strided_slice %get3A_1460 {offsets = [3], sizes = [1], strides = [1]} : vector<16xf32> to vector<1xf32>
    %squeeze3A_1477 = vector.extract %slice3A_1476[0] : f32 from vector<1xf32>
    %broadcast_in_dim3A_1478 = vector.broadcast %squeeze3A_1477 : f32 to vector<16xf32>
    %swap3A_1479 = arith.constant 3888 : index
    %swap3A_1480 = tpu.vector_load %arg7[%swap3A_1479] {strides = array<i32>} : memref<4864xf32, #tpu.memory_space<vmem>>, vector<16xf32>,
    tpu.vector_store %arg7[%swap3A_1479], %broadcast_in_dim3A_1478 {strides = array<i32>} : memref<4864xf32, #tpu.memory_space<vmem>>, vector<16xf32>,
    %slice3A_1481 = vector.extract_strided_slice %get3A_1460 {offsets = [4], sizes = [1], strides = [1]} : vector<16xf32> to vector<1xf32>
    %squeeze3A_1482 = vector.extract %slice3A_1481[0] : f32 from vector<1xf32>
    %broadcast_in_dim3A_1483 = vector.broadcast %squeeze3A_1482 : f32 to vector<16xf32>
    %swap3A_1484 = arith.constant 3904 : index
    %swap3A_1485 = tpu.vector_load %arg7[%swap3A_1484] {strides = array<i32>} : memref<4864xf32, #tpu.memory_space<vmem>>, vector<16xf32>,
    tpu.vector_store %arg7[%swap3A_1484], %broadcast_in_dim3A_1483 {strides = array<i32>} : memref<4864xf32, #tpu.memory_space<vmem>>, vector<16xf32>,
    %slice3A_1486 = vector.extract_strided_slice %get3A_1460 {offsets = [5], sizes = [1], strides = [1]} : vector<16xf32> to vector<1xf32>
    %squeeze3A_1487 = vector.extract %slice3A_1486[0] : f32 from vector<1xf32>
    %broadcast_in_dim3A_1488 = vector.broadcast %squeeze3A_1487 : f32 to vector<16xf32>
    %swap3A_1489 = arith.constant 3920 : index
    %swap3A_1490 = tpu.vector_load %arg7[%swap3A_1489] {strides = array<i32>} : memref<4864xf32, #tpu.memory_space<vmem>>, vector<16xf32>,
    tpu.vector_store %arg7[%swap3A_1489], %broadcast_in_dim3A_1488 {strides = array<i32>} : memref<4864xf32, #tpu.memory_space<vmem>>, vector<16xf32>,
    %slice3A_1491 = vector.extract_strided_slice %get3A_1460 {offsets = [6], sizes = [1], strides = [1]} : vector<16xf32> to vector<1xf32>
    %squeeze3A_1492 = vector.extract %slice3A_1491[0] : f32 from vector<1xf32>
    %broadcast_in_dim3A_1493 = vector.broadcast %squeeze3A_1492 : f32 to vector<16xf32>
    %swap3A_1494 = arith.constant 3936 : index
    %swap3A_1495 = tpu.vector_load %arg7[%swap3A_1494] {strides = array<i32>} : memref<4864xf32, #tpu.memory_space<vmem>>, vector<16xf32>,
    tpu.vector_store %arg7[%swap3A_1494], %broadcast_in_dim3A_1493 {strides = array<i32>} : memref<4864xf32, #tpu.memory_space<vmem>>, vector<16xf32>,
    %slice3A_1496 = vector.extract_strided_slice %get3A_1460 {offsets = [7], sizes = [1], strides = [1]} : vector<16xf32> to vector<1xf32>
    %squeeze3A_1497 = vector.extract %slice3A_1496[0] : f32 from vector<1xf32>
    %broadcast_in_dim3A_1498 = vector.broadcast %squeeze3A_1497 : f32 to vector<16xf32>
    %swap3A_1499 = arith.constant 3952 : index
    %swap3A_1500 = tpu.vector_load %arg7[%swap3A_1499] {strides = array<i32>} : memref<4864xf32, #tpu.memory_space<vmem>>, vector<16xf32>,
    tpu.vector_store %arg7[%swap3A_1499], %broadcast_in_dim3A_1498 {strides = array<i32>} : memref<4864xf32, #tpu.memory_space<vmem>>, vector<16xf32>,
    %slice3A_1501 = vector.extract_strided_slice %get3A_1460 {offsets = [8], sizes = [1], strides = [1]} : vector<16xf32> to vector<1xf32>
    %squeeze3A_1502 = vector.extract %slice3A_1501[0] : f32 from vector<1xf32>
    %broadcast_in_dim3A_1503 = vector.broadcast %squeeze3A_1502 : f32 to vector<16xf32>
    %swap3A_1504 = arith.constant 3968 : index
    %swap3A_1505 = tpu.vector_load %arg7[%swap3A_1504] {strides = array<i32>} : memref<4864xf32, #tpu.memory_space<vmem>>, vector<16xf32>,
    tpu.vector_store %arg7[%swap3A_1504], %broadcast_in_dim3A_1503 {strides = array<i32>} : memref<4864xf32, #tpu.memory_space<vmem>>, vector<16xf32>,
    %slice3A_1506 = vector.extract_strided_slice %get3A_1460 {offsets = [9], sizes = [1], strides = [1]} : vector<16xf32> to vector<1xf32>
    %squeeze3A_1507 = vector.extract %slice3A_1506[0] : f32 from vector<1xf32>
    %broadcast_in_dim3A_1508 = vector.broadcast %squeeze3A_1507 : f32 to vector<16xf32>
    %swap3A_1509 = arith.constant 3984 : index
    %swap3A_1510 = tpu.vector_load %arg7[%swap3A_1509] {strides = array<i32>} : memref<4864xf32, #tpu.memory_space<vmem>>, vector<16xf32>,
    tpu.vector_store %arg7[%swap3A_1509], %broadcast_in_dim3A_1508 {strides = array<i32>} : memref<4864xf32, #tpu.memory_space<vmem>>, vector<16xf32>,
    %slice3A_1511 = vector.extract_strided_slice %get3A_1460 {offsets = [10], sizes = [1], strides = [1]} : vector<16xf32> to vector<1xf32>
    %squeeze3A_1512 = vector.extract %slice3A_1511[0] : f32 from vector<1xf32>
    %broadcast_in_dim3A_1513 = vector.broadcast %squeeze3A_1512 : f32 to vector<16xf32>
    %swap3A_1514 = arith.constant 4000 : index
    %swap3A_1515 = tpu.vector_load %arg7[%swap3A_1514] {strides = array<i32>} : memref<4864xf32, #tpu.memory_space<vmem>>, vector<16xf32>,
    tpu.vector_store %arg7[%swap3A_1514], %broadcast_in_dim3A_1513 {strides = array<i32>} : memref<4864xf32, #tpu.memory_space<vmem>>, vector<16xf32>,
    %slice3A_1516 = vector.extract_strided_slice %get3A_1460 {offsets = [11], sizes = [1], strides = [1]} : vector<16xf32> to vector<1xf32>
    %squeeze3A_1517 = vector.extract %slice3A_1516[0] : f32 from vector<1xf32>
    %broadcast_in_dim3A_1518 = vector.broadcast %squeeze3A_1517 : f32 to vector<16xf32>
    %swap3A_1519 = arith.constant 4016 : index
    %swap3A_1520 = tpu.vector_load %arg7[%swap3A_1519] {strides = array<i32>} : memref<4864xf32, #tpu.memory_space<vmem>>, vector<16xf32>,
    tpu.vector_store %arg7[%swap3A_1519], %broadcast_in_dim3A_1518 {strides = array<i32>} : memref<4864xf32, #tpu.memory_space<vmem>>, vector<16xf32>,
    %slice3A_1521 = vector.extract_strided_slice %get3A_1460 {offsets = [12], sizes = [1], strides = [1]} : vector<16xf32> to vector<1xf32>
    %squeeze3A_1522 = vector.extract %slice3A_1521[0] : f32 from vector<1xf32>
    %broadcast_in_dim3A_1523 = vector.broadcast %squeeze3A_1522 : f32 to vector<16xf32>
    %swap3A_1524 = arith.constant 4032 : index
    %swap3A_1525 = tpu.vector_load %arg7[%swap3A_1524] {strides = array<i32>} : memref<4864xf32, #tpu.memory_space<vmem>>, vector<16xf32>,
    tpu.vector_store %arg7[%swap3A_1524], %broadcast_in_dim3A_1523 {strides = array<i32>} : memref<4864xf32, #tpu.memory_space<vmem>>, vector<16xf32>,
    %slice3A_1526 = vector.extract_strided_slice %get3A_1460 {offsets = [13], sizes = [1], strides = [1]} : vector<16xf32> to vector<1xf32>
    %squeeze3A_1527 = vector.extract %slice3A_1526[0] : f32 from vector<1xf32>
    %broadcast_in_dim3A_1528 = vector.broadcast %squeeze3A_1527 : f32 to vector<16xf32>
    %swap3A_1529 = arith.constant 4048 : index
    %swap3A_1530 = tpu.vector_load %arg7[%swap3A_1529] {strides = array<i32>} : memref<4864xf32, #tpu.memory_space<vmem>>, vector<16xf32>,
    tpu.vector_store %arg7[%swap3A_1529], %broadcast_in_dim3A_1528 {strides = array<i32>} : memref<4864xf32, #tpu.memory_space<vmem>>, vector<16xf32>,
    %slice3A_1531 = vector.extract_strided_slice %get3A_1460 {offsets = [14], sizes = [1], strides = [1]} : vector<16xf32> to vector<1xf32>
    %squeeze3A_1532 = vector.extract %slice3A_1531[0] : f32 from vector<1xf32>
    %broadcast_in_dim3A_1533 = vector.broadcast %squeeze3A_1532 : f32 to vector<16xf32>
    %swap3A_1534 = arith.constant 4064 : index
    %swap3A_1535 = tpu.vector_load %arg7[%swap3A_1534] {strides = array<i32>} : memref<4864xf32, #tpu.memory_space<vmem>>, vector<16xf32>,
    tpu.vector_store %arg7[%swap3A_1534], %broadcast_in_dim3A_1533 {strides = array<i32>} : memref<4864xf32, #tpu.memory_space<vmem>>, vector<16xf32>,
    %slice3A_1536 = vector.extract_strided_slice %get3A_1460 {offsets = [15], sizes = [1], strides = [1]} : vector<16xf32> to vector<1xf32>
    %squeeze3A_1537 = vector.extract %slice3A_1536[0] : f32 from vector<1xf32>
    %broadcast_in_dim3A_1538 = vector.broadcast %squeeze3A_1537 : f32 to vector<16xf32>
    %swap3A_1539 = arith.constant 4080 : index
    %swap3A_1540 = tpu.vector_load %arg7[%swap3A_1539] {strides = array<i32>} : memref<4864xf32, #tpu.memory_space<vmem>>, vector<16xf32>,
    tpu.vector_store %arg7[%swap3A_1539], %broadcast_in_dim3A_1538 {strides = array<i32>} : memref<4864xf32, #tpu.memory_space<vmem>>, vector<16xf32>,
    %get3A_1541 = arith.constant 288 : index
    %get3A_1542 = tpu.vector_load %arg6[%get3A_1541] {strides = array<i32>} : memref<336xf32, #tpu.memory_space<vmem>>, vector<16xf32>,
    %slice3A_1543 = vector.extract_strided_slice %get3A_1542 {offsets = [0], sizes = [1], strides = [1]} : vector<16xf32> to vector<1xf32>
    %squeeze3A_1544 = vector.extract %slice3A_1543[0] : f32 from vector<1xf32>
    %broadcast_in_dim3A_1545 = vector.broadcast %squeeze3A_1544 : f32 to vector<16xf32>
    %swap3A_1546 = arith.constant 4096 : index
    %swap3A_1547 = tpu.vector_load %arg7[%swap3A_1546] {strides = array<i32>} : memref<4864xf32, #tpu.memory_space<vmem>>, vector<16xf32>,
    tpu.vector_store %arg7[%swap3A_1546], %broadcast_in_dim3A_1545 {strides = array<i32>} : memref<4864xf32, #tpu.memory_space<vmem>>, vector<16xf32>,
    %slice3A_1548 = vector.extract_strided_slice %get3A_1542 {offsets = [1], sizes = [1], strides = [1]} : vector<16xf32> to vector<1xf32>
    %squeeze3A_1549 = vector.extract %slice3A_1548[0] : f32 from vector<1xf32>
    %broadcast_in_dim3A_1550 = vector.broadcast %squeeze3A_1549 : f32 to vector<16xf32>
    %swap3A_1551 = arith.constant 4112 : index
    %swap3A_1552 = tpu.vector_load %arg7[%swap3A_1551] {strides = array<i32>} : memref<4864xf32, #tpu.memory_space<vmem>>, vector<16xf32>,
    tpu.vector_store %arg7[%swap3A_1551], %broadcast_in_dim3A_1550 {strides = array<i32>} : memref<4864xf32, #tpu.memory_space<vmem>>, vector<16xf32>,
    %slice3A_1553 = vector.extract_strided_slice %get3A_1542 {offsets = [2], sizes = [1], strides = [1]} : vector<16xf32> to vector<1xf32>
    %squeeze3A_1554 = vector.extract %slice3A_1553[0] : f32 from vector<1xf32>
    %broadcast_in_dim3A_1555 = vector.broadcast %squeeze3A_1554 : f32 to vector<16xf32>
    %swap3A_1556 = arith.constant 4128 : index
    %swap3A_1557 = tpu.vector_load %arg7[%swap3A_1556] {strides = array<i32>} : memref<4864xf32, #tpu.memory_space<vmem>>, vector<16xf32>,
    tpu.vector_store %arg7[%swap3A_1556], %broadcast_in_dim3A_1555 {strides = array<i32>} : memref<4864xf32, #tpu.memory_space<vmem>>, vector<16xf32>,
    %slice3A_1558 = vector.extract_strided_slice %get3A_1542 {offsets = [3], sizes = [1], strides = [1]} : vector<16xf32> to vector<1xf32>
    %squeeze3A_1559 = vector.extract %slice3A_1558[0] : f32 from vector<1xf32>
    %broadcast_in_dim3A_1560 = vector.broadcast %squeeze3A_1559 : f32 to vector<16xf32>
    %swap3A_1561 = arith.constant 4144 : index
    %swap3A_1562 = tpu.vector_load %arg7[%swap3A_1561] {strides = array<i32>} : memref<4864xf32, #tpu.memory_space<vmem>>, vector<16xf32>,
    tpu.vector_store %arg7[%swap3A_1561], %broadcast_in_dim3A_1560 {strides = array<i32>} : memref<4864xf32, #tpu.memory_space<vmem>>, vector<16xf32>,
    %slice3A_1563 = vector.extract_strided_slice %get3A_1542 {offsets = [4], sizes = [1], strides = [1]} : vector<16xf32> to vector<1xf32>
    %squeeze3A_1564 = vector.extract %slice3A_1563[0] : f32 from vector<1xf32>
    %broadcast_in_dim3A_1565 = vector.broadcast %squeeze3A_1564 : f32 to vector<16xf32>
    %swap3A_1566 = arith.constant 4160 : index
    %swap3A_1567 = tpu.vector_load %arg7[%swap3A_1566] {strides = array<i32>} : memref<4864xf32, #tpu.memory_space<vmem>>, vector<16xf32>,
    tpu.vector_store %arg7[%swap3A_1566], %broadcast_in_dim3A_1565 {strides = array<i32>} : memref<4864xf32, #tpu.memory_space<vmem>>, vector<16xf32>,
    %slice3A_1568 = vector.extract_strided_slice %get3A_1542 {offsets = [5], sizes = [1], strides = [1]} : vector<16xf32> to vector<1xf32>
    %squeeze3A_1569 = vector.extract %slice3A_1568[0] : f32 from vector<1xf32>
    %broadcast_in_dim3A_1570 = vector.broadcast %squeeze3A_1569 : f32 to vector<16xf32>
    %swap3A_1571 = arith.constant 4176 : index
    %swap3A_1572 = tpu.vector_load %arg7[%swap3A_1571] {strides = array<i32>} : memref<4864xf32, #tpu.memory_space<vmem>>, vector<16xf32>,
    tpu.vector_store %arg7[%swap3A_1571], %broadcast_in_dim3A_1570 {strides = array<i32>} : memref<4864xf32, #tpu.memory_space<vmem>>, vector<16xf32>,
    %slice3A_1573 = vector.extract_strided_slice %get3A_1542 {offsets = [6], sizes = [1], strides = [1]} : vector<16xf32> to vector<1xf32>
    %squeeze3A_1574 = vector.extract %slice3A_1573[0] : f32 from vector<1xf32>
    %broadcast_in_dim3A_1575 = vector.broadcast %squeeze3A_1574 : f32 to vector<16xf32>
    %swap3A_1576 = arith.constant 4192 : index
    %swap3A_1577 = tpu.vector_load %arg7[%swap3A_1576] {strides = array<i32>} : memref<4864xf32, #tpu.memory_space<vmem>>, vector<16xf32>,
    tpu.vector_store %arg7[%swap3A_1576], %broadcast_in_dim3A_1575 {strides = array<i32>} : memref<4864xf32, #tpu.memory_space<vmem>>, vector<16xf32>,
    %slice3A_1578 = vector.extract_strided_slice %get3A_1542 {offsets = [7], sizes = [1], strides = [1]} : vector<16xf32> to vector<1xf32>
    %squeeze3A_1579 = vector.extract %slice3A_1578[0] : f32 from vector<1xf32>
    %broadcast_in_dim3A_1580 = vector.broadcast %squeeze3A_1579 : f32 to vector<16xf32>
    %swap3A_1581 = arith.constant 4208 : index
    %swap3A_1582 = tpu.vector_load %arg7[%swap3A_1581] {strides = array<i32>} : memref<4864xf32, #tpu.memory_space<vmem>>, vector<16xf32>,
    tpu.vector_store %arg7[%swap3A_1581], %broadcast_in_dim3A_1580 {strides = array<i32>} : memref<4864xf32, #tpu.memory_space<vmem>>, vector<16xf32>,
    %slice3A_1583 = vector.extract_strided_slice %get3A_1542 {offsets = [8], sizes = [1], strides = [1]} : vector<16xf32> to vector<1xf32>
    %squeeze3A_1584 = vector.extract %slice3A_1583[0] : f32 from vector<1xf32>
    %broadcast_in_dim3A_1585 = vector.broadcast %squeeze3A_1584 : f32 to vector<16xf32>
    %swap3A_1586 = arith.constant 4224 : index
    %swap3A_1587 = tpu.vector_load %arg7[%swap3A_1586] {strides = array<i32>} : memref<4864xf32, #tpu.memory_space<vmem>>, vector<16xf32>,
    tpu.vector_store %arg7[%swap3A_1586], %broadcast_in_dim3A_1585 {strides = array<i32>} : memref<4864xf32, #tpu.memory_space<vmem>>, vector<16xf32>,
    %slice3A_1588 = vector.extract_strided_slice %get3A_1542 {offsets = [9], sizes = [1], strides = [1]} : vector<16xf32> to vector<1xf32>
    %squeeze3A_1589 = vector.extract %slice3A_1588[0] : f32 from vector<1xf32>
    %broadcast_in_dim3A_1590 = vector.broadcast %squeeze3A_1589 : f32 to vector<16xf32>
    %swap3A_1591 = arith.constant 4240 : index
    %swap3A_1592 = tpu.vector_load %arg7[%swap3A_1591] {strides = array<i32>} : memref<4864xf32, #tpu.memory_space<vmem>>, vector<16xf32>,
    tpu.vector_store %arg7[%swap3A_1591], %broadcast_in_dim3A_1590 {strides = array<i32>} : memref<4864xf32, #tpu.memory_space<vmem>>, vector<16xf32>,
    %slice3A_1593 = vector.extract_strided_slice %get3A_1542 {offsets = [10], sizes = [1], strides = [1]} : vector<16xf32> to vector<1xf32>
    %squeeze3A_1594 = vector.extract %slice3A_1593[0] : f32 from vector<1xf32>
    %broadcast_in_dim3A_1595 = vector.broadcast %squeeze3A_1594 : f32 to vector<16xf32>
    %swap3A_1596 = arith.constant 4256 : index
    %swap3A_1597 = tpu.vector_load %arg7[%swap3A_1596] {strides = array<i32>} : memref<4864xf32, #tpu.memory_space<vmem>>, vector<16xf32>,
    tpu.vector_store %arg7[%swap3A_1596], %broadcast_in_dim3A_1595 {strides = array<i32>} : memref<4864xf32, #tpu.memory_space<vmem>>, vector<16xf32>,
    %slice3A_1598 = vector.extract_strided_slice %get3A_1542 {offsets = [11], sizes = [1], strides = [1]} : vector<16xf32> to vector<1xf32>
    %squeeze3A_1599 = vector.extract %slice3A_1598[0] : f32 from vector<1xf32>
    %broadcast_in_dim3A_1600 = vector.broadcast %squeeze3A_1599 : f32 to vector<16xf32>
    %swap3A_1601 = arith.constant 4272 : index
    %swap3A_1602 = tpu.vector_load %arg7[%swap3A_1601] {strides = array<i32>} : memref<4864xf32, #tpu.memory_space<vmem>>, vector<16xf32>,
    tpu.vector_store %arg7[%swap3A_1601], %broadcast_in_dim3A_1600 {strides = array<i32>} : memref<4864xf32, #tpu.memory_space<vmem>>, vector<16xf32>,
    %slice3A_1603 = vector.extract_strided_slice %get3A_1542 {offsets = [12], sizes = [1], strides = [1]} : vector<16xf32> to vector<1xf32>
    %squeeze3A_1604 = vector.extract %slice3A_1603[0] : f32 from vector<1xf32>
    %broadcast_in_dim3A_1605 = vector.broadcast %squeeze3A_1604 : f32 to vector<16xf32>
    %swap3A_1606 = arith.constant 4288 : index
    %swap3A_1607 = tpu.vector_load %arg7[%swap3A_1606] {strides = array<i32>} : memref<4864xf32, #tpu.memory_space<vmem>>, vector<16xf32>,
    tpu.vector_store %arg7[%swap3A_1606], %broadcast_in_dim3A_1605 {strides = array<i32>} : memref<4864xf32, #tpu.memory_space<vmem>>, vector<16xf32>,
    %slice3A_1608 = vector.extract_strided_slice %get3A_1542 {offsets = [13], sizes = [1], strides = [1]} : vector<16xf32> to vector<1xf32>
    %squeeze3A_1609 = vector.extract %slice3A_1608[0] : f32 from vector<1xf32>
    %broadcast_in_dim3A_1610 = vector.broadcast %squeeze3A_1609 : f32 to vector<16xf32>
    %swap3A_1611 = arith.constant 4304 : index
    %swap3A_1612 = tpu.vector_load %arg7[%swap3A_1611] {strides = array<i32>} : memref<4864xf32, #tpu.memory_space<vmem>>, vector<16xf32>,
    tpu.vector_store %arg7[%swap3A_1611], %broadcast_in_dim3A_1610 {strides = array<i32>} : memref<4864xf32, #tpu.memory_space<vmem>>, vector<16xf32>,
    %slice3A_1613 = vector.extract_strided_slice %get3A_1542 {offsets = [14], sizes = [1], strides = [1]} : vector<16xf32> to vector<1xf32>
    %squeeze3A_1614 = vector.extract %slice3A_1613[0] : f32 from vector<1xf32>
    %broadcast_in_dim3A_1615 = vector.broadcast %squeeze3A_1614 : f32 to vector<16xf32>
    %swap3A_1616 = arith.constant 4320 : index
    %swap3A_1617 = tpu.vector_load %arg7[%swap3A_1616] {strides = array<i32>} : memref<4864xf32, #tpu.memory_space<vmem>>, vector<16xf32>,
    tpu.vector_store %arg7[%swap3A_1616], %broadcast_in_dim3A_1615 {strides = array<i32>} : memref<4864xf32, #tpu.memory_space<vmem>>, vector<16xf32>,
    %slice3A_1618 = vector.extract_strided_slice %get3A_1542 {offsets = [15], sizes = [1], strides = [1]} : vector<16xf32> to vector<1xf32>
    %squeeze3A_1619 = vector.extract %slice3A_1618[0] : f32 from vector<1xf32>
    %broadcast_in_dim3A_1620 = vector.broadcast %squeeze3A_1619 : f32 to vector<16xf32>
    %swap3A_1621 = arith.constant 4336 : index
    %swap3A_1622 = tpu.vector_load %arg7[%swap3A_1621] {strides = array<i32>} : memref<4864xf32, #tpu.memory_space<vmem>>, vector<16xf32>,
    tpu.vector_store %arg7[%swap3A_1621], %broadcast_in_dim3A_1620 {strides = array<i32>} : memref<4864xf32, #tpu.memory_space<vmem>>, vector<16xf32>,
    %get3A_1623 = arith.constant 304 : index
    %get3A_1624 = tpu.vector_load %arg6[%get3A_1623] {strides = array<i32>} : memref<336xf32, #tpu.memory_space<vmem>>, vector<16xf32>,
    %slice3A_1625 = vector.extract_strided_slice %get3A_1624 {offsets = [0], sizes = [1], strides = [1]} : vector<16xf32> to vector<1xf32>
    %squeeze3A_1626 = vector.extract %slice3A_1625[0] : f32 from vector<1xf32>
    %broadcast_in_dim3A_1627 = vector.broadcast %squeeze3A_1626 : f32 to vector<16xf32>
    %swap3A_1628 = arith.constant 4352 : index
    %swap3A_1629 = tpu.vector_load %arg7[%swap3A_1628] {strides = array<i32>} : memref<4864xf32, #tpu.memory_space<vmem>>, vector<16xf32>,
    tpu.vector_store %arg7[%swap3A_1628], %broadcast_in_dim3A_1627 {strides = array<i32>} : memref<4864xf32, #tpu.memory_space<vmem>>, vector<16xf32>,
    %slice3A_1630 = vector.extract_strided_slice %get3A_1624 {offsets = [1], sizes = [1], strides = [1]} : vector<16xf32> to vector<1xf32>
    %squeeze3A_1631 = vector.extract %slice3A_1630[0] : f32 from vector<1xf32>
    %broadcast_in_dim3A_1632 = vector.broadcast %squeeze3A_1631 : f32 to vector<16xf32>
    %swap3A_1633 = arith.constant 4368 : index
    %swap3A_1634 = tpu.vector_load %arg7[%swap3A_1633] {strides = array<i32>} : memref<4864xf32, #tpu.memory_space<vmem>>, vector<16xf32>,
    tpu.vector_store %arg7[%swap3A_1633], %broadcast_in_dim3A_1632 {strides = array<i32>} : memref<4864xf32, #tpu.memory_space<vmem>>, vector<16xf32>,
    %slice3A_1635 = vector.extract_strided_slice %get3A_1624 {offsets = [2], sizes = [1], strides = [1]} : vector<16xf32> to vector<1xf32>
    %squeeze3A_1636 = vector.extract %slice3A_1635[0] : f32 from vector<1xf32>
    %broadcast_in_dim3A_1637 = vector.broadcast %squeeze3A_1636 : f32 to vector<16xf32>
    %swap3A_1638 = arith.constant 4384 : index
    %swap3A_1639 = tpu.vector_load %arg7[%swap3A_1638] {strides = array<i32>} : memref<4864xf32, #tpu.memory_space<vmem>>, vector<16xf32>,
    tpu.vector_store %arg7[%swap3A_1638], %broadcast_in_dim3A_1637 {strides = array<i32>} : memref<4864xf32, #tpu.memory_space<vmem>>, vector<16xf32>,
    %slice3A_1640 = vector.extract_strided_slice %get3A_1624 {offsets = [3], sizes = [1], strides = [1]} : vector<16xf32> to vector<1xf32>
    %squeeze3A_1641 = vector.extract %slice3A_1640[0] : f32 from vector<1xf32>
    %broadcast_in_dim3A_1642 = vector.broadcast %squeeze3A_1641 : f32 to vector<16xf32>
    %swap3A_1643 = arith.constant 4400 : index
    %swap3A_1644 = tpu.vector_load %arg7[%swap3A_1643] {strides = array<i32>} : memref<4864xf32, #tpu.memory_space<vmem>>, vector<16xf32>,
    tpu.vector_store %arg7[%swap3A_1643], %broadcast_in_dim3A_1642 {strides = array<i32>} : memref<4864xf32, #tpu.memory_space<vmem>>, vector<16xf32>,
    %slice3A_1645 = vector.extract_strided_slice %get3A_1624 {offsets = [4], sizes = [1], strides = [1]} : vector<16xf32> to vector<1xf32>
    %squeeze3A_1646 = vector.extract %slice3A_1645[0] : f32 from vector<1xf32>
    %broadcast_in_dim3A_1647 = vector.broadcast %squeeze3A_1646 : f32 to vector<16xf32>
    %swap3A_1648 = arith.constant 4416 : index
    %swap3A_1649 = tpu.vector_load %arg7[%swap3A_1648] {strides = array<i32>} : memref<4864xf32, #tpu.memory_space<vmem>>, vector<16xf32>,
    tpu.vector_store %arg7[%swap3A_1648], %broadcast_in_dim3A_1647 {strides = array<i32>} : memref<4864xf32, #tpu.memory_space<vmem>>, vector<16xf32>,
    %slice3A_1650 = vector.extract_strided_slice %get3A_1624 {offsets = [5], sizes = [1], strides = [1]} : vector<16xf32> to vector<1xf32>
    %squeeze3A_1651 = vector.extract %slice3A_1650[0] : f32 from vector<1xf32>
    %broadcast_in_dim3A_1652 = vector.broadcast %squeeze3A_1651 : f32 to vector<16xf32>
    %swap3A_1653 = arith.constant 4432 : index
    %swap3A_1654 = tpu.vector_load %arg7[%swap3A_1653] {strides = array<i32>} : memref<4864xf32, #tpu.memory_space<vmem>>, vector<16xf32>,
    tpu.vector_store %arg7[%swap3A_1653], %broadcast_in_dim3A_1652 {strides = array<i32>} : memref<4864xf32, #tpu.memory_space<vmem>>, vector<16xf32>,
    %slice3A_1655 = vector.extract_strided_slice %get3A_1624 {offsets = [6], sizes = [1], strides = [1]} : vector<16xf32> to vector<1xf32>
    %squeeze3A_1656 = vector.extract %slice3A_1655[0] : f32 from vector<1xf32>
    %broadcast_in_dim3A_1657 = vector.broadcast %squeeze3A_1656 : f32 to vector<16xf32>
    %swap3A_1658 = arith.constant 4448 : index
    %swap3A_1659 = tpu.vector_load %arg7[%swap3A_1658] {strides = array<i32>} : memref<4864xf32, #tpu.memory_space<vmem>>, vector<16xf32>,
    tpu.vector_store %arg7[%swap3A_1658], %broadcast_in_dim3A_1657 {strides = array<i32>} : memref<4864xf32, #tpu.memory_space<vmem>>, vector<16xf32>,
    %slice3A_1660 = vector.extract_strided_slice %get3A_1624 {offsets = [7], sizes = [1], strides = [1]} : vector<16xf32> to vector<1xf32>
    %squeeze3A_1661 = vector.extract %slice3A_1660[0] : f32 from vector<1xf32>
    %broadcast_in_dim3A_1662 = vector.broadcast %squeeze3A_1661 : f32 to vector<16xf32>
    %swap3A_1663 = arith.constant 4464 : index
    %swap3A_1664 = tpu.vector_load %arg7[%swap3A_1663] {strides = array<i32>} : memref<4864xf32, #tpu.memory_space<vmem>>, vector<16xf32>,
    tpu.vector_store %arg7[%swap3A_1663], %broadcast_in_dim3A_1662 {strides = array<i32>} : memref<4864xf32, #tpu.memory_space<vmem>>, vector<16xf32>,
    %slice3A_1665 = vector.extract_strided_slice %get3A_1624 {offsets = [8], sizes = [1], strides = [1]} : vector<16xf32> to vector<1xf32>
    %squeeze3A_1666 = vector.extract %slice3A_1665[0] : f32 from vector<1xf32>
    %broadcast_in_dim3A_1667 = vector.broadcast %squeeze3A_1666 : f32 to vector<16xf32>
    %swap3A_1668 = arith.constant 4480 : index
    %swap3A_1669 = tpu.vector_load %arg7[%swap3A_1668] {strides = array<i32>} : memref<4864xf32, #tpu.memory_space<vmem>>, vector<16xf32>,
    tpu.vector_store %arg7[%swap3A_1668], %broadcast_in_dim3A_1667 {strides = array<i32>} : memref<4864xf32, #tpu.memory_space<vmem>>, vector<16xf32>,
    %slice3A_1670 = vector.extract_strided_slice %get3A_1624 {offsets = [9], sizes = [1], strides = [1]} : vector<16xf32> to vector<1xf32>
    %squeeze3A_1671 = vector.extract %slice3A_1670[0] : f32 from vector<1xf32>
    %broadcast_in_dim3A_1672 = vector.broadcast %squeeze3A_1671 : f32 to vector<16xf32>
    %swap3A_1673 = arith.constant 4496 : index
    %swap3A_1674 = tpu.vector_load %arg7[%swap3A_1673] {strides = array<i32>} : memref<4864xf32, #tpu.memory_space<vmem>>, vector<16xf32>,
    tpu.vector_store %arg7[%swap3A_1673], %broadcast_in_dim3A_1672 {strides = array<i32>} : memref<4864xf32, #tpu.memory_space<vmem>>, vector<16xf32>,
    %slice3A_1675 = vector.extract_strided_slice %get3A_1624 {offsets = [10], sizes = [1], strides = [1]} : vector<16xf32> to vector<1xf32>
    %squeeze3A_1676 = vector.extract %slice3A_1675[0] : f32 from vector<1xf32>
    %broadcast_in_dim3A_1677 = vector.broadcast %squeeze3A_1676 : f32 to vector<16xf32>
    %swap3A_1678 = arith.constant 4512 : index
    %swap3A_1679 = tpu.vector_load %arg7[%swap3A_1678] {strides = array<i32>} : memref<4864xf32, #tpu.memory_space<vmem>>, vector<16xf32>,
    tpu.vector_store %arg7[%swap3A_1678], %broadcast_in_dim3A_1677 {strides = array<i32>} : memref<4864xf32, #tpu.memory_space<vmem>>, vector<16xf32>,
    %slice3A_1680 = vector.extract_strided_slice %get3A_1624 {offsets = [11], sizes = [1], strides = [1]} : vector<16xf32> to vector<1xf32>
    %squeeze3A_1681 = vector.extract %slice3A_1680[0] : f32 from vector<1xf32>
    %broadcast_in_dim3A_1682 = vector.broadcast %squeeze3A_1681 : f32 to vector<16xf32>
    %swap3A_1683 = arith.constant 4528 : index
    %swap3A_1684 = tpu.vector_load %arg7[%swap3A_1683] {strides = array<i32>} : memref<4864xf32, #tpu.memory_space<vmem>>, vector<16xf32>,
    tpu.vector_store %arg7[%swap3A_1683], %broadcast_in_dim3A_1682 {strides = array<i32>} : memref<4864xf32, #tpu.memory_space<vmem>>, vector<16xf32>,
    %slice3A_1685 = vector.extract_strided_slice %get3A_1624 {offsets = [12], sizes = [1], strides = [1]} : vector<16xf32> to vector<1xf32>
    %squeeze3A_1686 = vector.extract %slice3A_1685[0] : f32 from vector<1xf32>
    %broadcast_in_dim3A_1687 = vector.broadcast %squeeze3A_1686 : f32 to vector<16xf32>
    %swap3A_1688 = arith.constant 4544 : index
    %swap3A_1689 = tpu.vector_load %arg7[%swap3A_1688] {strides = array<i32>} : memref<4864xf32, #tpu.memory_space<vmem>>, vector<16xf32>,
    tpu.vector_store %arg7[%swap3A_1688], %broadcast_in_dim3A_1687 {strides = array<i32>} : memref<4864xf32, #tpu.memory_space<vmem>>, vector<16xf32>,
    %slice3A_1690 = vector.extract_strided_slice %get3A_1624 {offsets = [13], sizes = [1], strides = [1]} : vector<16xf32> to vector<1xf32>
    %squeeze3A_1691 = vector.extract %slice3A_1690[0] : f32 from vector<1xf32>
    %broadcast_in_dim3A_1692 = vector.broadcast %squeeze3A_1691 : f32 to vector<16xf32>
    %swap3A_1693 = arith.constant 4560 : index
    %swap3A_1694 = tpu.vector_load %arg7[%swap3A_1693] {strides = array<i32>} : memref<4864xf32, #tpu.memory_space<vmem>>, vector<16xf32>,
    tpu.vector_store %arg7[%swap3A_1693], %broadcast_in_dim3A_1692 {strides = array<i32>} : memref<4864xf32, #tpu.memory_space<vmem>>, vector<16xf32>,
    %slice3A_1695 = vector.extract_strided_slice %get3A_1624 {offsets = [14], sizes = [1], strides = [1]} : vector<16xf32> to vector<1xf32>
    %squeeze3A_1696 = vector.extract %slice3A_1695[0] : f32 from vector<1xf32>
    %broadcast_in_dim3A_1697 = vector.broadcast %squeeze3A_1696 : f32 to vector<16xf32>
    %swap3A_1698 = arith.constant 4576 : index
    %swap3A_1699 = tpu.vector_load %arg7[%swap3A_1698] {strides = array<i32>} : memref<4864xf32, #tpu.memory_space<vmem>>, vector<16xf32>,
    tpu.vector_store %arg7[%swap3A_1698], %broadcast_in_dim3A_1697 {strides = array<i32>} : memref<4864xf32, #tpu.memory_space<vmem>>, vector<16xf32>,
    %slice3A_1700 = vector.extract_strided_slice %get3A_1624 {offsets = [15], sizes = [1], strides = [1]} : vector<16xf32> to vector<1xf32>
    %squeeze3A_1701 = vector.extract %slice3A_1700[0] : f32 from vector<1xf32>
    %broadcast_in_dim3A_1702 = vector.broadcast %squeeze3A_1701 : f32 to vector<16xf32>
    %swap3A_1703 = arith.constant 4592 : index
    %swap3A_1704 = tpu.vector_load %arg7[%swap3A_1703] {strides = array<i32>} : memref<4864xf32, #tpu.memory_space<vmem>>, vector<16xf32>,
    tpu.vector_store %arg7[%swap3A_1703], %broadcast_in_dim3A_1702 {strides = array<i32>} : memref<4864xf32, #tpu.memory_space<vmem>>, vector<16xf32>,
    %get3A_1705 = arith.constant 320 : index
    %get3A_1706 = tpu.vector_load %arg6[%get3A_1705] {strides = array<i32>} : memref<336xf32, #tpu.memory_space<vmem>>, vector<16xf32>,
    %slice3A_1707 = vector.extract_strided_slice %get3A_1706 {offsets = [0], sizes = [1], strides = [1]} : vector<16xf32> to vector<1xf32>
    %squeeze3A_1708 = vector.extract %slice3A_1707[0] : f32 from vector<1xf32>
    %broadcast_in_dim3A_1709 = vector.broadcast %squeeze3A_1708 : f32 to vector<16xf32>
    %swap3A_1710 = arith.constant 4608 : index
    %swap3A_1711 = tpu.vector_load %arg7[%swap3A_1710] {strides = array<i32>} : memref<4864xf32, #tpu.memory_space<vmem>>, vector<16xf32>,
    tpu.vector_store %arg7[%swap3A_1710], %broadcast_in_dim3A_1709 {strides = array<i32>} : memref<4864xf32, #tpu.memory_space<vmem>>, vector<16xf32>,
    %slice3A_1712 = vector.extract_strided_slice %get3A_1706 {offsets = [1], sizes = [1], strides = [1]} : vector<16xf32> to vector<1xf32>
    %squeeze3A_1713 = vector.extract %slice3A_1712[0] : f32 from vector<1xf32>
    %broadcast_in_dim3A_1714 = vector.broadcast %squeeze3A_1713 : f32 to vector<16xf32>
    %swap3A_1715 = arith.constant 4624 : index
    %swap3A_1716 = tpu.vector_load %arg7[%swap3A_1715] {strides = array<i32>} : memref<4864xf32, #tpu.memory_space<vmem>>, vector<16xf32>,
    tpu.vector_store %arg7[%swap3A_1715], %broadcast_in_dim3A_1714 {strides = array<i32>} : memref<4864xf32, #tpu.memory_space<vmem>>, vector<16xf32>,
    %slice3A_1717 = vector.extract_strided_slice %get3A_1706 {offsets = [2], sizes = [1], strides = [1]} : vector<16xf32> to vector<1xf32>
    %squeeze3A_1718 = vector.extract %slice3A_1717[0] : f32 from vector<1xf32>
    %broadcast_in_dim3A_1719 = vector.broadcast %squeeze3A_1718 : f32 to vector<16xf32>
    %swap3A_1720 = arith.constant 4640 : index
    %swap3A_1721 = tpu.vector_load %arg7[%swap3A_1720] {strides = array<i32>} : memref<4864xf32, #tpu.memory_space<vmem>>, vector<16xf32>,
    tpu.vector_store %arg7[%swap3A_1720], %broadcast_in_dim3A_1719 {strides = array<i32>} : memref<4864xf32, #tpu.memory_space<vmem>>, vector<16xf32>,
    %slice3A_1722 = vector.extract_strided_slice %get3A_1706 {offsets = [3], sizes = [1], strides = [1]} : vector<16xf32> to vector<1xf32>
    %squeeze3A_1723 = vector.extract %slice3A_1722[0] : f32 from vector<1xf32>
    %broadcast_in_dim3A_1724 = vector.broadcast %squeeze3A_1723 : f32 to vector<16xf32>
    %swap3A_1725 = arith.constant 4656 : index
    %swap3A_1726 = tpu.vector_load %arg7[%swap3A_1725] {strides = array<i32>} : memref<4864xf32, #tpu.memory_space<vmem>>, vector<16xf32>,
    tpu.vector_store %arg7[%swap3A_1725], %broadcast_in_dim3A_1724 {strides = array<i32>} : memref<4864xf32, #tpu.memory_space<vmem>>, vector<16xf32>,
    %slice3A_1727 = vector.extract_strided_slice %get3A_1706 {offsets = [4], sizes = [1], strides = [1]} : vector<16xf32> to vector<1xf32>
    %squeeze3A_1728 = vector.extract %slice3A_1727[0] : f32 from vector<1xf32>
    %broadcast_in_dim3A_1729 = vector.broadcast %squeeze3A_1728 : f32 to vector<16xf32>
    %swap3A_1730 = arith.constant 4672 : index
    %swap3A_1731 = tpu.vector_load %arg7[%swap3A_1730] {strides = array<i32>} : memref<4864xf32, #tpu.memory_space<vmem>>, vector<16xf32>,
    tpu.vector_store %arg7[%swap3A_1730], %broadcast_in_dim3A_1729 {strides = array<i32>} : memref<4864xf32, #tpu.memory_space<vmem>>, vector<16xf32>,
    %slice3A_1732 = vector.extract_strided_slice %get3A_1706 {offsets = [5], sizes = [1], strides = [1]} : vector<16xf32> to vector<1xf32>
    %squeeze3A_1733 = vector.extract %slice3A_1732[0] : f32 from vector<1xf32>
    %broadcast_in_dim3A_1734 = vector.broadcast %squeeze3A_1733 : f32 to vector<16xf32>
    %swap3A_1735 = arith.constant 4688 : index
    %swap3A_1736 = tpu.vector_load %arg7[%swap3A_1735] {strides = array<i32>} : memref<4864xf32, #tpu.memory_space<vmem>>, vector<16xf32>,
    tpu.vector_store %arg7[%swap3A_1735], %broadcast_in_dim3A_1734 {strides = array<i32>} : memref<4864xf32, #tpu.memory_space<vmem>>, vector<16xf32>,
    %slice3A_1737 = vector.extract_strided_slice %get3A_1706 {offsets = [6], sizes = [1], strides = [1]} : vector<16xf32> to vector<1xf32>
    %squeeze3A_1738 = vector.extract %slice3A_1737[0] : f32 from vector<1xf32>
    %broadcast_in_dim3A_1739 = vector.broadcast %squeeze3A_1738 : f32 to vector<16xf32>
    %swap3A_1740 = arith.constant 4704 : index
    %swap3A_1741 = tpu.vector_load %arg7[%swap3A_1740] {strides = array<i32>} : memref<4864xf32, #tpu.memory_space<vmem>>, vector<16xf32>,
    tpu.vector_store %arg7[%swap3A_1740], %broadcast_in_dim3A_1739 {strides = array<i32>} : memref<4864xf32, #tpu.memory_space<vmem>>, vector<16xf32>,
    %slice3A_1742 = vector.extract_strided_slice %get3A_1706 {offsets = [7], sizes = [1], strides = [1]} : vector<16xf32> to vector<1xf32>
    %squeeze3A_1743 = vector.extract %slice3A_1742[0] : f32 from vector<1xf32>
    %broadcast_in_dim3A_1744 = vector.broadcast %squeeze3A_1743 : f32 to vector<16xf32>
    %swap3A_1745 = arith.constant 4720 : index
    %swap3A_1746 = tpu.vector_load %arg7[%swap3A_1745] {strides = array<i32>} : memref<4864xf32, #tpu.memory_space<vmem>>, vector<16xf32>,
    tpu.vector_store %arg7[%swap3A_1745], %broadcast_in_dim3A_1744 {strides = array<i32>} : memref<4864xf32, #tpu.memory_space<vmem>>, vector<16xf32>,
    %slice3A_1747 = vector.extract_strided_slice %get3A_1706 {offsets = [8], sizes = [1], strides = [1]} : vector<16xf32> to vector<1xf32>
    %squeeze3A_1748 = vector.extract %slice3A_1747[0] : f32 from vector<1xf32>
    %broadcast_in_dim3A_1749 = vector.broadcast %squeeze3A_1748 : f32 to vector<16xf32>
    %swap3A_1750 = arith.constant 4736 : index
    %swap3A_1751 = tpu.vector_load %arg7[%swap3A_1750] {strides = array<i32>} : memref<4864xf32, #tpu.memory_space<vmem>>, vector<16xf32>,
    tpu.vector_store %arg7[%swap3A_1750], %broadcast_in_dim3A_1749 {strides = array<i32>} : memref<4864xf32, #tpu.memory_space<vmem>>, vector<16xf32>,
    %slice3A_1752 = vector.extract_strided_slice %get3A_1706 {offsets = [9], sizes = [1], strides = [1]} : vector<16xf32> to vector<1xf32>
    %squeeze3A_1753 = vector.extract %slice3A_1752[0] : f32 from vector<1xf32>
    %broadcast_in_dim3A_1754 = vector.broadcast %squeeze3A_1753 : f32 to vector<16xf32>
    %swap3A_1755 = arith.constant 4752 : index
    %swap3A_1756 = tpu.vector_load %arg7[%swap3A_1755] {strides = array<i32>} : memref<4864xf32, #tpu.memory_space<vmem>>, vector<16xf32>,
    tpu.vector_store %arg7[%swap3A_1755], %broadcast_in_dim3A_1754 {strides = array<i32>} : memref<4864xf32, #tpu.memory_space<vmem>>, vector<16xf32>,
    %slice3A_1757 = vector.extract_strided_slice %get3A_1706 {offsets = [10], sizes = [1], strides = [1]} : vector<16xf32> to vector<1xf32>
    %squeeze3A_1758 = vector.extract %slice3A_1757[0] : f32 from vector<1xf32>
    %broadcast_in_dim3A_1759 = vector.broadcast %squeeze3A_1758 : f32 to vector<16xf32>
    %swap3A_1760 = arith.constant 4768 : index
    %swap3A_1761 = tpu.vector_load %arg7[%swap3A_1760] {strides = array<i32>} : memref<4864xf32, #tpu.memory_space<vmem>>, vector<16xf32>,
    tpu.vector_store %arg7[%swap3A_1760], %broadcast_in_dim3A_1759 {strides = array<i32>} : memref<4864xf32, #tpu.memory_space<vmem>>, vector<16xf32>,
    %slice3A_1762 = vector.extract_strided_slice %get3A_1706 {offsets = [11], sizes = [1], strides = [1]} : vector<16xf32> to vector<1xf32>
    %squeeze3A_1763 = vector.extract %slice3A_1762[0] : f32 from vector<1xf32>
    %broadcast_in_dim3A_1764 = vector.broadcast %squeeze3A_1763 : f32 to vector<16xf32>
    %swap3A_1765 = arith.constant 4784 : index
    %swap3A_1766 = tpu.vector_load %arg7[%swap3A_1765] {strides = array<i32>} : memref<4864xf32, #tpu.memory_space<vmem>>, vector<16xf32>,
    tpu.vector_store %arg7[%swap3A_1765], %broadcast_in_dim3A_1764 {strides = array<i32>} : memref<4864xf32, #tpu.memory_space<vmem>>, vector<16xf32>,
    %slice3A_1767 = vector.extract_strided_slice %get3A_1706 {offsets = [12], sizes = [1], strides = [1]} : vector<16xf32> to vector<1xf32>
    %squeeze3A_1768 = vector.extract %slice3A_1767[0] : f32 from vector<1xf32>
    %broadcast_in_dim3A_1769 = vector.broadcast %squeeze3A_1768 : f32 to vector<16xf32>
    %swap3A_1770 = arith.constant 4800 : index
    %swap3A_1771 = tpu.vector_load %arg7[%swap3A_1770] {strides = array<i32>} : memref<4864xf32, #tpu.memory_space<vmem>>, vector<16xf32>,
    tpu.vector_store %arg7[%swap3A_1770], %broadcast_in_dim3A_1769 {strides = array<i32>} : memref<4864xf32, #tpu.memory_space<vmem>>, vector<16xf32>,
    %slice3A_1772 = vector.extract_strided_slice %get3A_1706 {offsets = [13], sizes = [1], strides = [1]} : vector<16xf32> to vector<1xf32>
    %squeeze3A_1773 = vector.extract %slice3A_1772[0] : f32 from vector<1xf32>
    %broadcast_in_dim3A_1774 = vector.broadcast %squeeze3A_1773 : f32 to vector<16xf32>
    %swap3A_1775 = arith.constant 4816 : index
    %swap3A_1776 = tpu.vector_load %arg7[%swap3A_1775] {strides = array<i32>} : memref<4864xf32, #tpu.memory_space<vmem>>, vector<16xf32>,
    tpu.vector_store %arg7[%swap3A_1775], %broadcast_in_dim3A_1774 {strides = array<i32>} : memref<4864xf32, #tpu.memory_space<vmem>>, vector<16xf32>,
    %slice3A_1777 = vector.extract_strided_slice %get3A_1706 {offsets = [14], sizes = [1], strides = [1]} : vector<16xf32> to vector<1xf32>
    %squeeze3A_1778 = vector.extract %slice3A_1777[0] : f32 from vector<1xf32>
    %broadcast_in_dim3A_1779 = vector.broadcast %squeeze3A_1778 : f32 to vector<16xf32>
    %swap3A_1780 = arith.constant 4832 : index
    %swap3A_1781 = tpu.vector_load %arg7[%swap3A_1780] {strides = array<i32>} : memref<4864xf32, #tpu.memory_space<vmem>>, vector<16xf32>,
    tpu.vector_store %arg7[%swap3A_1780], %broadcast_in_dim3A_1779 {strides = array<i32>} : memref<4864xf32, #tpu.memory_space<vmem>>, vector<16xf32>,
    %slice3A_1782 = vector.extract_strided_slice %get3A_1706 {offsets = [15], sizes = [1], strides = [1]} : vector<16xf32> to vector<1xf32>
    %squeeze3A_1783 = vector.extract %slice3A_1782[0] : f32 from vector<1xf32>
    %broadcast_in_dim3A_1784 = vector.broadcast %squeeze3A_1783 : f32 to vector<16xf32>
    %swap3A_1785 = arith.constant 4848 : index
    %swap3A_1786 = tpu.vector_load %arg7[%swap3A_1785] {strides = array<i32>} : memref<4864xf32, #tpu.memory_space<vmem>>, vector<16xf32>,
    tpu.vector_store %arg7[%swap3A_1785], %broadcast_in_dim3A_1784 {strides = array<i32>} : memref<4864xf32, #tpu.memory_space<vmem>>, vector<16xf32>,
    %broadcast_in_dim3A_1787 = arith.constant 0.000000e+00 : f32
    %broadcast_in_dim3A_1788 = vector.broadcast %broadcast_in_dim3A_1787 : f32 to vector<16xf32>
    %mul3A_1789 = arith.constant 76 : i32
    %mul3A_1790 = vector.broadcast %mul3A_1789 : i32 to vector<16xi32>
    %mul3A_1791 = arith.muli %iota3A, %mul3A_1790 : vector<16xi32>
    %parallel_loop3A = arith.constant 0 : i32
    %parallel_loop3A_1792 = arith.constant 8 : i32
    %parallel_loop3A_1793 = arith.constant 1 : i32
    scf.for %parallel_loop3A_1794 = %parallel_loop3A to %parallel_loop3A_1792 step %parallel_loop3A_1793  : i32 {
      %parallel_loop3A_1795 = arith.constant 1216 : i32
      %parallel_loop3A_1796 = arith.muli %parallel_loop3A_1794, %parallel_loop3A_1795 : i32
      %parallel_loop3A_1797 = vector.broadcast %parallel_loop3A_1796 : i32 to vector<16xi32>
      %parallel_loop3A_1798 = arith.addi %mul3A_1791, %parallel_loop3A_1797 : vector<16xi32>
      %parallel_loop3A_1799 = arith.constant 74 : i32
      %parallel_loop3A_1800 = vector.broadcast %parallel_loop3A_1799 : i32 to vector<16xi32>
      %parallel_loop3A_1801 = arith.addi %parallel_loop3A_1798, %parallel_loop3A_1800 : vector<16xi32>
      %parallel_loop3A_1802 = tpu.vector_load_idx %arg5[%parallel_loop3A_1801] : memref<9728xf32, #tpu.memory_space<vmem>>[vector<16xi32>], vector<16xf32>,
      %parallel_loop3A_1803 = arith.constant 75 : i32
      %parallel_loop3A_1804 = vector.broadcast %parallel_loop3A_1803 : i32 to vector<16xi32>
      %parallel_loop3A_1805 = arith.addi %parallel_loop3A_1798, %parallel_loop3A_1804 : vector<16xi32>
      %parallel_loop3A_1806 = tpu.vector_load_idx %arg5[%parallel_loop3A_1805] : memref<9728xf32, #tpu.memory_space<vmem>>[vector<16xi32>], vector<16xf32>,
      %parallel_loop3A_1807 = arith.addf %parallel_loop3A_1802, %parallel_loop3A_1806 : vector<16xf32>
      %parallel_loop3A_1808 = arith.constant 0.000000e+00 : f32
      %parallel_loop3A_1809 = vector.broadcast %parallel_loop3A_1808 : f32 to vector<16xf32>
      %parallel_loop3A_1810 = arith.cmpf oge, %parallel_loop3A_1807, %parallel_loop3A_1809 : vector<16xf32>
      %parallel_loop3A_1811 = arith.select %parallel_loop3A_1810, %mul3A_72, %mul3A_160 : vector<16xi1>, vector<16xf32>
      %parallel_loop3A_1812 = arith.mulf %parallel_loop3A_1807, %parallel_loop3A_1811 : vector<16xf32>
      %parallel_loop3A_1813 = arith.select %parallel_loop3A_1810, %mul3A_94, %mul3A_182 : vector<16xi1>, vector<16xf32>
      %parallel_loop3A_1814 = arith.mulf %parallel_loop3A_1807, %parallel_loop3A_1813 : vector<16xf32>
      %parallel_loop3A_1815 = arith.select %parallel_loop3A_1810, %mul3A_116, %mul3A_204 : vector<16xi1>, vector<16xf32>
      %parallel_loop3A_1816 = arith.mulf %parallel_loop3A_1807, %parallel_loop3A_1815 : vector<16xf32>
      %parallel_loop3A_1817 = arith.select %parallel_loop3A_1810, %mul3A_138, %mul3A_226 : vector<16xi1>, vector<16xf32>
      %parallel_loop3A_1818 = arith.mulf %parallel_loop3A_1807, %parallel_loop3A_1817 : vector<16xf32>
      %parallel_loop3A_1819 = arith.constant 0 : i32
      %parallel_loop3A_1820 = arith.constant 76 : i32
      %parallel_loop3A_1821 = arith.addi %parallel_loop3A_1819, %parallel_loop3A_1820 : i32
      %parallel_loop3A_1822 = arith.constant 4 : i32
      %parallel_loop3A_1823:10 = scf.for %scan3A = %parallel_loop3A_1819 to %parallel_loop3A_1821 step %parallel_loop3A_1822 iter_args(%scan3A_1901 = %parallel_loop3A_1798, %scan3A_1902 = %parallel_loop3A_1806, %scan3A_1903 = %parallel_loop3A_1812, %scan3A_1904 = %parallel_loop3A_1814, %scan3A_1905 = %parallel_loop3A_1816, %scan3A_1906 = %parallel_loop3A_1818, %scan3A_1907 = %broadcast_in_dim3A_1788, %scan3A_1908 = %broadcast_in_dim3A_1788, %scan3A_1909 = %broadcast_in_dim3A_1788, %scan3A_1910 = %broadcast_in_dim3A_1788) -> (vector<16xi32>, vector<16xf32>, vector<16xf32>, vector<16xf32>, vector<16xf32>, vector<16xf32>, vector<16xf32>, vector<16xf32>, vector<16xf32>, vector<16xf32>)  : i32 {
        %parallel_loop3A_1911 = tpu.vector_load_idx %arg5[%scan3A_1901] : memref<9728xf32, #tpu.memory_space<vmem>>[vector<16xi32>], vector<16xf32>,
        %parallel_loop3A_1912 = arith.addf %scan3A_1902, %parallel_loop3A_1911 : vector<16xf32>
        %parallel_loop3A_1913 = arith.constant 0.000000e+00 : f32
        %parallel_loop3A_1914 = vector.broadcast %parallel_loop3A_1913 : f32 to vector<16xf32>
        %parallel_loop3A_1915 = arith.cmpf oge, %parallel_loop3A_1912, %parallel_loop3A_1914 : vector<16xf32>
        %parallel_loop3A_1916 = arith.select %parallel_loop3A_1915, %mul3A_72, %mul3A_160 : vector<16xi1>, vector<16xf32>
        %parallel_loop3A_1917 = arith.mulf %parallel_loop3A_1912, %parallel_loop3A_1916 : vector<16xf32>
        %parallel_loop3A_1918 = arith.select %parallel_loop3A_1915, %mul3A_94, %mul3A_182 : vector<16xi1>, vector<16xf32>
        %parallel_loop3A_1919 = arith.mulf %parallel_loop3A_1912, %parallel_loop3A_1918 : vector<16xf32>
        %parallel_loop3A_1920 = arith.select %parallel_loop3A_1915, %mul3A_116, %mul3A_204 : vector<16xi1>, vector<16xf32>
        %parallel_loop3A_1921 = arith.mulf %parallel_loop3A_1912, %parallel_loop3A_1920 : vector<16xf32>
        %parallel_loop3A_1922 = arith.select %parallel_loop3A_1915, %mul3A_138, %mul3A_226 : vector<16xi1>, vector<16xf32>
        %parallel_loop3A_1923 = arith.mulf %parallel_loop3A_1912, %parallel_loop3A_1922 : vector<16xf32>
        %parallel_loop3A_1924 = arith.addf %scan3A_1903, %parallel_loop3A_1917 : vector<16xf32>
        %parallel_loop3A_1925 = arith.constant 0.000000e+00 : f32
        %parallel_loop3A_1926 = vector.broadcast %parallel_loop3A_1925 : f32 to vector<16xf32>
        %parallel_loop3A_1927 = arith.maximumf %parallel_loop3A_1924, %parallel_loop3A_1926 : vector<16xf32>
        %parallel_loop3A_1928 = arith.addf %scan3A_1904, %parallel_loop3A_1919 : vector<16xf32>
        %parallel_loop3A_1929 = arith.constant 0.000000e+00 : f32
        %parallel_loop3A_1930 = vector.broadcast %parallel_loop3A_1929 : f32 to vector<16xf32>
        %parallel_loop3A_1931 = arith.maximumf %parallel_loop3A_1928, %parallel_loop3A_1930 : vector<16xf32>
        %parallel_loop3A_1932 = arith.addf %scan3A_1905, %parallel_loop3A_1921 : vector<16xf32>
        %parallel_loop3A_1933 = arith.constant 0.000000e+00 : f32
        %parallel_loop3A_1934 = vector.broadcast %parallel_loop3A_1933 : f32 to vector<16xf32>
        %parallel_loop3A_1935 = arith.maximumf %parallel_loop3A_1932, %parallel_loop3A_1934 : vector<16xf32>
        %parallel_loop3A_1936 = arith.addf %scan3A_1906, %parallel_loop3A_1923 : vector<16xf32>
        %parallel_loop3A_1937 = arith.constant 0.000000e+00 : f32
        %parallel_loop3A_1938 = vector.broadcast %parallel_loop3A_1937 : f32 to vector<16xf32>
        %parallel_loop3A_1939 = arith.maximumf %parallel_loop3A_1936, %parallel_loop3A_1938 : vector<16xf32>
        %parallel_loop3A_1940 = arith.constant 64 : i32
        %parallel_loop3A_1941 = arith.muli %scan3A, %parallel_loop3A_1940 : i32
        %parallel_loop3A_1942 = arith.index_cast %parallel_loop3A_1941 : i32 to index
        %parallel_loop3A_1943 = tpu.vector_load %arg7[%parallel_loop3A_1942] {strides = array<i32>} : memref<4864xf32, #tpu.memory_space<vmem>>, vector<16xf32>,
        %parallel_loop3A_1944 = arith.mulf %parallel_loop3A_1927, %parallel_loop3A_1943 : vector<16xf32>
        %parallel_loop3A_1945 = arith.addf %scan3A_1907, %parallel_loop3A_1944 : vector<16xf32>
        %parallel_loop3A_1946 = arith.constant 16 : i32
        %parallel_loop3A_1947 = arith.addi %parallel_loop3A_1941, %parallel_loop3A_1946 : i32
        %parallel_loop3A_1948 = arith.index_cast %parallel_loop3A_1947 : i32 to index
        %parallel_loop3A_1949 = tpu.vector_load %arg7[%parallel_loop3A_1948] {strides = array<i32>} : memref<4864xf32, #tpu.memory_space<vmem>>, vector<16xf32>,
        %parallel_loop3A_1950 = arith.mulf %parallel_loop3A_1931, %parallel_loop3A_1949 : vector<16xf32>
        %parallel_loop3A_1951 = arith.addf %scan3A_1908, %parallel_loop3A_1950 : vector<16xf32>
        %parallel_loop3A_1952 = arith.constant 32 : i32
        %parallel_loop3A_1953 = arith.addi %parallel_loop3A_1941, %parallel_loop3A_1952 : i32
        %parallel_loop3A_1954 = arith.index_cast %parallel_loop3A_1953 : i32 to index
        %parallel_loop3A_1955 = tpu.vector_load %arg7[%parallel_loop3A_1954] {strides = array<i32>} : memref<4864xf32, #tpu.memory_space<vmem>>, vector<16xf32>,
        %parallel_loop3A_1956 = arith.mulf %parallel_loop3A_1935, %parallel_loop3A_1955 : vector<16xf32>
        %parallel_loop3A_1957 = arith.addf %scan3A_1909, %parallel_loop3A_1956 : vector<16xf32>
        %parallel_loop3A_1958 = arith.constant 48 : i32
        %parallel_loop3A_1959 = arith.addi %parallel_loop3A_1941, %parallel_loop3A_1958 : i32
        %parallel_loop3A_1960 = arith.index_cast %parallel_loop3A_1959 : i32 to index
        %parallel_loop3A_1961 = tpu.vector_load %arg7[%parallel_loop3A_1960] {strides = array<i32>} : memref<4864xf32, #tpu.memory_space<vmem>>, vector<16xf32>,
        %parallel_loop3A_1962 = arith.mulf %parallel_loop3A_1939, %parallel_loop3A_1961 : vector<16xf32>
        %parallel_loop3A_1963 = arith.addf %scan3A_1910, %parallel_loop3A_1962 : vector<16xf32>
        %parallel_loop3A_1964 = arith.constant 1 : i32
        %parallel_loop3A_1965 = vector.broadcast %parallel_loop3A_1964 : i32 to vector<16xi32>
        %parallel_loop3A_1966 = arith.addi %scan3A_1901, %parallel_loop3A_1965 : vector<16xi32>
        %parallel_loop3A_1967 = arith.constant 1 : i32
        %parallel_loop3A_1968 = arith.addi %scan3A, %parallel_loop3A_1967 : i32
        %parallel_loop3A_1969 = tpu.vector_load_idx %arg5[%parallel_loop3A_1966] : memref<9728xf32, #tpu.memory_space<vmem>>[vector<16xi32>], vector<16xf32>,
        %parallel_loop3A_1970 = arith.addf %parallel_loop3A_1911, %parallel_loop3A_1969 : vector<16xf32>
        %parallel_loop3A_1971 = arith.constant 0.000000e+00 : f32
        %parallel_loop3A_1972 = vector.broadcast %parallel_loop3A_1971 : f32 to vector<16xf32>
        %parallel_loop3A_1973 = arith.cmpf oge, %parallel_loop3A_1970, %parallel_loop3A_1972 : vector<16xf32>
        %parallel_loop3A_1974 = arith.select %parallel_loop3A_1973, %mul3A_72, %mul3A_160 : vector<16xi1>, vector<16xf32>
        %parallel_loop3A_1975 = arith.mulf %parallel_loop3A_1970, %parallel_loop3A_1974 : vector<16xf32>
        %parallel_loop3A_1976 = arith.select %parallel_loop3A_1973, %mul3A_94, %mul3A_182 : vector<16xi1>, vector<16xf32>
        %parallel_loop3A_1977 = arith.mulf %parallel_loop3A_1970, %parallel_loop3A_1976 : vector<16xf32>
        %parallel_loop3A_1978 = arith.select %parallel_loop3A_1973, %mul3A_116, %mul3A_204 : vector<16xi1>, vector<16xf32>
        %parallel_loop3A_1979 = arith.mulf %parallel_loop3A_1970, %parallel_loop3A_1978 : vector<16xf32>
        %parallel_loop3A_1980 = arith.select %parallel_loop3A_1973, %mul3A_138, %mul3A_226 : vector<16xi1>, vector<16xf32>
        %parallel_loop3A_1981 = arith.mulf %parallel_loop3A_1970, %parallel_loop3A_1980 : vector<16xf32>
        %parallel_loop3A_1982 = arith.addf %parallel_loop3A_1917, %parallel_loop3A_1975 : vector<16xf32>
        %parallel_loop3A_1983 = arith.constant 0.000000e+00 : f32
        %parallel_loop3A_1984 = vector.broadcast %parallel_loop3A_1983 : f32 to vector<16xf32>
        %parallel_loop3A_1985 = arith.maximumf %parallel_loop3A_1982, %parallel_loop3A_1984 : vector<16xf32>
        %parallel_loop3A_1986 = arith.addf %parallel_loop3A_1919, %parallel_loop3A_1977 : vector<16xf32>
        %parallel_loop3A_1987 = arith.constant 0.000000e+00 : f32
        %parallel_loop3A_1988 = vector.broadcast %parallel_loop3A_1987 : f32 to vector<16xf32>
        %parallel_loop3A_1989 = arith.maximumf %parallel_loop3A_1986, %parallel_loop3A_1988 : vector<16xf32>
        %parallel_loop3A_1990 = arith.addf %parallel_loop3A_1921, %parallel_loop3A_1979 : vector<16xf32>
        %parallel_loop3A_1991 = arith.constant 0.000000e+00 : f32
        %parallel_loop3A_1992 = vector.broadcast %parallel_loop3A_1991 : f32 to vector<16xf32>
        %parallel_loop3A_1993 = arith.maximumf %parallel_loop3A_1990, %parallel_loop3A_1992 : vector<16xf32>
        %parallel_loop3A_1994 = arith.addf %parallel_loop3A_1923, %parallel_loop3A_1981 : vector<16xf32>
        %parallel_loop3A_1995 = arith.constant 0.000000e+00 : f32
        %parallel_loop3A_1996 = vector.broadcast %parallel_loop3A_1995 : f32 to vector<16xf32>
        %parallel_loop3A_1997 = arith.maximumf %parallel_loop3A_1994, %parallel_loop3A_1996 : vector<16xf32>
        %parallel_loop3A_1998 = arith.constant 64 : i32
        %parallel_loop3A_1999 = arith.muli %parallel_loop3A_1968, %parallel_loop3A_1998 : i32
        %parallel_loop3A_2000 = arith.index_cast %parallel_loop3A_1999 : i32 to index
        %parallel_loop3A_2001 = tpu.vector_load %arg7[%parallel_loop3A_2000] {strides = array<i32>} : memref<4864xf32, #tpu.memory_space<vmem>>, vector<16xf32>,
        %parallel_loop3A_2002 = arith.mulf %parallel_loop3A_1985, %parallel_loop3A_2001 : vector<16xf32>
        %parallel_loop3A_2003 = arith.addf %parallel_loop3A_1945, %parallel_loop3A_2002 : vector<16xf32>
        %parallel_loop3A_2004 = arith.constant 16 : i32
        %parallel_loop3A_2005 = arith.addi %parallel_loop3A_1999, %parallel_loop3A_2004 : i32
        %parallel_loop3A_2006 = arith.index_cast %parallel_loop3A_2005 : i32 to index
        %parallel_loop3A_2007 = tpu.vector_load %arg7[%parallel_loop3A_2006] {strides = array<i32>} : memref<4864xf32, #tpu.memory_space<vmem>>, vector<16xf32>,
        %parallel_loop3A_2008 = arith.mulf %parallel_loop3A_1989, %parallel_loop3A_2007 : vector<16xf32>
        %parallel_loop3A_2009 = arith.addf %parallel_loop3A_1951, %parallel_loop3A_2008 : vector<16xf32>
        %parallel_loop3A_2010 = arith.constant 32 : i32
        %parallel_loop3A_2011 = arith.addi %parallel_loop3A_1999, %parallel_loop3A_2010 : i32
        %parallel_loop3A_2012 = arith.index_cast %parallel_loop3A_2011 : i32 to index
        %parallel_loop3A_2013 = tpu.vector_load %arg7[%parallel_loop3A_2012] {strides = array<i32>} : memref<4864xf32, #tpu.memory_space<vmem>>, vector<16xf32>,
        %parallel_loop3A_2014 = arith.mulf %parallel_loop3A_1993, %parallel_loop3A_2013 : vector<16xf32>
        %parallel_loop3A_2015 = arith.addf %parallel_loop3A_1957, %parallel_loop3A_2014 : vector<16xf32>
        %parallel_loop3A_2016 = arith.constant 48 : i32
        %parallel_loop3A_2017 = arith.addi %parallel_loop3A_1999, %parallel_loop3A_2016 : i32
        %parallel_loop3A_2018 = arith.index_cast %parallel_loop3A_2017 : i32 to index
        %parallel_loop3A_2019 = tpu.vector_load %arg7[%parallel_loop3A_2018] {strides = array<i32>} : memref<4864xf32, #tpu.memory_space<vmem>>, vector<16xf32>,
        %parallel_loop3A_2020 = arith.mulf %parallel_loop3A_1997, %parallel_loop3A_2019 : vector<16xf32>
        %parallel_loop3A_2021 = arith.addf %parallel_loop3A_1963, %parallel_loop3A_2020 : vector<16xf32>
        %parallel_loop3A_2022 = arith.constant 1 : i32
        %parallel_loop3A_2023 = vector.broadcast %parallel_loop3A_2022 : i32 to vector<16xi32>
        %parallel_loop3A_2024 = arith.addi %parallel_loop3A_1966, %parallel_loop3A_2023 : vector<16xi32>
        %parallel_loop3A_2025 = arith.constant 2 : i32
        %parallel_loop3A_2026 = arith.addi %scan3A, %parallel_loop3A_2025 : i32
        %parallel_loop3A_2027 = tpu.vector_load_idx %arg5[%parallel_loop3A_2024] : memref<9728xf32, #tpu.memory_space<vmem>>[vector<16xi32>], vector<16xf32>,
        %parallel_loop3A_2028 = arith.addf %parallel_loop3A_1969, %parallel_loop3A_2027 : vector<16xf32>
        %parallel_loop3A_2029 = arith.constant 0.000000e+00 : f32
        %parallel_loop3A_2030 = vector.broadcast %parallel_loop3A_2029 : f32 to vector<16xf32>
        %parallel_loop3A_2031 = arith.cmpf oge, %parallel_loop3A_2028, %parallel_loop3A_2030 : vector<16xf32>
        %parallel_loop3A_2032 = arith.select %parallel_loop3A_2031, %mul3A_72, %mul3A_160 : vector<16xi1>, vector<16xf32>
        %parallel_loop3A_2033 = arith.mulf %parallel_loop3A_2028, %parallel_loop3A_2032 : vector<16xf32>
        %parallel_loop3A_2034 = arith.select %parallel_loop3A_2031, %mul3A_94, %mul3A_182 : vector<16xi1>, vector<16xf32>
        %parallel_loop3A_2035 = arith.mulf %parallel_loop3A_2028, %parallel_loop3A_2034 : vector<16xf32>
        %parallel_loop3A_2036 = arith.select %parallel_loop3A_2031, %mul3A_116, %mul3A_204 : vector<16xi1>, vector<16xf32>
        %parallel_loop3A_2037 = arith.mulf %parallel_loop3A_2028, %parallel_loop3A_2036 : vector<16xf32>
        %parallel_loop3A_2038 = arith.select %parallel_loop3A_2031, %mul3A_138, %mul3A_226 : vector<16xi1>, vector<16xf32>
        %parallel_loop3A_2039 = arith.mulf %parallel_loop3A_2028, %parallel_loop3A_2038 : vector<16xf32>
        %parallel_loop3A_2040 = arith.addf %parallel_loop3A_1975, %parallel_loop3A_2033 : vector<16xf32>
        %parallel_loop3A_2041 = arith.constant 0.000000e+00 : f32
        %parallel_loop3A_2042 = vector.broadcast %parallel_loop3A_2041 : f32 to vector<16xf32>
        %parallel_loop3A_2043 = arith.maximumf %parallel_loop3A_2040, %parallel_loop3A_2042 : vector<16xf32>
        %parallel_loop3A_2044 = arith.addf %parallel_loop3A_1977, %parallel_loop3A_2035 : vector<16xf32>
        %parallel_loop3A_2045 = arith.constant 0.000000e+00 : f32
        %parallel_loop3A_2046 = vector.broadcast %parallel_loop3A_2045 : f32 to vector<16xf32>
        %parallel_loop3A_2047 = arith.maximumf %parallel_loop3A_2044, %parallel_loop3A_2046 : vector<16xf32>
        %parallel_loop3A_2048 = arith.addf %parallel_loop3A_1979, %parallel_loop3A_2037 : vector<16xf32>
        %parallel_loop3A_2049 = arith.constant 0.000000e+00 : f32
        %parallel_loop3A_2050 = vector.broadcast %parallel_loop3A_2049 : f32 to vector<16xf32>
        %parallel_loop3A_2051 = arith.maximumf %parallel_loop3A_2048, %parallel_loop3A_2050 : vector<16xf32>
        %parallel_loop3A_2052 = arith.addf %parallel_loop3A_1981, %parallel_loop3A_2039 : vector<16xf32>
        %parallel_loop3A_2053 = arith.constant 0.000000e+00 : f32
        %parallel_loop3A_2054 = vector.broadcast %parallel_loop3A_2053 : f32 to vector<16xf32>
        %parallel_loop3A_2055 = arith.maximumf %parallel_loop3A_2052, %parallel_loop3A_2054 : vector<16xf32>
        %parallel_loop3A_2056 = arith.constant 64 : i32
        %parallel_loop3A_2057 = arith.muli %parallel_loop3A_2026, %parallel_loop3A_2056 : i32
        %parallel_loop3A_2058 = arith.index_cast %parallel_loop3A_2057 : i32 to index
        %parallel_loop3A_2059 = tpu.vector_load %arg7[%parallel_loop3A_2058] {strides = array<i32>} : memref<4864xf32, #tpu.memory_space<vmem>>, vector<16xf32>,
        %parallel_loop3A_2060 = arith.mulf %parallel_loop3A_2043, %parallel_loop3A_2059 : vector<16xf32>
        %parallel_loop3A_2061 = arith.addf %parallel_loop3A_2003, %parallel_loop3A_2060 : vector<16xf32>
        %parallel_loop3A_2062 = arith.constant 16 : i32
        %parallel_loop3A_2063 = arith.addi %parallel_loop3A_2057, %parallel_loop3A_2062 : i32
        %parallel_loop3A_2064 = arith.index_cast %parallel_loop3A_2063 : i32 to index
        %parallel_loop3A_2065 = tpu.vector_load %arg7[%parallel_loop3A_2064] {strides = array<i32>} : memref<4864xf32, #tpu.memory_space<vmem>>, vector<16xf32>,
        %parallel_loop3A_2066 = arith.mulf %parallel_loop3A_2047, %parallel_loop3A_2065 : vector<16xf32>
        %parallel_loop3A_2067 = arith.addf %parallel_loop3A_2009, %parallel_loop3A_2066 : vector<16xf32>
        %parallel_loop3A_2068 = arith.constant 32 : i32
        %parallel_loop3A_2069 = arith.addi %parallel_loop3A_2057, %parallel_loop3A_2068 : i32
        %parallel_loop3A_2070 = arith.index_cast %parallel_loop3A_2069 : i32 to index
        %parallel_loop3A_2071 = tpu.vector_load %arg7[%parallel_loop3A_2070] {strides = array<i32>} : memref<4864xf32, #tpu.memory_space<vmem>>, vector<16xf32>,
        %parallel_loop3A_2072 = arith.mulf %parallel_loop3A_2051, %parallel_loop3A_2071 : vector<16xf32>
        %parallel_loop3A_2073 = arith.addf %parallel_loop3A_2015, %parallel_loop3A_2072 : vector<16xf32>
        %parallel_loop3A_2074 = arith.constant 48 : i32
        %parallel_loop3A_2075 = arith.addi %parallel_loop3A_2057, %parallel_loop3A_2074 : i32
        %parallel_loop3A_2076 = arith.index_cast %parallel_loop3A_2075 : i32 to index
        %parallel_loop3A_2077 = tpu.vector_load %arg7[%parallel_loop3A_2076] {strides = array<i32>} : memref<4864xf32, #tpu.memory_space<vmem>>, vector<16xf32>,
        %parallel_loop3A_2078 = arith.mulf %parallel_loop3A_2055, %parallel_loop3A_2077 : vector<16xf32>
        %parallel_loop3A_2079 = arith.addf %parallel_loop3A_2021, %parallel_loop3A_2078 : vector<16xf32>
        %parallel_loop3A_2080 = arith.constant 1 : i32
        %parallel_loop3A_2081 = vector.broadcast %parallel_loop3A_2080 : i32 to vector<16xi32>
        %parallel_loop3A_2082 = arith.addi %parallel_loop3A_2024, %parallel_loop3A_2081 : vector<16xi32>
        %parallel_loop3A_2083 = arith.constant 3 : i32
        %parallel_loop3A_2084 = arith.addi %scan3A, %parallel_loop3A_2083 : i32
        %parallel_loop3A_2085 = tpu.vector_load_idx %arg5[%parallel_loop3A_2082] : memref<9728xf32, #tpu.memory_space<vmem>>[vector<16xi32>], vector<16xf32>,
        %parallel_loop3A_2086 = arith.addf %parallel_loop3A_2027, %parallel_loop3A_2085 : vector<16xf32>
        %parallel_loop3A_2087 = arith.constant 0.000000e+00 : f32
        %parallel_loop3A_2088 = vector.broadcast %parallel_loop3A_2087 : f32 to vector<16xf32>
        %parallel_loop3A_2089 = arith.cmpf oge, %parallel_loop3A_2086, %parallel_loop3A_2088 : vector<16xf32>
        %parallel_loop3A_2090 = arith.select %parallel_loop3A_2089, %mul3A_72, %mul3A_160 : vector<16xi1>, vector<16xf32>
        %parallel_loop3A_2091 = arith.mulf %parallel_loop3A_2086, %parallel_loop3A_2090 : vector<16xf32>
        %parallel_loop3A_2092 = arith.select %parallel_loop3A_2089, %mul3A_94, %mul3A_182 : vector<16xi1>, vector<16xf32>
        %parallel_loop3A_2093 = arith.mulf %parallel_loop3A_2086, %parallel_loop3A_2092 : vector<16xf32>
        %parallel_loop3A_2094 = arith.select %parallel_loop3A_2089, %mul3A_116, %mul3A_204 : vector<16xi1>, vector<16xf32>
        %parallel_loop3A_2095 = arith.mulf %parallel_loop3A_2086, %parallel_loop3A_2094 : vector<16xf32>
        %parallel_loop3A_2096 = arith.select %parallel_loop3A_2089, %mul3A_138, %mul3A_226 : vector<16xi1>, vector<16xf32>
        %parallel_loop3A_2097 = arith.mulf %parallel_loop3A_2086, %parallel_loop3A_2096 : vector<16xf32>
        %parallel_loop3A_2098 = arith.addf %parallel_loop3A_2033, %parallel_loop3A_2091 : vector<16xf32>
        %parallel_loop3A_2099 = arith.constant 0.000000e+00 : f32
        %parallel_loop3A_2100 = vector.broadcast %parallel_loop3A_2099 : f32 to vector<16xf32>
        %parallel_loop3A_2101 = arith.maximumf %parallel_loop3A_2098, %parallel_loop3A_2100 : vector<16xf32>
        %parallel_loop3A_2102 = arith.addf %parallel_loop3A_2035, %parallel_loop3A_2093 : vector<16xf32>
        %parallel_loop3A_2103 = arith.constant 0.000000e+00 : f32
        %parallel_loop3A_2104 = vector.broadcast %parallel_loop3A_2103 : f32 to vector<16xf32>
        %parallel_loop3A_2105 = arith.maximumf %parallel_loop3A_2102, %parallel_loop3A_2104 : vector<16xf32>
        %parallel_loop3A_2106 = arith.addf %parallel_loop3A_2037, %parallel_loop3A_2095 : vector<16xf32>
        %parallel_loop3A_2107 = arith.constant 0.000000e+00 : f32
        %parallel_loop3A_2108 = vector.broadcast %parallel_loop3A_2107 : f32 to vector<16xf32>
        %parallel_loop3A_2109 = arith.maximumf %parallel_loop3A_2106, %parallel_loop3A_2108 : vector<16xf32>
        %parallel_loop3A_2110 = arith.addf %parallel_loop3A_2039, %parallel_loop3A_2097 : vector<16xf32>
        %parallel_loop3A_2111 = arith.constant 0.000000e+00 : f32
        %parallel_loop3A_2112 = vector.broadcast %parallel_loop3A_2111 : f32 to vector<16xf32>
        %parallel_loop3A_2113 = arith.maximumf %parallel_loop3A_2110, %parallel_loop3A_2112 : vector<16xf32>
        %parallel_loop3A_2114 = arith.constant 64 : i32
        %parallel_loop3A_2115 = arith.muli %parallel_loop3A_2084, %parallel_loop3A_2114 : i32
        %parallel_loop3A_2116 = arith.index_cast %parallel_loop3A_2115 : i32 to index
        %parallel_loop3A_2117 = tpu.vector_load %arg7[%parallel_loop3A_2116] {strides = array<i32>} : memref<4864xf32, #tpu.memory_space<vmem>>, vector<16xf32>,
        %parallel_loop3A_2118 = arith.mulf %parallel_loop3A_2101, %parallel_loop3A_2117 : vector<16xf32>
        %parallel_loop3A_2119 = arith.addf %parallel_loop3A_2061, %parallel_loop3A_2118 : vector<16xf32>
        %parallel_loop3A_2120 = arith.constant 16 : i32
        %parallel_loop3A_2121 = arith.addi %parallel_loop3A_2115, %parallel_loop3A_2120 : i32
        %parallel_loop3A_2122 = arith.index_cast %parallel_loop3A_2121 : i32 to index
        %parallel_loop3A_2123 = tpu.vector_load %arg7[%parallel_loop3A_2122] {strides = array<i32>} : memref<4864xf32, #tpu.memory_space<vmem>>, vector<16xf32>,
        %parallel_loop3A_2124 = arith.mulf %parallel_loop3A_2105, %parallel_loop3A_2123 : vector<16xf32>
        %parallel_loop3A_2125 = arith.addf %parallel_loop3A_2067, %parallel_loop3A_2124 : vector<16xf32>
        %parallel_loop3A_2126 = arith.constant 32 : i32
        %parallel_loop3A_2127 = arith.addi %parallel_loop3A_2115, %parallel_loop3A_2126 : i32
        %parallel_loop3A_2128 = arith.index_cast %parallel_loop3A_2127 : i32 to index
        %parallel_loop3A_2129 = tpu.vector_load %arg7[%parallel_loop3A_2128] {strides = array<i32>} : memref<4864xf32, #tpu.memory_space<vmem>>, vector<16xf32>,
        %parallel_loop3A_2130 = arith.mulf %parallel_loop3A_2109, %parallel_loop3A_2129 : vector<16xf32>
        %parallel_loop3A_2131 = arith.addf %parallel_loop3A_2073, %parallel_loop3A_2130 : vector<16xf32>
        %parallel_loop3A_2132 = arith.constant 48 : i32
        %parallel_loop3A_2133 = arith.addi %parallel_loop3A_2115, %parallel_loop3A_2132 : i32
        %parallel_loop3A_2134 = arith.index_cast %parallel_loop3A_2133 : i32 to index
        %parallel_loop3A_2135 = tpu.vector_load %arg7[%parallel_loop3A_2134] {strides = array<i32>} : memref<4864xf32, #tpu.memory_space<vmem>>, vector<16xf32>,
        %parallel_loop3A_2136 = arith.mulf %parallel_loop3A_2113, %parallel_loop3A_2135 : vector<16xf32>
        %parallel_loop3A_2137 = arith.addf %parallel_loop3A_2079, %parallel_loop3A_2136 : vector<16xf32>
        %parallel_loop3A_2138 = arith.constant 1 : i32
        %parallel_loop3A_2139 = vector.broadcast %parallel_loop3A_2138 : i32 to vector<16xi32>
        %parallel_loop3A_2140 = arith.addi %parallel_loop3A_2082, %parallel_loop3A_2139 : vector<16xi32>
        scf.yield %parallel_loop3A_2140, %parallel_loop3A_2085, %parallel_loop3A_2091, %parallel_loop3A_2093, %parallel_loop3A_2095, %parallel_loop3A_2097, %parallel_loop3A_2119, %parallel_loop3A_2125, %parallel_loop3A_2131, %parallel_loop3A_2137 : vector<16xi32>, vector<16xf32>, vector<16xf32>, vector<16xf32>, vector<16xf32>, vector<16xf32>, vector<16xf32>, vector<16xf32>, vector<16xf32>, vector<16xf32>
      }
      %parallel_loop3A_1824 = arith.constant 76 : i32
      %parallel_loop3A_1825 = arith.addf %parallel_loop3A_1823#6, %parallel_loop3A_1823#7 : vector<16xf32>
      %parallel_loop3A_1826 = arith.addf %parallel_loop3A_1823#8, %parallel_loop3A_1823#9 : vector<16xf32>
      %parallel_loop3A_1827 = arith.addf %parallel_loop3A_1825, %parallel_loop3A_1826 : vector<16xf32>
      %parallel_loop3A_1828 = arith.addf %parallel_loop3A_1827, %broadcast_in_dim3A_229 : vector<16xf32>
      %parallel_loop3A_1829 = arith.constant 0.000000e+00 : f32
      %parallel_loop3A_1830 = vector.broadcast %parallel_loop3A_1829 : f32 to vector<16xf32>
      %parallel_loop3A_1831 = arith.subf %parallel_loop3A_1830, %parallel_loop3A_1828 : vector<16xf32>
      %parallel_loop3A_1832 = arith.constant 1.44269502 : f32
      %parallel_loop3A_1833 = vector.broadcast %parallel_loop3A_1832 : f32 to vector<16xf32>
      %parallel_loop3A_1834 = arith.mulf %parallel_loop3A_1831, %parallel_loop3A_1833 : vector<16xf32>
      %parallel_loop3A_1835 = arith.constant -1.260000e+02 : f32
      %parallel_loop3A_1836 = vector.broadcast %parallel_loop3A_1835 : f32 to vector<16xf32>
      %parallel_loop3A_1837 = arith.maximumf %parallel_loop3A_1834, %parallel_loop3A_1836 : vector<16xf32>
      %parallel_loop3A_1838 = arith.constant 1.260000e+02 : f32
      %parallel_loop3A_1839 = vector.broadcast %parallel_loop3A_1838 : f32 to vector<16xf32>
      %parallel_loop3A_1840 = arith.minimumf %parallel_loop3A_1837, %parallel_loop3A_1839 : vector<16xf32>
      %parallel_loop3A_1841 = arith.constant 0x4B400000 : f32
      %parallel_loop3A_1842 = vector.broadcast %parallel_loop3A_1841 : f32 to vector<16xf32>
      %parallel_loop3A_1843 = arith.addf %parallel_loop3A_1840, %parallel_loop3A_1842 : vector<16xf32>
      %parallel_loop3A_1844 = arith.constant 0x4B400000 : f32
      %parallel_loop3A_1845 = vector.broadcast %parallel_loop3A_1844 : f32 to vector<16xf32>
      %parallel_loop3A_1846 = arith.subf %parallel_loop3A_1843, %parallel_loop3A_1845 : vector<16xf32>
      %parallel_loop3A_1847 = arith.subf %parallel_loop3A_1840, %parallel_loop3A_1846 : vector<16xf32>
      %parallel_loop3A_1848 = vector.bitcast %parallel_loop3A_1843 : vector<16xf32> to vector<16xi32>
      %parallel_loop3A_1849 = arith.constant 1262485504 : i32
      %parallel_loop3A_1850 = vector.broadcast %parallel_loop3A_1849 : i32 to vector<16xi32>
      %parallel_loop3A_1851 = arith.subi %parallel_loop3A_1848, %parallel_loop3A_1850 : vector<16xi32>
      %parallel_loop3A_1852 = arith.constant 127 : i32
      %parallel_loop3A_1853 = vector.broadcast %parallel_loop3A_1852 : i32 to vector<16xi32>
      %parallel_loop3A_1854 = arith.addi %parallel_loop3A_1851, %parallel_loop3A_1853 : vector<16xi32>
      %parallel_loop3A_1855 = arith.constant 23 : i32
      %parallel_loop3A_1856 = vector.broadcast %parallel_loop3A_1855 : i32 to vector<16xi32>
      %parallel_loop3A_1857 = arith.shli %parallel_loop3A_1854, %parallel_loop3A_1856 : vector<16xi32>
      %parallel_loop3A_1858 = vector.bitcast %parallel_loop3A_1857 : vector<16xi32> to vector<16xf32>
      %parallel_loop3A_1859 = arith.constant 1.54035297E-4 : f32
      %parallel_loop3A_1860 = vector.broadcast %parallel_loop3A_1859 : f32 to vector<16xf32>
      %parallel_loop3A_1861 = arith.mulf %parallel_loop3A_1860, %parallel_loop3A_1847 : vector<16xf32>
      %parallel_loop3A_1862 = arith.constant 0.00133335579 : f32
      %parallel_loop3A_1863 = vector.broadcast %parallel_loop3A_1862 : f32 to vector<16xf32>
      %parallel_loop3A_1864 = arith.addf %parallel_loop3A_1861, %parallel_loop3A_1863 : vector<16xf32>
      %parallel_loop3A_1865 = arith.mulf %parallel_loop3A_1864, %parallel_loop3A_1847 : vector<16xf32>
      %parallel_loop3A_1866 = arith.constant 0.00961812865 : f32
      %parallel_loop3A_1867 = vector.broadcast %parallel_loop3A_1866 : f32 to vector<16xf32>
      %parallel_loop3A_1868 = arith.addf %parallel_loop3A_1865, %parallel_loop3A_1867 : vector<16xf32>
      %parallel_loop3A_1869 = arith.mulf %parallel_loop3A_1868, %parallel_loop3A_1847 : vector<16xf32>
      %parallel_loop3A_1870 = arith.constant 0.0555041097 : f32
      %parallel_loop3A_1871 = vector.broadcast %parallel_loop3A_1870 : f32 to vector<16xf32>
      %parallel_loop3A_1872 = arith.addf %parallel_loop3A_1869, %parallel_loop3A_1871 : vector<16xf32>
      %parallel_loop3A_1873 = arith.mulf %parallel_loop3A_1872, %parallel_loop3A_1847 : vector<16xf32>
      %parallel_loop3A_1874 = arith.constant 0.240226507 : f32
      %parallel_loop3A_1875 = vector.broadcast %parallel_loop3A_1874 : f32 to vector<16xf32>
      %parallel_loop3A_1876 = arith.addf %parallel_loop3A_1873, %parallel_loop3A_1875 : vector<16xf32>
      %parallel_loop3A_1877 = arith.mulf %parallel_loop3A_1876, %parallel_loop3A_1847 : vector<16xf32>
      %parallel_loop3A_1878 = arith.constant 0.693147182 : f32
      %parallel_loop3A_1879 = vector.broadcast %parallel_loop3A_1878 : f32 to vector<16xf32>
      %parallel_loop3A_1880 = arith.addf %parallel_loop3A_1877, %parallel_loop3A_1879 : vector<16xf32>
      %parallel_loop3A_1881 = arith.mulf %parallel_loop3A_1880, %parallel_loop3A_1847 : vector<16xf32>
      %parallel_loop3A_1882 = arith.constant 1.000000e+00 : f32
      %parallel_loop3A_1883 = vector.broadcast %parallel_loop3A_1882 : f32 to vector<16xf32>
      %parallel_loop3A_1884 = arith.addf %parallel_loop3A_1881, %parallel_loop3A_1883 : vector<16xf32>
      %parallel_loop3A_1885 = arith.mulf %parallel_loop3A_1858, %parallel_loop3A_1884 : vector<16xf32>
      %parallel_loop3A_1886 = arith.constant 1.000000e+00 : f32
      %parallel_loop3A_1887 = vector.broadcast %parallel_loop3A_1886 : f32 to vector<16xf32>
      %parallel_loop3A_1888 = arith.addf %parallel_loop3A_1887, %parallel_loop3A_1885 : vector<16xf32>
      %parallel_loop3A_1889 = arith.constant 1.000000e+00 : f32
      %parallel_loop3A_1890 = vector.broadcast %parallel_loop3A_1889 : f32 to vector<16xf32>
      %parallel_loop3A_1891 = arith.divf %parallel_loop3A_1890, %parallel_loop3A_1888 : vector<16xf32>
      %parallel_loop3A_1892 = arith.mulf %parallel_loop3A_1888, %parallel_loop3A_1891 : vector<16xf32>
      %parallel_loop3A_1893 = arith.constant 2.000000e+00 : f32
      %parallel_loop3A_1894 = vector.broadcast %parallel_loop3A_1893 : f32 to vector<16xf32>
      %parallel_loop3A_1895 = arith.subf %parallel_loop3A_1894, %parallel_loop3A_1892 : vector<16xf32>
      %parallel_loop3A_1896 = arith.mulf %parallel_loop3A_1891, %parallel_loop3A_1895 : vector<16xf32>
      %parallel_loop3A_1897 = arith.constant 16 : i32
      %parallel_loop3A_1898 = arith.muli %parallel_loop3A_1794, %parallel_loop3A_1897 : i32
      %parallel_loop3A_1899 = arith.index_cast %parallel_loop3A_1898 : i32 to index
      %parallel_loop3A_1900 = tpu.vector_load %arg8[%parallel_loop3A_1899] {strides = array<i32>} : memref<128xf32, #tpu.memory_space<vmem>>, vector<16xf32>,
      tpu.vector_store %arg8[%parallel_loop3A_1899], %parallel_loop3A_1896 {strides = array<i32>} : memref<128xf32, #tpu.memory_space<vmem>>, vector<16xf32>,
    } {sc.loop_unroll_factor = 1 : i64, sc.parallel_access}
    "tpu.region"() ({
      %run_scoped3A = tpu.sem_alloc : memref<!tpu.dma_semaphore, #tpu.memory_space<semaphore_mem>>
      %dma_start3A = tpu.memref_slice %arg4[%mul3A_2] : memref<4096xf32, #tpu.memory_space<hbm>> -> memref<128xf32, #tpu.memory_space<hbm>>
      %dma_start3A_1794 = tpu.memref_slice %arg4[%mul3A_2] : memref<4096xf32, #tpu.memory_space<hbm>> -> memref<128xf32, #tpu.memory_space<hbm>>
      tpu.enqueue_dma source(%arg8 : memref<128xf32, #tpu.memory_space<vmem>>) target(%dma_start3A_1794 : memref<128xf32, #tpu.memory_space<hbm>>) target_semaphore(%run_scoped3A : memref<!tpu.dma_semaphore, #tpu.memory_space<semaphore_mem>>)
      %dma_wait3A = tpu.memref_slice %arg4[%mul3A_2] : memref<4096xf32, #tpu.memory_space<hbm>> -> memref<128xf32, #tpu.memory_space<hbm>>
      %dma_wait3A_1795 = tpu.memref_slice %arg4[%mul3A_2] : memref<4096xf32, #tpu.memory_space<hbm>> -> memref<128xf32, #tpu.memory_space<hbm>>
      tpu.wait_dma2 semaphore(%run_scoped3A : memref<!tpu.dma_semaphore, #tpu.memory_space<semaphore_mem>>) src(%arg8 : memref<128xf32, #tpu.memory_space<vmem>>) dst(%dma_wait3A_1795 : memref<128xf32, #tpu.memory_space<hbm>>)
      tpu.yield
    }) : () -> ()
    return
  }
}

module attributes {stable_mosaic.version = 14 : i64} {
  func.func @_tc_body(%arg0: i32, %arg1: memref<2048x76xf32, #tpu.memory_space<vmem>>, %arg2: memref<1x4xf32, #tpu.memory_space<vmem>>, %arg3: memref<4x4xf32, #tpu.memory_space<vmem>>, %arg4: memref<4x76xf32, #tpu.memory_space<vmem>>, %arg5: memref<1x1xf32, #tpu.memory_space<vmem>>, %arg6: memref<2048x1xf32, #tpu.memory_space<vmem>>) attributes {dimension_semantics = [#tpu.dimension_semantics<arbitrary>], iteration_bounds = array<i64: 6>, scalar_prefetch = 0 : i64, scratch_operands = 0 : i64, tpu.core_type = #tpu.core_type<tc>, window_params = [{transform_indices = @transform_0, window_bounds = array<i64: 2048, 76>}, {pipeline_mode = #tpu.pipeline_mode<synchronous>, transform_indices = @transform_1, window_bounds = array<i64: 1, 4>}, {pipeline_mode = #tpu.pipeline_mode<synchronous>, transform_indices = @transform_2, window_bounds = array<i64: 4, 4>}, {pipeline_mode = #tpu.pipeline_mode<synchronous>, transform_indices = @transform_3, window_bounds = array<i64: 4, 76>}, {pipeline_mode = #tpu.pipeline_mode<synchronous>, transform_indices = @transform_4, window_bounds = array<i64: 1, 1>}, {transform_indices = @transform_5, window_bounds = array<i64: 2048, 1>}]} {
    %get3A = arith.constant 0 : index
    %get3A_0 = arith.constant 0 : index
    %get3A_1 = vector.load %arg1[%get3A, %get3A_0] : memref<2048x76xf32, #tpu.memory_space<vmem>>, vector<2048x76xf32>
    %iota3A = tpu.iota {dimensions = array<i32: 0>} : vector<76x76xi32>
    %iota3A_2 = tpu.iota {dimensions = array<i32: 1>} : vector<76x76xi32>
    %eq3A = arith.cmpi eq, %iota3A, %iota3A_2 : vector<76x76xi32>
    %add3A = arith.constant 1 : i32
    %add3A_3 = vector.broadcast %add3A : i32 to vector<76x76xi32>
    %add3A_4 = arith.addi %iota3A, %add3A_3 : vector<76x76xi32>
    %rem3A = arith.constant 76 : i32
    %rem3A_5 = vector.broadcast %rem3A : i32 to vector<76x76xi32>
    %rem3A_6 = arith.remsi %add3A_4, %rem3A_5 : vector<76x76xi32>
    %eq3A_7 = arith.cmpi eq, %rem3A_6, %iota3A_2 : vector<76x76xi32>
    %or3A = arith.ori %eq3A, %eq3A_7 : vector<76x76xi1>
    %jit3A = arith.constant 1.000000e+00 : f32
    %jit3A_8 = arith.constant 0.000000e+00 : f32
    %broadcast_in_dim3A = vector.broadcast %jit3A : f32 to vector<76x76xf32>
    %broadcast_in_dim3A_9 = vector.broadcast %jit3A_8 : f32 to vector<76x76xf32>
    %select_n3A = arith.select %or3A, %broadcast_in_dim3A, %broadcast_in_dim3A_9 : vector<76x76xi1>, vector<76x76xf32>
    %dot_general3A = arith.constant dense<0.000000e+00> : vector<2048x76xf32>
    %dot_general3A_10 = tpu.matmul %get3A_1, %select_n3A, %dot_general3A {dimension_numbers = #tpu.dot_dimension_numbers<[1], [0], [0], [1], [0, 0, 1, 1], [], []>, transpose_lhs_hint = false} : vector<2048x76xf32>, vector<76x76xf32>, vector<2048x76xf32> -> vector<2048x76xf32>
    %get3A_11 = arith.constant 0 : index
    %get3A_12 = arith.constant 0 : index
    %get3A_13 = vector.load %arg2[%get3A_11, %get3A_12] : memref<1x4xf32, #tpu.memory_space<vmem>>, vector<1x4xf32>
    %max3A = arith.constant 0.000000e+00 : f32
    %max3A_14 = vector.broadcast %max3A : f32 to vector<1x4xf32>
    %max3A_15 = arith.maximumf %get3A_13, %max3A_14 : vector<1x4xf32>
    %get3A_16 = arith.constant 0 : index
    %get3A_17 = arith.constant 0 : index
    %get3A_18 = vector.load %arg3[%get3A_16, %get3A_17] : memref<4x4xf32, #tpu.memory_space<vmem>>, vector<4x4xf32>
    %dot_general3A_19 = arith.constant dense<0.000000e+00> : vector<1x4xf32>
    %dot_general3A_20 = tpu.matmul %max3A_15, %get3A_18, %dot_general3A_19 {dimension_numbers = #tpu.dot_dimension_numbers<[1], [0], [0], [1], [0, 0, 1, 1], [], []>, transpose_lhs_hint = false} : vector<1x4xf32>, vector<4x4xf32>, vector<1x4xf32> -> vector<1x4xf32>
    %mul3A = arith.constant 2.500000e-01 : f32
    %mul3A_21 = vector.broadcast %mul3A : f32 to vector<1x4xf32>
    %mul3A_22 = arith.mulf %dot_general3A_20, %mul3A_21 : vector<1x4xf32>
    %get3A_23 = arith.constant 0 : index
    %get3A_24 = arith.constant 0 : index
    %get3A_25 = vector.load %arg2[%get3A_23, %get3A_24] : memref<1x4xf32, #tpu.memory_space<vmem>>, vector<1x4xf32>
    %min3A = arith.constant 0.000000e+00 : f32
    %min3A_26 = vector.broadcast %min3A : f32 to vector<1x4xf32>
    %min3A_27 = arith.minimumf %get3A_25, %min3A_26 : vector<1x4xf32>
    %get3A_28 = arith.constant 0 : index
    %get3A_29 = arith.constant 0 : index
    %get3A_30 = vector.load %arg3[%get3A_28, %get3A_29] : memref<4x4xf32, #tpu.memory_space<vmem>>, vector<4x4xf32>
    %dot_general3A_31 = arith.constant dense<0.000000e+00> : vector<1x4xf32>
    %dot_general3A_32 = tpu.matmul %min3A_27, %get3A_30, %dot_general3A_31 {dimension_numbers = #tpu.dot_dimension_numbers<[1], [0], [0], [1], [0, 0, 1, 1], [], []>, transpose_lhs_hint = false} : vector<1x4xf32>, vector<4x4xf32>, vector<1x4xf32> -> vector<1x4xf32>
    %mul3A_33 = arith.constant 2.500000e-01 : f32
    %mul3A_34 = vector.broadcast %mul3A_33 : f32 to vector<1x4xf32>
    %mul3A_35 = arith.mulf %dot_general3A_32, %mul3A_34 : vector<1x4xf32>
    %max3A_36 = arith.constant 0.000000e+00 : f32
    %max3A_37 = vector.broadcast %max3A_36 : f32 to vector<2048x76xf32>
    %max3A_38 = arith.maximumf %dot_general3A_10, %max3A_37 : vector<2048x76xf32>
    %sub3A = arith.subf %dot_general3A_10, %max3A_38 : vector<2048x76xf32>
    %dot_general3A_39 = arith.constant dense<0.000000e+00> : vector<2048x76xf32>
    %dot_general3A_40 = tpu.matmul %max3A_38, %select_n3A, %dot_general3A_39 {dimension_numbers = #tpu.dot_dimension_numbers<[1], [0], [0], [1], [0, 0, 1, 1], [], []>, transpose_lhs_hint = false} : vector<2048x76xf32>, vector<76x76xf32>, vector<2048x76xf32> -> vector<2048x76xf32>
    %dot_general3A_41 = arith.constant dense<0.000000e+00> : vector<2048x76xf32>
    %dot_general3A_42 = tpu.matmul %sub3A, %select_n3A, %dot_general3A_41 {dimension_numbers = #tpu.dot_dimension_numbers<[1], [0], [0], [1], [0, 0, 1, 1], [], []>, transpose_lhs_hint = false} : vector<2048x76xf32>, vector<76x76xf32>, vector<2048x76xf32> -> vector<2048x76xf32>
    %slice3A = vector.extract_strided_slice %mul3A_22 {offsets = [0, 0], sizes = [1, 1], strides = [1, 1]} : vector<1x4xf32> to vector<1x1xf32>
    %squeeze3A = vector.extract %slice3A[0, 0] : f32 from vector<1x1xf32>
    %mul3A_43 = vector.broadcast %squeeze3A : f32 to vector<2048x76xf32>
    %mul3A_44 = arith.mulf %mul3A_43, %dot_general3A_40 : vector<2048x76xf32>
    %slice3A_45 = vector.extract_strided_slice %mul3A_35 {offsets = [0, 0], sizes = [1, 1], strides = [1, 1]} : vector<1x4xf32> to vector<1x1xf32>
    %squeeze3A_46 = vector.extract %slice3A_45[0, 0] : f32 from vector<1x1xf32>
    %mul3A_47 = vector.broadcast %squeeze3A_46 : f32 to vector<2048x76xf32>
    %mul3A_48 = arith.mulf %mul3A_47, %dot_general3A_42 : vector<2048x76xf32>
    %add3A_49 = arith.addf %mul3A_44, %mul3A_48 : vector<2048x76xf32>
    %max3A_50 = arith.constant 0.000000e+00 : f32
    %max3A_51 = vector.broadcast %max3A_50 : f32 to vector<2048x76xf32>
    %max3A_52 = arith.maximumf %add3A_49, %max3A_51 : vector<2048x76xf32>
    %get3A_53 = arith.constant 0 : index
    %get3A_54 = arith.constant 0 : index
    %get3A_55 = vector.load %arg4[%get3A_53, %get3A_54] : memref<4x76xf32, #tpu.memory_space<vmem>>, vector<1x76xf32>
    %get3A_56 = vector.shape_cast %get3A_55 : vector<1x76xf32> to vector<76xf32>
    %broadcast_in_dim3A_57 = vector.shape_cast %get3A_56 : vector<76xf32> to vector<1x76xf32>
    %mul3A_58 = vector.broadcast %broadcast_in_dim3A_57 : vector<1x76xf32> to vector<2048x76xf32>
    %mul3A_59 = arith.mulf %max3A_52, %mul3A_58 : vector<2048x76xf32>
    %slice3A_60 = vector.extract_strided_slice %mul3A_22 {offsets = [0, 1], sizes = [1, 1], strides = [1, 1]} : vector<1x4xf32> to vector<1x1xf32>
    %squeeze3A_61 = vector.extract %slice3A_60[0, 0] : f32 from vector<1x1xf32>
    %mul3A_62 = vector.broadcast %squeeze3A_61 : f32 to vector<2048x76xf32>
    %mul3A_63 = arith.mulf %mul3A_62, %dot_general3A_40 : vector<2048x76xf32>
    %slice3A_64 = vector.extract_strided_slice %mul3A_35 {offsets = [0, 1], sizes = [1, 1], strides = [1, 1]} : vector<1x4xf32> to vector<1x1xf32>
    %squeeze3A_65 = vector.extract %slice3A_64[0, 0] : f32 from vector<1x1xf32>
    %mul3A_66 = vector.broadcast %squeeze3A_65 : f32 to vector<2048x76xf32>
    %mul3A_67 = arith.mulf %mul3A_66, %dot_general3A_42 : vector<2048x76xf32>
    %add3A_68 = arith.addf %mul3A_63, %mul3A_67 : vector<2048x76xf32>
    %max3A_69 = arith.constant 0.000000e+00 : f32
    %max3A_70 = vector.broadcast %max3A_69 : f32 to vector<2048x76xf32>
    %max3A_71 = arith.maximumf %add3A_68, %max3A_70 : vector<2048x76xf32>
    %get3A_72 = arith.constant 1 : index
    %get3A_73 = arith.constant 0 : index
    %get3A_74 = vector.load %arg4[%get3A_72, %get3A_73] : memref<4x76xf32, #tpu.memory_space<vmem>>, vector<1x76xf32>
    %get3A_75 = vector.shape_cast %get3A_74 : vector<1x76xf32> to vector<76xf32>
    %broadcast_in_dim3A_76 = vector.shape_cast %get3A_75 : vector<76xf32> to vector<1x76xf32>
    %mul3A_77 = vector.broadcast %broadcast_in_dim3A_76 : vector<1x76xf32> to vector<2048x76xf32>
    %mul3A_78 = arith.mulf %max3A_71, %mul3A_77 : vector<2048x76xf32>
    %add3A_79 = arith.addf %mul3A_59, %mul3A_78 : vector<2048x76xf32>
    %slice3A_80 = vector.extract_strided_slice %mul3A_22 {offsets = [0, 2], sizes = [1, 1], strides = [1, 1]} : vector<1x4xf32> to vector<1x1xf32>
    %squeeze3A_81 = vector.extract %slice3A_80[0, 0] : f32 from vector<1x1xf32>
    %mul3A_82 = vector.broadcast %squeeze3A_81 : f32 to vector<2048x76xf32>
    %mul3A_83 = arith.mulf %mul3A_82, %dot_general3A_40 : vector<2048x76xf32>
    %slice3A_84 = vector.extract_strided_slice %mul3A_35 {offsets = [0, 2], sizes = [1, 1], strides = [1, 1]} : vector<1x4xf32> to vector<1x1xf32>
    %squeeze3A_85 = vector.extract %slice3A_84[0, 0] : f32 from vector<1x1xf32>
    %mul3A_86 = vector.broadcast %squeeze3A_85 : f32 to vector<2048x76xf32>
    %mul3A_87 = arith.mulf %mul3A_86, %dot_general3A_42 : vector<2048x76xf32>
    %add3A_88 = arith.addf %mul3A_83, %mul3A_87 : vector<2048x76xf32>
    %max3A_89 = arith.constant 0.000000e+00 : f32
    %max3A_90 = vector.broadcast %max3A_89 : f32 to vector<2048x76xf32>
    %max3A_91 = arith.maximumf %add3A_88, %max3A_90 : vector<2048x76xf32>
    %get3A_92 = arith.constant 2 : index
    %get3A_93 = arith.constant 0 : index
    %get3A_94 = vector.load %arg4[%get3A_92, %get3A_93] : memref<4x76xf32, #tpu.memory_space<vmem>>, vector<1x76xf32>
    %get3A_95 = vector.shape_cast %get3A_94 : vector<1x76xf32> to vector<76xf32>
    %broadcast_in_dim3A_96 = vector.shape_cast %get3A_95 : vector<76xf32> to vector<1x76xf32>
    %mul3A_97 = vector.broadcast %broadcast_in_dim3A_96 : vector<1x76xf32> to vector<2048x76xf32>
    %mul3A_98 = arith.mulf %max3A_91, %mul3A_97 : vector<2048x76xf32>
    %add3A_99 = arith.addf %add3A_79, %mul3A_98 : vector<2048x76xf32>
    %slice3A_100 = vector.extract_strided_slice %mul3A_22 {offsets = [0, 3], sizes = [1, 1], strides = [1, 1]} : vector<1x4xf32> to vector<1x1xf32>
    %squeeze3A_101 = vector.extract %slice3A_100[0, 0] : f32 from vector<1x1xf32>
    %mul3A_102 = vector.broadcast %squeeze3A_101 : f32 to vector<2048x76xf32>
    %mul3A_103 = arith.mulf %mul3A_102, %dot_general3A_40 : vector<2048x76xf32>
    %slice3A_104 = vector.extract_strided_slice %mul3A_35 {offsets = [0, 3], sizes = [1, 1], strides = [1, 1]} : vector<1x4xf32> to vector<1x1xf32>
    %squeeze3A_105 = vector.extract %slice3A_104[0, 0] : f32 from vector<1x1xf32>
    %mul3A_106 = vector.broadcast %squeeze3A_105 : f32 to vector<2048x76xf32>
    %mul3A_107 = arith.mulf %mul3A_106, %dot_general3A_42 : vector<2048x76xf32>
    %add3A_108 = arith.addf %mul3A_103, %mul3A_107 : vector<2048x76xf32>
    %max3A_109 = arith.constant 0.000000e+00 : f32
    %max3A_110 = vector.broadcast %max3A_109 : f32 to vector<2048x76xf32>
    %max3A_111 = arith.maximumf %add3A_108, %max3A_110 : vector<2048x76xf32>
    %get3A_112 = arith.constant 3 : index
    %get3A_113 = arith.constant 0 : index
    %get3A_114 = vector.load %arg4[%get3A_112, %get3A_113] : memref<4x76xf32, #tpu.memory_space<vmem>>, vector<1x76xf32>
    %get3A_115 = vector.shape_cast %get3A_114 : vector<1x76xf32> to vector<76xf32>
    %broadcast_in_dim3A_116 = vector.shape_cast %get3A_115 : vector<76xf32> to vector<1x76xf32>
    %mul3A_117 = vector.broadcast %broadcast_in_dim3A_116 : vector<1x76xf32> to vector<2048x76xf32>
    %mul3A_118 = arith.mulf %max3A_111, %mul3A_117 : vector<2048x76xf32>
    %add3A_119 = arith.addf %add3A_99, %mul3A_118 : vector<2048x76xf32>
    %broadcast_in_dim3A_120 = arith.constant 1.000000e+00 : f32
    %broadcast_in_dim3A_121 = vector.broadcast %broadcast_in_dim3A_120 : f32 to vector<76x1xf32>
    %dot_general3A_122 = arith.constant dense<0.000000e+00> : vector<2048x1xf32>
    %dot_general3A_123 = tpu.matmul %add3A_119, %broadcast_in_dim3A_121, %dot_general3A_122 {dimension_numbers = #tpu.dot_dimension_numbers<[1], [0], [0], [1], [0, 0, 1, 1], [], []>, transpose_lhs_hint = false} : vector<2048x76xf32>, vector<76x1xf32>, vector<2048x1xf32> -> vector<2048x1xf32>
    %get3A_124 = arith.constant 0 : index
    %get3A_125 = arith.constant 0 : index
    %get3A_126 = vector.load %arg5[%get3A_124, %get3A_125] : memref<1x1xf32, #tpu.memory_space<vmem>>, vector<1x1xf32>
    %get3A_127 = vector.extract %get3A_126[0, 0] : f32 from vector<1x1xf32>
    %add3A_128 = vector.broadcast %get3A_127 : f32 to vector<2048x1xf32>
    %add3A_129 = arith.addf %dot_general3A_123, %add3A_128 : vector<2048x1xf32>
    %logistic3A = arith.negf %add3A_129 : vector<2048x1xf32>
    %logistic3A_130 = math.exp %logistic3A : vector<2048x1xf32>
    %logistic3A_131 = arith.constant 1.000000e+00 : f32
    %logistic3A_132 = vector.broadcast %logistic3A_131 : f32 to vector<2048x1xf32>
    %logistic3A_133 = arith.addf %logistic3A_132, %logistic3A_130 : vector<2048x1xf32>
    %logistic3A_134 = arith.divf %logistic3A_132, %logistic3A_133 : vector<2048x1xf32>
    %swap3A = arith.constant 0 : index
    %swap3A_135 = arith.constant 0 : index
    %swap3A_136 = vector.load %arg6[%swap3A, %swap3A_135] : memref<2048x1xf32, #tpu.memory_space<vmem>>, vector<2048x1xf32>
    tpu.vector_store %arg6[%swap3A, %swap3A_135], %logistic3A_134 {strides = array<i32>} : memref<2048x1xf32, #tpu.memory_space<vmem>>, vector<2048x1xf32>,
    return
  }
  func.func @transform_0(%arg0: i32) -> (i32, i32) {
    %c0_i32 = arith.constant 0 : i32
    %c0_i32_0 = arith.constant 0 : i32
    return %arg0, %c0_i32 : i32, i32
  }
  func.func @transform_1(%arg0: i32) -> (i32, i32) {
    %c0_i32 = arith.constant 0 : i32
    %c0_i32_0 = arith.constant 0 : i32
    %c0_i32_1 = arith.constant 0 : i32
    return %c0_i32, %c0_i32_0 : i32, i32
  }
  func.func @transform_2(%arg0: i32) -> (i32, i32) {
    %c0_i32 = arith.constant 0 : i32
    %c0_i32_0 = arith.constant 0 : i32
    %c0_i32_1 = arith.constant 0 : i32
    return %c0_i32, %c0_i32_0 : i32, i32
  }
  func.func @transform_3(%arg0: i32) -> (i32, i32) {
    %c0_i32 = arith.constant 0 : i32
    %c0_i32_0 = arith.constant 0 : i32
    %c0_i32_1 = arith.constant 0 : i32
    return %c0_i32, %c0_i32_0 : i32, i32
  }
  func.func @transform_4(%arg0: i32) -> (i32, i32) {
    %c0_i32 = arith.constant 0 : i32
    %c0_i32_0 = arith.constant 0 : i32
    %c0_i32_1 = arith.constant 0 : i32
    return %c0_i32, %c0_i32_0 : i32, i32
  }
  func.func @transform_5(%arg0: i32) -> (i32, i32) {
    %c0_i32 = arith.constant 0 : i32
    %c0_i32_0 = arith.constant 0 : i32
    return %arg0, %c0_i32 : i32, i32
  }
}

</mosaic_0001>

<sc_bundles>
// kernel: kernel.4.cloned.1.call-start
scs
__scs_entry_jumppad:
0x0: {  	(pc) =	sbr.rel $0x88, $3  }
0x1: {  	(tag) =	ssettag $0x0;
	lr =	simm.s32 $0x1  }
0x2: {  	[smem:$0x3F9B] =	sst lr;
	_ =	strace $0xD0000000  }
0x3: {  	_ = 	snop  }
0x4: {  	_ = 	snop  }
0x5: {  	_ = 	snop  }
0x6: {  	_ = 	snop  }
0x7: {  	_ = 	snop  }
__scs_overlays_trampoline_lowered:
0x8: {  	[smem:$0x3FAA] =	sst s0  }
0x9: {  	[smem:$0x3FAB] =	sst s1  }
0xa: {  	[smem:$0x3FAC] =	sst s2  }
0xb: {  	[smem:$0x3FAD] =	sst s3  }
0xc: {  	[smem:$0x3FAE] =	sst s4  }
0xd: {  	[smem:$0x3FAF] =	sst s5  }
0xe: {  	[smem:$0x3FB0] =	sst s6  }
0xf: {  	[smem:$0x3FB1] =	sst s7  }
0x10: {  	[smem:$0x3FB2] =	sst s8  }
0x11: {  	[smem:$0x3FB3] =	sst s9;
	s0 =	simm.s32 @!p0 $0x0  }
0x12: {  	s1 =	sld [smem:$0x3F99];
	s0 =	simm.s32 @p0 $0x1  }
0x13: {  	[smem:$0x3FB4] =	sst s0;
	s0 =	simm.s32 @!p1 $0x0  }
0x14: {  	s2 =	sld [smem:$0x3F98];
	s0 =	simm.s32 @p1 $0x1  }
0x15: {  	[smem:$0x3FB5] =	sst s0;
	s0 =	simm.s32 @!p2 $0x0  }
0x16: {  	s3 =	sld [smem:$0x3FDB];
	s0 =	simm.s32 @p2 $0x1  }
0x17: {  	s4 =	simm.s32 $0x1BF5;
	[smem:$0x3FB7] =	sst s0  }
0x18: {  	s0 =	sld [smem:$0x3F9A];
	_ =	swait.ge [sflag:s4], $0x0  }
0x19: {  	s7 =	sld [smem:$0x3F9B]  }
0x1a: {  	s8 =	sadd.s32 $0xFFFFE003, lr  }
0x1b: {  	s9 =	sadd.s32 $0xFFFFFEF7, lr;
	s5 =	simm.s32 $0xFFFFFFFF;
	p2 =	slt.u32 s8, $0xFFFFF086  }
0x1c: {  	p1 =	slt.u32 s9, $0xF7A;
	s5 =	simm.s32 @!p2 $0x0  }
0x1d: {  	s5 =	simm.s32 @p1 $0x1;
	p0 =	seq.s32 s7, s2  }
0x1e: {  	s7 =	smul.u32 @!p0 $0xF7A, s2;
	p2 =	seq.s32 @!p0 s5, $0x0  }
0x1f: {  	s9 =	smul.u32 $0xF7A, s1;
	s8 =	simm.s32 @!p0 $0x1BF5;
	p2 =	por !p2, p0  }
0x20: {  	[sflag:s8] =	ssyncset.s32 @!p0 $0xFFFFF086;
	s6 =	sadd.s32 @!p0 s3, s7;
	s7 =	simm.s32 @!p0 $0x108  }
0x21: {  	s3 =	sadd.s32 s3, s9;
	s6 =	sadd.s32 @!p0 $0x88, s6;
	s7 =	simm.s32 @p2 $0x1082  }
0x22: {  	[simem:s7], [sflag:s8] =	dma.local @!p0 [hbm:s6], $0xF7A  }
0x23: {  	s9 =	sor.u32 $0xD0000000, s2;
	s6 =	simm.s32 $0x108;
	_ =	swait.ge @!p0 [sflag:s8], $0x0  }
0x24: {  	s3 =	sadd.s32 $0x88, s3;
	s6 =	simm.s32 @!p1 $0x1082;
	[sflag:s4] =	ssyncset.s32 $0xFFFFF086  }
0x25: {  	[simem:s6], [sflag:s4] =	dma.local [hbm:s3], $0xF7A  }
0x26: {  	[smem:$0x3F9B] =	sst s1;
	(tag) =	ssettag s2;
	_ =	strace s9  }
0x27: {  	s1 =	sld [smem:$0x3FAB]  }
0x28: {  	s2 =	sld [smem:$0x3FAC]  }
0x29: {  	s4 =	sld [smem:$0x3FAE]  }
0x2a: {  	p0 =	seq.s32 s5, $0x0;
	s5 =	sld [smem:$0x3FAF]  }
0x2b: {  	s6 =	sld [smem:$0x3FB0]  }
0x2c: {  	s7 =	sld [smem:$0x3FB1]  }
0x2d: {  	s3 =	simm.s32 $0x108;
	s8 =	sld [smem:$0x3FB2]  }
0x2e: {  	s3 =	simm.s32 @!p0 $0x1082;
	s9 =	sld [smem:$0x3FB3]  }
0x2f: {  	lr =	sadd.s32 s0, s3;
	s0 =	sld [smem:$0x3FAA]  }
0x30: {  	s3 =	sld [smem:$0x3FAD]  }
0x31: {  	[smem:$0x3FB6] =	sst s10  }
0x32: {  	s10 =	sld [smem:$0x3FB4];
	_ =	sdelay $0x3  }
0x33: {  	p0 =	seq.s32 s10, $0x1;
	s10 =	sld [smem:$0x3FB6];
	_ =	sdelay $0x3  }
0x34: {  	[smem:$0x3FB6] =	sst s10  }
0x35: {  	s10 =	sld [smem:$0x3FB5];
	_ =	sdelay $0x3  }
0x36: {  	p1 =	seq.s32 s10, $0x1;
	s10 =	sld [smem:$0x3FB6];
	_ =	sdelay $0x3  }
0x37: {  	[smem:$0x3FB6] =	sst s10  }
0x38: {  	s10 =	sld [smem:$0x3FB7]  }
0x39: {  	_ = 	snop;
	(pc) =	sbr.ind lr, $3  }
0x3a: {  	_ = 	snop  }
0x3b: {  	_ = 	snop  }
0x3c: {  	p2 =	seq.s32 s10, $0x1;
	s10 =	sld [smem:$0x3FB6]  }
0x3d: {  	_ =	shalt  }
0x3e: {  	_ =	shalt  }
0x3f: {  	_ =	shalt  }
0x40: {  	_ =	shalt  }
0x41: {  	_ =	shalt  }
0x42: {  	_ =	shalt  }
0x43: {  	_ =	shalt  }
0x44: {  	_ =	shalt  }
0x45: {  	_ =	shalt  }
0x46: {  	_ =	shalt  }
0x47: {  	_ =	shalt  }
0x48: {  	_ =	shalt  }
0x49: {  	_ =	shalt  }
0x4a: {  	_ =	shalt  }
0x4b: {  	_ =	shalt  }
0x4c: {  	_ =	shalt  }
0x4d: {  	_ =	shalt  }
0x4e: {  	_ =	shalt  }
0x4f: {  	_ =	shalt  }
0x50: {  	_ =	shalt  }
0x51: {  	_ =	shalt  }
0x52: {  	_ =	shalt  }
0x53: {  	_ =	shalt  }
0x54: {  	_ =	shalt  }
0x55: {  	_ =	shalt  }
0x56: {  	_ =	shalt  }
0x57: {  	_ =	shalt  }
0x58: {  	_ =	shalt  }
0x59: {  	_ =	shalt  }
0x5a: {  	_ =	shalt  }
0x5b: {  	_ =	shalt  }
0x5c: {  	_ =	shalt  }
0x5d: {  	_ =	shalt  }
0x5e: {  	_ =	shalt  }
0x5f: {  	_ =	shalt  }
0x60: {  	_ =	shalt  }
0x61: {  	_ =	shalt  }
0x62: {  	_ =	shalt  }
0x63: {  	_ =	shalt  }
0x64: {  	_ =	shalt  }
0x65: {  	_ =	shalt  }
0x66: {  	_ =	shalt  }
0x67: {  	_ =	shalt  }
0x68: {  	_ =	shalt  }
0x69: {  	_ =	shalt  }
0x6a: {  	_ =	shalt  }
0x6b: {  	_ =	shalt  }
0x6c: {  	_ =	shalt  }
0x6d: {  	_ =	shalt  }
0x6e: {  	_ =	shalt  }
0x6f: {  	_ =	shalt  }
0x70: {  	_ =	shalt  }
0x71: {  	_ =	shalt  }
0x72: {  	_ =	shalt  }
0x73: {  	_ =	shalt  }
0x74: {  	_ =	shalt  }
0x75: {  	_ =	shalt  }
0x76: {  	_ =	shalt  }
0x77: {  	_ =	shalt  }
0x78: {  	_ =	shalt  }
0x79: {  	_ =	shalt  }
0x7a: {  	_ =	shalt  }
0x7b: {  	_ =	shalt  }
0x7c: {  	_ =	shalt  }
0x7d: {  	_ =	shalt  }
0x7e: {  	_ =	shalt  }
0x7f: {  	_ =	shalt  }
0x80: {  	_ =	shalt  }
0x81: {  	_ =	shalt  }
0x82: {  	_ =	shalt  }
0x83: {  	_ =	shalt  }
0x84: {  	_ =	shalt  }
0x85: {  	_ =	shalt  }
0x86: {  	_ =	shalt  }
0x87: {  	_ =	shalt  }
.Lfunc_end0:
.L_simem_size_0:
called_computation_lowered:
.L_overlay_start_0:
0x88: {  	s2 =	sld [smem:$0x3FD9]  }
0x89: {  	s3 =	sld [smem:$0x3FFE];
	_ =	sdelay $0x1  }
0x8a: {  	s1 =	srdreg.scid  }
0x8b: {  	s0 =	sand.u32 $0x1, s1  }
0x8c: {  	s17 =	sshll.u32 s0, $0xA;
	s2 =	sadd.s32 s3, s2  }
0x8d: {  	s2 =	sadd.s32 s2, s17  }
0x8e: {  	[smem:$0x3FC2] =	sst s2  }
0x8f: {  	_ = 	snop  }
0x90: {  	s2 =	sld [smem:$0x3FD0];
	(tm) =	ssettm $0x1  }
0x91: {  	s18 =	sld [smem:$0x3FFB];
	_ =	sdelay $0x3  }
0x92: {  	_ =	strace s18  }
0x93: {  	s3 =	sld [smem:$0x3FFC];
	_ =	sdelay $0x3  }
0x94: {  	_ =	strace s3  }
0x95: {  	s3 =	sld [smem:$0x3FFD];
	_ =	sdelay $0x3  }
0x96: {  	_ =	strace s3  }
0x97: {  	_ =	strace $0x8FFFFFFF  }
0x98: {  	s19 =	sld [smem:$0x3FDB];
	_ =	sdelay $0x1  }
0x99: {  	s4 =	simm.s32 $_scs_section_size  }
0x9a: {  	s5 =	simm.s32 $_size__tile_overlayer_lowered;
	s6 =	simm.s32 $_tile_overlayer_lowered  }
0x9b: {  	s22 =	simm.s32 $0x1BFF;
	s21 =	sshll.u32 s6, $0x1;
	s3 =	sadd.s32 s4, s19  }
0x9c: {  	s7 =	simm.s32 $0x0;
	s20 =	sshll.u32 s5, $0x1;
	s5 =	sadd.s32 s21, s3  }
0x9d: {  	[timem:s7], [sflag:s22] =	dma.local [hbm:s5], s20  }
0x9e: {  	_ =	swait.ge [sflag:s22], s20  }
0x9f: {  	s4 =	ssub.s32 $0x0, s20;
	[sflag:s22] =	ssyncset.done $0x0  }
0xa0: {  	[sflag:s22] =	ssyncadd.s32 s4;
	_ =	sdelay $0x1  }
0xa1: {  	s23 =	simm.s32 $0x1B8B  }
0xa2: {  	_ =	swait.ge [sflag:s23], $0x1  }
0xa3: {  	[sflag:s23] =	ssyncset.done $0x0  }
0xa4: {  	s25 =	simm.s32 $0x1B8E;
	s24 =	sld [smem:$0x3FFE];
	[sflag:s23] =	ssyncadd.s32 $0xFFFFFFFF  }
0xa5: {  	s26 =	simm.s32 $execute0_lowered;
	[smem:$0x3FD2] =	sst s25  }
0xa6: {  	s5 =	sshll.u32 s26, $0x1;
	_ =	strace $0x80000046;
	[dreg:$0x1] =	wrdreg $0xFFFFFFFF  }
0xa7: {  	s28 =	simm.s32 $_size_execute0_lowered;
	s3 =	sadd.s32 s3, s5;
	[dreg:$0x0] =	wrdreg $0x0  }
0xa8: {  	s5 =	sshll.u32 s28, $0x1;
	[dreg:$0x2] =	wrdreg s3  }
0xa9: {  	[dreg:$0x3] =	wrdreg s5  }
0xaa: {  	[dreg:$0x4] =	wrdreg $0xC0  }
0xab: {  	_ =	task [dreg:s7], $0x5FFFF  }
0xac: {  	[dreg:$0x1] =	wrdreg $0xFFFFFFFF  }
0xad: {  	[dreg:$0x0] =	wrdreg $0x60  }
0xae: {  	[dreg:$0x2] =	wrdreg s24  }
0xaf: {  	[dreg:$0x3] =	wrdreg s2  }
0xb0: {  	[dreg:$0x4] =	wrdreg $0x9  }
0xb1: {  	_ =	task.clear_ibuf [dreg:s7], $0x5FFFF;
	_ =	strace $0x90000046  }
0xb2: {  	s29 =	simm.s32 $0x9;
	_ =	strace $0x80000048  }
0xb3: {  	_ =	swait.ge [sflag:s29], $0x1  }
0xb4: {  	[sflag:s29] =	ssyncadd.s32 $0xFFFFFFFF  }
0xb5: {  	_ =	strace $0x90000048  }
0xb6: {  	_ =	sfence  }
0xb7: {  	s30 =	sld [smem:$0x0];
	_ =	sdelay $0x2  }
0xb8: {  	s31 =	sshll.u32 s1, $0xD;
	s1 =	sshrl.u32 s1, $0x2  }
0xb9: {  	s3 =	sand.u32 $0x4000, s31;
	s1 =	sadd.s32 s1, s30  }
0xba: {  	s0 =	sor.u32 s3, s0;
	s1 =	sshll.u32 s1, $0x11  }
0xbb: {  	s0 =	sor.u32 s1, s0  }
0xbc: {  	s0 =	sadd.s32 $0x8F2B, s0  }
0xbd: {  	[sflag:s0] =	ssyncadd.remote.s32 $0x1  }
0xbe: {  	_ =	sfence.sel $0xFFFF  }
0xbf: {  	[dreg:$0x0] =	wrdreg $0xFFFFFFFF;
	(pc) =	sbr.abs _section_cstart, $3  }
0xc0: {  	[dreg:$0x1] =	wrdreg $0xFFFFFFFF  }
0xc1: {  	_ =	task.clear_ibuf [dreg:s7], $0x2FFFF;
	_ =	strace $0x9FFFFFFF  }
0xc2: {  	(tm) =	ssettm $0x7FFFFFFF  }
0xc3: {  	_ =	shalt  }
tec
execute0_lowered:
.L_overlay_start_1:
0x0: {  	(tag) =	ssettag $0x1  }
0x1: {  	s4 =	rddreg [dreg:$0x0];
	s1 =	srdreg.scid  }
0x2: {  	s0 =	stileid.u32;
	s2 =	rddreg [dreg:$0x1]  }
0x3: {  	s3 =	simm.s32 $0x0;
	s9 =	simm.s32 $0x3A80;
	s10 =	simm.s32 $0x0  }
0x4: {  	s5 =	sand.u32 $0x1, s1;
	s6 =	sshll.u32 s0, $0x1;
	s1 =	rddreg [dreg:$0x2]  }
0x5: {  	[smem:$0x7FF] =	sst s3;
	s6 =	sor.u32 s5, s6;
	s5 =	ssub.s32 $0x2, s5  }
0x6: {  	v0 =	vlaneseq.u32;
	s7 =	smul.u32 $0x4C0, s6;
	s6 =	sshll.u32 s6, $0x4;
	s8 =	sshrl.u32 s5, $0x1  }
0x7: {  	v0 =	vmul.u32 $0x4C, v0;
	_ =	strace $0x80000047;
	s6 =	sadd.s32 s6, s4;
	s8 =	ssub.s32 s5, s8  }
0x8: {  	s7 =	sadd.s32 s7, s4;
	s5 =	sadd.s32 $0x9C00, s6;
	s6 =	smax.u32 s8, $0x1  }
0x9: {  	v1 =	vadd.s32 $0x4A, v0;
	v2 =	vadd.s32 $0x4B, v0;
	s8 =	simm.s32 $0x2600;
	s4 =	sadd.s32 $0x200, s7;
	s7 =	simm.s32 $0x1  }
.LBB2_1:
0xa: {  	[tilespmem:s3], [sflag:$0x1] =	stream.linear.gather [hbm4b:s4+s3], $0x2600, $0x38;
	[tilespmem:$0x3B00] =	vst v63  }
0xb: {  	_ =	swait.ge [sflag:s7], $0x2600  }
0xc: {  	[sflag:s7] =	ssyncset.done $0x0  }
0xd: {  	[sflag:s7] =	ssyncadd.s32 $0xFFFFDA00  }
0xe: {  	[tilespmem:s8], [sflag:$0x1] =	stream.linear.gather [hbm4b:s2+s3], $0x180, $0x38;
	[tilespmem:$0x3B00] =	vst v63  }
0xf: {  	_ =	swait.ge [sflag:s7], $0x180  }
0x10: {  	[sflag:s7] =	ssyncset.done $0x0  }
0x11: {  	[sflag:s7] =	ssyncadd.s32 $0xFFFFFE80  }
0x12: {  	v3 =	vld [tilespmem:$0x2620];
	_ =	sdelay $0x1  }
0x13: {  	v16 =	vld [tilespmem:$0x2720];
	_ =	sdelay $0x1  }
0x14: {  	v35 =	vld [tilespmem:$0x2730]  }
0x15: {  	v4 =	vbroadcast v3, $0x0  }
0x16: {  	v5 =	vbroadcast v3, $0x1  }
0x17: {  	v27 =	vbroadcast v16, $0x5;
	[tilespmem:$0x2780] =	vst v4  }
0x18: {  	v32 =	vbroadcast v16, $0x9;
	[tilespmem:$0x2790] =	vst v5  }
0x19: {  	v50 =	vbroadcast v35, $0x4;
	[tilespmem:$0x37D0] =	vst v27  }
0x1a: {  	v53 =	vbroadcast v35, $0x6;
	[tilespmem:$0x3810] =	vst v32  }
0x1b: {  	v55 =	vbroadcast v35, $0x7;
	[tilespmem:$0x38C0] =	vst v50  }
0x1c: {  	v57 =	vbroadcast v35, $0x8;
	[tilespmem:$0x38E0] =	vst v53  }
0x1d: {  	v4 =	vbroadcast v3, $0x2;
	[tilespmem:$0x38F0] =	vst v55  }
0x1e: {  	v5 =	vbroadcast v3, $0x3;
	[tilespmem:$0x3900] =	vst v57  }
0x1f: {  	[tilespmem:$0x27A0] =	vst v4;
	v4 =	vbroadcast v3, $0x4  }
0x20: {  	[tilespmem:$0x27B0] =	vst v5;
	v5 =	vbroadcast v3, $0x5  }
0x21: {  	[tilespmem:$0x27C0] =	vst v4;
	v4 =	vbroadcast v3, $0x6  }
0x22: {  	[tilespmem:$0x27D0] =	vst v5;
	v5 =	vbroadcast v3, $0x7  }
0x23: {  	[tilespmem:$0x27E0] =	vst v4;
	v4 =	vbroadcast v3, $0x8  }
0x24: {  	[tilespmem:$0x27F0] =	vst v5;
	v5 =	vbroadcast v3, $0x9  }
0x25: {  	[tilespmem:$0x2800] =	vst v4;
	v4 =	vbroadcast v3, $0xA  }
0x26: {  	v6 =	vld [tilespmem:$0x2630];
	[tilespmem:$0x2810] =	vst v5;
	v5 =	vbroadcast v3, $0xB  }
0x27: {  	[tilespmem:$0x2820] =	vst v4;
	v4 =	vbroadcast v3, $0xC  }
0x28: {  	[tilespmem:$0x2830] =	vst v5;
	v5 =	vbroadcast v3, $0xD  }
0x29: {  	[tilespmem:$0x2840] =	vst v4;
	v4 =	vbroadcast v3, $0xE  }
0x2a: {  	[tilespmem:$0x2850] =	vst v5;
	v3 =	vbroadcast v3, $0xF  }
0x2b: {  	[tilespmem:$0x2860] =	vst v4;
	v4 =	vbroadcast v6, $0x0  }
0x2c: {  	[tilespmem:$0x2870] =	vst v3;
	v3 =	vbroadcast v6, $0x1  }
0x2d: {  	[tilespmem:$0x2880] =	vst v4;
	v4 =	vbroadcast v6, $0x2  }
0x2e: {  	[tilespmem:$0x2890] =	vst v3;
	v3 =	vbroadcast v6, $0x3  }
0x2f: {  	[tilespmem:$0x28A0] =	vst v4;
	v4 =	vbroadcast v6, $0x4  }
0x30: {  	[tilespmem:$0x28B0] =	vst v3;
	v3 =	vbroadcast v6, $0x5  }
0x31: {  	[tilespmem:$0x28C0] =	vst v4;
	v4 =	vbroadcast v6, $0x6  }
0x32: {  	[tilespmem:$0x28D0] =	vst v3;
	v3 =	vbroadcast v6, $0x7  }
0x33: {  	[tilespmem:$0x28E0] =	vst v4;
	v4 =	vbroadcast v6, $0x8  }
0x34: {  	[tilespmem:$0x28F0] =	vst v3;
	v3 =	vbroadcast v6, $0x9  }
0x35: {  	[tilespmem:$0x2900] =	vst v4;
	v4 =	vbroadcast v6, $0xA  }
0x36: {  	v5 =	vld [tilespmem:$0x2640];
	[tilespmem:$0x2910] =	vst v3;
	v3 =	vbroadcast v6, $0xB  }
0x37: {  	[tilespmem:$0x2920] =	vst v4;
	v4 =	vbroadcast v6, $0xC  }
0x38: {  	[tilespmem:$0x2930] =	vst v3;
	v3 =	vbroadcast v6, $0xD  }
0x39: {  	[tilespmem:$0x2940] =	vst v4;
	v4 =	vbroadcast v6, $0xE  }
0x3a: {  	[tilespmem:$0x2950] =	vst v3;
	v3 =	vbroadcast v6, $0xF  }
0x3b: {  	[tilespmem:$0x2960] =	vst v4;
	v4 =	vbroadcast v5, $0x0  }
0x3c: {  	[tilespmem:$0x2970] =	vst v3;
	v3 =	vbroadcast v5, $0x1  }
0x3d: {  	[tilespmem:$0x2980] =	vst v4;
	v4 =	vbroadcast v5, $0x2  }
0x3e: {  	[tilespmem:$0x2990] =	vst v3;
	v3 =	vbroadcast v5, $0x3  }
0x3f: {  	[tilespmem:$0x29A0] =	vst v4;
	v4 =	vbroadcast v5, $0x4  }
0x40: {  	[tilespmem:$0x29B0] =	vst v3;
	v3 =	vbroadcast v5, $0x5  }
0x41: {  	[tilespmem:$0x29C0] =	vst v4;
	v4 =	vbroadcast v5, $0x6  }
0x42: {  	[tilespmem:$0x29D0] =	vst v3;
	v3 =	vbroadcast v5, $0x7  }
0x43: {  	[tilespmem:$0x29E0] =	vst v4;
	v4 =	vbroadcast v5, $0x8  }
0x44: {  	[tilespmem:$0x29F0] =	vst v3;
	v3 =	vbroadcast v5, $0x9  }
0x45: {  	[tilespmem:$0x2A00] =	vst v4;
	v4 =	vbroadcast v5, $0xA  }
0x46: {  	v6 =	vld [tilespmem:$0x2650];
	[tilespmem:$0x2A10] =	vst v3;
	v3 =	vbroadcast v5, $0xB  }
0x47: {  	[tilespmem:$0x2A20] =	vst v4;
	v4 =	vbroadcast v5, $0xC  }
0x48: {  	[tilespmem:$0x2A30] =	vst v3;
	v3 =	vbroadcast v5, $0xD  }
0x49: {  	[tilespmem:$0x2A40] =	vst v4;
	v4 =	vbroadcast v5, $0xE  }
0x4a: {  	[tilespmem:$0x2A50] =	vst v3;
	v3 =	vbroadcast v5, $0xF  }
0x4b: {  	[tilespmem:$0x2A60] =	vst v4;
	v4 =	vbroadcast v6, $0x0  }
0x4c: {  	[tilespmem:$0x2A70] =	vst v3;
	v3 =	vbroadcast v6, $0x1  }
0x4d: {  	[tilespmem:$0x2A80] =	vst v4;
	v4 =	vbroadcast v6, $0x2  }
0x4e: {  	[tilespmem:$0x2A90] =	vst v3;
	v3 =	vbroadcast v6, $0x3  }
0x4f: {  	[tilespmem:$0x2AA0] =	vst v4;
	v4 =	vbroadcast v6, $0x4  }
0x50: {  	[tilespmem:$0x2AB0] =	vst v3;
	v3 =	vbroadcast v6, $0x5  }
0x51: {  	[tilespmem:$0x2AC0] =	vst v4;
	v4 =	vbroadcast v6, $0x6  }
0x52: {  	[tilespmem:$0x2AD0] =	vst v3;
	v3 =	vbroadcast v6, $0x7  }
0x53: {  	[tilespmem:$0x2AE0] =	vst v4;
	v4 =	vbroadcast v6, $0x8  }
0x54: {  	[tilespmem:$0x2AF0] =	vst v3;
	v3 =	vbroadcast v6, $0x9  }
0x55: {  	[tilespmem:$0x2B00] =	vst v4;
	v4 =	vbroadcast v6, $0xA  }
0x56: {  	v5 =	vld [tilespmem:$0x2660];
	[tilespmem:$0x2B10] =	vst v3;
	v3 =	vbroadcast v6, $0xB  }
0x57: {  	[tilespmem:$0x2B20] =	vst v4;
	v4 =	vbroadcast v6, $0xC  }
0x58: {  	[tilespmem:$0x2B30] =	vst v3;
	v3 =	vbroadcast v6, $0xD  }
0x59: {  	[tilespmem:$0x2B40] =	vst v4;
	v4 =	vbroadcast v6, $0xE  }
0x5a: {  	[tilespmem:$0x2B50] =	vst v3;
	v3 =	vbroadcast v6, $0xF  }
0x5b: {  	[tilespmem:$0x2B60] =	vst v4;
	v4 =	vbroadcast v5, $0x0  }
0x5c: {  	[tilespmem:$0x2B70] =	vst v3;
	v3 =	vbroadcast v5, $0x1  }
0x5d: {  	[tilespmem:$0x2B80] =	vst v4;
	v4 =	vbroadcast v5, $0x2  }
0x5e: {  	[tilespmem:$0x2B90] =	vst v3;
	v3 =	vbroadcast v5, $0x3  }
0x5f: {  	[tilespmem:$0x2BA0] =	vst v4;
	v4 =	vbroadcast v5, $0x4  }
0x60: {  	[tilespmem:$0x2BB0] =	vst v3;
	v3 =	vbroadcast v5, $0x5  }
0x61: {  	[tilespmem:$0x2BC0] =	vst v4;
	v4 =	vbroadcast v5, $0x6  }
0x62: {  	[tilespmem:$0x2BD0] =	vst v3;
	v3 =	vbroadcast v5, $0x7  }
0x63: {  	[tilespmem:$0x2BE0] =	vst v4;
	v4 =	vbroadcast v5, $0x8  }
0x64: {  	[tilespmem:$0x2BF0] =	vst v3;
	v3 =	vbroadcast v5, $0x9  }
0x65: {  	[tilespmem:$0x2C00] =	vst v4;
	v4 =	vbroadcast v5, $0xA  }
0x66: {  	v6 =	vld [tilespmem:$0x2670];
	[tilespmem:$0x2C10] =	vst v3;
	v3 =	vbroadcast v5, $0xB  }
0x67: {  	[tilespmem:$0x2C20] =	vst v4;
	v4 =	vbroadcast v5, $0xC  }
0x68: {  	[tilespmem:$0x2C30] =	vst v3;
	v3 =	vbroadcast v5, $0xD  }
0x69: {  	[tilespmem:$0x2C40] =	vst v4;
	v4 =	vbroadcast v5, $0xE  }
0x6a: {  	[tilespmem:$0x2C50] =	vst v3;
	v3 =	vbroadcast v5, $0xF  }
0x6b: {  	[tilespmem:$0x2C60] =	vst v4;
	v4 =	vbroadcast v6, $0x0  }
0x6c: {  	[tilespmem:$0x2C70] =	vst v3;
	v3 =	vbroadcast v6, $0x1  }
0x6d: {  	[tilespmem:$0x2C80] =	vst v4;
	v4 =	vbroadcast v6, $0x2  }
0x6e: {  	[tilespmem:$0x2C90] =	vst v3;
	v3 =	vbroadcast v6, $0x3  }
0x6f: {  	[tilespmem:$0x2CA0] =	vst v4;
	v4 =	vbroadcast v6, $0x4  }
0x70: {  	[tilespmem:$0x2CB0] =	vst v3;
	v3 =	vbroadcast v6, $0x5  }
0x71: {  	[tilespmem:$0x2CC0] =	vst v4;
	v4 =	vbroadcast v6, $0x6  }
0x72: {  	[tilespmem:$0x2CD0] =	vst v3;
	v3 =	vbroadcast v6, $0x7  }
0x73: {  	[tilespmem:$0x2CE0] =	vst v4;
	v4 =	vbroadcast v6, $0x8  }
0x74: {  	[tilespmem:$0x2CF0] =	vst v3;
	v3 =	vbroadcast v6, $0x9  }
0x75: {  	[tilespmem:$0x2D00] =	vst v4;
	v4 =	vbroadcast v6, $0xA  }
0x76: {  	v5 =	vld [tilespmem:$0x2680];
	[tilespmem:$0x2D10] =	vst v3;
	v3 =	vbroadcast v6, $0xB  }
0x77: {  	[tilespmem:$0x2D20] =	vst v4;
	v4 =	vbroadcast v6, $0xC  }
0x78: {  	[tilespmem:$0x2D30] =	vst v3;
	v3 =	vbroadcast v6, $0xD  }
0x79: {  	[tilespmem:$0x2D40] =	vst v4;
	v4 =	vbroadcast v6, $0xE  }
0x7a: {  	[tilespmem:$0x2D50] =	vst v3;
	v3 =	vbroadcast v6, $0xF  }
0x7b: {  	[tilespmem:$0x2D60] =	vst v4;
	v4 =	vbroadcast v5, $0x0  }
0x7c: {  	[tilespmem:$0x2D70] =	vst v3;
	v3 =	vbroadcast v5, $0x1  }
0x7d: {  	[tilespmem:$0x2D80] =	vst v4;
	v4 =	vbroadcast v5, $0x2  }
0x7e: {  	[tilespmem:$0x2D90] =	vst v3;
	v3 =	vbroadcast v5, $0x3  }
0x7f: {  	[tilespmem:$0x2DA0] =	vst v4;
	v4 =	vbroadcast v5, $0x4  }
0x80: {  	[tilespmem:$0x2DB0] =	vst v3;
	v3 =	vbroadcast v5, $0x5  }
0x81: {  	[tilespmem:$0x2DC0] =	vst v4;
	v4 =	vbroadcast v5, $0x6  }
0x82: {  	[tilespmem:$0x2DD0] =	vst v3;
	v3 =	vbroadcast v5, $0x7  }
0x83: {  	[tilespmem:$0x2DE0] =	vst v4;
	v4 =	vbroadcast v5, $0x8  }
0x84: {  	[tilespmem:$0x2DF0] =	vst v3;
	v3 =	vbroadcast v5, $0x9  }
0x85: {  	[tilespmem:$0x2E00] =	vst v4;
	v4 =	vbroadcast v5, $0xA  }
0x86: {  	v6 =	vld [tilespmem:$0x2690];
	[tilespmem:$0x2E10] =	vst v3;
	v3 =	vbroadcast v5, $0xB  }
0x87: {  	[tilespmem:$0x2E20] =	vst v4;
	v4 =	vbroadcast v5, $0xC  }
0x88: {  	[tilespmem:$0x2E30] =	vst v3;
	v3 =	vbroadcast v5, $0xD  }
0x89: {  	[tilespmem:$0x2E40] =	vst v4;
	v4 =	vbroadcast v5, $0xE  }
0x8a: {  	[tilespmem:$0x2E50] =	vst v3;
	v3 =	vbroadcast v5, $0xF  }
0x8b: {  	[tilespmem:$0x2E60] =	vst v4;
	v4 =	vbroadcast v6, $0x0  }
0x8c: {  	[tilespmem:$0x2E70] =	vst v3;
	v3 =	vbroadcast v6, $0x1  }
0x8d: {  	[tilespmem:$0x2E80] =	vst v4;
	v4 =	vbroadcast v6, $0x2  }
0x8e: {  	[tilespmem:$0x2E90] =	vst v3;
	v3 =	vbroadcast v6, $0x3  }
0x8f: {  	[tilespmem:$0x2EA0] =	vst v4;
	v4 =	vbroadcast v6, $0x4  }
0x90: {  	[tilespmem:$0x2EB0] =	vst v3;
	v3 =	vbroadcast v6, $0x5  }
0x91: {  	[tilespmem:$0x2EC0] =	vst v4;
	v4 =	vbroadcast v6, $0x6  }
0x92: {  	[tilespmem:$0x2ED0] =	vst v3;
	v3 =	vbroadcast v6, $0x7  }
0x93: {  	[tilespmem:$0x2EE0] =	vst v4;
	v4 =	vbroadcast v6, $0x8  }
0x94: {  	[tilespmem:$0x2EF0] =	vst v3;
	v3 =	vbroadcast v6, $0x9  }
0x95: {  	[tilespmem:$0x2F00] =	vst v4;
	v4 =	vbroadcast v6, $0xA  }
0x96: {  	v5 =	vld [tilespmem:$0x26A0];
	[tilespmem:$0x2F10] =	vst v3;
	v3 =	vbroadcast v6, $0xB  }
0x97: {  	[tilespmem:$0x2F20] =	vst v4;
	v4 =	vbroadcast v6, $0xC  }
0x98: {  	[tilespmem:$0x2F30] =	vst v3;
	v3 =	vbroadcast v6, $0xD  }
0x99: {  	[tilespmem:$0x2F40] =	vst v4;
	v4 =	vbroadcast v6, $0xE  }
0x9a: {  	[tilespmem:$0x2F50] =	vst v3;
	v3 =	vbroadcast v6, $0xF  }
0x9b: {  	[tilespmem:$0x2F60] =	vst v4;
	v4 =	vbroadcast v5, $0x0  }
0x9c: {  	[tilespmem:$0x2F70] =	vst v3;
	v3 =	vbroadcast v5, $0x1  }
0x9d: {  	[tilespmem:$0x2F80] =	vst v4;
	v4 =	vbroadcast v5, $0x2  }
0x9e: {  	[tilespmem:$0x2F90] =	vst v3;
	v3 =	vbroadcast v5, $0x3  }
0x9f: {  	[tilespmem:$0x2FA0] =	vst v4;
	v4 =	vbroadcast v5, $0x4  }
0xa0: {  	[tilespmem:$0x2FB0] =	vst v3;
	v3 =	vbroadcast v5, $0x5  }
0xa1: {  	[tilespmem:$0x2FC0] =	vst v4;
	v4 =	vbroadcast v5, $0x6  }
0xa2: {  	[tilespmem:$0x2FD0] =	vst v3;
	v3 =	vbroadcast v5, $0x7  }
0xa3: {  	[tilespmem:$0x2FE0] =	vst v4;
	v4 =	vbroadcast v5, $0x8  }
0xa4: {  	[tilespmem:$0x2FF0] =	vst v3;
	v3 =	vbroadcast v5, $0x9  }
0xa5: {  	[tilespmem:$0x3000] =	vst v4;
	v4 =	vbroadcast v5, $0xA  }
0xa6: {  	v6 =	vld [tilespmem:$0x26B0];
	[tilespmem:$0x3010] =	vst v3;
	v3 =	vbroadcast v5, $0xB  }
0xa7: {  	[tilespmem:$0x3020] =	vst v4;
	v4 =	vbroadcast v5, $0xC  }
0xa8: {  	[tilespmem:$0x3030] =	vst v3;
	v3 =	vbroadcast v5, $0xD  }
0xa9: {  	[tilespmem:$0x3040] =	vst v4;
	v4 =	vbroadcast v5, $0xE  }
0xaa: {  	[tilespmem:$0x3050] =	vst v3;
	v3 =	vbroadcast v5, $0xF  }
0xab: {  	[tilespmem:$0x3060] =	vst v4;
	v4 =	vbroadcast v6, $0x0  }
0xac: {  	[tilespmem:$0x3070] =	vst v3;
	v3 =	vbroadcast v6, $0x1  }
0xad: {  	[tilespmem:$0x3080] =	vst v4;
	v4 =	vbroadcast v6, $0x2  }
0xae: {  	[tilespmem:$0x3090] =	vst v3;
	v3 =	vbroadcast v6, $0x3  }
0xaf: {  	[tilespmem:$0x30A0] =	vst v4;
	v4 =	vbroadcast v6, $0x4  }
0xb0: {  	[tilespmem:$0x30B0] =	vst v3;
	v3 =	vbroadcast v6, $0x5  }
0xb1: {  	[tilespmem:$0x30C0] =	vst v4;
	v4 =	vbroadcast v6, $0x6  }
0xb2: {  	[tilespmem:$0x30D0] =	vst v3;
	v3 =	vbroadcast v6, $0x7  }
0xb3: {  	[tilespmem:$0x30E0] =	vst v4;
	v4 =	vbroadcast v6, $0x8  }
0xb4: {  	[tilespmem:$0x30F0] =	vst v3;
	v3 =	vbroadcast v6, $0x9  }
0xb5: {  	[tilespmem:$0x3100] =	vst v4;
	v4 =	vbroadcast v6, $0xA  }
0xb6: {  	v5 =	vld [tilespmem:$0x26C0];
	[tilespmem:$0x3110] =	vst v3;
	v3 =	vbroadcast v6, $0xB  }
0xb7: {  	[tilespmem:$0x3120] =	vst v4;
	v4 =	vbroadcast v6, $0xC  }
0xb8: {  	[tilespmem:$0x3130] =	vst v3;
	v3 =	vbroadcast v6, $0xD  }
0xb9: {  	[tilespmem:$0x3140] =	vst v4;
	v4 =	vbroadcast v6, $0xE  }
0xba: {  	[tilespmem:$0x3150] =	vst v3;
	v3 =	vbroadcast v6, $0xF  }
0xbb: {  	[tilespmem:$0x3160] =	vst v4;
	v4 =	vbroadcast v5, $0x0  }
0xbc: {  	[tilespmem:$0x3170] =	vst v3;
	v3 =	vbroadcast v5, $0x1  }
0xbd: {  	[tilespmem:$0x3180] =	vst v4;
	v4 =	vbroadcast v5, $0x2  }
0xbe: {  	[tilespmem:$0x3190] =	vst v3;
	v3 =	vbroadcast v5, $0x3  }
0xbf: {  	[tilespmem:$0x31A0] =	vst v4;
	v4 =	vbroadcast v5, $0x4  }
0xc0: {  	[tilespmem:$0x31B0] =	vst v3;
	v3 =	vbroadcast v5, $0x5  }
0xc1: {  	[tilespmem:$0x31C0] =	vst v4;
	v4 =	vbroadcast v5, $0x6  }
0xc2: {  	[tilespmem:$0x31D0] =	vst v3;
	v3 =	vbroadcast v5, $0x7  }
0xc3: {  	[tilespmem:$0x31E0] =	vst v4;
	v4 =	vbroadcast v5, $0x8  }
0xc4: {  	[tilespmem:$0x31F0] =	vst v3;
	v3 =	vbroadcast v5, $0x9  }
0xc5: {  	[tilespmem:$0x3200] =	vst v4;
	v4 =	vbroadcast v5, $0xA  }
0xc6: {  	v6 =	vld [tilespmem:$0x26D0];
	[tilespmem:$0x3210] =	vst v3;
	v3 =	vbroadcast v5, $0xB  }
0xc7: {  	[tilespmem:$0x3220] =	vst v4;
	v4 =	vbroadcast v5, $0xC  }
0xc8: {  	[tilespmem:$0x3230] =	vst v3;
	v3 =	vbroadcast v5, $0xD  }
0xc9: {  	[tilespmem:$0x3240] =	vst v4;
	v4 =	vbroadcast v5, $0xE  }
0xca: {  	[tilespmem:$0x3250] =	vst v3;
	v3 =	vbroadcast v5, $0xF  }
0xcb: {  	[tilespmem:$0x3260] =	vst v4;
	v4 =	vbroadcast v6, $0x0  }
0xcc: {  	[tilespmem:$0x3270] =	vst v3;
	v3 =	vbroadcast v6, $0x1  }
0xcd: {  	[tilespmem:$0x3280] =	vst v4;
	v4 =	vbroadcast v6, $0x2  }
0xce: {  	[tilespmem:$0x3290] =	vst v3;
	v3 =	vbroadcast v6, $0x3  }
0xcf: {  	[tilespmem:$0x32A0] =	vst v4;
	v4 =	vbroadcast v6, $0x4  }
0xd0: {  	[tilespmem:$0x32B0] =	vst v3;
	v3 =	vbroadcast v6, $0x5  }
0xd1: {  	[tilespmem:$0x32C0] =	vst v4;
	v4 =	vbroadcast v6, $0x6  }
0xd2: {  	[tilespmem:$0x32D0] =	vst v3;
	v3 =	vbroadcast v6, $0x7  }
0xd3: {  	[tilespmem:$0x32E0] =	vst v4;
	v4 =	vbroadcast v6, $0x8  }
0xd4: {  	[tilespmem:$0x32F0] =	vst v3;
	v3 =	vbroadcast v6, $0x9  }
0xd5: {  	[tilespmem:$0x3300] =	vst v4;
	v4 =	vbroadcast v6, $0xA  }
0xd6: {  	v5 =	vld [tilespmem:$0x26E0];
	[tilespmem:$0x3310] =	vst v3;
	v3 =	vbroadcast v6, $0xB  }
0xd7: {  	[tilespmem:$0x3320] =	vst v4;
	v4 =	vbroadcast v6, $0xC  }
0xd8: {  	[tilespmem:$0x3330] =	vst v3;
	v3 =	vbroadcast v6, $0xD  }
0xd9: {  	[tilespmem:$0x3340] =	vst v4;
	v4 =	vbroadcast v6, $0xE  }
0xda: {  	[tilespmem:$0x3350] =	vst v3;
	v3 =	vbroadcast v6, $0xF  }
0xdb: {  	[tilespmem:$0x3360] =	vst v4;
	v4 =	vbroadcast v5, $0x0  }
0xdc: {  	[tilespmem:$0x3370] =	vst v3;
	v3 =	vbroadcast v5, $0x1  }
0xdd: {  	[tilespmem:$0x3380] =	vst v4;
	v4 =	vbroadcast v5, $0x2  }
0xde: {  	[tilespmem:$0x3390] =	vst v3;
	v3 =	vbroadcast v5, $0x3  }
0xdf: {  	[tilespmem:$0x33A0] =	vst v4;
	v4 =	vbroadcast v5, $0x4  }
0xe0: {  	[tilespmem:$0x33B0] =	vst v3;
	v3 =	vbroadcast v5, $0x5  }
0xe1: {  	[tilespmem:$0x33C0] =	vst v4;
	v4 =	vbroadcast v5, $0x6  }
0xe2: {  	[tilespmem:$0x33D0] =	vst v3;
	v3 =	vbroadcast v5, $0x7  }
0xe3: {  	[tilespmem:$0x33E0] =	vst v4;
	v4 =	vbroadcast v5, $0x8  }
0xe4: {  	[tilespmem:$0x33F0] =	vst v3;
	v3 =	vbroadcast v5, $0x9  }
0xe5: {  	[tilespmem:$0x3400] =	vst v4;
	v4 =	vbroadcast v5, $0xA  }
0xe6: {  	v6 =	vld [tilespmem:$0x26F0];
	[tilespmem:$0x3410] =	vst v3;
	v3 =	vbroadcast v5, $0xB  }
0xe7: {  	[tilespmem:$0x3420] =	vst v4;
	v4 =	vbroadcast v5, $0xC  }
0xe8: {  	[tilespmem:$0x3430] =	vst v3;
	v3 =	vbroadcast v5, $0xD  }
0xe9: {  	[tilespmem:$0x3440] =	vst v4;
	v4 =	vbroadcast v5, $0xE  }
0xea: {  	[tilespmem:$0x3450] =	vst v3;
	v3 =	vbroadcast v5, $0xF  }
0xeb: {  	[tilespmem:$0x3460] =	vst v4;
	v4 =	vbroadcast v6, $0x0  }
0xec: {  	[tilespmem:$0x3470] =	vst v3;
	v3 =	vbroadcast v6, $0x1  }
0xed: {  	[tilespmem:$0x3480] =	vst v4;
	v4 =	vbroadcast v6, $0x2  }
0xee: {  	[tilespmem:$0x3490] =	vst v3;
	v3 =	vbroadcast v6, $0x3  }
0xef: {  	[tilespmem:$0x34A0] =	vst v4;
	v4 =	vbroadcast v6, $0x4  }
0xf0: {  	[tilespmem:$0x34B0] =	vst v3;
	v3 =	vbroadcast v6, $0x5  }
0xf1: {  	[tilespmem:$0x34C0] =	vst v4;
	v4 =	vbroadcast v6, $0x6  }
0xf2: {  	[tilespmem:$0x34D0] =	vst v3;
	v3 =	vbroadcast v6, $0x7  }
0xf3: {  	[tilespmem:$0x34E0] =	vst v4;
	v4 =	vbroadcast v6, $0x8  }
0xf4: {  	[tilespmem:$0x34F0] =	vst v3;
	v3 =	vbroadcast v6, $0x9  }
0xf5: {  	[tilespmem:$0x3500] =	vst v4;
	v4 =	vbroadcast v6, $0xA  }
0xf6: {  	v5 =	vld [tilespmem:$0x2700];
	[tilespmem:$0x3510] =	vst v3;
	v3 =	vbroadcast v6, $0xB  }
0xf7: {  	[tilespmem:$0x3520] =	vst v4;
	v4 =	vbroadcast v6, $0xC  }
0xf8: {  	[tilespmem:$0x3530] =	vst v3;
	v3 =	vbroadcast v6, $0xD  }
0xf9: {  	[tilespmem:$0x3540] =	vst v4;
	v4 =	vbroadcast v6, $0xE  }
0xfa: {  	[tilespmem:$0x3550] =	vst v3;
	v3 =	vbroadcast v6, $0xF  }
0xfb: {  	[tilespmem:$0x3560] =	vst v4;
	v4 =	vbroadcast v5, $0x0  }
0xfc: {  	[tilespmem:$0x3570] =	vst v3;
	v3 =	vbroadcast v5, $0x1  }
0xfd: {  	[tilespmem:$0x3580] =	vst v4;
	v4 =	vbroadcast v5, $0x2  }
0xfe: {  	[tilespmem:$0x3590] =	vst v3;
	v3 =	vbroadcast v5, $0x3  }
0xff: {  	[tilespmem:$0x35A0] =	vst v4;
	v4 =	vbroadcast v5, $0x4  }
0x100: {  	[tilespmem:$0x35B0] =	vst v3;
	v3 =	vbroadcast v5, $0x5  }
0x101: {  	[tilespmem:$0x35C0] =	vst v4;
	v4 =	vbroadcast v5, $0x6  }
0x102: {  	[tilespmem:$0x35D0] =	vst v3;
	v3 =	vbroadcast v5, $0x7  }
0x103: {  	[tilespmem:$0x35E0] =	vst v4;
	v4 =	vbroadcast v5, $0x8  }
0x104: {  	[tilespmem:$0x35F0] =	vst v3;
	v3 =	vbroadcast v5, $0x9  }
0x105: {  	[tilespmem:$0x3600] =	vst v4;
	v4 =	vbroadcast v5, $0xA  }
0x106: {  	[tilespmem:$0x3610] =	vst v3;
	v3 =	vbroadcast v5, $0xB  }
0x107: {  	v10 =	vld [tilespmem:$0x2710];
	[tilespmem:$0x3620] =	vst v4;
	v4 =	vbroadcast v5, $0xC  }
0x108: {  	[tilespmem:$0x3630] =	vst v3;
	v3 =	vbroadcast v5, $0xD  }
0x109: {  	v58 =	vbroadcast v35, $0x9;
	[tilespmem:$0x3640] =	vst v4  }
0x10a: {  	v4 =	vbroadcast v5, $0xE;
	[tilespmem:$0x3650] =	vst v3;
	v3 =	vbroadcast v5, $0xF;
	v5 =	vld [tilespmem:$0x2600]  }
0x10b: {  	v59 =	vbroadcast v35, $0xA;
	v60 =	vbroadcast v35, $0xB;
	[tilespmem:$0x3910] =	vst v58  }
0x10c: {  	v61 =	vbroadcast v35, $0xC;
	[tilespmem:$0x3660] =	vst v4;
	v4 =	vbroadcast v10, $0x0  }
0x10d: {  	v62 =	vbroadcast v35, $0xD;
	[tilespmem:$0x3670] =	vst v3;
	v3 =	vbroadcast v10, $0x1  }
0x10e: {  	v32 =	vbroadcast v35, $0xE;
	[tilespmem:$0x3680] =	vst v4;
	v4 =	vbroadcast v10, $0x2  }
0x10f: {  	[tilespmem:$0x3690] =	vst v3;
	v3 =	vbroadcast v10, $0x3;
	v13 =	vbroadcast v5, $0x0  }
0x110: {  	[tilespmem:$0x3920] =	vst v59;
	v8 =	vbroadcast v5, $0x1;
	v7 =	vbroadcast v5, $0x2  }
0x111: {  	[tilespmem:$0x3930] =	vst v60;
	v6 =	vbroadcast v5, $0x3;
	v14 =	vbroadcast v5, $0x4  }
0x112: {  	[tilespmem:$0x3940] =	vst v61;
	v11 =	vbroadcast v5, $0x8;
	v18 =	vbroadcast v5, $0xC  }
0x113: {  	[tilespmem:$0x3950] =	vst v62;
	v20 =	vbroadcast v5, $0x5;
	v23 =	vbroadcast v5, $0x9  }
0x114: {  	[tilespmem:$0x3960] =	vst v32;
	v24 =	vbroadcast v5, $0xD;
	v30 =	vbroadcast v5, $0x6  }
0x115: {  	v33 =	vbroadcast v5, $0xA;
	[tilespmem:$0x36A0] =	vst v4;
	v4 =	vbroadcast v10, $0x4  }
0x116: {  	v34 =	vbroadcast v5, $0xE;
	[tilespmem:$0x36B0] =	vst v3;
	v3 =	vbroadcast v10, $0x5  }
0x117: {  	v37 =	vbroadcast v5, $0x7;
	v15 =	vmax.f32 v13, $0.0e+00;
	[tilespmem:$0x36C0] =	vst v4;
	v4 =	vbroadcast v10, $0x6  }
0x118: {  	v17 =	vmax.f32 v8, $0.0e+00;
	[tilespmem:$0x36D0] =	vst v3;
	v3 =	vbroadcast v10, $0x7;
	v9 =	vmul.f32 v15, v14  }
0x119: {  	v19 =	vmax.f32 v7, $0.0e+00;
	v12 =	vmul.f32 v17, v11;
	[tilespmem:$0x36E0] =	vst v4;
	v4 =	vbroadcast v10, $0x8  }
0x11a: {  	v21 =	vmul.f32 v19, v18;
	[tilespmem:$0x36F0] =	vst v3;
	v3 =	vbroadcast v10, $0x9  }
0x11b: {  	v22 =	vmul.f32 v15, v20;
	[tilespmem:$0x3700] =	vst v4;
	v4 =	vbroadcast v10, $0xA  }
0x11c: {  	v25 =	vmul.f32 v17, v23;
	[tilespmem:$0x3710] =	vst v3;
	v3 =	vbroadcast v10, $0xB  }
0x11d: {  	v26 =	vmul.f32 v19, v24;
	[tilespmem:$0x3720] =	vst v4;
	v4 =	vbroadcast v10, $0xC  }
0x11e: {  	v31 =	vmul.f32 v15, v30;
	[tilespmem:$0x3730] =	vst v3;
	v3 =	vbroadcast v10, $0xD  }
0x11f: {  	v48 =	vmul.f32 v17, v33;
	[tilespmem:$0x3740] =	vst v4;
	v4 =	vbroadcast v10, $0xE  }
0x120: {  	v36 =	vmul.f32 v19, v34;
	[tilespmem:$0x3750] =	vst v3;
	v3 =	vbroadcast v10, $0xF  }
0x121: {  	v13 =	vmin.f32 v13, $0.0e+00;
	v15 =	vmul.f32 v15, v37;
	[tilespmem:$0x3760] =	vst v4;
	v4 =	vbroadcast v16, $0x0  }
0x122: {  	v8 =	vmin.f32 v8, $0.0e+00;
	v14 =	vmul.f32 v13, v14;
	v10 =	vld [tilespmem:$0x2610];
	[tilespmem:$0x3770] =	vst v3;
	v3 =	vbroadcast v16, $0x1  }
0x123: {  	v7 =	vmin.f32 v7, $0.0e+00;
	v11 =	vmul.f32 v8, v11;
	[tilespmem:$0x3780] =	vst v4;
	v4 =	vbroadcast v16, $0x2  }
0x124: {  	v18 =	vmul.f32 v7, v18;
	[tilespmem:$0x3790] =	vst v3;
	v3 =	vbroadcast v16, $0x3  }
0x125: {  	v20 =	vmul.f32 v13, v20;
	[tilespmem:$0x37A0] =	vst v4;
	v4 =	vbroadcast v16, $0x4  }
0x126: {  	v40 =	vmul.f32 v8, v23;
	[tilespmem:$0x37B0] =	vst v3;
	v3 =	vbroadcast v16, $0x6  }
0x127: {  	v22 =	vadd.f32 v25, v22;
	v28 =	vbroadcast v10, $0x1;
	[tilespmem:$0x37C0] =	vst v4;
	v4 =	vbroadcast v16, $0x7  }
0x128: {  	v29 =	vmax.f32 v6, $0.0e+00;
	v42 =	vmul.f32 v7, v24;
	[tilespmem:$0x37E0] =	vst v3;
	v3 =	vbroadcast v16, $0x8  }
0x129: {  	v22 =	vadd.f32 v22, v26;
	v47 =	vmul.f32 v28, v29;
	[tilespmem:$0x37F0] =	vst v4;
	v4 =	vbroadcast v16, $0xA  }
0x12a: {  	v25 =	vbroadcast v5, $0xB;
	[tilespmem:$0x3800] =	vst v3;
	v3 =	vbroadcast v16, $0xB  }
0x12b: {  	v26 =	vbroadcast v5, $0xF;
	v5 =	vadd.f32 v22, v47;
	v22 =	vld [tilespmem:$0x2740];
	[tilespmem:$0x3820] =	vst v4;
	v4 =	vbroadcast v16, $0xC  }
0x12c: {  	v49 =	vadd.f32 v48, v31;
	v48 =	vmul.f32 v8, v33;
	[tilespmem:$0x3830] =	vst v3;
	v3 =	vbroadcast v16, $0xD  }
0x12d: {  	v17 =	vmul.f32 v17, v25;
	[tilespmem:$0x3840] =	vst v4;
	v4 =	vbroadcast v16, $0xE  }
0x12e: {  	v8 =	vmul.f32 v8, v25;
	v16 =	vbroadcast v16, $0xF;
	[tilespmem:$0x3850] =	vst v3  }
0x12f: {  	v56 =	vbroadcast v10, $0x0;
	v3 =	vbroadcast v35, $0x0;
	[tilespmem:$0x3860] =	vst v4  }
0x130: {  	v19 =	vmul.f32 v19, v26;
	v63 =	vbroadcast v22, $0x0;
	[tilespmem:$0x3870] =	vst v16  }
0x131: {  	v6 =	vmin.f32 v6, $0.0e+00;
	v27 =	vmul.f32 v56, v29;
	v39 =	vbroadcast v22, $0x1;
	[tilespmem:$0x3880] =	vst v3  }
0x132: {  	v38 =	vmul.f32 v56, v6;
	v41 =	vbroadcast v22, $0x2;
	[tilespmem:$0x3980] =	vst v63  }
0x133: {  	v9 =	vadd.f32 v12, v9;
	v46 =	vmul.f32 v28, v6;
	v43 =	vbroadcast v22, $0xE;
	[tilespmem:$0x3990] =	vst v39  }
0x134: {  	v11 =	vadd.f32 v11, v14;
	v47 =	vmul.f32 v13, v30;
	v45 =	vbroadcast v22, $0xD;
	[tilespmem:$0x39A0] =	vst v41  }
0x135: {  	v12 =	vadd.f32 v40, v20;
	v13 =	vmul.f32 v13, v37;
	v44 =	vbroadcast v22, $0xC;
	[tilespmem:$0x3A60] =	vst v43  }
0x136: {  	v51 =	vadd.f32 v49, v36;
	v49 =	vbroadcast v22, $0xB;
	v50 =	vbroadcast v22, $0xA;
	[tilespmem:$0x3A50] =	vst v45  }
0x137: {  	v9 =	vadd.f32 v9, v21;
	v53 =	vbroadcast v22, $0x4;
	v56 =	vbroadcast v22, $0x6;
	[tilespmem:$0x3A40] =	vst v44  }
0x138: {  	v11 =	vadd.f32 v11, v18;
	v57 =	vbroadcast v22, $0x9;
	v58 =	vbroadcast v22, $0x8;
	[tilespmem:$0x3A30] =	vst v49  }
0x139: {  	v12 =	vadd.f32 v12, v42;
	v61 =	vbroadcast v22, $0x7;
	v4 =	vbroadcast v35, $0x1;
	[tilespmem:$0x3A20] =	vst v50  }
0x13a: {  	v11 =	vadd.f32 v11, v38;
	v16 =	vbroadcast v10, $0x2;
	v3 =	vbroadcast v35, $0x2;
	[tilespmem:$0x39C0] =	vst v53  }
0x13b: {  	v62 =	vadd.f32 v9, v27;
	v63 =	vbroadcast v22, $0xF;
	[tilespmem:$0x3890] =	vst v4;
	v4 =	vbroadcast v35, $0x3  }
0x13c: {  	[tilespmem:$0x38A0] =	vst v3;
	v3 =	vadd.f32 v17, v15;
	v15 =	vbroadcast v10, $0x3;
	v52 =	vmul.f32 v16, v29  }
0x13d: {  	v8 =	vadd.f32 v8, v13;
	v16 =	vmul.f32 v16, v6;
	[tilespmem:$0x38B0] =	vst v4;
	v4 =	vbroadcast v35, $0x5  }
0x13e: {  	[tilespmem:$0x39E0] =	vst v56;
	v10 =	vbroadcast v10, $0x8;
	v19 =	vadd.f32 v3, v19;
	v54 =	vmul.f32 v15, v29  }
0x13f: {  	[tilespmem:$0x38D0] =	vst v4;
	v4 =	vadd.f32 v51, v52;
	v52 =	vmul.f32 v7, v34;
	v7 =	vmul.f32 v7, v26  }
0x140: {  	v18 =	vadd.f32 v48, v47;
	[tilespmem:$0x3A10] =	vst v57;
	v3 =	vmul.f32 $2.500000000e-01, v5;
	v35 =	vbroadcast v35, $0xF  }
0x141: {  	[tilespmem:$0x3A00] =	vst v58;
	v5 =	vadd.f32 v19, v54;
	v7 =	vadd.f32 v8, v7;
	v8 =	vmul.f32 v15, v6  }
0x142: {  	[tilespmem:$0x39F0] =	vst v61;
	v51 =	vbroadcast v22, $0x3;
	v54 =	vbroadcast v22, $0x5;
	v55 =	vadd.f32 v18, v52  }
0x143: {  	[tilespmem:$0x3A70] =	vst v63;
	v6 =	vmul.f32 $2.500000000e-01, v11;
	v11 =	vadd.f32 v12, v46;
	v60 =	vadd.f32 v7, v8  }
0x144: {  	[tilespmem:$0x3970] =	vst v35;
	v4 =	vmul.f32 $2.500000000e-01, v4;
	v5 =	vmul.f32 $2.500000000e-01, v5;
	v59 =	vadd.f32 v55, v16  }
0x145: {  	[tilespmem:$0x39B0] =	vst v51;
	v7 =	vmul.f32 $2.500000000e-01, v11;
	v9 =	vmul.f32 $2.500000000e-01, v60  }
0x146: {  	s11 =	simm.s32 $0x0;
	[tilespmem:$0x39D0] =	vst v54;
	v11 =	vmul.f32 $2.500000000e-01, v62;
	v8 =	vmul.f32 $2.500000000e-01, v59  }
.LBB2_2:
0x147: {  	s12 =	smul.u32 $0x4C0, s11;
	_ =	sdelay $0x1  }
0x148: {  	v12 =	vadd.s32 s12, v1  }
0x149: {  	v13 =	vadd.s32 s12, v2  }
0x14a: {  	v18 =	vadd.s32 s12, v0;
	_ =	sdelay $0x2  }
0x14b: {  	v12 =	vld.idx.msk [tilespmem:v12+s3+$0x0], $0xffff  }
0x14c: {  	v13 =	vld.idx.msk [tilespmem:v13+s3+$0x0], $0xffff  }
0x14d: {  	v16 =	vld.idx.msk [tilespmem:v18+s3+$0x0], $0xffff;
	_ =	sdelay $0x3  }
0x14e: {  	v14 =	vor.u32 $0x1, v18;
	v12 =	vadd.f32 v13, v12  }
0x14f: {  	v20 =	vor.u32 $0x2, v18;
	v13 =	vadd.f32 v16, v13  }
0x150: {  	s12 =	simm.s32 $0x2800;
	v21 =	vor.u32 $0x3, v18;
	vm0 =	vge.f32 v12, $0.0e+00  }
0x151: {  	v22 =	vld [tilespmem:s12+$0xFFFFFFA0];
	vm1 =	vge.f32 v13, $0.0e+00;
	v15 =	vsel vm0, v11, v6;
	v17 =	vsel vm0, v4, v8  }
0x152: {  	v26 =	vld [tilespmem:s12+$0xFFFFFF80];
	v19 =	vsel vm1, v4, v8;
	v23 =	vsel vm0, v5, v9;
	v24 =	vsel vm1, v11, v6  }
0x153: {  	v25 =	vld.idx.msk [tilespmem:v14+s3+$0x0], $0xffff;
	v27 =	vsel vm1, v5, v9;
	v17 =	vmul.f32 v17, v12;
	v19 =	vmul.f32 v19, v13  }
0x154: {  	v20 =	vld.idx.msk [tilespmem:v20+s3+$0x0], $0xffff;
	v28 =	vsel vm0, v3, v7;
	v15 =	vmul.f32 v15, v12;
	v24 =	vmul.f32 v24, v13  }
0x155: {  	v23 =	vmul.f32 v23, v12;
	v29 =	vmul.f32 v27, v13;
	v27 =	vld [tilespmem:s12+$0xFFFFFFB0];
	v17 =	vadd.f32 v19, v17  }
0x156: {  	v14 =	vimm.f32 $0.0e+00;
	v12 =	vmul.f32 v28, v12;
	v30 =	vadd.f32 v24, v15;
	v15 =	vld.idx.msk [tilespmem:v21+s3+$0x0], $0xffff  }
0x157: {  	v21 =	vadd.f32 v29, v23;
	v23 =	vsel vm1, v3, v7;
	v17 =	vmax.f32 v17, $0.0e+00  }
0x158: {  	v32 =	vmul.f32 v23, v13;
	v17 =	vmul.f32 v17, v22;
	v22 =	vmax.f32 v30, $0.0e+00  }
0x159: {  	v30 =	vadd.f32 v25, v16;
	v16 =	vmax.f32 v21, $0.0e+00;
	v21 =	vadd.f32 v20, v25  }
0x15a: {  	v28 =	vmul.f32 v22, v26;
	v13 =	vmul.f32 v16, v27;
	v22 =	vadd.f32 v17, v14  }
0x15b: {  	vm0 =	vge.f32 v30, $0.0e+00;
	v25 =	vadd.f32 v15, v20;
	vm1 =	vge.f32 v21, $0.0e+00  }
0x15c: {  	v16 =	vsel vm0, v11, v6;
	v23 =	vsel vm0, v3, v7;
	v27 =	vsel vm0, v5, v9  }
0x15d: {  	v28 =	vadd.f32 v28, v14;
	v17 =	vmul.f32 v16, v30;
	v16 =	vadd.f32 v13, v14  }
0x15e: {  	v34 =	vld [tilespmem:s12+$0xFFFFFFC0];
	v26 =	vmul.f32 v23, v30;
	v13 =	vsel vm0, v4, v8;
	vm0 =	vge.f32 v25, $0.0e+00  }
0x15f: {  	v20 =	vld [tilespmem:s12+$0xFFFFFFD0];
	v23 =	vmul.f32 v27, v30;
	v27 =	vmul.f32 v13, v30;
	v38 =	vsel vm0, v11, v6  }
0x160: {  	v13 =	vadd.s32 $0x4, v18;
	v33 =	vsel vm0, v3, v7;
	v24 =	vadd.f32 v17, v24  }
0x161: {  	v37 =	vld [tilespmem:s12+$0xFFFFFFE0];
	v18 =	vsel vm0, v4, v8;
	v31 =	vadd.f32 v26, v32;
	v29 =	vadd.f32 v23, v29  }
0x162: {  	v18 =	vmul.f32 v18, v25;
	v35 =	vadd.f32 v27, v19;
	v19 =	vadd.f32 v32, v12  }
0x163: {  	v30 =	vmax.f32 v24, $0.0e+00;
	v24 =	vmax.f32 v31, $0.0e+00;
	v31 =	vsel vm1, v3, v7  }
0x164: {  	v24 =	vmul.f32 v24, v20;
	v20 =	vsel vm1, v5, v9;
	v36 =	vmul.f32 v30, v34  }
0x165: {  	v32 =	vld [tilespmem:s12+$0xFFFFFF90];
	v63 =	vmax.f32 v35, $0.0e+00;
	v35 =	vsel vm1, v4, v8;
	v30 =	vmul.f32 v20, v21  }
0x166: {  	s14 =	simm.s32 $0x0;
	s13 =	simm.s32 $0x2800;
	v12 =	vld [tilespmem:s12+$0xFFFFFFF0];
	v34 =	vsel vm1, v11, v6;
	v37 =	vmul.f32 v63, v37;
	v20 =	vmul.f32 v38, v25  }
.LBB2_3:
0x167: {  	v38 =	vld.idx.msk [tilespmem:v13+s3+$0x0], $0xffff;
	s14 =	sadd.s32 $0x4, s14;
	v39 =	vmax.f32 v19, $0.0e+00;
	v28 =	vadd.f32 v36, v28;
	v36 =	vsel vm0, v5, v9;
	s12 =	sadd.s32 $0x100, s12  }
0x168: {  	v29 =	vmax.f32 v29, $0.0e+00;
	v31 =	vmul.f32 v31, v21;
	v19 =	vmul.f32 v33, v25;
	v40 =	vld [tilespmem:s12+$0xFFFFFFF0];
	p0 =	slt.u32 s14, $0x48  }
0x169: {  	v33 =	vmul.f32 v35, v21;
	v22 =	vadd.f32 v37, v22;
	v25 =	vmul.f32 v36, v25;
	v35 =	vld [tilespmem:s13+$0x70]  }
0x16a: {  	v32 =	vmul.f32 v39, v32;
	v26 =	vadd.f32 v31, v26;
	v31 =	vadd.f32 v19, v31  }
0x16b: {  	v21 =	vmul.f32 v34, v21;
	v27 =	vadd.f32 v33, v27;
	v34 =	vadd.f32 v25, v30  }
0x16c: {  	v23 =	vadd.f32 v30, v23;
	v29 =	vmul.f32 v29, v12;
	v14 =	vadd.f32 v32, v14;
	v30 =	vld [tilespmem:s13+$0x30]  }
0x16d: {  	v26 =	vmax.f32 v26, $0.0e+00;
	v32 =	vadd.f32 v38, v15;
	v15 =	vmax.f32 v34, $0.0e+00;
	v12 =	vmovc v40  }
0x16e: {  	v17 =	vadd.f32 v21, v17;
	v23 =	vmax.f32 v23, $0.0e+00;
	v34 =	vld [tilespmem:s13+$0x40];
	v15 =	vmul.f32 v15, v35  }
0x16f: {  	v16 =	vadd.f32 v29, v16;
	v14 =	vadd.f32 v24, v14;
	vm0 =	vge.f32 v32, $0.0e+00;
	v24 =	vld [tilespmem:s13+$0x0]  }
0x170: {  	v21 =	vadd.f32 v20, v21;
	v29 =	vsel vm0, v3, v7;
	v35 =	vsel vm0, v4, v8;
	v36 =	vld [tilespmem:s13+$0x50]  }
0x171: {  	v37 =	vor.u32 $0x1, v13;
	v39 =	vor.u32 $0x2, v13;
	v40 =	vld [tilespmem:s13+$0x20];
	v23 =	vmul.f32 v23, v30  }
0x172: {  	v17 =	vmax.f32 v17, $0.0e+00;
	v21 =	vmax.f32 v21, $0.0e+00;
	v30 =	vor.u32 $0x3, v13;
	v41 =	vld [tilespmem:s13+$0x10]  }
0x173: {  	v27 =	vmax.f32 v27, $0.0e+00;
	v16 =	vadd.f32 v23, v16;
	v23 =	vadd.f32 v18, v33;
	v33 =	vld [tilespmem:s13+$0x60];
	s13 =	smov.u32 s12  }
0x174: {  	v21 =	vmul.f32 v21, v34;
	v42 =	vld [tilespmem:s12+$0xFFFFFF80];
	v17 =	vmul.f32 v17, v24;
	v24 =	vmax.f32 v31, $0.0e+00  }
0x175: {  	v31 =	vsel vm0, v11, v6;
	v34 =	vld [tilespmem:s12+$0xFFFFFFA0];
	v24 =	vmul.f32 v24, v36;
	v16 =	vadd.f32 v15, v16  }
0x176: {  	v35 =	vmul.f32 v35, v32;
	v36 =	vld.idx.msk [tilespmem:v37+s3+$0x0], $0xffff;
	v17 =	vadd.f32 v17, v28;
	v27 =	vmul.f32 v27, v40  }
0x177: {  	v23 =	vmax.f32 v23, $0.0e+00;
	v28 =	vmul.f32 v31, v32;
	v15 =	vld.idx.msk [tilespmem:v30+s3+$0x0], $0xffff;
	v26 =	vmul.f32 v26, v41  }
0x178: {  	v18 =	vadd.f32 v35, v18;
	v30 =	vsel vm0, v5, v9;
	v31 =	vld.idx.msk [tilespmem:v39+s3+$0x0], $0xffff;
	v22 =	vadd.f32 v27, v22  }
0x179: {  	v30 =	vmul.f32 v30, v32;
	v23 =	vmul.f32 v23, v33;
	v27 =	vld [tilespmem:s12+$0xFFFFFFB0];
	v14 =	vadd.f32 v26, v14  }
0x17a: {  	v18 =	vmax.f32 v18, $0.0e+00;
	v20 =	vadd.f32 v28, v20;
	v33 =	vadd.f32 v21, v17  }
0x17b: {  	v17 =	vadd.f32 v30, v25;
	v18 =	vmul.f32 v18, v34;
	v21 =	vadd.f32 v23, v22  }
0x17c: {  	v20 =	vmax.f32 v20, $0.0e+00;
	v34 =	vadd.f32 v36, v38;
	v14 =	vadd.f32 v24, v14  }
0x17d: {  	v20 =	vmul.f32 v20, v42;
	v17 =	vmax.f32 v17, $0.0e+00;
	v22 =	vadd.f32 v18, v21  }
0x17e: {  	v18 =	vmul.f32 v29, v32;
	vm0 =	vge.f32 v34, $0.0e+00;
	v23 =	vmul.f32 v17, v27  }
0x17f: {  	v21 =	vadd.f32 v31, v36;
	v17 =	vsel vm0, v11, v6;
	v24 =	vsel vm0, v3, v7  }
0x180: {  	v25 =	vadd.f32 v15, v31;
	v27 =	vsel vm0, v5, v9;
	v17 =	vmul.f32 v17, v34;
	v32 =	vld [tilespmem:s12+$0xFFFFFFD0]  }
0x181: {  	v26 =	vmul.f32 v24, v34;
	v16 =	vadd.f32 v23, v16;
	v23 =	vmul.f32 v27, v34  }
0x182: {  	v24 =	vsel vm0, v4, v8;
	vm1 =	vge.f32 v21, $0.0e+00;
	v29 =	vadd.f32 v17, v28  }
0x183: {  	vm0 =	vge.f32 v25, $0.0e+00;
	v28 =	vadd.f32 v20, v33;
	v20 =	vadd.f32 v26, v18;
	v36 =	vld [tilespmem:s12+$0xFFFFFFC0]  }
0x184: {  	v27 =	vmul.f32 v24, v34;
	v34 =	vmax.f32 v29, $0.0e+00;
	v29 =	vadd.f32 v23, v30  }
0x185: {  	v13 =	vadd.s32 $0x4, v13;
	v38 =	vsel vm0, v11, v6;
	v20 =	vmax.f32 v20, $0.0e+00;
	v37 =	vld [tilespmem:s12+$0xFFFFFFE0]  }
.Ltmp0:
0x186: {  	v31 =	vsel vm1, v3, v7;
	v30 =	vadd.f32 v27, v35;
	v24 =	vmul.f32 v20, v32;
	(pc) =	sbr.rel @p0 .LBB2_3-.Ltmp0, $4  }
0x187: {  	v33 =	vsel vm0, v3, v7;
	v35 =	vsel vm0, v4, v8;
	v20 =	vsel vm1, v5, v9  }
0x188: {  	v19 =	vadd.f32 v18, v19;
	v18 =	vmul.f32 v35, v25;
	v32 =	vld [tilespmem:s12+$0xFFFFFF90];
	v36 =	vmul.f32 v34, v36  }
0x189: {  	v35 =	vsel vm1, v4, v8;
	v34 =	vmax.f32 v30, $0.0e+00;
	v30 =	vmul.f32 v20, v21  }
0x18a: {  	v20 =	vmul.f32 v38, v25;
	v37 =	vmul.f32 v34, v37;
	v34 =	vsel vm1, v11, v6  }
0x18b: {  	v13 =	vmax.f32 v19, $0.0e+00  }
0x18c: {  	v15 =	vadd.f32 v36, v28;
	v39 =	vsel vm0, v5, v9;
	v40 =	vmul.f32 v31, v21  }
0x18d: {  	v41 =	vmul.f32 v33, v25;
	v42 =	vmul.f32 v35, v21;
	v29 =	vmax.f32 v29, $0.0e+00;
	v45 =	vld [tilespmem:s13+$0x30]  }
0x18e: {  	v46 =	vld [tilespmem:s13+$0x40];
	v47 =	vmul.f32 v34, v21;
	v23 =	vadd.f32 v30, v23;
	v22 =	vadd.f32 v37, v22  }
0x18f: {  	v48 =	vld [tilespmem:s13+$0x0];
	v19 =	vmul.f32 v39, v25;
	v44 =	vadd.f32 v40, v26;
	v28 =	vadd.f32 v41, v40  }
0x190: {  	v50 =	vld [tilespmem:s13+$0x20];
	v12 =	vmul.f32 v29, v12;
	v27 =	vadd.f32 v42, v27;
	v17 =	vadd.f32 v47, v17  }
0x191: {  	v51 =	vld [tilespmem:s13+$0x10];
	v13 =	vmul.f32 v13, v32;
	v52 =	vadd.f32 v20, v47;
	v18 =	vadd.f32 v18, v42  }
0x192: {  	v53 =	vld [tilespmem:s13+$0x50];
	v23 =	vmax.f32 v23, $0.0e+00;
	v19 =	vadd.f32 v19, v30;
	v12 =	vadd.f32 v12, v16  }
0x193: {  	v43 =	vld [tilespmem:s13+$0x70];
	v13 =	vadd.f32 v13, v14;
	v49 =	vmax.f32 v44, $0.0e+00;
	v17 =	vmax.f32 v17, $0.0e+00  }
0x194: {  	v55 =	vld [tilespmem:s13+$0x60];
	v16 =	vmax.f32 v52, $0.0e+00;
	v56 =	vmax.f32 v27, $0.0e+00;
	v57 =	vmax.f32 v28, $0.0e+00  }
0x195: {  	v58 =	vmax.f32 v18, $0.0e+00;
	v54 =	vmul.f32 v23, v45;
	v17 =	vmul.f32 v17, v48  }
0x196: {  	v19 =	vmax.f32 v19, $0.0e+00;
	v16 =	vmul.f32 v16, v46;
	v14 =	vmul.f32 v49, v51  }
0x197: {  	v20 =	vmul.f32 v57, v53;
	v13 =	vadd.f32 v24, v13;
	v24 =	vmul.f32 v56, v50  }
0x198: {  	v19 =	vmul.f32 v19, v43;
	v12 =	vadd.f32 v54, v12;
	v15 =	vadd.f32 v17, v15  }
0x199: {  	v60 =	vmul.f32 v58, v55;
	v59 =	vadd.f32 v24, v22;
	v13 =	vadd.f32 v14, v13  }
0x19a: {  	v12 =	vadd.f32 v19, v12;
	v15 =	vadd.f32 v16, v15  }
0x19b: {  	v14 =	vadd.f32 v60, v59;
	v13 =	vadd.f32 v20, v13;
	_ =	sdelay $0x1  }
0x19c: {  	v13 =	vadd.f32 v13, v15;
	v12 =	vadd.f32 v12, v14;
	_ =	sdelay $0x1  }
0x19d: {  	v12 =	vadd.f32 v12, v13;
	_ =	sdelay $0x1  }
0x19e: {  	v12 =	vadd.f32 v12, v10;
	_ =	sdelay $0x1  }
0x19f: {  	v12 =	vsub.f32 $0.0e+00, v12;
	_ =	sdelay $0x1  }
0x1a0: {  	v12 =	vmul.f32 $1.442695020e+00, v12;
	_ =	sdelay $0x1  }
0x1a1: {  	v12 =	vmax.f32 v12, $-1.260000000e+02  }
0x1a2: {  	v12 =	vmin.f32 v12, $1.260000000e+02  }
0x1a3: {  	v61 =	vadd.f32 $1.258291200e+07, v12;
	_ =	sdelay $0x1  }
0x1a4: {  	v62 =	vadd.f32 $-1.258291200e+07, v61;
	_ =	sdelay $0x1  }
0x1a5: {  	v12 =	vsub.f32 v12, v62;
	_ =	sdelay $0x1  }
0x1a6: {  	v14 =	vmul.f32 $1.540352970e-04, v12;
	_ =	sdelay $0x1  }
0x1a7: {  	v14 =	vadd.f32 $1.333355790e-03, v14;
	_ =	sdelay $0x1  }
0x1a8: {  	v14 =	vmul.f32 v14, v12;
	_ =	sdelay $0x1  }
0x1a9: {  	v14 =	vadd.f32 $9.618128650e-03, v14;
	_ =	sdelay $0x1  }
0x1aa: {  	v14 =	vmul.f32 v14, v12;
	_ =	sdelay $0x1  }
0x1ab: {  	v14 =	vadd.f32 $5.550410970e-02, v14;
	_ =	sdelay $0x1  }
0x1ac: {  	v14 =	vmul.f32 v14, v12;
	_ =	sdelay $0x1  }
0x1ad: {  	v14 =	vadd.f32 $2.402265070e-01, v14;
	_ =	sdelay $0x1  }
0x1ae: {  	v14 =	vmul.f32 v14, v12;
	_ =	sdelay $0x1  }
0x1af: {  	v14 =	vadd.f32 $6.931471820e-01, v14;
	_ =	sdelay $0x1  }
0x1b0: {  	v12 =	vmul.f32 v14, v12;
	_ =	sdelay $0x1  }
0x1b1: {  	v13 =	vshll.u32 v61, $0x17;
	v12 =	vadd.f32 $1.000000000e+00, v12  }
0x1b2: {  	v13 =	vadd.s32 $0x3F800000, v13  }
0x1b3: {  	v12 =	vmul.f32 v13, v12;
	_ =	sdelay $0x1  }
0x1b4: {  	v12 =	vadd.f32 $1.000000000e+00, v12;
	_ =	sdelay $0x1  }
0x1b5: {  	(erf) = vrcp.f32 v12;
	_ =	sdelay $0x8  }
0x1b6: {  	v63 =	vpop (erf)  }
0x1b7: {  	s12 =	sshll.u32 s11, $0x4;
	s11 =	sadd.s32 $0x1, s11;
	v12 =	vmul.f32 v63, v12  }
0x1b8: {  	p0 =	sne.s32 s11, $0x8  }
.Ltmp1:
0x1b9: {  	v12 =	vsub.f32 $2.000000000e+00, v12;
	(pc) =	sbr.rel @p0 .LBB2_2-.Ltmp1, $4  }
0x1ba: {  	_ = 	snop  }
0x1bb: {  	v12 =	vmul.f32 v12, v63  }
0x1bc: {  	s12 =	sand.u32 $0x3FFFFFF0, s12  }
0x1bd: {  	[tilespmem:s12+$0x3A80] =	vst v12  }
0x1be: {  	s10 =	sadd.s32 $0x1, s10  }
0x1bf: {  	p0 =	sne.s32 s10, s6  }
.Ltmp2:
0x1c0: {  	_ = 	snop;
	(pc) =	sbr.rel @p0 .LBB2_1-.Ltmp2, $4  }
0x1c1: {  	[hbm4b:s5+s3] =	stream.linear.scatter [tilespmem:s9], [sflag:$0x1], $0x80, $0x38;
	[tilespmem:$0x3B00] =	vst v63  }
0x1c2: {  	_ =	swait.ge [sflag:s7], $0x80  }
0x1c3: {  	[sflag:s7] =	ssyncset.done $0x0  }
0x1c4: {  	[sflag:s7] =	ssyncadd.s32 $0xFFFFFF80  }
0x1c5: {  	_ =	sfence.sel $0x180000  }
0x1c6: {  	[bflag:$0x0] =	sbarrier.arrive $0xFFFF  }
0x1c7: {  	p0 =	sne.s32 s0, $0x0;
	_ =	strace $0x90000047  }
0x1c8: {  	s0 =	sadd.s32 @!p0 $0x100000, s1;
	[bflag:$0x2] =	sbarrier.arrive $0xFFFF  }
0x1c9: {  	[sflag:s0] =	ssyncadd.tile.s32 @!p0 $0x1;
	_ =	shalt  }
.Lfunc_end2:
_tile_overlayer_lowered:
.L_overlay_start_2:
0x1ca: {  	(tag) =	ssettag $0x2  }
0x1cb: {  	s0 =	rddreg [dreg:$0x0];
	s2 =	stileid.u32  }
0x1cc: {  	s1 =	rddreg [dreg:$0x1];
	p0 =	sne.s32 s2, $0x0  }
0x1cd: {  	s3 =	rddreg [dreg:$0x2];
	[bflag:$0x3] =	sbarrier.arrive $0xFFFF;
	s2 =	simm.s32 @!p0 $0x1C01  }
0x1ce: {  	[timem:s3], [sflag:s2] =	dma.local @!p0 [hbm:s0], s1  }
0x1cf: {  	s0 =	simm.s32 @!p0 $0x1  }
0x1d0: {  	_ =	swait.ge @!p0 [sflag:s0], s1  }
0x1d1: {  	s1 =	ssub.s32 @!p0 $0x0, s1;
	[sflag:s0] =	ssyncset.done @!p0 $0x0  }
0x1d2: {  	[sflag:s0] =	ssyncadd.s32 @!p0 s1  }
0x1d3: {  	[bflag:$0x3] =	sbarrier.arrive $0xFFFF  }
0x1d4: {  	_ =	shalt  }

</sc_bundles>
